<compile_context>
chip_gen: v7x
topology: tpu7x:2x2x1
jax: 0.10.2.dev20260603
libtpu: 0.0.44.dev20260713+nightly
codegen_flags: <defaults>
</compile_context>

<pallas_src>
import functools

import jax
import jax.numpy as jnp
from jax import lax
from jax.experimental import pallas as pl
from jax.experimental.pallas import tpu as pltpu
from jax.experimental.pallas import tpu_sc as plsc

N_SRC = 10000
N_DST = 10000
E = 320000
H = 128

NC, NS, L = 2, 16, 16
NW = NC * NS
PHASES = (83200, 83200, 76800, 76800)
GCH = 200
SCH = 200


def _sc_mesh():
    return plsc.VectorSubcoreMesh(core_axis_name="c", subcore_axis_name="s",
                                  num_cores=NC, num_subcores=NS)


def _sc_gather_add(a_tab, b_tab, src_h, dst_h, n_edges):
    ew = n_edges // NW
    nch = ew // GCH
    npair = nch // 2

    @functools.partial(
        pl.kernel, mesh=_sc_mesh(),
        out_type=jax.ShapeDtypeStruct((n_edges, H), jnp.float32),
        scratch_types=[
            pltpu.VMEM((ew,), jnp.int32),
            pltpu.VMEM((ew,), jnp.int32),
            pltpu.VMEM((GCH, H), jnp.float32),
            pltpu.VMEM((GCH, H), jnp.float32),
            pltpu.VMEM((GCH, H), jnp.float32),
            pltpu.VMEM((GCH, H), jnp.float32),
            pltpu.SemaphoreType.DMA,
            pltpu.SemaphoreType.DMA,
            pltpu.SemaphoreType.DMA,
            pltpu.SemaphoreType.DMA,
            pltpu.SemaphoreType.DMA,
            pltpu.SemaphoreType.DMA,
        ])
    def k(a_hbm, b_hbm, src_hbm, dst_hbm, out_hbm, si, di,
          ba0, bb0, ba1, bb1, sa0, sb0, sa1, sb1, so0, so1):
        wid = lax.axis_index("s") * NC + lax.axis_index("c")
        base0 = wid * ew
        pltpu.sync_copy(src_hbm.at[pl.ds(base0, ew)], si)
        pltpu.sync_copy(dst_hbm.at[pl.ds(base0, ew)], di)
        bufs = ((ba0, bb0, sa0, sb0, so0), (ba1, bb1, sa1, sb1, so1))

        def issue(ci, b):
            ba, bb, sa, sb, _ = bufs[b]
            off = ci * GCH
            pltpu.async_copy(a_hbm.at[si.at[pl.ds(off, GCH)]], ba, sa)
            pltpu.async_copy(b_hbm.at[di.at[pl.ds(off, GCH)]], bb, sb)

        def process(ci, b, last):
            ba, bb, sa, sb, so = bufs[b]
            pltpu.make_async_copy(a_hbm.at[si.at[pl.ds(0, GCH)]], ba, sa).wait()
            pltpu.make_async_copy(b_hbm.at[di.at[pl.ds(0, GCH)]], bb, sb).wait()

            def add_row(r, c2):
                for c in range(H // L):
                    sl = pl.ds(c * L, L)
                    ba[r, sl] = ba[r, sl] + bb[r, sl]
                return c2

            lax.fori_loop(0, GCH, add_row, 0)
            st = pltpu.async_copy(ba, out_hbm.at[pl.ds(base0 + ci * GCH, GCH)],
                                  so)
            if last:
                st.wait()

        issue(0, 0)
        issue(1, 1)

        def body(p, carry):
            c0 = 2 * p
            for b in range(2):
                ci = c0 + b
                process(ci, b, False)

                @pl.when(ci + 2 < nch)
                def _():
                    nxt = bufs[b]
                    pltpu.make_async_copy(
                        nxt[0], out_hbm.at[pl.ds(base0, GCH)], nxt[4]).wait()
                    issue(ci + 2, b)
            return carry

        lax.fori_loop(0, npair, body, 0)
        if nch % 2 == 1:
            process(nch - 1, 0, False)
        for b in range(2):
            pltpu.make_async_copy(
                bufs[b][0], out_hbm.at[pl.ds(base0, GCH)], bufs[b][4]).wait()

    return k(a_tab, b_tab, src_h, dst_h)


_ZSTEP = 624
_ZR = 640


def _sc_segment_sum(m_list, dst_list):
    zeros = jnp.zeros((_ZR, H), jnp.float32)
    npart = len(m_list)
    ew = m_list[0].shape[0] // NW
    nch = ew // SCH

    @functools.partial(
        pl.kernel, mesh=_sc_mesh(),
        out_type=jax.ShapeDtypeStruct((NC, N_DST, H), jnp.float32),
        scratch_types=[
            pltpu.VMEM((SCH, H), jnp.float32),
            pltpu.VMEM((npart * ew,), jnp.int32),
            pltpu.VMEM_SHARED((N_DST, H), jnp.float32),
            pltpu.SemaphoreType.DMA,
        ])
    def k(*refs):
        m_hbms = refs[:npart]
        dst_hbms = refs[npart:2 * npart]
        z_hbm = refs[2 * npart]
        out_hbm = refs[2 * npart + 1]
        buf, di, acc, sem = refs[2 * npart + 2:]
        cid = lax.axis_index("c")
        sid = lax.axis_index("s")
        wid = sid * NC + cid
        base0 = wid * ew
        for j, dst_hbm in enumerate(dst_hbms):
            pltpu.sync_copy(dst_hbm.at[pl.ds(base0, ew)],
                            di.at[pl.ds(j * ew, ew)])
        pltpu.sync_copy(z_hbm, acc.at[pl.ds(sid * _ZSTEP, _ZR)])
        plsc.subcore_barrier()

        for j, m_hbm in enumerate(m_hbms):
            def body(ci, carry, m_hbm=m_hbm, j=j):
                off = ci * SCH
                pltpu.sync_copy(m_hbm.at[pl.ds(base0 + off, SCH)], buf)
                pltpu.sync_copy(
                    buf, acc.at[di.at[pl.ds(j * ew + off, SCH)]], add=True)
                return carry

            lax.fori_loop(0, nch, body, 0)
        plsc.subcore_barrier()
        pltpu.sync_copy(acc.at[pl.ds(sid * _ZSTEP, _ZR)],
                        out_hbm.at[cid, pl.ds(sid * _ZSTEP, _ZR)])

    return k(*m_list, *dst_list, zeros)


def _silu(x):
    return x * (1.0 / (1.0 + jnp.exp(-x)))


def _ln(x, g, b):
    m = jnp.mean(x, axis=-1, keepdims=True)
    v = jnp.mean((x - m) ** 2, axis=-1, keepdims=True)
    return (x - m) * jax.lax.rsqrt(v + 1e-5) * g + b


def _node_body(x_ref, w1_ref, b1_ref, w2_ref, b2_ref, g_ref, b_ref, wc_ref,
               h_ref, c_ref):
    x = x_ref[...]
    h = _silu(jnp.dot(x, w1_ref[...], preferred_element_type=jnp.float32)
              + b1_ref[...])
    h = jnp.dot(h, w2_ref[...], preferred_element_type=jnp.float32) + b2_ref[...]
    h = _ln(h, g_ref[...], b_ref[...])
    h_ref[...] = h
    c_ref[...] = jnp.dot(h, wc_ref[...], preferred_element_type=jnp.float32)


def _node_mlp(x, p, wc, blk=2000):
    n, d = x.shape
    grid = (n // blk,)
    full = lambda *shape: pl.BlockSpec(shape, lambda i: (0,) * len(shape))
    return pl.pallas_call(
        _node_body,
        grid=grid,
        in_specs=[
            pl.BlockSpec((blk, d), lambda i: (i, 0)),
            full(d, H), full(H), full(H, H), full(H),
            full(H), full(H), full(H, H),
        ],
        out_specs=[pl.BlockSpec((blk, H), lambda i: (i, 0)),
                   pl.BlockSpec((blk, H), lambda i: (i, 0))],
        out_shape=[jax.ShapeDtypeStruct((n, H), jnp.float32),
                   jax.ShapeDtypeStruct((n, H), jnp.float32)],
    )(x, p['W1'], p['b1'], p['W2'], p['b2'], p['g'], p['b'], wc)


def _edge_body(ea_ref, s_ref,
               we1_ref, be1_ref, we2_ref, be2_ref, ge_ref, be_ref,
               w1c_ref, b1_ref, w2_ref, b2_ref, gc_ref, bc_ref,
               m_ref):
    ea = ea_ref[...]
    t = _silu(jnp.dot(ea, we1_ref[...], preferred_element_type=jnp.float32)
              + be1_ref[...])
    e = jnp.dot(t, we2_ref[...], preferred_element_type=jnp.float32) + be2_ref[...]
    e = _ln(e, ge_ref[...], be_ref[...])
    u = s_ref[...] + jnp.dot(e, w1c_ref[...], preferred_element_type=jnp.float32) \
        + b1_ref[...]
    u = _silu(u)
    m = jnp.dot(u, w2_ref[...], preferred_element_type=jnp.float32) + b2_ref[...]
    m_ref[...] = _ln(m, gc_ref[...], bc_ref[...])


def _edge_mlp(edge_attr, s_h, e_off, pe, w1c, b1, w2, b2, gc, bc, blk=6400):
    e_dim = edge_attr.shape[1]
    n_edges = s_h.shape[0]
    grid = (n_edges // blk,)
    off = e_off // blk
    full = lambda *shape: pl.BlockSpec(shape, lambda i: (0,) * len(shape))
    return pl.pallas_call(
        _edge_body,
        grid=grid,
        in_specs=[
            pl.BlockSpec((blk, e_dim), lambda i: (i + off, 0)),
            pl.BlockSpec((blk, H), lambda i: (i, 0)),
            full(e_dim, H), full(H), full(H, H), full(H), full(H), full(H),
            full(H, H), full(H), full(H, H), full(H), full(H), full(H),
        ],
        out_specs=pl.BlockSpec((blk, H), lambda i: (i, 0)),
        out_shape=jax.ShapeDtypeStruct((n_edges, H), jnp.float32),
    )(edge_attr, s_h, pe['W1'], pe['b1'], pe['W2'], pe['b2'], pe['g'], pe['b'],
      w1c, b1, w2, b2, gc, bc)


def _post_body(hd_ref, *refs):
    agg_refs = refs[:-5]
    w1_ref, b1_ref, w2_ref, b2_ref, o_ref = refs[-5:]
    x = hd_ref[...]
    for a in agg_refs:
        x = x + a[0] + a[1]
    h = _silu(jnp.dot(x, w1_ref[...], preferred_element_type=jnp.float32)
              + b1_ref[...])
    o_ref[...] = jnp.dot(h, w2_ref[...], preferred_element_type=jnp.float32) \
        + b2_ref[...]


def _post_mlp(hd, aggs, p, blk=2000):
    n = hd.shape[0]
    out = p['W2'].shape[1]
    grid = (n // blk,)
    full = lambda *shape: pl.BlockSpec(shape, lambda i: (0,) * len(shape))
    return pl.pallas_call(
        _post_body,
        grid=grid,
        in_specs=[
            pl.BlockSpec((blk, H), lambda i: (i, 0)),
            *[pl.BlockSpec((NC, blk, H), lambda i: (0, i, 0)) for _ in aggs],
            full(H, H), full(H), full(H, out), full(out),
        ],
        out_specs=pl.BlockSpec((blk, out), lambda i: (i, 0)),
        out_shape=jax.ShapeDtypeStruct((n, out), jnp.float32),
    )(hd, *aggs, p['W1'], p['b1'], p['W2'], p['b2'])


def kernel(x_src, x_dst, batch_size, edge_attr, edge_index, params):
    pc = params['conv']
    w1a = pc['W1'][:H]
    w1b = pc['W1'][H:2 * H]
    w1c = pc['W1'][2 * H:]

    hs, a_tab = _node_mlp(x_src, params['emb_src'], w1a)
    hd, b_tab = _node_mlp(x_dst, params['emb_dst'], w1b)

    src, dst = edge_index[0], edge_index[1]

    ms, dsts = [], []
    e_off = 0
    for eph in PHASES:
        src_h = lax.slice_in_dim(src, e_off, e_off + eph)
        dst_h = lax.slice_in_dim(dst, e_off, e_off + eph)
        s_h = _sc_gather_add(a_tab, b_tab, src_h, dst_h, eph)
        ms.append(_edge_mlp(edge_attr, s_h, e_off, params['emb_edges'],
                            w1c, pc['b1'], pc['W2'], pc['b2'], pc['g'], pc['b']))
        dsts.append(dst_h)
        e_off += eph

    aggs = [_sc_segment_sum(ms[0:2], dsts[0:2]),
            _sc_segment_sum(ms[2:4], dsts[2:4])]

    out_dst = _post_mlp(hd, aggs, params['post'])
    return hs, out_dst

# --- scband reference (transcript-rebuilt; emitter-appended) ---
"""Pipeline reference for scband-gnnbase-mapper-18631568130709 (READ-ONLY COPY).

The authoritative reference and input builder live on the scoring server;
editing this copy changes nothing except your own understanding.
"""

import jax, jax.numpy as jnp
import numpy as np

N_SRC = 10000
N_DST = 10000
E = 320000
D_SRC = 128
D_DST = 128
EDGE_DIM = 16
H = 128
OUT = 128


def _ln(x, g, b):
    m = jnp.mean(x, axis=-1, keepdims=True)
    v = jnp.var(x, axis=-1, keepdims=True)
    return (x - m) / jnp.sqrt(v + 1e-5) * g + b


def _mlp(x, p):
    h = jax.nn.silu(x @ p['W1'] + p['b1'])
    h = h @ p['W2'] + p['b2']
    if 'g' in p:
        h = _ln(h, p['g'], p['b'])
    return h


def _mk_mlp(key, din, dh, dout, ln=True):
    k1, k2 = jax.random.split(key)
    p = {'W1': jax.random.normal(k1, (din, dh), jnp.float32) * 0.02,
         'b1': jnp.zeros((dh,), jnp.float32),
         'W2': jax.random.normal(k2, (dh, dout), jnp.float32) * 0.02,
         'b2': jnp.zeros((dout,), jnp.float32)}
    if ln:
        p['g'] = jnp.ones((dout,), jnp.float32)
        p['b'] = jnp.zeros((dout,), jnp.float32)
    return p


def setup_inputs(seed: int = 0):
    key = jax.random.key(seed)
    k = jax.random.split(key, 10)
    x_src = jax.random.normal(k[0], (N_SRC, D_SRC), jnp.float32)
    x_dst = jax.random.normal(k[1], (N_DST, D_DST), jnp.float32)
    edge_attr = jax.random.normal(k[2], (E, EDGE_DIM), jnp.float32)
    edge_index = jnp.stack([
        jax.random.randint(k[3], (E,), 0, N_SRC),
        jax.random.randint(k[4], (E,), 0, N_DST)]).astype(jnp.int32)
    params = {
        'emb_edges': _mk_mlp(k[5], EDGE_DIM, H, H),
        'emb_src': _mk_mlp(k[6], D_SRC, H, H),
        'emb_dst': _mk_mlp(k[7], D_DST, H, H),
        'conv': _mk_mlp(k[8], 3 * H, H, H),
        'post': _mk_mlp(k[9], H, H, OUT, ln=False),
    }
    return {'x_src': x_src, 'x_dst': x_dst, 'batch_size': 1,
            'edge_attr': edge_attr, 'edge_index': edge_index, 'params': params}


def reference(x_src, x_dst, batch_size, edge_attr, edge_index, params):
    # emb_edges MLP on edge attributes
    e = _mlp(edge_attr, params['emb_edges'])
    # pre_process: embed src / dst nodes into hidden_dim
    hs = _mlp(x_src, params['emb_src'])
    hd = _mlp(x_dst, params['emb_dst'])
    src, dst = edge_index[0], edge_index[1]
    # proc: bipartite GraphConv block (gather -> edge MLP -> scatter-add)
    m = jnp.concatenate([hs[src], hd[dst], e], axis=-1)
    m = _mlp(m, params['conv'])
    agg = jax.ops.segment_sum(m, dst, num_segments=N_DST)
    hd = hd + agg
    # post_process: project destination nodes to out_channels_dst
    out_dst = _mlp(hd, params['post'])
    return hs, out_dst

if __name__ == "__main__":
    import jax
    _d = setup_inputs()
    print(jax.jit(kernel)(*tuple(_d.values())))

</pallas_src>

<mosaic_0001>
#map = affine_map<(d0, d1) -> (0, 0)>
#map1 = affine_map<(d0, d1) -> (0)>
module attributes {stable_mosaic.version = 14 : i64} {
  func.func @k(%arg0: i32, %arg1: i32, %arg2: memref<10000x128xf32, #tpu.memory_space<hbm>>, %arg3: memref<10000x128xf32, #tpu.memory_space<hbm>>, %arg4: memref<83200xi32, #tpu.memory_space<hbm>>, %arg5: memref<83200xi32, #tpu.memory_space<hbm>>, %arg6: memref<83200x128xf32, #tpu.memory_space<hbm>>, %arg7: memref<2600xi32, #tpu.memory_space<vmem>>, %arg8: memref<2600xi32, #tpu.memory_space<vmem>>, %arg9: memref<200x128xf32, #tpu.memory_space<vmem>>, %arg10: memref<200x128xf32, #tpu.memory_space<vmem>>, %arg11: memref<200x128xf32, #tpu.memory_space<vmem>>, %arg12: memref<200x128xf32, #tpu.memory_space<vmem>>, %arg13: memref<!tpu.dma_semaphore, #tpu.memory_space<semaphore_mem>>, %arg14: memref<!tpu.dma_semaphore, #tpu.memory_space<semaphore_mem>>, %arg15: memref<!tpu.dma_semaphore, #tpu.memory_space<semaphore_mem>>, %arg16: memref<!tpu.dma_semaphore, #tpu.memory_space<semaphore_mem>>, %arg17: memref<!tpu.dma_semaphore, #tpu.memory_space<semaphore_mem>>, %arg18: memref<!tpu.dma_semaphore, #tpu.memory_space<semaphore_mem>>) attributes {dimension_semantics = [#tpu.dimension_semantics<core_parallel>, #tpu.dimension_semantics<subcore_parallel>], iteration_bounds = array<i64: 2, 16>, scalar_prefetch = 0 : i64, scratch_operands = 12 : i64, tpu.core_type = #tpu.core_type<sc_vector_subcore>, window_params = [{transform_indices = #map}, {transform_indices = #map}, {transform_indices = #map1}, {transform_indices = #map1}, {transform_indices = #map}]} {
    %mul3A = arith.constant 2 : i32
    %mul3A_0 = arith.muli %arg1, %mul3A : i32
    %add3A = arith.addi %mul3A_0, %arg0 : i32
    %mul3A_1 = arith.constant 2600 : i32
    %mul3A_2 = arith.muli %add3A, %mul3A_1 : i32
    "tpu.region"() ({
      %run_scoped3A = tpu.sem_alloc : memref<!tpu.dma_semaphore, #tpu.memory_space<semaphore_mem>>
      %dma_start3A_56 = tpu.memref_slice %arg4[%mul3A_2] : memref<83200xi32, #tpu.memory_space<hbm>> -> memref<2600xi32, #tpu.memory_space<hbm>>
      %dma_start3A_57 = tpu.memref_slice %arg4[%mul3A_2] : memref<83200xi32, #tpu.memory_space<hbm>> -> memref<2600xi32, #tpu.memory_space<hbm>>
      tpu.enqueue_dma source(%dma_start3A_57 : memref<2600xi32, #tpu.memory_space<hbm>>) target(%arg7 : memref<2600xi32, #tpu.memory_space<vmem>>) target_semaphore(%run_scoped3A : memref<!tpu.dma_semaphore, #tpu.memory_space<semaphore_mem>>)
      %dma_wait3A_58 = tpu.memref_slice %arg4[%mul3A_2] : memref<83200xi32, #tpu.memory_space<hbm>> -> memref<2600xi32, #tpu.memory_space<hbm>>
      %dma_wait3A_59 = tpu.memref_slice %arg4[%mul3A_2] : memref<83200xi32, #tpu.memory_space<hbm>> -> memref<2600xi32, #tpu.memory_space<hbm>>
      tpu.wait_dma2 semaphore(%run_scoped3A : memref<!tpu.dma_semaphore, #tpu.memory_space<semaphore_mem>>) src(%dma_wait3A_59 : memref<2600xi32, #tpu.memory_space<hbm>>) dst(%arg7 : memref<2600xi32, #tpu.memory_space<vmem>>)
      tpu.yield
    }) : () -> ()
    "tpu.region"() ({
      %run_scoped3A = tpu.sem_alloc : memref<!tpu.dma_semaphore, #tpu.memory_space<semaphore_mem>>
      %dma_start3A_56 = tpu.memref_slice %arg5[%mul3A_2] : memref<83200xi32, #tpu.memory_space<hbm>> -> memref<2600xi32, #tpu.memory_space<hbm>>
      %dma_start3A_57 = tpu.memref_slice %arg5[%mul3A_2] : memref<83200xi32, #tpu.memory_space<hbm>> -> memref<2600xi32, #tpu.memory_space<hbm>>
      tpu.enqueue_dma source(%dma_start3A_57 : memref<2600xi32, #tpu.memory_space<hbm>>) target(%arg8 : memref<2600xi32, #tpu.memory_space<vmem>>) target_semaphore(%run_scoped3A : memref<!tpu.dma_semaphore, #tpu.memory_space<semaphore_mem>>)
      %dma_wait3A_58 = tpu.memref_slice %arg5[%mul3A_2] : memref<83200xi32, #tpu.memory_space<hbm>> -> memref<2600xi32, #tpu.memory_space<hbm>>
      %dma_wait3A_59 = tpu.memref_slice %arg5[%mul3A_2] : memref<83200xi32, #tpu.memory_space<hbm>> -> memref<2600xi32, #tpu.memory_space<hbm>>
      tpu.wait_dma2 semaphore(%run_scoped3A : memref<!tpu.dma_semaphore, #tpu.memory_space<semaphore_mem>>) src(%dma_wait3A_59 : memref<2600xi32, #tpu.memory_space<hbm>>) dst(%arg8 : memref<2600xi32, #tpu.memory_space<vmem>>)
      tpu.yield
    }) : () -> ()
    %dma_start3A = arith.constant 0 : i32
    %dma_start3A_3 = tpu.memref_slice %arg7[%dma_start3A] : memref<2600xi32, #tpu.memory_space<vmem>> -> memref<200xi32, #tpu.memory_space<vmem>>
    %dma_start3A_4 = arith.constant 0 : i32
    %dma_start3A_5 = arith.constant 0 : i32
    %dma_start3A_6 = tpu.memref_slice %arg2[%dma_start3A_4, %dma_start3A_5] : memref<10000x128xf32, #tpu.memory_space<hbm>> -> memref<10000x128xf32, #tpu.memory_space<hbm>>
    tpu.enqueue_indirect_dma source(%dma_start3A_6 : memref<10000x128xf32, #tpu.memory_space<hbm>>) target(%arg9 : memref<200x128xf32, #tpu.memory_space<vmem>>) offsets(%dma_start3A_3 : memref<200xi32, #tpu.memory_space<vmem>>) semaphore(%arg13 : memref<!tpu.dma_semaphore, #tpu.memory_space<semaphore_mem>>)
    %dma_start3A_7 = arith.constant 0 : i32
    %dma_start3A_8 = tpu.memref_slice %arg8[%dma_start3A_7] : memref<2600xi32, #tpu.memory_space<vmem>> -> memref<200xi32, #tpu.memory_space<vmem>>
    %dma_start3A_9 = arith.constant 0 : i32
    %dma_start3A_10 = arith.constant 0 : i32
    %dma_start3A_11 = tpu.memref_slice %arg3[%dma_start3A_9, %dma_start3A_10] : memref<10000x128xf32, #tpu.memory_space<hbm>> -> memref<10000x128xf32, #tpu.memory_space<hbm>>
    tpu.enqueue_indirect_dma source(%dma_start3A_11 : memref<10000x128xf32, #tpu.memory_space<hbm>>) target(%arg10 : memref<200x128xf32, #tpu.memory_space<vmem>>) offsets(%dma_start3A_8 : memref<200xi32, #tpu.memory_space<vmem>>) semaphore(%arg14 : memref<!tpu.dma_semaphore, #tpu.memory_space<semaphore_mem>>)
    %dma_start3A_12 = arith.constant 200 : i32
    %dma_start3A_13 = tpu.memref_slice %arg7[%dma_start3A_12] : memref<2600xi32, #tpu.memory_space<vmem>> -> memref<200xi32, #tpu.memory_space<vmem>>
    %dma_start3A_14 = arith.constant 0 : i32
    %dma_start3A_15 = arith.constant 0 : i32
    %dma_start3A_16 = tpu.memref_slice %arg2[%dma_start3A_14, %dma_start3A_15] : memref<10000x128xf32, #tpu.memory_space<hbm>> -> memref<10000x128xf32, #tpu.memory_space<hbm>>
    tpu.enqueue_indirect_dma source(%dma_start3A_16 : memref<10000x128xf32, #tpu.memory_space<hbm>>) target(%arg11 : memref<200x128xf32, #tpu.memory_space<vmem>>) offsets(%dma_start3A_13 : memref<200xi32, #tpu.memory_space<vmem>>) semaphore(%arg15 : memref<!tpu.dma_semaphore, #tpu.memory_space<semaphore_mem>>)
    %dma_start3A_17 = arith.constant 200 : i32
    %dma_start3A_18 = tpu.memref_slice %arg8[%dma_start3A_17] : memref<2600xi32, #tpu.memory_space<vmem>> -> memref<200xi32, #tpu.memory_space<vmem>>
    %dma_start3A_19 = arith.constant 0 : i32
    %dma_start3A_20 = arith.constant 0 : i32
    %dma_start3A_21 = tpu.memref_slice %arg3[%dma_start3A_19, %dma_start3A_20] : memref<10000x128xf32, #tpu.memory_space<hbm>> -> memref<10000x128xf32, #tpu.memory_space<hbm>>
    tpu.enqueue_indirect_dma source(%dma_start3A_21 : memref<10000x128xf32, #tpu.memory_space<hbm>>) target(%arg12 : memref<200x128xf32, #tpu.memory_space<vmem>>) offsets(%dma_start3A_18 : memref<200xi32, #tpu.memory_space<vmem>>) semaphore(%arg16 : memref<!tpu.dma_semaphore, #tpu.memory_space<semaphore_mem>>)
    %scan3A = arith.constant 0 : i32
    %scan3A_22 = arith.constant 0 : i32
    %scan3A_23 = arith.constant 6 : i32
    %scan3A_24 = arith.addi %scan3A_22, %scan3A_23 : i32
    %scan3A_25 = arith.constant 1 : i32
    scf.for %scan3A_56 = %scan3A_22 to %scan3A_24 step %scan3A_25  : i32 {
      %mul3A_57 = arith.constant 2 : i32
      %mul3A_58 = arith.muli %mul3A_57, %scan3A_56 : i32
      %add3A_59 = arith.constant 0 : i32
      %add3A_60 = arith.addi %mul3A_58, %add3A_59 : i32
      %dma_wait3A_61 = arith.constant 0 : i32
      %dma_wait3A_62 = tpu.memref_slice %arg7[%dma_wait3A_61] : memref<2600xi32, #tpu.memory_space<vmem>> -> memref<200xi32, #tpu.memory_space<vmem>>
      %dma_wait3A_63 = arith.constant 0 : i32
      %dma_wait3A_64 = arith.constant 0 : i32
      %dma_wait3A_65 = tpu.memref_slice %arg2[%dma_wait3A_63, %dma_wait3A_64] : memref<10000x128xf32, #tpu.memory_space<hbm>> -> memref<10000x128xf32, #tpu.memory_space<hbm>>
      tpu.wait_indirect_dma semaphore(%arg13 : memref<!tpu.dma_semaphore, #tpu.memory_space<semaphore_mem>>) src(%dma_wait3A_65 : memref<10000x128xf32, #tpu.memory_space<hbm>>) dst(%arg9 : memref<200x128xf32, #tpu.memory_space<vmem>>)
      %dma_wait3A_66 = arith.constant 0 : i32
      %dma_wait3A_67 = tpu.memref_slice %arg8[%dma_wait3A_66] : memref<2600xi32, #tpu.memory_space<vmem>> -> memref<200xi32, #tpu.memory_space<vmem>>
      %dma_wait3A_68 = arith.constant 0 : i32
      %dma_wait3A_69 = arith.constant 0 : i32
      %dma_wait3A_70 = tpu.memref_slice %arg3[%dma_wait3A_68, %dma_wait3A_69] : memref<10000x128xf32, #tpu.memory_space<hbm>> -> memref<10000x128xf32, #tpu.memory_space<hbm>>
      tpu.wait_indirect_dma semaphore(%arg14 : memref<!tpu.dma_semaphore, #tpu.memory_space<semaphore_mem>>) src(%dma_wait3A_70 : memref<10000x128xf32, #tpu.memory_space<hbm>>) dst(%arg10 : memref<200x128xf32, #tpu.memory_space<vmem>>)
      %scan3A_71 = arith.constant 0 : i32
      %scan3A_72 = arith.constant 0 : i32
      %scan3A_73 = arith.constant 200 : i32
      %scan3A_74 = arith.addi %scan3A_72, %scan3A_73 : i32
      %scan3A_75 = arith.constant 1 : i32
      scf.for %scan3A_120 = %scan3A_72 to %scan3A_74 step %scan3A_75  : i32 {
        %get3A = arith.index_cast %scan3A_120 : i32 to index
        %get3A_121 = arith.constant 0 : index
        %get3A_122 = tpu.vector_load %arg9[%get3A, %get3A_121] {strides = array<i32>} : memref<200x128xf32, #tpu.memory_space<vmem>>, vector<1x16xf32>,
        %get3A_123 = vector.shape_cast %get3A_122 : vector<1x16xf32> to vector<16xf32>
        %get3A_124 = arith.index_cast %scan3A_120 : i32 to index
        %get3A_125 = arith.constant 0 : index
        %get3A_126 = tpu.vector_load %arg10[%get3A_124, %get3A_125] {strides = array<i32>} : memref<200x128xf32, #tpu.memory_space<vmem>>, vector<1x16xf32>,
        %get3A_127 = vector.shape_cast %get3A_126 : vector<1x16xf32> to vector<16xf32>
        %add3A_128 = arith.addf %get3A_123, %get3A_127 : vector<16xf32>
        %swap3A = arith.index_cast %scan3A_120 : i32 to index
        %swap3A_129 = arith.constant 0 : index
        %swap3A_130 = tpu.vector_load %arg9[%swap3A, %swap3A_129] {strides = array<i32>} : memref<200x128xf32, #tpu.memory_space<vmem>>, vector<1x16xf32>,
        %swap3A_131 = vector.shape_cast %swap3A_130 : vector<1x16xf32> to vector<16xf32>
        %swap3A_132 = vector.shape_cast %add3A_128 : vector<16xf32> to vector<1x16xf32>
        tpu.vector_store %arg9[%swap3A, %swap3A_129], %swap3A_132 {strides = array<i32>} : memref<200x128xf32, #tpu.memory_space<vmem>>, vector<1x16xf32>,
        %get3A_133 = arith.index_cast %scan3A_120 : i32 to index
        %get3A_134 = arith.constant 16 : index
        %get3A_135 = tpu.vector_load %arg9[%get3A_133, %get3A_134] {strides = array<i32>} : memref<200x128xf32, #tpu.memory_space<vmem>>, vector<1x16xf32>,
        %get3A_136 = vector.shape_cast %get3A_135 : vector<1x16xf32> to vector<16xf32>
        %get3A_137 = arith.index_cast %scan3A_120 : i32 to index
        %get3A_138 = arith.constant 16 : index
        %get3A_139 = tpu.vector_load %arg10[%get3A_137, %get3A_138] {strides = array<i32>} : memref<200x128xf32, #tpu.memory_space<vmem>>, vector<1x16xf32>,
        %get3A_140 = vector.shape_cast %get3A_139 : vector<1x16xf32> to vector<16xf32>
        %add3A_141 = arith.addf %get3A_136, %get3A_140 : vector<16xf32>
        %swap3A_142 = arith.index_cast %scan3A_120 : i32 to index
        %swap3A_143 = arith.constant 16 : index
        %swap3A_144 = tpu.vector_load %arg9[%swap3A_142, %swap3A_143] {strides = array<i32>} : memref<200x128xf32, #tpu.memory_space<vmem>>, vector<1x16xf32>,
        %swap3A_145 = vector.shape_cast %swap3A_144 : vector<1x16xf32> to vector<16xf32>
        %swap3A_146 = vector.shape_cast %add3A_141 : vector<16xf32> to vector<1x16xf32>
        tpu.vector_store %arg9[%swap3A_142, %swap3A_143], %swap3A_146 {strides = array<i32>} : memref<200x128xf32, #tpu.memory_space<vmem>>, vector<1x16xf32>,
        %get3A_147 = arith.index_cast %scan3A_120 : i32 to index
        %get3A_148 = arith.constant 32 : index
        %get3A_149 = tpu.vector_load %arg9[%get3A_147, %get3A_148] {strides = array<i32>} : memref<200x128xf32, #tpu.memory_space<vmem>>, vector<1x16xf32>,
        %get3A_150 = vector.shape_cast %get3A_149 : vector<1x16xf32> to vector<16xf32>
        %get3A_151 = arith.index_cast %scan3A_120 : i32 to index
        %get3A_152 = arith.constant 32 : index
        %get3A_153 = tpu.vector_load %arg10[%get3A_151, %get3A_152] {strides = array<i32>} : memref<200x128xf32, #tpu.memory_space<vmem>>, vector<1x16xf32>,
        %get3A_154 = vector.shape_cast %get3A_153 : vector<1x16xf32> to vector<16xf32>
        %add3A_155 = arith.addf %get3A_150, %get3A_154 : vector<16xf32>
        %swap3A_156 = arith.index_cast %scan3A_120 : i32 to index
        %swap3A_157 = arith.constant 32 : index
        %swap3A_158 = tpu.vector_load %arg9[%swap3A_156, %swap3A_157] {strides = array<i32>} : memref<200x128xf32, #tpu.memory_space<vmem>>, vector<1x16xf32>,
        %swap3A_159 = vector.shape_cast %swap3A_158 : vector<1x16xf32> to vector<16xf32>
        %swap3A_160 = vector.shape_cast %add3A_155 : vector<16xf32> to vector<1x16xf32>
        tpu.vector_store %arg9[%swap3A_156, %swap3A_157], %swap3A_160 {strides = array<i32>} : memref<200x128xf32, #tpu.memory_space<vmem>>, vector<1x16xf32>,
        %get3A_161 = arith.index_cast %scan3A_120 : i32 to index
        %get3A_162 = arith.constant 48 : index
        %get3A_163 = tpu.vector_load %arg9[%get3A_161, %get3A_162] {strides = array<i32>} : memref<200x128xf32, #tpu.memory_space<vmem>>, vector<1x16xf32>,
        %get3A_164 = vector.shape_cast %get3A_163 : vector<1x16xf32> to vector<16xf32>
        %get3A_165 = arith.index_cast %scan3A_120 : i32 to index
        %get3A_166 = arith.constant 48 : index
        %get3A_167 = tpu.vector_load %arg10[%get3A_165, %get3A_166] {strides = array<i32>} : memref<200x128xf32, #tpu.memory_space<vmem>>, vector<1x16xf32>,
        %get3A_168 = vector.shape_cast %get3A_167 : vector<1x16xf32> to vector<16xf32>
        %add3A_169 = arith.addf %get3A_164, %get3A_168 : vector<16xf32>
        %swap3A_170 = arith.index_cast %scan3A_120 : i32 to index
        %swap3A_171 = arith.constant 48 : index
        %swap3A_172 = tpu.vector_load %arg9[%swap3A_170, %swap3A_171] {strides = array<i32>} : memref<200x128xf32, #tpu.memory_space<vmem>>, vector<1x16xf32>,
        %swap3A_173 = vector.shape_cast %swap3A_172 : vector<1x16xf32> to vector<16xf32>
        %swap3A_174 = vector.shape_cast %add3A_169 : vector<16xf32> to vector<1x16xf32>
        tpu.vector_store %arg9[%swap3A_170, %swap3A_171], %swap3A_174 {strides = array<i32>} : memref<200x128xf32, #tpu.memory_space<vmem>>, vector<1x16xf32>,
        %get3A_175 = arith.index_cast %scan3A_120 : i32 to index
        %get3A_176 = arith.constant 64 : index
        %get3A_177 = tpu.vector_load %arg9[%get3A_175, %get3A_176] {strides = array<i32>} : memref<200x128xf32, #tpu.memory_space<vmem>>, vector<1x16xf32>,
        %get3A_178 = vector.shape_cast %get3A_177 : vector<1x16xf32> to vector<16xf32>
        %get3A_179 = arith.index_cast %scan3A_120 : i32 to index
        %get3A_180 = arith.constant 64 : index
        %get3A_181 = tpu.vector_load %arg10[%get3A_179, %get3A_180] {strides = array<i32>} : memref<200x128xf32, #tpu.memory_space<vmem>>, vector<1x16xf32>,
        %get3A_182 = vector.shape_cast %get3A_181 : vector<1x16xf32> to vector<16xf32>
        %add3A_183 = arith.addf %get3A_178, %get3A_182 : vector<16xf32>
        %swap3A_184 = arith.index_cast %scan3A_120 : i32 to index
        %swap3A_185 = arith.constant 64 : index
        %swap3A_186 = tpu.vector_load %arg9[%swap3A_184, %swap3A_185] {strides = array<i32>} : memref<200x128xf32, #tpu.memory_space<vmem>>, vector<1x16xf32>,
        %swap3A_187 = vector.shape_cast %swap3A_186 : vector<1x16xf32> to vector<16xf32>
        %swap3A_188 = vector.shape_cast %add3A_183 : vector<16xf32> to vector<1x16xf32>
        tpu.vector_store %arg9[%swap3A_184, %swap3A_185], %swap3A_188 {strides = array<i32>} : memref<200x128xf32, #tpu.memory_space<vmem>>, vector<1x16xf32>,
        %get3A_189 = arith.index_cast %scan3A_120 : i32 to index
        %get3A_190 = arith.constant 80 : index
        %get3A_191 = tpu.vector_load %arg9[%get3A_189, %get3A_190] {strides = array<i32>} : memref<200x128xf32, #tpu.memory_space<vmem>>, vector<1x16xf32>,
        %get3A_192 = vector.shape_cast %get3A_191 : vector<1x16xf32> to vector<16xf32>
        %get3A_193 = arith.index_cast %scan3A_120 : i32 to index
        %get3A_194 = arith.constant 80 : index
        %get3A_195 = tpu.vector_load %arg10[%get3A_193, %get3A_194] {strides = array<i32>} : memref<200x128xf32, #tpu.memory_space<vmem>>, vector<1x16xf32>,
        %get3A_196 = vector.shape_cast %get3A_195 : vector<1x16xf32> to vector<16xf32>
        %add3A_197 = arith.addf %get3A_192, %get3A_196 : vector<16xf32>
        %swap3A_198 = arith.index_cast %scan3A_120 : i32 to index
        %swap3A_199 = arith.constant 80 : index
        %swap3A_200 = tpu.vector_load %arg9[%swap3A_198, %swap3A_199] {strides = array<i32>} : memref<200x128xf32, #tpu.memory_space<vmem>>, vector<1x16xf32>,
        %swap3A_201 = vector.shape_cast %swap3A_200 : vector<1x16xf32> to vector<16xf32>
        %swap3A_202 = vector.shape_cast %add3A_197 : vector<16xf32> to vector<1x16xf32>
        tpu.vector_store %arg9[%swap3A_198, %swap3A_199], %swap3A_202 {strides = array<i32>} : memref<200x128xf32, #tpu.memory_space<vmem>>, vector<1x16xf32>,
        %get3A_203 = arith.index_cast %scan3A_120 : i32 to index
        %get3A_204 = arith.constant 96 : index
        %get3A_205 = tpu.vector_load %arg9[%get3A_203, %get3A_204] {strides = array<i32>} : memref<200x128xf32, #tpu.memory_space<vmem>>, vector<1x16xf32>,
        %get3A_206 = vector.shape_cast %get3A_205 : vector<1x16xf32> to vector<16xf32>
        %get3A_207 = arith.index_cast %scan3A_120 : i32 to index
        %get3A_208 = arith.constant 96 : index
        %get3A_209 = tpu.vector_load %arg10[%get3A_207, %get3A_208] {strides = array<i32>} : memref<200x128xf32, #tpu.memory_space<vmem>>, vector<1x16xf32>,
        %get3A_210 = vector.shape_cast %get3A_209 : vector<1x16xf32> to vector<16xf32>
        %add3A_211 = arith.addf %get3A_206, %get3A_210 : vector<16xf32>
        %swap3A_212 = arith.index_cast %scan3A_120 : i32 to index
        %swap3A_213 = arith.constant 96 : index
        %swap3A_214 = tpu.vector_load %arg9[%swap3A_212, %swap3A_213] {strides = array<i32>} : memref<200x128xf32, #tpu.memory_space<vmem>>, vector<1x16xf32>,
        %swap3A_215 = vector.shape_cast %swap3A_214 : vector<1x16xf32> to vector<16xf32>
        %swap3A_216 = vector.shape_cast %add3A_211 : vector<16xf32> to vector<1x16xf32>
        tpu.vector_store %arg9[%swap3A_212, %swap3A_213], %swap3A_216 {strides = array<i32>} : memref<200x128xf32, #tpu.memory_space<vmem>>, vector<1x16xf32>,
        %get3A_217 = arith.index_cast %scan3A_120 : i32 to index
        %get3A_218 = arith.constant 112 : index
        %get3A_219 = tpu.vector_load %arg9[%get3A_217, %get3A_218] {strides = array<i32>} : memref<200x128xf32, #tpu.memory_space<vmem>>, vector<1x16xf32>,
        %get3A_220 = vector.shape_cast %get3A_219 : vector<1x16xf32> to vector<16xf32>
        %get3A_221 = arith.index_cast %scan3A_120 : i32 to index
        %get3A_222 = arith.constant 112 : index
        %get3A_223 = tpu.vector_load %arg10[%get3A_221, %get3A_222] {strides = array<i32>} : memref<200x128xf32, #tpu.memory_space<vmem>>, vector<1x16xf32>,
        %get3A_224 = vector.shape_cast %get3A_223 : vector<1x16xf32> to vector<16xf32>
        %add3A_225 = arith.addf %get3A_220, %get3A_224 : vector<16xf32>
        %swap3A_226 = arith.index_cast %scan3A_120 : i32 to index
        %swap3A_227 = arith.constant 112 : index
        %swap3A_228 = tpu.vector_load %arg9[%swap3A_226, %swap3A_227] {strides = array<i32>} : memref<200x128xf32, #tpu.memory_space<vmem>>, vector<1x16xf32>,
        %swap3A_229 = vector.shape_cast %swap3A_228 : vector<1x16xf32> to vector<16xf32>
        %swap3A_230 = vector.shape_cast %add3A_225 : vector<16xf32> to vector<1x16xf32>
        tpu.vector_store %arg9[%swap3A_226, %swap3A_227], %swap3A_230 {strides = array<i32>} : memref<200x128xf32, #tpu.memory_space<vmem>>, vector<1x16xf32>,
      }
      %scan3A_76 = arith.constant 200 : i32
      %mul3A_77 = arith.constant 200 : i32
      %mul3A_78 = arith.muli %add3A_60, %mul3A_77 : i32
      %add3A_79 = arith.addi %mul3A_2, %mul3A_78 : i32
      %dma_start3A_80 = arith.constant 0 : i32
      %dma_start3A_81 = tpu.memref_slice %arg6[%add3A_79, %dma_start3A_80] : memref<83200x128xf32, #tpu.memory_space<hbm>> -> memref<200x128xf32, #tpu.memory_space<hbm>>
      %dma_start3A_82 = arith.constant 0 : i32
      %dma_start3A_83 = tpu.memref_slice %arg6[%add3A_79, %dma_start3A_82] : memref<83200x128xf32, #tpu.memory_space<hbm>> -> memref<200x128xf32, #tpu.memory_space<hbm>>
      tpu.enqueue_dma source(%arg9 : memref<200x128xf32, #tpu.memory_space<vmem>>) target(%dma_start3A_83 : memref<200x128xf32, #tpu.memory_space<hbm>>) target_semaphore(%arg17 : memref<!tpu.dma_semaphore, #tpu.memory_space<semaphore_mem>>)
      %add3A_84 = arith.constant 2 : i32
      %add3A_85 = arith.addi %add3A_60, %add3A_84 : i32
      %lt3A = arith.constant 13 : i32
      %lt3A_86 = arith.cmpi slt, %add3A_85, %lt3A : i32
      %convert_element_type3A = arith.extui %lt3A_86 : i1 to i32
      %cond3A = arith.constant 0 : i32
      %cond3A_87 = arith.cmpi ne, %convert_element_type3A, %cond3A : i32
      scf.if %cond3A_87 {
        %dma_wait3A_120 = arith.constant 0 : i32
        %dma_wait3A_121 = tpu.memref_slice %arg6[%mul3A_2, %dma_wait3A_120] : memref<83200x128xf32, #tpu.memory_space<hbm>> -> memref<200x128xf32, #tpu.memory_space<hbm>>
        %dma_wait3A_122 = arith.constant 0 : i32
        %dma_wait3A_123 = tpu.memref_slice %arg6[%mul3A_2, %dma_wait3A_122] : memref<83200x128xf32, #tpu.memory_space<hbm>> -> memref<200x128xf32, #tpu.memory_space<hbm>>
        tpu.wait_dma2 semaphore(%arg17 : memref<!tpu.dma_semaphore, #tpu.memory_space<semaphore_mem>>) src(%arg9 : memref<200x128xf32, #tpu.memory_space<vmem>>) dst(%dma_wait3A_123 : memref<200x128xf32, #tpu.memory_space<hbm>>)
        %add3A_124 = arith.constant 2 : i32
        %add3A_125 = arith.addi %add3A_60, %add3A_124 : i32
        %mul3A_126 = arith.constant 200 : i32
        %mul3A_127 = arith.muli %add3A_125, %mul3A_126 : i32
        %dma_start3A_128 = tpu.memref_slice %arg7[%mul3A_127] : memref<2600xi32, #tpu.memory_space<vmem>> -> memref<200xi32, #tpu.memory_space<vmem>>
        %dma_start3A_129 = arith.constant 0 : i32
        %dma_start3A_130 = arith.constant 0 : i32
        %dma_start3A_131 = tpu.memref_slice %arg2[%dma_start3A_129, %dma_start3A_130] : memref<10000x128xf32, #tpu.memory_space<hbm>> -> memref<10000x128xf32, #tpu.memory_space<hbm>>
        tpu.enqueue_indirect_dma source(%dma_start3A_131 : memref<10000x128xf32, #tpu.memory_space<hbm>>) target(%arg9 : memref<200x128xf32, #tpu.memory_space<vmem>>) offsets(%dma_start3A_128 : memref<200xi32, #tpu.memory_space<vmem>>) semaphore(%arg13 : memref<!tpu.dma_semaphore, #tpu.memory_space<semaphore_mem>>)
        %dma_start3A_132 = tpu.memref_slice %arg8[%mul3A_127] : memref<2600xi32, #tpu.memory_space<vmem>> -> memref<200xi32, #tpu.memory_space<vmem>>
        %dma_start3A_133 = arith.constant 0 : i32
        %dma_start3A_134 = arith.constant 0 : i32
        %dma_start3A_135 = tpu.memref_slice %arg3[%dma_start3A_133, %dma_start3A_134] : memref<10000x128xf32, #tpu.memory_space<hbm>> -> memref<10000x128xf32, #tpu.memory_space<hbm>>
        tpu.enqueue_indirect_dma source(%dma_start3A_135 : memref<10000x128xf32, #tpu.memory_space<hbm>>) target(%arg10 : memref<200x128xf32, #tpu.memory_space<vmem>>) offsets(%dma_start3A_132 : memref<200xi32, #tpu.memory_space<vmem>>) semaphore(%arg14 : memref<!tpu.dma_semaphore, #tpu.memory_space<semaphore_mem>>)
      } else {
      }
      %add3A_88 = arith.constant 1 : i32
      %add3A_89 = arith.addi %mul3A_58, %add3A_88 : i32
      %dma_wait3A_90 = arith.constant 0 : i32
      %dma_wait3A_91 = tpu.memref_slice %arg7[%dma_wait3A_90] : memref<2600xi32, #tpu.memory_space<vmem>> -> memref<200xi32, #tpu.memory_space<vmem>>
      %dma_wait3A_92 = arith.constant 0 : i32
      %dma_wait3A_93 = arith.constant 0 : i32
      %dma_wait3A_94 = tpu.memref_slice %arg2[%dma_wait3A_92, %dma_wait3A_93] : memref<10000x128xf32, #tpu.memory_space<hbm>> -> memref<10000x128xf32, #tpu.memory_space<hbm>>
      tpu.wait_indirect_dma semaphore(%arg15 : memref<!tpu.dma_semaphore, #tpu.memory_space<semaphore_mem>>) src(%dma_wait3A_94 : memref<10000x128xf32, #tpu.memory_space<hbm>>) dst(%arg11 : memref<200x128xf32, #tpu.memory_space<vmem>>)
      %dma_wait3A_95 = arith.constant 0 : i32
      %dma_wait3A_96 = tpu.memref_slice %arg8[%dma_wait3A_95] : memref<2600xi32, #tpu.memory_space<vmem>> -> memref<200xi32, #tpu.memory_space<vmem>>
      %dma_wait3A_97 = arith.constant 0 : i32
      %dma_wait3A_98 = arith.constant 0 : i32
      %dma_wait3A_99 = tpu.memref_slice %arg3[%dma_wait3A_97, %dma_wait3A_98] : memref<10000x128xf32, #tpu.memory_space<hbm>> -> memref<10000x128xf32, #tpu.memory_space<hbm>>
      tpu.wait_indirect_dma semaphore(%arg16 : memref<!tpu.dma_semaphore, #tpu.memory_space<semaphore_mem>>) src(%dma_wait3A_99 : memref<10000x128xf32, #tpu.memory_space<hbm>>) dst(%arg12 : memref<200x128xf32, #tpu.memory_space<vmem>>)
      %scan3A_100 = arith.constant 0 : i32
      %scan3A_101 = arith.constant 0 : i32
      %scan3A_102 = arith.constant 200 : i32
      %scan3A_103 = arith.addi %scan3A_101, %scan3A_102 : i32
      %scan3A_104 = arith.constant 1 : i32
      scf.for %scan3A_120 = %scan3A_101 to %scan3A_103 step %scan3A_104  : i32 {
        %get3A = arith.index_cast %scan3A_120 : i32 to index
        %get3A_121 = arith.constant 0 : index
        %get3A_122 = tpu.vector_load %arg11[%get3A, %get3A_121] {strides = array<i32>} : memref<200x128xf32, #tpu.memory_space<vmem>>, vector<1x16xf32>,
        %get3A_123 = vector.shape_cast %get3A_122 : vector<1x16xf32> to vector<16xf32>
        %get3A_124 = arith.index_cast %scan3A_120 : i32 to index
        %get3A_125 = arith.constant 0 : index
        %get3A_126 = tpu.vector_load %arg12[%get3A_124, %get3A_125] {strides = array<i32>} : memref<200x128xf32, #tpu.memory_space<vmem>>, vector<1x16xf32>,
        %get3A_127 = vector.shape_cast %get3A_126 : vector<1x16xf32> to vector<16xf32>
        %add3A_128 = arith.addf %get3A_123, %get3A_127 : vector<16xf32>
        %swap3A = arith.index_cast %scan3A_120 : i32 to index
        %swap3A_129 = arith.constant 0 : index
        %swap3A_130 = tpu.vector_load %arg11[%swap3A, %swap3A_129] {strides = array<i32>} : memref<200x128xf32, #tpu.memory_space<vmem>>, vector<1x16xf32>,
        %swap3A_131 = vector.shape_cast %swap3A_130 : vector<1x16xf32> to vector<16xf32>
        %swap3A_132 = vector.shape_cast %add3A_128 : vector<16xf32> to vector<1x16xf32>
        tpu.vector_store %arg11[%swap3A, %swap3A_129], %swap3A_132 {strides = array<i32>} : memref<200x128xf32, #tpu.memory_space<vmem>>, vector<1x16xf32>,
        %get3A_133 = arith.index_cast %scan3A_120 : i32 to index
        %get3A_134 = arith.constant 16 : index
        %get3A_135 = tpu.vector_load %arg11[%get3A_133, %get3A_134] {strides = array<i32>} : memref<200x128xf32, #tpu.memory_space<vmem>>, vector<1x16xf32>,
        %get3A_136 = vector.shape_cast %get3A_135 : vector<1x16xf32> to vector<16xf32>
        %get3A_137 = arith.index_cast %scan3A_120 : i32 to index
        %get3A_138 = arith.constant 16 : index
        %get3A_139 = tpu.vector_load %arg12[%get3A_137, %get3A_138] {strides = array<i32>} : memref<200x128xf32, #tpu.memory_space<vmem>>, vector<1x16xf32>,
        %get3A_140 = vector.shape_cast %get3A_139 : vector<1x16xf32> to vector<16xf32>
        %add3A_141 = arith.addf %get3A_136, %get3A_140 : vector<16xf32>
        %swap3A_142 = arith.index_cast %scan3A_120 : i32 to index
        %swap3A_143 = arith.constant 16 : index
        %swap3A_144 = tpu.vector_load %arg11[%swap3A_142, %swap3A_143] {strides = array<i32>} : memref<200x128xf32, #tpu.memory_space<vmem>>, vector<1x16xf32>,
        %swap3A_145 = vector.shape_cast %swap3A_144 : vector<1x16xf32> to vector<16xf32>
        %swap3A_146 = vector.shape_cast %add3A_141 : vector<16xf32> to vector<1x16xf32>
        tpu.vector_store %arg11[%swap3A_142, %swap3A_143], %swap3A_146 {strides = array<i32>} : memref<200x128xf32, #tpu.memory_space<vmem>>, vector<1x16xf32>,
        %get3A_147 = arith.index_cast %scan3A_120 : i32 to index
        %get3A_148 = arith.constant 32 : index
        %get3A_149 = tpu.vector_load %arg11[%get3A_147, %get3A_148] {strides = array<i32>} : memref<200x128xf32, #tpu.memory_space<vmem>>, vector<1x16xf32>,
        %get3A_150 = vector.shape_cast %get3A_149 : vector<1x16xf32> to vector<16xf32>
        %get3A_151 = arith.index_cast %scan3A_120 : i32 to index
        %get3A_152 = arith.constant 32 : index
        %get3A_153 = tpu.vector_load %arg12[%get3A_151, %get3A_152] {strides = array<i32>} : memref<200x128xf32, #tpu.memory_space<vmem>>, vector<1x16xf32>,
        %get3A_154 = vector.shape_cast %get3A_153 : vector<1x16xf32> to vector<16xf32>
        %add3A_155 = arith.addf %get3A_150, %get3A_154 : vector<16xf32>
        %swap3A_156 = arith.index_cast %scan3A_120 : i32 to index
        %swap3A_157 = arith.constant 32 : index
        %swap3A_158 = tpu.vector_load %arg11[%swap3A_156, %swap3A_157] {strides = array<i32>} : memref<200x128xf32, #tpu.memory_space<vmem>>, vector<1x16xf32>,
        %swap3A_159 = vector.shape_cast %swap3A_158 : vector<1x16xf32> to vector<16xf32>
        %swap3A_160 = vector.shape_cast %add3A_155 : vector<16xf32> to vector<1x16xf32>
        tpu.vector_store %arg11[%swap3A_156, %swap3A_157], %swap3A_160 {strides = array<i32>} : memref<200x128xf32, #tpu.memory_space<vmem>>, vector<1x16xf32>,
        %get3A_161 = arith.index_cast %scan3A_120 : i32 to index
        %get3A_162 = arith.constant 48 : index
        %get3A_163 = tpu.vector_load %arg11[%get3A_161, %get3A_162] {strides = array<i32>} : memref<200x128xf32, #tpu.memory_space<vmem>>, vector<1x16xf32>,
        %get3A_164 = vector.shape_cast %get3A_163 : vector<1x16xf32> to vector<16xf32>
        %get3A_165 = arith.index_cast %scan3A_120 : i32 to index
        %get3A_166 = arith.constant 48 : index
        %get3A_167 = tpu.vector_load %arg12[%get3A_165, %get3A_166] {strides = array<i32>} : memref<200x128xf32, #tpu.memory_space<vmem>>, vector<1x16xf32>,
        %get3A_168 = vector.shape_cast %get3A_167 : vector<1x16xf32> to vector<16xf32>
        %add3A_169 = arith.addf %get3A_164, %get3A_168 : vector<16xf32>
        %swap3A_170 = arith.index_cast %scan3A_120 : i32 to index
        %swap3A_171 = arith.constant 48 : index
        %swap3A_172 = tpu.vector_load %arg11[%swap3A_170, %swap3A_171] {strides = array<i32>} : memref<200x128xf32, #tpu.memory_space<vmem>>, vector<1x16xf32>,
        %swap3A_173 = vector.shape_cast %swap3A_172 : vector<1x16xf32> to vector<16xf32>
        %swap3A_174 = vector.shape_cast %add3A_169 : vector<16xf32> to vector<1x16xf32>
        tpu.vector_store %arg11[%swap3A_170, %swap3A_171], %swap3A_174 {strides = array<i32>} : memref<200x128xf32, #tpu.memory_space<vmem>>, vector<1x16xf32>,
        %get3A_175 = arith.index_cast %scan3A_120 : i32 to index
        %get3A_176 = arith.constant 64 : index
        %get3A_177 = tpu.vector_load %arg11[%get3A_175, %get3A_176] {strides = array<i32>} : memref<200x128xf32, #tpu.memory_space<vmem>>, vector<1x16xf32>,
        %get3A_178 = vector.shape_cast %get3A_177 : vector<1x16xf32> to vector<16xf32>
        %get3A_179 = arith.index_cast %scan3A_120 : i32 to index
        %get3A_180 = arith.constant 64 : index
        %get3A_181 = tpu.vector_load %arg12[%get3A_179, %get3A_180] {strides = array<i32>} : memref<200x128xf32, #tpu.memory_space<vmem>>, vector<1x16xf32>,
        %get3A_182 = vector.shape_cast %get3A_181 : vector<1x16xf32> to vector<16xf32>
        %add3A_183 = arith.addf %get3A_178, %get3A_182 : vector<16xf32>
        %swap3A_184 = arith.index_cast %scan3A_120 : i32 to index
        %swap3A_185 = arith.constant 64 : index
        %swap3A_186 = tpu.vector_load %arg11[%swap3A_184, %swap3A_185] {strides = array<i32>} : memref<200x128xf32, #tpu.memory_space<vmem>>, vector<1x16xf32>,
        %swap3A_187 = vector.shape_cast %swap3A_186 : vector<1x16xf32> to vector<16xf32>
        %swap3A_188 = vector.shape_cast %add3A_183 : vector<16xf32> to vector<1x16xf32>
        tpu.vector_store %arg11[%swap3A_184, %swap3A_185], %swap3A_188 {strides = array<i32>} : memref<200x128xf32, #tpu.memory_space<vmem>>, vector<1x16xf32>,
        %get3A_189 = arith.index_cast %scan3A_120 : i32 to index
        %get3A_190 = arith.constant 80 : index
        %get3A_191 = tpu.vector_load %arg11[%get3A_189, %get3A_190] {strides = array<i32>} : memref<200x128xf32, #tpu.memory_space<vmem>>, vector<1x16xf32>,
        %get3A_192 = vector.shape_cast %get3A_191 : vector<1x16xf32> to vector<16xf32>
        %get3A_193 = arith.index_cast %scan3A_120 : i32 to index
        %get3A_194 = arith.constant 80 : index
        %get3A_195 = tpu.vector_load %arg12[%get3A_193, %get3A_194] {strides = array<i32>} : memref<200x128xf32, #tpu.memory_space<vmem>>, vector<1x16xf32>,
        %get3A_196 = vector.shape_cast %get3A_195 : vector<1x16xf32> to vector<16xf32>
        %add3A_197 = arith.addf %get3A_192, %get3A_196 : vector<16xf32>
        %swap3A_198 = arith.index_cast %scan3A_120 : i32 to index
        %swap3A_199 = arith.constant 80 : index
        %swap3A_200 = tpu.vector_load %arg11[%swap3A_198, %swap3A_199] {strides = array<i32>} : memref<200x128xf32, #tpu.memory_space<vmem>>, vector<1x16xf32>,
        %swap3A_201 = vector.shape_cast %swap3A_200 : vector<1x16xf32> to vector<16xf32>
        %swap3A_202 = vector.shape_cast %add3A_197 : vector<16xf32> to vector<1x16xf32>
        tpu.vector_store %arg11[%swap3A_198, %swap3A_199], %swap3A_202 {strides = array<i32>} : memref<200x128xf32, #tpu.memory_space<vmem>>, vector<1x16xf32>,
        %get3A_203 = arith.index_cast %scan3A_120 : i32 to index
        %get3A_204 = arith.constant 96 : index
        %get3A_205 = tpu.vector_load %arg11[%get3A_203, %get3A_204] {strides = array<i32>} : memref<200x128xf32, #tpu.memory_space<vmem>>, vector<1x16xf32>,
        %get3A_206 = vector.shape_cast %get3A_205 : vector<1x16xf32> to vector<16xf32>
        %get3A_207 = arith.index_cast %scan3A_120 : i32 to index
        %get3A_208 = arith.constant 96 : index
        %get3A_209 = tpu.vector_load %arg12[%get3A_207, %get3A_208] {strides = array<i32>} : memref<200x128xf32, #tpu.memory_space<vmem>>, vector<1x16xf32>,
        %get3A_210 = vector.shape_cast %get3A_209 : vector<1x16xf32> to vector<16xf32>
        %add3A_211 = arith.addf %get3A_206, %get3A_210 : vector<16xf32>
        %swap3A_212 = arith.index_cast %scan3A_120 : i32 to index
        %swap3A_213 = arith.constant 96 : index
        %swap3A_214 = tpu.vector_load %arg11[%swap3A_212, %swap3A_213] {strides = array<i32>} : memref<200x128xf32, #tpu.memory_space<vmem>>, vector<1x16xf32>,
        %swap3A_215 = vector.shape_cast %swap3A_214 : vector<1x16xf32> to vector<16xf32>
        %swap3A_216 = vector.shape_cast %add3A_211 : vector<16xf32> to vector<1x16xf32>
        tpu.vector_store %arg11[%swap3A_212, %swap3A_213], %swap3A_216 {strides = array<i32>} : memref<200x128xf32, #tpu.memory_space<vmem>>, vector<1x16xf32>,
        %get3A_217 = arith.index_cast %scan3A_120 : i32 to index
        %get3A_218 = arith.constant 112 : index
        %get3A_219 = tpu.vector_load %arg11[%get3A_217, %get3A_218] {strides = array<i32>} : memref<200x128xf32, #tpu.memory_space<vmem>>, vector<1x16xf32>,
        %get3A_220 = vector.shape_cast %get3A_219 : vector<1x16xf32> to vector<16xf32>
        %get3A_221 = arith.index_cast %scan3A_120 : i32 to index
        %get3A_222 = arith.constant 112 : index
        %get3A_223 = tpu.vector_load %arg12[%get3A_221, %get3A_222] {strides = array<i32>} : memref<200x128xf32, #tpu.memory_space<vmem>>, vector<1x16xf32>,
        %get3A_224 = vector.shape_cast %get3A_223 : vector<1x16xf32> to vector<16xf32>
        %add3A_225 = arith.addf %get3A_220, %get3A_224 : vector<16xf32>
        %swap3A_226 = arith.index_cast %scan3A_120 : i32 to index
        %swap3A_227 = arith.constant 112 : index
        %swap3A_228 = tpu.vector_load %arg11[%swap3A_226, %swap3A_227] {strides = array<i32>} : memref<200x128xf32, #tpu.memory_space<vmem>>, vector<1x16xf32>,
        %swap3A_229 = vector.shape_cast %swap3A_228 : vector<1x16xf32> to vector<16xf32>
        %swap3A_230 = vector.shape_cast %add3A_225 : vector<16xf32> to vector<1x16xf32>
        tpu.vector_store %arg11[%swap3A_226, %swap3A_227], %swap3A_230 {strides = array<i32>} : memref<200x128xf32, #tpu.memory_space<vmem>>, vector<1x16xf32>,
      }
      %scan3A_105 = arith.constant 200 : i32
      %mul3A_106 = arith.constant 200 : i32
      %mul3A_107 = arith.muli %add3A_89, %mul3A_106 : i32
      %add3A_108 = arith.addi %mul3A_2, %mul3A_107 : i32
      %dma_start3A_109 = arith.constant 0 : i32
      %dma_start3A_110 = tpu.memref_slice %arg6[%add3A_108, %dma_start3A_109] : memref<83200x128xf32, #tpu.memory_space<hbm>> -> memref<200x128xf32, #tpu.memory_space<hbm>>
      %dma_start3A_111 = arith.constant 0 : i32
      %dma_start3A_112 = tpu.memref_slice %arg6[%add3A_108, %dma_start3A_111] : memref<83200x128xf32, #tpu.memory_space<hbm>> -> memref<200x128xf32, #tpu.memory_space<hbm>>
      tpu.enqueue_dma source(%arg11 : memref<200x128xf32, #tpu.memory_space<vmem>>) target(%dma_start3A_112 : memref<200x128xf32, #tpu.memory_space<hbm>>) target_semaphore(%arg18 : memref<!tpu.dma_semaphore, #tpu.memory_space<semaphore_mem>>)
      %add3A_113 = arith.constant 2 : i32
      %add3A_114 = arith.addi %add3A_89, %add3A_113 : i32
      %lt3A_115 = arith.constant 13 : i32
      %lt3A_116 = arith.cmpi slt, %add3A_114, %lt3A_115 : i32
      %convert_element_type3A_117 = arith.extui %lt3A_116 : i1 to i32
      %cond3A_118 = arith.constant 0 : i32
      %cond3A_119 = arith.cmpi ne, %convert_element_type3A_117, %cond3A_118 : i32
      scf.if %cond3A_119 {
        %dma_wait3A_120 = arith.constant 0 : i32
        %dma_wait3A_121 = tpu.memref_slice %arg6[%mul3A_2, %dma_wait3A_120] : memref<83200x128xf32, #tpu.memory_space<hbm>> -> memref<200x128xf32, #tpu.memory_space<hbm>>
        %dma_wait3A_122 = arith.constant 0 : i32
        %dma_wait3A_123 = tpu.memref_slice %arg6[%mul3A_2, %dma_wait3A_122] : memref<83200x128xf32, #tpu.memory_space<hbm>> -> memref<200x128xf32, #tpu.memory_space<hbm>>
        tpu.wait_dma2 semaphore(%arg18 : memref<!tpu.dma_semaphore, #tpu.memory_space<semaphore_mem>>) src(%arg11 : memref<200x128xf32, #tpu.memory_space<vmem>>) dst(%dma_wait3A_123 : memref<200x128xf32, #tpu.memory_space<hbm>>)
        %add3A_124 = arith.constant 2 : i32
        %add3A_125 = arith.addi %add3A_89, %add3A_124 : i32
        %mul3A_126 = arith.constant 200 : i32
        %mul3A_127 = arith.muli %add3A_125, %mul3A_126 : i32
        %dma_start3A_128 = tpu.memref_slice %arg7[%mul3A_127] : memref<2600xi32, #tpu.memory_space<vmem>> -> memref<200xi32, #tpu.memory_space<vmem>>
        %dma_start3A_129 = arith.constant 0 : i32
        %dma_start3A_130 = arith.constant 0 : i32
        %dma_start3A_131 = tpu.memref_slice %arg2[%dma_start3A_129, %dma_start3A_130] : memref<10000x128xf32, #tpu.memory_space<hbm>> -> memref<10000x128xf32, #tpu.memory_space<hbm>>
        tpu.enqueue_indirect_dma source(%dma_start3A_131 : memref<10000x128xf32, #tpu.memory_space<hbm>>) target(%arg11 : memref<200x128xf32, #tpu.memory_space<vmem>>) offsets(%dma_start3A_128 : memref<200xi32, #tpu.memory_space<vmem>>) semaphore(%arg15 : memref<!tpu.dma_semaphore, #tpu.memory_space<semaphore_mem>>)
        %dma_start3A_132 = tpu.memref_slice %arg8[%mul3A_127] : memref<2600xi32, #tpu.memory_space<vmem>> -> memref<200xi32, #tpu.memory_space<vmem>>
        %dma_start3A_133 = arith.constant 0 : i32
        %dma_start3A_134 = arith.constant 0 : i32
        %dma_start3A_135 = tpu.memref_slice %arg3[%dma_start3A_133, %dma_start3A_134] : memref<10000x128xf32, #tpu.memory_space<hbm>> -> memref<10000x128xf32, #tpu.memory_space<hbm>>
        tpu.enqueue_indirect_dma source(%dma_start3A_135 : memref<10000x128xf32, #tpu.memory_space<hbm>>) target(%arg12 : memref<200x128xf32, #tpu.memory_space<vmem>>) offsets(%dma_start3A_132 : memref<200xi32, #tpu.memory_space<vmem>>) semaphore(%arg16 : memref<!tpu.dma_semaphore, #tpu.memory_space<semaphore_mem>>)
      } else {
      }
    }
    %scan3A_26 = arith.constant 6 : i32
    %dma_wait3A = arith.constant 0 : i32
    %dma_wait3A_27 = tpu.memref_slice %arg7[%dma_wait3A] : memref<2600xi32, #tpu.memory_space<vmem>> -> memref<200xi32, #tpu.memory_space<vmem>>
    %dma_wait3A_28 = arith.constant 0 : i32
    %dma_wait3A_29 = arith.constant 0 : i32
    %dma_wait3A_30 = tpu.memref_slice %arg2[%dma_wait3A_28, %dma_wait3A_29] : memref<10000x128xf32, #tpu.memory_space<hbm>> -> memref<10000x128xf32, #tpu.memory_space<hbm>>
    tpu.wait_indirect_dma semaphore(%arg13 : memref<!tpu.dma_semaphore, #tpu.memory_space<semaphore_mem>>) src(%dma_wait3A_30 : memref<10000x128xf32, #tpu.memory_space<hbm>>) dst(%arg9 : memref<200x128xf32, #tpu.memory_space<vmem>>)
    %dma_wait3A_31 = arith.constant 0 : i32
    %dma_wait3A_32 = tpu.memref_slice %arg8[%dma_wait3A_31] : memref<2600xi32, #tpu.memory_space<vmem>> -> memref<200xi32, #tpu.memory_space<vmem>>
    %dma_wait3A_33 = arith.constant 0 : i32
    %dma_wait3A_34 = arith.constant 0 : i32
    %dma_wait3A_35 = tpu.memref_slice %arg3[%dma_wait3A_33, %dma_wait3A_34] : memref<10000x128xf32, #tpu.memory_space<hbm>> -> memref<10000x128xf32, #tpu.memory_space<hbm>>
    tpu.wait_indirect_dma semaphore(%arg14 : memref<!tpu.dma_semaphore, #tpu.memory_space<semaphore_mem>>) src(%dma_wait3A_35 : memref<10000x128xf32, #tpu.memory_space<hbm>>) dst(%arg10 : memref<200x128xf32, #tpu.memory_space<vmem>>)
    %scan3A_36 = arith.constant 0 : i32
    %scan3A_37 = arith.constant 0 : i32
    %scan3A_38 = arith.constant 200 : i32
    %scan3A_39 = arith.addi %scan3A_37, %scan3A_38 : i32
    %scan3A_40 = arith.constant 1 : i32
    scf.for %scan3A_56 = %scan3A_37 to %scan3A_39 step %scan3A_40  : i32 {
      %get3A = arith.index_cast %scan3A_56 : i32 to index
      %get3A_57 = arith.constant 0 : index
      %get3A_58 = tpu.vector_load %arg9[%get3A, %get3A_57] {strides = array<i32>} : memref<200x128xf32, #tpu.memory_space<vmem>>, vector<1x16xf32>,
      %get3A_59 = vector.shape_cast %get3A_58 : vector<1x16xf32> to vector<16xf32>
      %get3A_60 = arith.index_cast %scan3A_56 : i32 to index
      %get3A_61 = arith.constant 0 : index
      %get3A_62 = tpu.vector_load %arg10[%get3A_60, %get3A_61] {strides = array<i32>} : memref<200x128xf32, #tpu.memory_space<vmem>>, vector<1x16xf32>,
      %get3A_63 = vector.shape_cast %get3A_62 : vector<1x16xf32> to vector<16xf32>
      %add3A_64 = arith.addf %get3A_59, %get3A_63 : vector<16xf32>
      %swap3A = arith.index_cast %scan3A_56 : i32 to index
      %swap3A_65 = arith.constant 0 : index
      %swap3A_66 = tpu.vector_load %arg9[%swap3A, %swap3A_65] {strides = array<i32>} : memref<200x128xf32, #tpu.memory_space<vmem>>, vector<1x16xf32>,
      %swap3A_67 = vector.shape_cast %swap3A_66 : vector<1x16xf32> to vector<16xf32>
      %swap3A_68 = vector.shape_cast %add3A_64 : vector<16xf32> to vector<1x16xf32>
      tpu.vector_store %arg9[%swap3A, %swap3A_65], %swap3A_68 {strides = array<i32>} : memref<200x128xf32, #tpu.memory_space<vmem>>, vector<1x16xf32>,
      %get3A_69 = arith.index_cast %scan3A_56 : i32 to index
      %get3A_70 = arith.constant 16 : index
      %get3A_71 = tpu.vector_load %arg9[%get3A_69, %get3A_70] {strides = array<i32>} : memref<200x128xf32, #tpu.memory_space<vmem>>, vector<1x16xf32>,
      %get3A_72 = vector.shape_cast %get3A_71 : vector<1x16xf32> to vector<16xf32>
      %get3A_73 = arith.index_cast %scan3A_56 : i32 to index
      %get3A_74 = arith.constant 16 : index
      %get3A_75 = tpu.vector_load %arg10[%get3A_73, %get3A_74] {strides = array<i32>} : memref<200x128xf32, #tpu.memory_space<vmem>>, vector<1x16xf32>,
      %get3A_76 = vector.shape_cast %get3A_75 : vector<1x16xf32> to vector<16xf32>
      %add3A_77 = arith.addf %get3A_72, %get3A_76 : vector<16xf32>
      %swap3A_78 = arith.index_cast %scan3A_56 : i32 to index
      %swap3A_79 = arith.constant 16 : index
      %swap3A_80 = tpu.vector_load %arg9[%swap3A_78, %swap3A_79] {strides = array<i32>} : memref<200x128xf32, #tpu.memory_space<vmem>>, vector<1x16xf32>,
      %swap3A_81 = vector.shape_cast %swap3A_80 : vector<1x16xf32> to vector<16xf32>
      %swap3A_82 = vector.shape_cast %add3A_77 : vector<16xf32> to vector<1x16xf32>
      tpu.vector_store %arg9[%swap3A_78, %swap3A_79], %swap3A_82 {strides = array<i32>} : memref<200x128xf32, #tpu.memory_space<vmem>>, vector<1x16xf32>,
      %get3A_83 = arith.index_cast %scan3A_56 : i32 to index
      %get3A_84 = arith.constant 32 : index
      %get3A_85 = tpu.vector_load %arg9[%get3A_83, %get3A_84] {strides = array<i32>} : memref<200x128xf32, #tpu.memory_space<vmem>>, vector<1x16xf32>,
      %get3A_86 = vector.shape_cast %get3A_85 : vector<1x16xf32> to vector<16xf32>
      %get3A_87 = arith.index_cast %scan3A_56 : i32 to index
      %get3A_88 = arith.constant 32 : index
      %get3A_89 = tpu.vector_load %arg10[%get3A_87, %get3A_88] {strides = array<i32>} : memref<200x128xf32, #tpu.memory_space<vmem>>, vector<1x16xf32>,
      %get3A_90 = vector.shape_cast %get3A_89 : vector<1x16xf32> to vector<16xf32>
      %add3A_91 = arith.addf %get3A_86, %get3A_90 : vector<16xf32>
      %swap3A_92 = arith.index_cast %scan3A_56 : i32 to index
      %swap3A_93 = arith.constant 32 : index
      %swap3A_94 = tpu.vector_load %arg9[%swap3A_92, %swap3A_93] {strides = array<i32>} : memref<200x128xf32, #tpu.memory_space<vmem>>, vector<1x16xf32>,
      %swap3A_95 = vector.shape_cast %swap3A_94 : vector<1x16xf32> to vector<16xf32>
      %swap3A_96 = vector.shape_cast %add3A_91 : vector<16xf32> to vector<1x16xf32>
      tpu.vector_store %arg9[%swap3A_92, %swap3A_93], %swap3A_96 {strides = array<i32>} : memref<200x128xf32, #tpu.memory_space<vmem>>, vector<1x16xf32>,
      %get3A_97 = arith.index_cast %scan3A_56 : i32 to index
      %get3A_98 = arith.constant 48 : index
      %get3A_99 = tpu.vector_load %arg9[%get3A_97, %get3A_98] {strides = array<i32>} : memref<200x128xf32, #tpu.memory_space<vmem>>, vector<1x16xf32>,
      %get3A_100 = vector.shape_cast %get3A_99 : vector<1x16xf32> to vector<16xf32>
      %get3A_101 = arith.index_cast %scan3A_56 : i32 to index
      %get3A_102 = arith.constant 48 : index
      %get3A_103 = tpu.vector_load %arg10[%get3A_101, %get3A_102] {strides = array<i32>} : memref<200x128xf32, #tpu.memory_space<vmem>>, vector<1x16xf32>,
      %get3A_104 = vector.shape_cast %get3A_103 : vector<1x16xf32> to vector<16xf32>
      %add3A_105 = arith.addf %get3A_100, %get3A_104 : vector<16xf32>
      %swap3A_106 = arith.index_cast %scan3A_56 : i32 to index
      %swap3A_107 = arith.constant 48 : index
      %swap3A_108 = tpu.vector_load %arg9[%swap3A_106, %swap3A_107] {strides = array<i32>} : memref<200x128xf32, #tpu.memory_space<vmem>>, vector<1x16xf32>,
      %swap3A_109 = vector.shape_cast %swap3A_108 : vector<1x16xf32> to vector<16xf32>
      %swap3A_110 = vector.shape_cast %add3A_105 : vector<16xf32> to vector<1x16xf32>
      tpu.vector_store %arg9[%swap3A_106, %swap3A_107], %swap3A_110 {strides = array<i32>} : memref<200x128xf32, #tpu.memory_space<vmem>>, vector<1x16xf32>,
      %get3A_111 = arith.index_cast %scan3A_56 : i32 to index
      %get3A_112 = arith.constant 64 : index
      %get3A_113 = tpu.vector_load %arg9[%get3A_111, %get3A_112] {strides = array<i32>} : memref<200x128xf32, #tpu.memory_space<vmem>>, vector<1x16xf32>,
      %get3A_114 = vector.shape_cast %get3A_113 : vector<1x16xf32> to vector<16xf32>
      %get3A_115 = arith.index_cast %scan3A_56 : i32 to index
      %get3A_116 = arith.constant 64 : index
      %get3A_117 = tpu.vector_load %arg10[%get3A_115, %get3A_116] {strides = array<i32>} : memref<200x128xf32, #tpu.memory_space<vmem>>, vector<1x16xf32>,
      %get3A_118 = vector.shape_cast %get3A_117 : vector<1x16xf32> to vector<16xf32>
      %add3A_119 = arith.addf %get3A_114, %get3A_118 : vector<16xf32>
      %swap3A_120 = arith.index_cast %scan3A_56 : i32 to index
      %swap3A_121 = arith.constant 64 : index
      %swap3A_122 = tpu.vector_load %arg9[%swap3A_120, %swap3A_121] {strides = array<i32>} : memref<200x128xf32, #tpu.memory_space<vmem>>, vector<1x16xf32>,
      %swap3A_123 = vector.shape_cast %swap3A_122 : vector<1x16xf32> to vector<16xf32>
      %swap3A_124 = vector.shape_cast %add3A_119 : vector<16xf32> to vector<1x16xf32>
      tpu.vector_store %arg9[%swap3A_120, %swap3A_121], %swap3A_124 {strides = array<i32>} : memref<200x128xf32, #tpu.memory_space<vmem>>, vector<1x16xf32>,
      %get3A_125 = arith.index_cast %scan3A_56 : i32 to index
      %get3A_126 = arith.constant 80 : index
      %get3A_127 = tpu.vector_load %arg9[%get3A_125, %get3A_126] {strides = array<i32>} : memref<200x128xf32, #tpu.memory_space<vmem>>, vector<1x16xf32>,
      %get3A_128 = vector.shape_cast %get3A_127 : vector<1x16xf32> to vector<16xf32>
      %get3A_129 = arith.index_cast %scan3A_56 : i32 to index
      %get3A_130 = arith.constant 80 : index
      %get3A_131 = tpu.vector_load %arg10[%get3A_129, %get3A_130] {strides = array<i32>} : memref<200x128xf32, #tpu.memory_space<vmem>>, vector<1x16xf32>,
      %get3A_132 = vector.shape_cast %get3A_131 : vector<1x16xf32> to vector<16xf32>
      %add3A_133 = arith.addf %get3A_128, %get3A_132 : vector<16xf32>
      %swap3A_134 = arith.index_cast %scan3A_56 : i32 to index
      %swap3A_135 = arith.constant 80 : index
      %swap3A_136 = tpu.vector_load %arg9[%swap3A_134, %swap3A_135] {strides = array<i32>} : memref<200x128xf32, #tpu.memory_space<vmem>>, vector<1x16xf32>,
      %swap3A_137 = vector.shape_cast %swap3A_136 : vector<1x16xf32> to vector<16xf32>
      %swap3A_138 = vector.shape_cast %add3A_133 : vector<16xf32> to vector<1x16xf32>
      tpu.vector_store %arg9[%swap3A_134, %swap3A_135], %swap3A_138 {strides = array<i32>} : memref<200x128xf32, #tpu.memory_space<vmem>>, vector<1x16xf32>,
      %get3A_139 = arith.index_cast %scan3A_56 : i32 to index
      %get3A_140 = arith.constant 96 : index
      %get3A_141 = tpu.vector_load %arg9[%get3A_139, %get3A_140] {strides = array<i32>} : memref<200x128xf32, #tpu.memory_space<vmem>>, vector<1x16xf32>,
      %get3A_142 = vector.shape_cast %get3A_141 : vector<1x16xf32> to vector<16xf32>
      %get3A_143 = arith.index_cast %scan3A_56 : i32 to index
      %get3A_144 = arith.constant 96 : index
      %get3A_145 = tpu.vector_load %arg10[%get3A_143, %get3A_144] {strides = array<i32>} : memref<200x128xf32, #tpu.memory_space<vmem>>, vector<1x16xf32>,
      %get3A_146 = vector.shape_cast %get3A_145 : vector<1x16xf32> to vector<16xf32>
      %add3A_147 = arith.addf %get3A_142, %get3A_146 : vector<16xf32>
      %swap3A_148 = arith.index_cast %scan3A_56 : i32 to index
      %swap3A_149 = arith.constant 96 : index
      %swap3A_150 = tpu.vector_load %arg9[%swap3A_148, %swap3A_149] {strides = array<i32>} : memref<200x128xf32, #tpu.memory_space<vmem>>, vector<1x16xf32>,
      %swap3A_151 = vector.shape_cast %swap3A_150 : vector<1x16xf32> to vector<16xf32>
      %swap3A_152 = vector.shape_cast %add3A_147 : vector<16xf32> to vector<1x16xf32>
      tpu.vector_store %arg9[%swap3A_148, %swap3A_149], %swap3A_152 {strides = array<i32>} : memref<200x128xf32, #tpu.memory_space<vmem>>, vector<1x16xf32>,
      %get3A_153 = arith.index_cast %scan3A_56 : i32 to index
      %get3A_154 = arith.constant 112 : index
      %get3A_155 = tpu.vector_load %arg9[%get3A_153, %get3A_154] {strides = array<i32>} : memref<200x128xf32, #tpu.memory_space<vmem>>, vector<1x16xf32>,
      %get3A_156 = vector.shape_cast %get3A_155 : vector<1x16xf32> to vector<16xf32>
      %get3A_157 = arith.index_cast %scan3A_56 : i32 to index
      %get3A_158 = arith.constant 112 : index
      %get3A_159 = tpu.vector_load %arg10[%get3A_157, %get3A_158] {strides = array<i32>} : memref<200x128xf32, #tpu.memory_space<vmem>>, vector<1x16xf32>,
      %get3A_160 = vector.shape_cast %get3A_159 : vector<1x16xf32> to vector<16xf32>
      %add3A_161 = arith.addf %get3A_156, %get3A_160 : vector<16xf32>
      %swap3A_162 = arith.index_cast %scan3A_56 : i32 to index
      %swap3A_163 = arith.constant 112 : index
      %swap3A_164 = tpu.vector_load %arg9[%swap3A_162, %swap3A_163] {strides = array<i32>} : memref<200x128xf32, #tpu.memory_space<vmem>>, vector<1x16xf32>,
      %swap3A_165 = vector.shape_cast %swap3A_164 : vector<1x16xf32> to vector<16xf32>
      %swap3A_166 = vector.shape_cast %add3A_161 : vector<16xf32> to vector<1x16xf32>
      tpu.vector_store %arg9[%swap3A_162, %swap3A_163], %swap3A_166 {strides = array<i32>} : memref<200x128xf32, #tpu.memory_space<vmem>>, vector<1x16xf32>,
    }
    %scan3A_41 = arith.constant 200 : i32
    %add3A_42 = arith.constant 2400 : i32
    %add3A_43 = arith.addi %mul3A_2, %add3A_42 : i32
    %dma_start3A_44 = arith.constant 0 : i32
    %dma_start3A_45 = tpu.memref_slice %arg6[%add3A_43, %dma_start3A_44] : memref<83200x128xf32, #tpu.memory_space<hbm>> -> memref<200x128xf32, #tpu.memory_space<hbm>>
    %dma_start3A_46 = arith.constant 0 : i32
    %dma_start3A_47 = tpu.memref_slice %arg6[%add3A_43, %dma_start3A_46] : memref<83200x128xf32, #tpu.memory_space<hbm>> -> memref<200x128xf32, #tpu.memory_space<hbm>>
    tpu.enqueue_dma source(%arg9 : memref<200x128xf32, #tpu.memory_space<vmem>>) target(%dma_start3A_47 : memref<200x128xf32, #tpu.memory_space<hbm>>) target_semaphore(%arg17 : memref<!tpu.dma_semaphore, #tpu.memory_space<semaphore_mem>>)
    %dma_wait3A_48 = arith.constant 0 : i32
    %dma_wait3A_49 = tpu.memref_slice %arg6[%mul3A_2, %dma_wait3A_48] : memref<83200x128xf32, #tpu.memory_space<hbm>> -> memref<200x128xf32, #tpu.memory_space<hbm>>
    %dma_wait3A_50 = arith.constant 0 : i32
    %dma_wait3A_51 = tpu.memref_slice %arg6[%mul3A_2, %dma_wait3A_50] : memref<83200x128xf32, #tpu.memory_space<hbm>> -> memref<200x128xf32, #tpu.memory_space<hbm>>
    tpu.wait_dma2 semaphore(%arg17 : memref<!tpu.dma_semaphore, #tpu.memory_space<semaphore_mem>>) src(%arg9 : memref<200x128xf32, #tpu.memory_space<vmem>>) dst(%dma_wait3A_51 : memref<200x128xf32, #tpu.memory_space<hbm>>)
    %dma_wait3A_52 = arith.constant 0 : i32
    %dma_wait3A_53 = tpu.memref_slice %arg6[%mul3A_2, %dma_wait3A_52] : memref<83200x128xf32, #tpu.memory_space<hbm>> -> memref<200x128xf32, #tpu.memory_space<hbm>>
    %dma_wait3A_54 = arith.constant 0 : i32
    %dma_wait3A_55 = tpu.memref_slice %arg6[%mul3A_2, %dma_wait3A_54] : memref<83200x128xf32, #tpu.memory_space<hbm>> -> memref<200x128xf32, #tpu.memory_space<hbm>>
    tpu.wait_dma2 semaphore(%arg18 : memref<!tpu.dma_semaphore, #tpu.memory_space<semaphore_mem>>) src(%arg11 : memref<200x128xf32, #tpu.memory_space<vmem>>) dst(%dma_wait3A_55 : memref<200x128xf32, #tpu.memory_space<hbm>>)
    return
  }
}

#map = affine_map<(d0, d1) -> (0, 0)>
#map1 = affine_map<(d0, d1) -> (0)>
module attributes {stable_mosaic.version = 14 : i64} {
  func.func @k(%arg0: i32, %arg1: i32, %arg2: memref<10000x128xf32, #tpu.memory_space<hbm>>, %arg3: memref<10000x128xf32, #tpu.memory_space<hbm>>, %arg4: memref<76800xi32, #tpu.memory_space<hbm>>, %arg5: memref<76800xi32, #tpu.memory_space<hbm>>, %arg6: memref<76800x128xf32, #tpu.memory_space<hbm>>, %arg7: memref<2400xi32, #tpu.memory_space<vmem>>, %arg8: memref<2400xi32, #tpu.memory_space<vmem>>, %arg9: memref<200x128xf32, #tpu.memory_space<vmem>>, %arg10: memref<200x128xf32, #tpu.memory_space<vmem>>, %arg11: memref<200x128xf32, #tpu.memory_space<vmem>>, %arg12: memref<200x128xf32, #tpu.memory_space<vmem>>, %arg13: memref<!tpu.dma_semaphore, #tpu.memory_space<semaphore_mem>>, %arg14: memref<!tpu.dma_semaphore, #tpu.memory_space<semaphore_mem>>, %arg15: memref<!tpu.dma_semaphore, #tpu.memory_space<semaphore_mem>>, %arg16: memref<!tpu.dma_semaphore, #tpu.memory_space<semaphore_mem>>, %arg17: memref<!tpu.dma_semaphore, #tpu.memory_space<semaphore_mem>>, %arg18: memref<!tpu.dma_semaphore, #tpu.memory_space<semaphore_mem>>) attributes {dimension_semantics = [#tpu.dimension_semantics<core_parallel>, #tpu.dimension_semantics<subcore_parallel>], iteration_bounds = array<i64: 2, 16>, scalar_prefetch = 0 : i64, scratch_operands = 12 : i64, tpu.core_type = #tpu.core_type<sc_vector_subcore>, window_params = [{transform_indices = #map}, {transform_indices = #map}, {transform_indices = #map1}, {transform_indices = #map1}, {transform_indices = #map}]} {
    %mul3A = arith.constant 2 : i32
    %mul3A_0 = arith.muli %arg1, %mul3A : i32
    %add3A = arith.addi %mul3A_0, %arg0 : i32
    %mul3A_1 = arith.constant 2400 : i32
    %mul3A_2 = arith.muli %add3A, %mul3A_1 : i32
    "tpu.region"() ({
      %run_scoped3A = tpu.sem_alloc : memref<!tpu.dma_semaphore, #tpu.memory_space<semaphore_mem>>
      %dma_start3A_34 = tpu.memref_slice %arg4[%mul3A_2] : memref<76800xi32, #tpu.memory_space<hbm>> -> memref<2400xi32, #tpu.memory_space<hbm>>
      %dma_start3A_35 = tpu.memref_slice %arg4[%mul3A_2] : memref<76800xi32, #tpu.memory_space<hbm>> -> memref<2400xi32, #tpu.memory_space<hbm>>
      tpu.enqueue_dma source(%dma_start3A_35 : memref<2400xi32, #tpu.memory_space<hbm>>) target(%arg7 : memref<2400xi32, #tpu.memory_space<vmem>>) target_semaphore(%run_scoped3A : memref<!tpu.dma_semaphore, #tpu.memory_space<semaphore_mem>>)
      %dma_wait3A_36 = tpu.memref_slice %arg4[%mul3A_2] : memref<76800xi32, #tpu.memory_space<hbm>> -> memref<2400xi32, #tpu.memory_space<hbm>>
      %dma_wait3A_37 = tpu.memref_slice %arg4[%mul3A_2] : memref<76800xi32, #tpu.memory_space<hbm>> -> memref<2400xi32, #tpu.memory_space<hbm>>
      tpu.wait_dma2 semaphore(%run_scoped3A : memref<!tpu.dma_semaphore, #tpu.memory_space<semaphore_mem>>) src(%dma_wait3A_37 : memref<2400xi32, #tpu.memory_space<hbm>>) dst(%arg7 : memref<2400xi32, #tpu.memory_space<vmem>>)
      tpu.yield
    }) : () -> ()
    "tpu.region"() ({
      %run_scoped3A = tpu.sem_alloc : memref<!tpu.dma_semaphore, #tpu.memory_space<semaphore_mem>>
      %dma_start3A_34 = tpu.memref_slice %arg5[%mul3A_2] : memref<76800xi32, #tpu.memory_space<hbm>> -> memref<2400xi32, #tpu.memory_space<hbm>>
      %dma_start3A_35 = tpu.memref_slice %arg5[%mul3A_2] : memref<76800xi32, #tpu.memory_space<hbm>> -> memref<2400xi32, #tpu.memory_space<hbm>>
      tpu.enqueue_dma source(%dma_start3A_35 : memref<2400xi32, #tpu.memory_space<hbm>>) target(%arg8 : memref<2400xi32, #tpu.memory_space<vmem>>) target_semaphore(%run_scoped3A : memref<!tpu.dma_semaphore, #tpu.memory_space<semaphore_mem>>)
      %dma_wait3A_36 = tpu.memref_slice %arg5[%mul3A_2] : memref<76800xi32, #tpu.memory_space<hbm>> -> memref<2400xi32, #tpu.memory_space<hbm>>
      %dma_wait3A_37 = tpu.memref_slice %arg5[%mul3A_2] : memref<76800xi32, #tpu.memory_space<hbm>> -> memref<2400xi32, #tpu.memory_space<hbm>>
      tpu.wait_dma2 semaphore(%run_scoped3A : memref<!tpu.dma_semaphore, #tpu.memory_space<semaphore_mem>>) src(%dma_wait3A_37 : memref<2400xi32, #tpu.memory_space<hbm>>) dst(%arg8 : memref<2400xi32, #tpu.memory_space<vmem>>)
      tpu.yield
    }) : () -> ()
    %dma_start3A = arith.constant 0 : i32
    %dma_start3A_3 = tpu.memref_slice %arg7[%dma_start3A] : memref<2400xi32, #tpu.memory_space<vmem>> -> memref<200xi32, #tpu.memory_space<vmem>>
    %dma_start3A_4 = arith.constant 0 : i32
    %dma_start3A_5 = arith.constant 0 : i32
    %dma_start3A_6 = tpu.memref_slice %arg2[%dma_start3A_4, %dma_start3A_5] : memref<10000x128xf32, #tpu.memory_space<hbm>> -> memref<10000x128xf32, #tpu.memory_space<hbm>>
    tpu.enqueue_indirect_dma source(%dma_start3A_6 : memref<10000x128xf32, #tpu.memory_space<hbm>>) target(%arg9 : memref<200x128xf32, #tpu.memory_space<vmem>>) offsets(%dma_start3A_3 : memref<200xi32, #tpu.memory_space<vmem>>) semaphore(%arg13 : memref<!tpu.dma_semaphore, #tpu.memory_space<semaphore_mem>>)
    %dma_start3A_7 = arith.constant 0 : i32
    %dma_start3A_8 = tpu.memref_slice %arg8[%dma_start3A_7] : memref<2400xi32, #tpu.memory_space<vmem>> -> memref<200xi32, #tpu.memory_space<vmem>>
    %dma_start3A_9 = arith.constant 0 : i32
    %dma_start3A_10 = arith.constant 0 : i32
    %dma_start3A_11 = tpu.memref_slice %arg3[%dma_start3A_9, %dma_start3A_10] : memref<10000x128xf32, #tpu.memory_space<hbm>> -> memref<10000x128xf32, #tpu.memory_space<hbm>>
    tpu.enqueue_indirect_dma source(%dma_start3A_11 : memref<10000x128xf32, #tpu.memory_space<hbm>>) target(%arg10 : memref<200x128xf32, #tpu.memory_space<vmem>>) offsets(%dma_start3A_8 : memref<200xi32, #tpu.memory_space<vmem>>) semaphore(%arg14 : memref<!tpu.dma_semaphore, #tpu.memory_space<semaphore_mem>>)
    %dma_start3A_12 = arith.constant 200 : i32
    %dma_start3A_13 = tpu.memref_slice %arg7[%dma_start3A_12] : memref<2400xi32, #tpu.memory_space<vmem>> -> memref<200xi32, #tpu.memory_space<vmem>>
    %dma_start3A_14 = arith.constant 0 : i32
    %dma_start3A_15 = arith.constant 0 : i32
    %dma_start3A_16 = tpu.memref_slice %arg2[%dma_start3A_14, %dma_start3A_15] : memref<10000x128xf32, #tpu.memory_space<hbm>> -> memref<10000x128xf32, #tpu.memory_space<hbm>>
    tpu.enqueue_indirect_dma source(%dma_start3A_16 : memref<10000x128xf32, #tpu.memory_space<hbm>>) target(%arg11 : memref<200x128xf32, #tpu.memory_space<vmem>>) offsets(%dma_start3A_13 : memref<200xi32, #tpu.memory_space<vmem>>) semaphore(%arg15 : memref<!tpu.dma_semaphore, #tpu.memory_space<semaphore_mem>>)
    %dma_start3A_17 = arith.constant 200 : i32
    %dma_start3A_18 = tpu.memref_slice %arg8[%dma_start3A_17] : memref<2400xi32, #tpu.memory_space<vmem>> -> memref<200xi32, #tpu.memory_space<vmem>>
    %dma_start3A_19 = arith.constant 0 : i32
    %dma_start3A_20 = arith.constant 0 : i32
    %dma_start3A_21 = tpu.memref_slice %arg3[%dma_start3A_19, %dma_start3A_20] : memref<10000x128xf32, #tpu.memory_space<hbm>> -> memref<10000x128xf32, #tpu.memory_space<hbm>>
    tpu.enqueue_indirect_dma source(%dma_start3A_21 : memref<10000x128xf32, #tpu.memory_space<hbm>>) target(%arg12 : memref<200x128xf32, #tpu.memory_space<vmem>>) offsets(%dma_start3A_18 : memref<200xi32, #tpu.memory_space<vmem>>) semaphore(%arg16 : memref<!tpu.dma_semaphore, #tpu.memory_space<semaphore_mem>>)
    %scan3A = arith.constant 0 : i32
    %scan3A_22 = arith.constant 0 : i32
    %scan3A_23 = arith.constant 6 : i32
    %scan3A_24 = arith.addi %scan3A_22, %scan3A_23 : i32
    %scan3A_25 = arith.constant 1 : i32
    scf.for %scan3A_34 = %scan3A_22 to %scan3A_24 step %scan3A_25  : i32 {
      %mul3A_35 = arith.constant 2 : i32
      %mul3A_36 = arith.muli %mul3A_35, %scan3A_34 : i32
      %add3A_37 = arith.constant 0 : i32
      %add3A_38 = arith.addi %mul3A_36, %add3A_37 : i32
      %dma_wait3A_39 = arith.constant 0 : i32
      %dma_wait3A_40 = tpu.memref_slice %arg7[%dma_wait3A_39] : memref<2400xi32, #tpu.memory_space<vmem>> -> memref<200xi32, #tpu.memory_space<vmem>>
      %dma_wait3A_41 = arith.constant 0 : i32
      %dma_wait3A_42 = arith.constant 0 : i32
      %dma_wait3A_43 = tpu.memref_slice %arg2[%dma_wait3A_41, %dma_wait3A_42] : memref<10000x128xf32, #tpu.memory_space<hbm>> -> memref<10000x128xf32, #tpu.memory_space<hbm>>
      tpu.wait_indirect_dma semaphore(%arg13 : memref<!tpu.dma_semaphore, #tpu.memory_space<semaphore_mem>>) src(%dma_wait3A_43 : memref<10000x128xf32, #tpu.memory_space<hbm>>) dst(%arg9 : memref<200x128xf32, #tpu.memory_space<vmem>>)
      %dma_wait3A_44 = arith.constant 0 : i32
      %dma_wait3A_45 = tpu.memref_slice %arg8[%dma_wait3A_44] : memref<2400xi32, #tpu.memory_space<vmem>> -> memref<200xi32, #tpu.memory_space<vmem>>
      %dma_wait3A_46 = arith.constant 0 : i32
      %dma_wait3A_47 = arith.constant 0 : i32
      %dma_wait3A_48 = tpu.memref_slice %arg3[%dma_wait3A_46, %dma_wait3A_47] : memref<10000x128xf32, #tpu.memory_space<hbm>> -> memref<10000x128xf32, #tpu.memory_space<hbm>>
      tpu.wait_indirect_dma semaphore(%arg14 : memref<!tpu.dma_semaphore, #tpu.memory_space<semaphore_mem>>) src(%dma_wait3A_48 : memref<10000x128xf32, #tpu.memory_space<hbm>>) dst(%arg10 : memref<200x128xf32, #tpu.memory_space<vmem>>)
      %scan3A_49 = arith.constant 0 : i32
      %scan3A_50 = arith.constant 0 : i32
      %scan3A_51 = arith.constant 200 : i32
      %scan3A_52 = arith.addi %scan3A_50, %scan3A_51 : i32
      %scan3A_53 = arith.constant 1 : i32
      scf.for %scan3A_98 = %scan3A_50 to %scan3A_52 step %scan3A_53  : i32 {
        %get3A = arith.index_cast %scan3A_98 : i32 to index
        %get3A_99 = arith.constant 0 : index
        %get3A_100 = tpu.vector_load %arg9[%get3A, %get3A_99] {strides = array<i32>} : memref<200x128xf32, #tpu.memory_space<vmem>>, vector<1x16xf32>,
        %get3A_101 = vector.shape_cast %get3A_100 : vector<1x16xf32> to vector<16xf32>
        %get3A_102 = arith.index_cast %scan3A_98 : i32 to index
        %get3A_103 = arith.constant 0 : index
        %get3A_104 = tpu.vector_load %arg10[%get3A_102, %get3A_103] {strides = array<i32>} : memref<200x128xf32, #tpu.memory_space<vmem>>, vector<1x16xf32>,
        %get3A_105 = vector.shape_cast %get3A_104 : vector<1x16xf32> to vector<16xf32>
        %add3A_106 = arith.addf %get3A_101, %get3A_105 : vector<16xf32>
        %swap3A = arith.index_cast %scan3A_98 : i32 to index
        %swap3A_107 = arith.constant 0 : index
        %swap3A_108 = tpu.vector_load %arg9[%swap3A, %swap3A_107] {strides = array<i32>} : memref<200x128xf32, #tpu.memory_space<vmem>>, vector<1x16xf32>,
        %swap3A_109 = vector.shape_cast %swap3A_108 : vector<1x16xf32> to vector<16xf32>
        %swap3A_110 = vector.shape_cast %add3A_106 : vector<16xf32> to vector<1x16xf32>
        tpu.vector_store %arg9[%swap3A, %swap3A_107], %swap3A_110 {strides = array<i32>} : memref<200x128xf32, #tpu.memory_space<vmem>>, vector<1x16xf32>,
        %get3A_111 = arith.index_cast %scan3A_98 : i32 to index
        %get3A_112 = arith.constant 16 : index
        %get3A_113 = tpu.vector_load %arg9[%get3A_111, %get3A_112] {strides = array<i32>} : memref<200x128xf32, #tpu.memory_space<vmem>>, vector<1x16xf32>,
        %get3A_114 = vector.shape_cast %get3A_113 : vector<1x16xf32> to vector<16xf32>
        %get3A_115 = arith.index_cast %scan3A_98 : i32 to index
        %get3A_116 = arith.constant 16 : index
        %get3A_117 = tpu.vector_load %arg10[%get3A_115, %get3A_116] {strides = array<i32>} : memref<200x128xf32, #tpu.memory_space<vmem>>, vector<1x16xf32>,
        %get3A_118 = vector.shape_cast %get3A_117 : vector<1x16xf32> to vector<16xf32>
        %add3A_119 = arith.addf %get3A_114, %get3A_118 : vector<16xf32>
        %swap3A_120 = arith.index_cast %scan3A_98 : i32 to index
        %swap3A_121 = arith.constant 16 : index
        %swap3A_122 = tpu.vector_load %arg9[%swap3A_120, %swap3A_121] {strides = array<i32>} : memref<200x128xf32, #tpu.memory_space<vmem>>, vector<1x16xf32>,
        %swap3A_123 = vector.shape_cast %swap3A_122 : vector<1x16xf32> to vector<16xf32>
        %swap3A_124 = vector.shape_cast %add3A_119 : vector<16xf32> to vector<1x16xf32>
        tpu.vector_store %arg9[%swap3A_120, %swap3A_121], %swap3A_124 {strides = array<i32>} : memref<200x128xf32, #tpu.memory_space<vmem>>, vector<1x16xf32>,
        %get3A_125 = arith.index_cast %scan3A_98 : i32 to index
        %get3A_126 = arith.constant 32 : index
        %get3A_127 = tpu.vector_load %arg9[%get3A_125, %get3A_126] {strides = array<i32>} : memref<200x128xf32, #tpu.memory_space<vmem>>, vector<1x16xf32>,
        %get3A_128 = vector.shape_cast %get3A_127 : vector<1x16xf32> to vector<16xf32>
        %get3A_129 = arith.index_cast %scan3A_98 : i32 to index
        %get3A_130 = arith.constant 32 : index
        %get3A_131 = tpu.vector_load %arg10[%get3A_129, %get3A_130] {strides = array<i32>} : memref<200x128xf32, #tpu.memory_space<vmem>>, vector<1x16xf32>,
        %get3A_132 = vector.shape_cast %get3A_131 : vector<1x16xf32> to vector<16xf32>
        %add3A_133 = arith.addf %get3A_128, %get3A_132 : vector<16xf32>
        %swap3A_134 = arith.index_cast %scan3A_98 : i32 to index
        %swap3A_135 = arith.constant 32 : index
        %swap3A_136 = tpu.vector_load %arg9[%swap3A_134, %swap3A_135] {strides = array<i32>} : memref<200x128xf32, #tpu.memory_space<vmem>>, vector<1x16xf32>,
        %swap3A_137 = vector.shape_cast %swap3A_136 : vector<1x16xf32> to vector<16xf32>
        %swap3A_138 = vector.shape_cast %add3A_133 : vector<16xf32> to vector<1x16xf32>
        tpu.vector_store %arg9[%swap3A_134, %swap3A_135], %swap3A_138 {strides = array<i32>} : memref<200x128xf32, #tpu.memory_space<vmem>>, vector<1x16xf32>,
        %get3A_139 = arith.index_cast %scan3A_98 : i32 to index
        %get3A_140 = arith.constant 48 : index
        %get3A_141 = tpu.vector_load %arg9[%get3A_139, %get3A_140] {strides = array<i32>} : memref<200x128xf32, #tpu.memory_space<vmem>>, vector<1x16xf32>,
        %get3A_142 = vector.shape_cast %get3A_141 : vector<1x16xf32> to vector<16xf32>
        %get3A_143 = arith.index_cast %scan3A_98 : i32 to index
        %get3A_144 = arith.constant 48 : index
        %get3A_145 = tpu.vector_load %arg10[%get3A_143, %get3A_144] {strides = array<i32>} : memref<200x128xf32, #tpu.memory_space<vmem>>, vector<1x16xf32>,
        %get3A_146 = vector.shape_cast %get3A_145 : vector<1x16xf32> to vector<16xf32>
        %add3A_147 = arith.addf %get3A_142, %get3A_146 : vector<16xf32>
        %swap3A_148 = arith.index_cast %scan3A_98 : i32 to index
        %swap3A_149 = arith.constant 48 : index
        %swap3A_150 = tpu.vector_load %arg9[%swap3A_148, %swap3A_149] {strides = array<i32>} : memref<200x128xf32, #tpu.memory_space<vmem>>, vector<1x16xf32>,
        %swap3A_151 = vector.shape_cast %swap3A_150 : vector<1x16xf32> to vector<16xf32>
        %swap3A_152 = vector.shape_cast %add3A_147 : vector<16xf32> to vector<1x16xf32>
        tpu.vector_store %arg9[%swap3A_148, %swap3A_149], %swap3A_152 {strides = array<i32>} : memref<200x128xf32, #tpu.memory_space<vmem>>, vector<1x16xf32>,
        %get3A_153 = arith.index_cast %scan3A_98 : i32 to index
        %get3A_154 = arith.constant 64 : index
        %get3A_155 = tpu.vector_load %arg9[%get3A_153, %get3A_154] {strides = array<i32>} : memref<200x128xf32, #tpu.memory_space<vmem>>, vector<1x16xf32>,
        %get3A_156 = vector.shape_cast %get3A_155 : vector<1x16xf32> to vector<16xf32>
        %get3A_157 = arith.index_cast %scan3A_98 : i32 to index
        %get3A_158 = arith.constant 64 : index
        %get3A_159 = tpu.vector_load %arg10[%get3A_157, %get3A_158] {strides = array<i32>} : memref<200x128xf32, #tpu.memory_space<vmem>>, vector<1x16xf32>,
        %get3A_160 = vector.shape_cast %get3A_159 : vector<1x16xf32> to vector<16xf32>
        %add3A_161 = arith.addf %get3A_156, %get3A_160 : vector<16xf32>
        %swap3A_162 = arith.index_cast %scan3A_98 : i32 to index
        %swap3A_163 = arith.constant 64 : index
        %swap3A_164 = tpu.vector_load %arg9[%swap3A_162, %swap3A_163] {strides = array<i32>} : memref<200x128xf32, #tpu.memory_space<vmem>>, vector<1x16xf32>,
        %swap3A_165 = vector.shape_cast %swap3A_164 : vector<1x16xf32> to vector<16xf32>
        %swap3A_166 = vector.shape_cast %add3A_161 : vector<16xf32> to vector<1x16xf32>
        tpu.vector_store %arg9[%swap3A_162, %swap3A_163], %swap3A_166 {strides = array<i32>} : memref<200x128xf32, #tpu.memory_space<vmem>>, vector<1x16xf32>,
        %get3A_167 = arith.index_cast %scan3A_98 : i32 to index
        %get3A_168 = arith.constant 80 : index
        %get3A_169 = tpu.vector_load %arg9[%get3A_167, %get3A_168] {strides = array<i32>} : memref<200x128xf32, #tpu.memory_space<vmem>>, vector<1x16xf32>,
        %get3A_170 = vector.shape_cast %get3A_169 : vector<1x16xf32> to vector<16xf32>
        %get3A_171 = arith.index_cast %scan3A_98 : i32 to index
        %get3A_172 = arith.constant 80 : index
        %get3A_173 = tpu.vector_load %arg10[%get3A_171, %get3A_172] {strides = array<i32>} : memref<200x128xf32, #tpu.memory_space<vmem>>, vector<1x16xf32>,
        %get3A_174 = vector.shape_cast %get3A_173 : vector<1x16xf32> to vector<16xf32>
        %add3A_175 = arith.addf %get3A_170, %get3A_174 : vector<16xf32>
        %swap3A_176 = arith.index_cast %scan3A_98 : i32 to index
        %swap3A_177 = arith.constant 80 : index
        %swap3A_178 = tpu.vector_load %arg9[%swap3A_176, %swap3A_177] {strides = array<i32>} : memref<200x128xf32, #tpu.memory_space<vmem>>, vector<1x16xf32>,
        %swap3A_179 = vector.shape_cast %swap3A_178 : vector<1x16xf32> to vector<16xf32>
        %swap3A_180 = vector.shape_cast %add3A_175 : vector<16xf32> to vector<1x16xf32>
        tpu.vector_store %arg9[%swap3A_176, %swap3A_177], %swap3A_180 {strides = array<i32>} : memref<200x128xf32, #tpu.memory_space<vmem>>, vector<1x16xf32>,
        %get3A_181 = arith.index_cast %scan3A_98 : i32 to index
        %get3A_182 = arith.constant 96 : index
        %get3A_183 = tpu.vector_load %arg9[%get3A_181, %get3A_182] {strides = array<i32>} : memref<200x128xf32, #tpu.memory_space<vmem>>, vector<1x16xf32>,
        %get3A_184 = vector.shape_cast %get3A_183 : vector<1x16xf32> to vector<16xf32>
        %get3A_185 = arith.index_cast %scan3A_98 : i32 to index
        %get3A_186 = arith.constant 96 : index
        %get3A_187 = tpu.vector_load %arg10[%get3A_185, %get3A_186] {strides = array<i32>} : memref<200x128xf32, #tpu.memory_space<vmem>>, vector<1x16xf32>,
        %get3A_188 = vector.shape_cast %get3A_187 : vector<1x16xf32> to vector<16xf32>
        %add3A_189 = arith.addf %get3A_184, %get3A_188 : vector<16xf32>
        %swap3A_190 = arith.index_cast %scan3A_98 : i32 to index
        %swap3A_191 = arith.constant 96 : index
        %swap3A_192 = tpu.vector_load %arg9[%swap3A_190, %swap3A_191] {strides = array<i32>} : memref<200x128xf32, #tpu.memory_space<vmem>>, vector<1x16xf32>,
        %swap3A_193 = vector.shape_cast %swap3A_192 : vector<1x16xf32> to vector<16xf32>
        %swap3A_194 = vector.shape_cast %add3A_189 : vector<16xf32> to vector<1x16xf32>
        tpu.vector_store %arg9[%swap3A_190, %swap3A_191], %swap3A_194 {strides = array<i32>} : memref<200x128xf32, #tpu.memory_space<vmem>>, vector<1x16xf32>,
        %get3A_195 = arith.index_cast %scan3A_98 : i32 to index
        %get3A_196 = arith.constant 112 : index
        %get3A_197 = tpu.vector_load %arg9[%get3A_195, %get3A_196] {strides = array<i32>} : memref<200x128xf32, #tpu.memory_space<vmem>>, vector<1x16xf32>,
        %get3A_198 = vector.shape_cast %get3A_197 : vector<1x16xf32> to vector<16xf32>
        %get3A_199 = arith.index_cast %scan3A_98 : i32 to index
        %get3A_200 = arith.constant 112 : index
        %get3A_201 = tpu.vector_load %arg10[%get3A_199, %get3A_200] {strides = array<i32>} : memref<200x128xf32, #tpu.memory_space<vmem>>, vector<1x16xf32>,
        %get3A_202 = vector.shape_cast %get3A_201 : vector<1x16xf32> to vector<16xf32>
        %add3A_203 = arith.addf %get3A_198, %get3A_202 : vector<16xf32>
        %swap3A_204 = arith.index_cast %scan3A_98 : i32 to index
        %swap3A_205 = arith.constant 112 : index
        %swap3A_206 = tpu.vector_load %arg9[%swap3A_204, %swap3A_205] {strides = array<i32>} : memref<200x128xf32, #tpu.memory_space<vmem>>, vector<1x16xf32>,
        %swap3A_207 = vector.shape_cast %swap3A_206 : vector<1x16xf32> to vector<16xf32>
        %swap3A_208 = vector.shape_cast %add3A_203 : vector<16xf32> to vector<1x16xf32>
        tpu.vector_store %arg9[%swap3A_204, %swap3A_205], %swap3A_208 {strides = array<i32>} : memref<200x128xf32, #tpu.memory_space<vmem>>, vector<1x16xf32>,
      }
      %scan3A_54 = arith.constant 200 : i32
      %mul3A_55 = arith.constant 200 : i32
      %mul3A_56 = arith.muli %add3A_38, %mul3A_55 : i32
      %add3A_57 = arith.addi %mul3A_2, %mul3A_56 : i32
      %dma_start3A_58 = arith.constant 0 : i32
      %dma_start3A_59 = tpu.memref_slice %arg6[%add3A_57, %dma_start3A_58] : memref<76800x128xf32, #tpu.memory_space<hbm>> -> memref<200x128xf32, #tpu.memory_space<hbm>>
      %dma_start3A_60 = arith.constant 0 : i32
      %dma_start3A_61 = tpu.memref_slice %arg6[%add3A_57, %dma_start3A_60] : memref<76800x128xf32, #tpu.memory_space<hbm>> -> memref<200x128xf32, #tpu.memory_space<hbm>>
      tpu.enqueue_dma source(%arg9 : memref<200x128xf32, #tpu.memory_space<vmem>>) target(%dma_start3A_61 : memref<200x128xf32, #tpu.memory_space<hbm>>) target_semaphore(%arg17 : memref<!tpu.dma_semaphore, #tpu.memory_space<semaphore_mem>>)
      %add3A_62 = arith.constant 2 : i32
      %add3A_63 = arith.addi %add3A_38, %add3A_62 : i32
      %lt3A = arith.constant 12 : i32
      %lt3A_64 = arith.cmpi slt, %add3A_63, %lt3A : i32
      %convert_element_type3A = arith.extui %lt3A_64 : i1 to i32
      %cond3A = arith.constant 0 : i32
      %cond3A_65 = arith.cmpi ne, %convert_element_type3A, %cond3A : i32
      scf.if %cond3A_65 {
        %dma_wait3A_98 = arith.constant 0 : i32
        %dma_wait3A_99 = tpu.memref_slice %arg6[%mul3A_2, %dma_wait3A_98] : memref<76800x128xf32, #tpu.memory_space<hbm>> -> memref<200x128xf32, #tpu.memory_space<hbm>>
        %dma_wait3A_100 = arith.constant 0 : i32
        %dma_wait3A_101 = tpu.memref_slice %arg6[%mul3A_2, %dma_wait3A_100] : memref<76800x128xf32, #tpu.memory_space<hbm>> -> memref<200x128xf32, #tpu.memory_space<hbm>>
        tpu.wait_dma2 semaphore(%arg17 : memref<!tpu.dma_semaphore, #tpu.memory_space<semaphore_mem>>) src(%arg9 : memref<200x128xf32, #tpu.memory_space<vmem>>) dst(%dma_wait3A_101 : memref<200x128xf32, #tpu.memory_space<hbm>>)
        %add3A_102 = arith.constant 2 : i32
        %add3A_103 = arith.addi %add3A_38, %add3A_102 : i32
        %mul3A_104 = arith.constant 200 : i32
        %mul3A_105 = arith.muli %add3A_103, %mul3A_104 : i32
        %dma_start3A_106 = tpu.memref_slice %arg7[%mul3A_105] : memref<2400xi32, #tpu.memory_space<vmem>> -> memref<200xi32, #tpu.memory_space<vmem>>
        %dma_start3A_107 = arith.constant 0 : i32
        %dma_start3A_108 = arith.constant 0 : i32
        %dma_start3A_109 = tpu.memref_slice %arg2[%dma_start3A_107, %dma_start3A_108] : memref<10000x128xf32, #tpu.memory_space<hbm>> -> memref<10000x128xf32, #tpu.memory_space<hbm>>
        tpu.enqueue_indirect_dma source(%dma_start3A_109 : memref<10000x128xf32, #tpu.memory_space<hbm>>) target(%arg9 : memref<200x128xf32, #tpu.memory_space<vmem>>) offsets(%dma_start3A_106 : memref<200xi32, #tpu.memory_space<vmem>>) semaphore(%arg13 : memref<!tpu.dma_semaphore, #tpu.memory_space<semaphore_mem>>)
        %dma_start3A_110 = tpu.memref_slice %arg8[%mul3A_105] : memref<2400xi32, #tpu.memory_space<vmem>> -> memref<200xi32, #tpu.memory_space<vmem>>
        %dma_start3A_111 = arith.constant 0 : i32
        %dma_start3A_112 = arith.constant 0 : i32
        %dma_start3A_113 = tpu.memref_slice %arg3[%dma_start3A_111, %dma_start3A_112] : memref<10000x128xf32, #tpu.memory_space<hbm>> -> memref<10000x128xf32, #tpu.memory_space<hbm>>
        tpu.enqueue_indirect_dma source(%dma_start3A_113 : memref<10000x128xf32, #tpu.memory_space<hbm>>) target(%arg10 : memref<200x128xf32, #tpu.memory_space<vmem>>) offsets(%dma_start3A_110 : memref<200xi32, #tpu.memory_space<vmem>>) semaphore(%arg14 : memref<!tpu.dma_semaphore, #tpu.memory_space<semaphore_mem>>)
      } else {
      }
      %add3A_66 = arith.constant 1 : i32
      %add3A_67 = arith.addi %mul3A_36, %add3A_66 : i32
      %dma_wait3A_68 = arith.constant 0 : i32
      %dma_wait3A_69 = tpu.memref_slice %arg7[%dma_wait3A_68] : memref<2400xi32, #tpu.memory_space<vmem>> -> memref<200xi32, #tpu.memory_space<vmem>>
      %dma_wait3A_70 = arith.constant 0 : i32
      %dma_wait3A_71 = arith.constant 0 : i32
      %dma_wait3A_72 = tpu.memref_slice %arg2[%dma_wait3A_70, %dma_wait3A_71] : memref<10000x128xf32, #tpu.memory_space<hbm>> -> memref<10000x128xf32, #tpu.memory_space<hbm>>
      tpu.wait_indirect_dma semaphore(%arg15 : memref<!tpu.dma_semaphore, #tpu.memory_space<semaphore_mem>>) src(%dma_wait3A_72 : memref<10000x128xf32, #tpu.memory_space<hbm>>) dst(%arg11 : memref<200x128xf32, #tpu.memory_space<vmem>>)
      %dma_wait3A_73 = arith.constant 0 : i32
      %dma_wait3A_74 = tpu.memref_slice %arg8[%dma_wait3A_73] : memref<2400xi32, #tpu.memory_space<vmem>> -> memref<200xi32, #tpu.memory_space<vmem>>
      %dma_wait3A_75 = arith.constant 0 : i32
      %dma_wait3A_76 = arith.constant 0 : i32
      %dma_wait3A_77 = tpu.memref_slice %arg3[%dma_wait3A_75, %dma_wait3A_76] : memref<10000x128xf32, #tpu.memory_space<hbm>> -> memref<10000x128xf32, #tpu.memory_space<hbm>>
      tpu.wait_indirect_dma semaphore(%arg16 : memref<!tpu.dma_semaphore, #tpu.memory_space<semaphore_mem>>) src(%dma_wait3A_77 : memref<10000x128xf32, #tpu.memory_space<hbm>>) dst(%arg12 : memref<200x128xf32, #tpu.memory_space<vmem>>)
      %scan3A_78 = arith.constant 0 : i32
      %scan3A_79 = arith.constant 0 : i32
      %scan3A_80 = arith.constant 200 : i32
      %scan3A_81 = arith.addi %scan3A_79, %scan3A_80 : i32
      %scan3A_82 = arith.constant 1 : i32
      scf.for %scan3A_98 = %scan3A_79 to %scan3A_81 step %scan3A_82  : i32 {
        %get3A = arith.index_cast %scan3A_98 : i32 to index
        %get3A_99 = arith.constant 0 : index
        %get3A_100 = tpu.vector_load %arg11[%get3A, %get3A_99] {strides = array<i32>} : memref<200x128xf32, #tpu.memory_space<vmem>>, vector<1x16xf32>,
        %get3A_101 = vector.shape_cast %get3A_100 : vector<1x16xf32> to vector<16xf32>
        %get3A_102 = arith.index_cast %scan3A_98 : i32 to index
        %get3A_103 = arith.constant 0 : index
        %get3A_104 = tpu.vector_load %arg12[%get3A_102, %get3A_103] {strides = array<i32>} : memref<200x128xf32, #tpu.memory_space<vmem>>, vector<1x16xf32>,
        %get3A_105 = vector.shape_cast %get3A_104 : vector<1x16xf32> to vector<16xf32>
        %add3A_106 = arith.addf %get3A_101, %get3A_105 : vector<16xf32>
        %swap3A = arith.index_cast %scan3A_98 : i32 to index
        %swap3A_107 = arith.constant 0 : index
        %swap3A_108 = tpu.vector_load %arg11[%swap3A, %swap3A_107] {strides = array<i32>} : memref<200x128xf32, #tpu.memory_space<vmem>>, vector<1x16xf32>,
        %swap3A_109 = vector.shape_cast %swap3A_108 : vector<1x16xf32> to vector<16xf32>
        %swap3A_110 = vector.shape_cast %add3A_106 : vector<16xf32> to vector<1x16xf32>
        tpu.vector_store %arg11[%swap3A, %swap3A_107], %swap3A_110 {strides = array<i32>} : memref<200x128xf32, #tpu.memory_space<vmem>>, vector<1x16xf32>,
        %get3A_111 = arith.index_cast %scan3A_98 : i32 to index
        %get3A_112 = arith.constant 16 : index
        %get3A_113 = tpu.vector_load %arg11[%get3A_111, %get3A_112] {strides = array<i32>} : memref<200x128xf32, #tpu.memory_space<vmem>>, vector<1x16xf32>,
        %get3A_114 = vector.shape_cast %get3A_113 : vector<1x16xf32> to vector<16xf32>
        %get3A_115 = arith.index_cast %scan3A_98 : i32 to index
        %get3A_116 = arith.constant 16 : index
        %get3A_117 = tpu.vector_load %arg12[%get3A_115, %get3A_116] {strides = array<i32>} : memref<200x128xf32, #tpu.memory_space<vmem>>, vector<1x16xf32>,
        %get3A_118 = vector.shape_cast %get3A_117 : vector<1x16xf32> to vector<16xf32>
        %add3A_119 = arith.addf %get3A_114, %get3A_118 : vector<16xf32>
        %swap3A_120 = arith.index_cast %scan3A_98 : i32 to index
        %swap3A_121 = arith.constant 16 : index
        %swap3A_122 = tpu.vector_load %arg11[%swap3A_120, %swap3A_121] {strides = array<i32>} : memref<200x128xf32, #tpu.memory_space<vmem>>, vector<1x16xf32>,
        %swap3A_123 = vector.shape_cast %swap3A_122 : vector<1x16xf32> to vector<16xf32>
        %swap3A_124 = vector.shape_cast %add3A_119 : vector<16xf32> to vector<1x16xf32>
        tpu.vector_store %arg11[%swap3A_120, %swap3A_121], %swap3A_124 {strides = array<i32>} : memref<200x128xf32, #tpu.memory_space<vmem>>, vector<1x16xf32>,
        %get3A_125 = arith.index_cast %scan3A_98 : i32 to index
        %get3A_126 = arith.constant 32 : index
        %get3A_127 = tpu.vector_load %arg11[%get3A_125, %get3A_126] {strides = array<i32>} : memref<200x128xf32, #tpu.memory_space<vmem>>, vector<1x16xf32>,
        %get3A_128 = vector.shape_cast %get3A_127 : vector<1x16xf32> to vector<16xf32>
        %get3A_129 = arith.index_cast %scan3A_98 : i32 to index
        %get3A_130 = arith.constant 32 : index
        %get3A_131 = tpu.vector_load %arg12[%get3A_129, %get3A_130] {strides = array<i32>} : memref<200x128xf32, #tpu.memory_space<vmem>>, vector<1x16xf32>,
        %get3A_132 = vector.shape_cast %get3A_131 : vector<1x16xf32> to vector<16xf32>
        %add3A_133 = arith.addf %get3A_128, %get3A_132 : vector<16xf32>
        %swap3A_134 = arith.index_cast %scan3A_98 : i32 to index
        %swap3A_135 = arith.constant 32 : index
        %swap3A_136 = tpu.vector_load %arg11[%swap3A_134, %swap3A_135] {strides = array<i32>} : memref<200x128xf32, #tpu.memory_space<vmem>>, vector<1x16xf32>,
        %swap3A_137 = vector.shape_cast %swap3A_136 : vector<1x16xf32> to vector<16xf32>
        %swap3A_138 = vector.shape_cast %add3A_133 : vector<16xf32> to vector<1x16xf32>
        tpu.vector_store %arg11[%swap3A_134, %swap3A_135], %swap3A_138 {strides = array<i32>} : memref<200x128xf32, #tpu.memory_space<vmem>>, vector<1x16xf32>,
        %get3A_139 = arith.index_cast %scan3A_98 : i32 to index
        %get3A_140 = arith.constant 48 : index
        %get3A_141 = tpu.vector_load %arg11[%get3A_139, %get3A_140] {strides = array<i32>} : memref<200x128xf32, #tpu.memory_space<vmem>>, vector<1x16xf32>,
        %get3A_142 = vector.shape_cast %get3A_141 : vector<1x16xf32> to vector<16xf32>
        %get3A_143 = arith.index_cast %scan3A_98 : i32 to index
        %get3A_144 = arith.constant 48 : index
        %get3A_145 = tpu.vector_load %arg12[%get3A_143, %get3A_144] {strides = array<i32>} : memref<200x128xf32, #tpu.memory_space<vmem>>, vector<1x16xf32>,
        %get3A_146 = vector.shape_cast %get3A_145 : vector<1x16xf32> to vector<16xf32>
        %add3A_147 = arith.addf %get3A_142, %get3A_146 : vector<16xf32>
        %swap3A_148 = arith.index_cast %scan3A_98 : i32 to index
        %swap3A_149 = arith.constant 48 : index
        %swap3A_150 = tpu.vector_load %arg11[%swap3A_148, %swap3A_149] {strides = array<i32>} : memref<200x128xf32, #tpu.memory_space<vmem>>, vector<1x16xf32>,
        %swap3A_151 = vector.shape_cast %swap3A_150 : vector<1x16xf32> to vector<16xf32>
        %swap3A_152 = vector.shape_cast %add3A_147 : vector<16xf32> to vector<1x16xf32>
        tpu.vector_store %arg11[%swap3A_148, %swap3A_149], %swap3A_152 {strides = array<i32>} : memref<200x128xf32, #tpu.memory_space<vmem>>, vector<1x16xf32>,
        %get3A_153 = arith.index_cast %scan3A_98 : i32 to index
        %get3A_154 = arith.constant 64 : index
        %get3A_155 = tpu.vector_load %arg11[%get3A_153, %get3A_154] {strides = array<i32>} : memref<200x128xf32, #tpu.memory_space<vmem>>, vector<1x16xf32>,
        %get3A_156 = vector.shape_cast %get3A_155 : vector<1x16xf32> to vector<16xf32>
        %get3A_157 = arith.index_cast %scan3A_98 : i32 to index
        %get3A_158 = arith.constant 64 : index
        %get3A_159 = tpu.vector_load %arg12[%get3A_157, %get3A_158] {strides = array<i32>} : memref<200x128xf32, #tpu.memory_space<vmem>>, vector<1x16xf32>,
        %get3A_160 = vector.shape_cast %get3A_159 : vector<1x16xf32> to vector<16xf32>
        %add3A_161 = arith.addf %get3A_156, %get3A_160 : vector<16xf32>
        %swap3A_162 = arith.index_cast %scan3A_98 : i32 to index
        %swap3A_163 = arith.constant 64 : index
        %swap3A_164 = tpu.vector_load %arg11[%swap3A_162, %swap3A_163] {strides = array<i32>} : memref<200x128xf32, #tpu.memory_space<vmem>>, vector<1x16xf32>,
        %swap3A_165 = vector.shape_cast %swap3A_164 : vector<1x16xf32> to vector<16xf32>
        %swap3A_166 = vector.shape_cast %add3A_161 : vector<16xf32> to vector<1x16xf32>
        tpu.vector_store %arg11[%swap3A_162, %swap3A_163], %swap3A_166 {strides = array<i32>} : memref<200x128xf32, #tpu.memory_space<vmem>>, vector<1x16xf32>,
        %get3A_167 = arith.index_cast %scan3A_98 : i32 to index
        %get3A_168 = arith.constant 80 : index
        %get3A_169 = tpu.vector_load %arg11[%get3A_167, %get3A_168] {strides = array<i32>} : memref<200x128xf32, #tpu.memory_space<vmem>>, vector<1x16xf32>,
        %get3A_170 = vector.shape_cast %get3A_169 : vector<1x16xf32> to vector<16xf32>
        %get3A_171 = arith.index_cast %scan3A_98 : i32 to index
        %get3A_172 = arith.constant 80 : index
        %get3A_173 = tpu.vector_load %arg12[%get3A_171, %get3A_172] {strides = array<i32>} : memref<200x128xf32, #tpu.memory_space<vmem>>, vector<1x16xf32>,
        %get3A_174 = vector.shape_cast %get3A_173 : vector<1x16xf32> to vector<16xf32>
        %add3A_175 = arith.addf %get3A_170, %get3A_174 : vector<16xf32>
        %swap3A_176 = arith.index_cast %scan3A_98 : i32 to index
        %swap3A_177 = arith.constant 80 : index
        %swap3A_178 = tpu.vector_load %arg11[%swap3A_176, %swap3A_177] {strides = array<i32>} : memref<200x128xf32, #tpu.memory_space<vmem>>, vector<1x16xf32>,
        %swap3A_179 = vector.shape_cast %swap3A_178 : vector<1x16xf32> to vector<16xf32>
        %swap3A_180 = vector.shape_cast %add3A_175 : vector<16xf32> to vector<1x16xf32>
        tpu.vector_store %arg11[%swap3A_176, %swap3A_177], %swap3A_180 {strides = array<i32>} : memref<200x128xf32, #tpu.memory_space<vmem>>, vector<1x16xf32>,
        %get3A_181 = arith.index_cast %scan3A_98 : i32 to index
        %get3A_182 = arith.constant 96 : index
        %get3A_183 = tpu.vector_load %arg11[%get3A_181, %get3A_182] {strides = array<i32>} : memref<200x128xf32, #tpu.memory_space<vmem>>, vector<1x16xf32>,
        %get3A_184 = vector.shape_cast %get3A_183 : vector<1x16xf32> to vector<16xf32>
        %get3A_185 = arith.index_cast %scan3A_98 : i32 to index
        %get3A_186 = arith.constant 96 : index
        %get3A_187 = tpu.vector_load %arg12[%get3A_185, %get3A_186] {strides = array<i32>} : memref<200x128xf32, #tpu.memory_space<vmem>>, vector<1x16xf32>,
        %get3A_188 = vector.shape_cast %get3A_187 : vector<1x16xf32> to vector<16xf32>
        %add3A_189 = arith.addf %get3A_184, %get3A_188 : vector<16xf32>
        %swap3A_190 = arith.index_cast %scan3A_98 : i32 to index
        %swap3A_191 = arith.constant 96 : index
        %swap3A_192 = tpu.vector_load %arg11[%swap3A_190, %swap3A_191] {strides = array<i32>} : memref<200x128xf32, #tpu.memory_space<vmem>>, vector<1x16xf32>,
        %swap3A_193 = vector.shape_cast %swap3A_192 : vector<1x16xf32> to vector<16xf32>
        %swap3A_194 = vector.shape_cast %add3A_189 : vector<16xf32> to vector<1x16xf32>
        tpu.vector_store %arg11[%swap3A_190, %swap3A_191], %swap3A_194 {strides = array<i32>} : memref<200x128xf32, #tpu.memory_space<vmem>>, vector<1x16xf32>,
        %get3A_195 = arith.index_cast %scan3A_98 : i32 to index
        %get3A_196 = arith.constant 112 : index
        %get3A_197 = tpu.vector_load %arg11[%get3A_195, %get3A_196] {strides = array<i32>} : memref<200x128xf32, #tpu.memory_space<vmem>>, vector<1x16xf32>,
        %get3A_198 = vector.shape_cast %get3A_197 : vector<1x16xf32> to vector<16xf32>
        %get3A_199 = arith.index_cast %scan3A_98 : i32 to index
        %get3A_200 = arith.constant 112 : index
        %get3A_201 = tpu.vector_load %arg12[%get3A_199, %get3A_200] {strides = array<i32>} : memref<200x128xf32, #tpu.memory_space<vmem>>, vector<1x16xf32>,
        %get3A_202 = vector.shape_cast %get3A_201 : vector<1x16xf32> to vector<16xf32>
        %add3A_203 = arith.addf %get3A_198, %get3A_202 : vector<16xf32>
        %swap3A_204 = arith.index_cast %scan3A_98 : i32 to index
        %swap3A_205 = arith.constant 112 : index
        %swap3A_206 = tpu.vector_load %arg11[%swap3A_204, %swap3A_205] {strides = array<i32>} : memref<200x128xf32, #tpu.memory_space<vmem>>, vector<1x16xf32>,
        %swap3A_207 = vector.shape_cast %swap3A_206 : vector<1x16xf32> to vector<16xf32>
        %swap3A_208 = vector.shape_cast %add3A_203 : vector<16xf32> to vector<1x16xf32>
        tpu.vector_store %arg11[%swap3A_204, %swap3A_205], %swap3A_208 {strides = array<i32>} : memref<200x128xf32, #tpu.memory_space<vmem>>, vector<1x16xf32>,
      }
      %scan3A_83 = arith.constant 200 : i32
      %mul3A_84 = arith.constant 200 : i32
      %mul3A_85 = arith.muli %add3A_67, %mul3A_84 : i32
      %add3A_86 = arith.addi %mul3A_2, %mul3A_85 : i32
      %dma_start3A_87 = arith.constant 0 : i32
      %dma_start3A_88 = tpu.memref_slice %arg6[%add3A_86, %dma_start3A_87] : memref<76800x128xf32, #tpu.memory_space<hbm>> -> memref<200x128xf32, #tpu.memory_space<hbm>>
      %dma_start3A_89 = arith.constant 0 : i32
      %dma_start3A_90 = tpu.memref_slice %arg6[%add3A_86, %dma_start3A_89] : memref<76800x128xf32, #tpu.memory_space<hbm>> -> memref<200x128xf32, #tpu.memory_space<hbm>>
      tpu.enqueue_dma source(%arg11 : memref<200x128xf32, #tpu.memory_space<vmem>>) target(%dma_start3A_90 : memref<200x128xf32, #tpu.memory_space<hbm>>) target_semaphore(%arg18 : memref<!tpu.dma_semaphore, #tpu.memory_space<semaphore_mem>>)
      %add3A_91 = arith.constant 2 : i32
      %add3A_92 = arith.addi %add3A_67, %add3A_91 : i32
      %lt3A_93 = arith.constant 12 : i32
      %lt3A_94 = arith.cmpi slt, %add3A_92, %lt3A_93 : i32
      %convert_element_type3A_95 = arith.extui %lt3A_94 : i1 to i32
      %cond3A_96 = arith.constant 0 : i32
      %cond3A_97 = arith.cmpi ne, %convert_element_type3A_95, %cond3A_96 : i32
      scf.if %cond3A_97 {
        %dma_wait3A_98 = arith.constant 0 : i32
        %dma_wait3A_99 = tpu.memref_slice %arg6[%mul3A_2, %dma_wait3A_98] : memref<76800x128xf32, #tpu.memory_space<hbm>> -> memref<200x128xf32, #tpu.memory_space<hbm>>
        %dma_wait3A_100 = arith.constant 0 : i32
        %dma_wait3A_101 = tpu.memref_slice %arg6[%mul3A_2, %dma_wait3A_100] : memref<76800x128xf32, #tpu.memory_space<hbm>> -> memref<200x128xf32, #tpu.memory_space<hbm>>
        tpu.wait_dma2 semaphore(%arg18 : memref<!tpu.dma_semaphore, #tpu.memory_space<semaphore_mem>>) src(%arg11 : memref<200x128xf32, #tpu.memory_space<vmem>>) dst(%dma_wait3A_101 : memref<200x128xf32, #tpu.memory_space<hbm>>)
        %add3A_102 = arith.constant 2 : i32
        %add3A_103 = arith.addi %add3A_67, %add3A_102 : i32
        %mul3A_104 = arith.constant 200 : i32
        %mul3A_105 = arith.muli %add3A_103, %mul3A_104 : i32
        %dma_start3A_106 = tpu.memref_slice %arg7[%mul3A_105] : memref<2400xi32, #tpu.memory_space<vmem>> -> memref<200xi32, #tpu.memory_space<vmem>>
        %dma_start3A_107 = arith.constant 0 : i32
        %dma_start3A_108 = arith.constant 0 : i32
        %dma_start3A_109 = tpu.memref_slice %arg2[%dma_start3A_107, %dma_start3A_108] : memref<10000x128xf32, #tpu.memory_space<hbm>> -> memref<10000x128xf32, #tpu.memory_space<hbm>>
        tpu.enqueue_indirect_dma source(%dma_start3A_109 : memref<10000x128xf32, #tpu.memory_space<hbm>>) target(%arg11 : memref<200x128xf32, #tpu.memory_space<vmem>>) offsets(%dma_start3A_106 : memref<200xi32, #tpu.memory_space<vmem>>) semaphore(%arg15 : memref<!tpu.dma_semaphore, #tpu.memory_space<semaphore_mem>>)
        %dma_start3A_110 = tpu.memref_slice %arg8[%mul3A_105] : memref<2400xi32, #tpu.memory_space<vmem>> -> memref<200xi32, #tpu.memory_space<vmem>>
        %dma_start3A_111 = arith.constant 0 : i32
        %dma_start3A_112 = arith.constant 0 : i32
        %dma_start3A_113 = tpu.memref_slice %arg3[%dma_start3A_111, %dma_start3A_112] : memref<10000x128xf32, #tpu.memory_space<hbm>> -> memref<10000x128xf32, #tpu.memory_space<hbm>>
        tpu.enqueue_indirect_dma source(%dma_start3A_113 : memref<10000x128xf32, #tpu.memory_space<hbm>>) target(%arg12 : memref<200x128xf32, #tpu.memory_space<vmem>>) offsets(%dma_start3A_110 : memref<200xi32, #tpu.memory_space<vmem>>) semaphore(%arg16 : memref<!tpu.dma_semaphore, #tpu.memory_space<semaphore_mem>>)
      } else {
      }
    }
    %scan3A_26 = arith.constant 6 : i32
    %dma_wait3A = arith.constant 0 : i32
    %dma_wait3A_27 = tpu.memref_slice %arg6[%mul3A_2, %dma_wait3A] : memref<76800x128xf32, #tpu.memory_space<hbm>> -> memref<200x128xf32, #tpu.memory_space<hbm>>
    %dma_wait3A_28 = arith.constant 0 : i32
    %dma_wait3A_29 = tpu.memref_slice %arg6[%mul3A_2, %dma_wait3A_28] : memref<76800x128xf32, #tpu.memory_space<hbm>> -> memref<200x128xf32, #tpu.memory_space<hbm>>
    tpu.wait_dma2 semaphore(%arg17 : memref<!tpu.dma_semaphore, #tpu.memory_space<semaphore_mem>>) src(%arg9 : memref<200x128xf32, #tpu.memory_space<vmem>>) dst(%dma_wait3A_29 : memref<200x128xf32, #tpu.memory_space<hbm>>)
    %dma_wait3A_30 = arith.constant 0 : i32
    %dma_wait3A_31 = tpu.memref_slice %arg6[%mul3A_2, %dma_wait3A_30] : memref<76800x128xf32, #tpu.memory_space<hbm>> -> memref<200x128xf32, #tpu.memory_space<hbm>>
    %dma_wait3A_32 = arith.constant 0 : i32
    %dma_wait3A_33 = tpu.memref_slice %arg6[%mul3A_2, %dma_wait3A_32] : memref<76800x128xf32, #tpu.memory_space<hbm>> -> memref<200x128xf32, #tpu.memory_space<hbm>>
    tpu.wait_dma2 semaphore(%arg18 : memref<!tpu.dma_semaphore, #tpu.memory_space<semaphore_mem>>) src(%arg11 : memref<200x128xf32, #tpu.memory_space<vmem>>) dst(%dma_wait3A_33 : memref<200x128xf32, #tpu.memory_space<hbm>>)
    return
  }
}

#map = affine_map<(d0, d1) -> (0, 0)>
#map1 = affine_map<(d0, d1) -> (0)>
module attributes {stable_mosaic.version = 14 : i64} {
  func.func @k(%arg0: i32, %arg1: i32, %arg2: memref<10000x128xf32, #tpu.memory_space<hbm>>, %arg3: memref<10000x128xf32, #tpu.memory_space<hbm>>, %arg4: memref<83200xi32, #tpu.memory_space<hbm>>, %arg5: memref<83200xi32, #tpu.memory_space<hbm>>, %arg6: memref<83200x128xf32, #tpu.memory_space<hbm>>, %arg7: memref<2600xi32, #tpu.memory_space<vmem>>, %arg8: memref<2600xi32, #tpu.memory_space<vmem>>, %arg9: memref<200x128xf32, #tpu.memory_space<vmem>>, %arg10: memref<200x128xf32, #tpu.memory_space<vmem>>, %arg11: memref<200x128xf32, #tpu.memory_space<vmem>>, %arg12: memref<200x128xf32, #tpu.memory_space<vmem>>, %arg13: memref<!tpu.dma_semaphore, #tpu.memory_space<semaphore_mem>>, %arg14: memref<!tpu.dma_semaphore, #tpu.memory_space<semaphore_mem>>, %arg15: memref<!tpu.dma_semaphore, #tpu.memory_space<semaphore_mem>>, %arg16: memref<!tpu.dma_semaphore, #tpu.memory_space<semaphore_mem>>, %arg17: memref<!tpu.dma_semaphore, #tpu.memory_space<semaphore_mem>>, %arg18: memref<!tpu.dma_semaphore, #tpu.memory_space<semaphore_mem>>) attributes {dimension_semantics = [#tpu.dimension_semantics<core_parallel>, #tpu.dimension_semantics<subcore_parallel>], iteration_bounds = array<i64: 2, 16>, scalar_prefetch = 0 : i64, scratch_operands = 12 : i64, tpu.core_type = #tpu.core_type<sc_vector_subcore>, window_params = [{transform_indices = #map}, {transform_indices = #map}, {transform_indices = #map1}, {transform_indices = #map1}, {transform_indices = #map}]} {
    %mul3A = arith.constant 2 : i32
    %mul3A_0 = arith.muli %arg1, %mul3A : i32
    %add3A = arith.addi %mul3A_0, %arg0 : i32
    %mul3A_1 = arith.constant 2600 : i32
    %mul3A_2 = arith.muli %add3A, %mul3A_1 : i32
    "tpu.region"() ({
      %run_scoped3A = tpu.sem_alloc : memref<!tpu.dma_semaphore, #tpu.memory_space<semaphore_mem>>
      %dma_start3A_56 = tpu.memref_slice %arg4[%mul3A_2] : memref<83200xi32, #tpu.memory_space<hbm>> -> memref<2600xi32, #tpu.memory_space<hbm>>
      %dma_start3A_57 = tpu.memref_slice %arg4[%mul3A_2] : memref<83200xi32, #tpu.memory_space<hbm>> -> memref<2600xi32, #tpu.memory_space<hbm>>
      tpu.enqueue_dma source(%dma_start3A_57 : memref<2600xi32, #tpu.memory_space<hbm>>) target(%arg7 : memref<2600xi32, #tpu.memory_space<vmem>>) target_semaphore(%run_scoped3A : memref<!tpu.dma_semaphore, #tpu.memory_space<semaphore_mem>>)
      %dma_wait3A_58 = tpu.memref_slice %arg4[%mul3A_2] : memref<83200xi32, #tpu.memory_space<hbm>> -> memref<2600xi32, #tpu.memory_space<hbm>>
      %dma_wait3A_59 = tpu.memref_slice %arg4[%mul3A_2] : memref<83200xi32, #tpu.memory_space<hbm>> -> memref<2600xi32, #tpu.memory_space<hbm>>
      tpu.wait_dma2 semaphore(%run_scoped3A : memref<!tpu.dma_semaphore, #tpu.memory_space<semaphore_mem>>) src(%dma_wait3A_59 : memref<2600xi32, #tpu.memory_space<hbm>>) dst(%arg7 : memref<2600xi32, #tpu.memory_space<vmem>>)
      tpu.yield
    }) : () -> ()
    "tpu.region"() ({
      %run_scoped3A = tpu.sem_alloc : memref<!tpu.dma_semaphore, #tpu.memory_space<semaphore_mem>>
      %dma_start3A_56 = tpu.memref_slice %arg5[%mul3A_2] : memref<83200xi32, #tpu.memory_space<hbm>> -> memref<2600xi32, #tpu.memory_space<hbm>>
      %dma_start3A_57 = tpu.memref_slice %arg5[%mul3A_2] : memref<83200xi32, #tpu.memory_space<hbm>> -> memref<2600xi32, #tpu.memory_space<hbm>>
      tpu.enqueue_dma source(%dma_start3A_57 : memref<2600xi32, #tpu.memory_space<hbm>>) target(%arg8 : memref<2600xi32, #tpu.memory_space<vmem>>) target_semaphore(%run_scoped3A : memref<!tpu.dma_semaphore, #tpu.memory_space<semaphore_mem>>)
      %dma_wait3A_58 = tpu.memref_slice %arg5[%mul3A_2] : memref<83200xi32, #tpu.memory_space<hbm>> -> memref<2600xi32, #tpu.memory_space<hbm>>
      %dma_wait3A_59 = tpu.memref_slice %arg5[%mul3A_2] : memref<83200xi32, #tpu.memory_space<hbm>> -> memref<2600xi32, #tpu.memory_space<hbm>>
      tpu.wait_dma2 semaphore(%run_scoped3A : memref<!tpu.dma_semaphore, #tpu.memory_space<semaphore_mem>>) src(%dma_wait3A_59 : memref<2600xi32, #tpu.memory_space<hbm>>) dst(%arg8 : memref<2600xi32, #tpu.memory_space<vmem>>)
      tpu.yield
    }) : () -> ()
    %dma_start3A = arith.constant 0 : i32
    %dma_start3A_3 = tpu.memref_slice %arg7[%dma_start3A] : memref<2600xi32, #tpu.memory_space<vmem>> -> memref<200xi32, #tpu.memory_space<vmem>>
    %dma_start3A_4 = arith.constant 0 : i32
    %dma_start3A_5 = arith.constant 0 : i32
    %dma_start3A_6 = tpu.memref_slice %arg2[%dma_start3A_4, %dma_start3A_5] : memref<10000x128xf32, #tpu.memory_space<hbm>> -> memref<10000x128xf32, #tpu.memory_space<hbm>>
    tpu.enqueue_indirect_dma source(%dma_start3A_6 : memref<10000x128xf32, #tpu.memory_space<hbm>>) target(%arg9 : memref<200x128xf32, #tpu.memory_space<vmem>>) offsets(%dma_start3A_3 : memref<200xi32, #tpu.memory_space<vmem>>) semaphore(%arg13 : memref<!tpu.dma_semaphore, #tpu.memory_space<semaphore_mem>>)
    %dma_start3A_7 = arith.constant 0 : i32
    %dma_start3A_8 = tpu.memref_slice %arg8[%dma_start3A_7] : memref<2600xi32, #tpu.memory_space<vmem>> -> memref<200xi32, #tpu.memory_space<vmem>>
    %dma_start3A_9 = arith.constant 0 : i32
    %dma_start3A_10 = arith.constant 0 : i32
    %dma_start3A_11 = tpu.memref_slice %arg3[%dma_start3A_9, %dma_start3A_10] : memref<10000x128xf32, #tpu.memory_space<hbm>> -> memref<10000x128xf32, #tpu.memory_space<hbm>>
    tpu.enqueue_indirect_dma source(%dma_start3A_11 : memref<10000x128xf32, #tpu.memory_space<hbm>>) target(%arg10 : memref<200x128xf32, #tpu.memory_space<vmem>>) offsets(%dma_start3A_8 : memref<200xi32, #tpu.memory_space<vmem>>) semaphore(%arg14 : memref<!tpu.dma_semaphore, #tpu.memory_space<semaphore_mem>>)
    %dma_start3A_12 = arith.constant 200 : i32
    %dma_start3A_13 = tpu.memref_slice %arg7[%dma_start3A_12] : memref<2600xi32, #tpu.memory_space<vmem>> -> memref<200xi32, #tpu.memory_space<vmem>>
    %dma_start3A_14 = arith.constant 0 : i32
    %dma_start3A_15 = arith.constant 0 : i32
    %dma_start3A_16 = tpu.memref_slice %arg2[%dma_start3A_14, %dma_start3A_15] : memref<10000x128xf32, #tpu.memory_space<hbm>> -> memref<10000x128xf32, #tpu.memory_space<hbm>>
    tpu.enqueue_indirect_dma source(%dma_start3A_16 : memref<10000x128xf32, #tpu.memory_space<hbm>>) target(%arg11 : memref<200x128xf32, #tpu.memory_space<vmem>>) offsets(%dma_start3A_13 : memref<200xi32, #tpu.memory_space<vmem>>) semaphore(%arg15 : memref<!tpu.dma_semaphore, #tpu.memory_space<semaphore_mem>>)
    %dma_start3A_17 = arith.constant 200 : i32
    %dma_start3A_18 = tpu.memref_slice %arg8[%dma_start3A_17] : memref<2600xi32, #tpu.memory_space<vmem>> -> memref<200xi32, #tpu.memory_space<vmem>>
    %dma_start3A_19 = arith.constant 0 : i32
    %dma_start3A_20 = arith.constant 0 : i32
    %dma_start3A_21 = tpu.memref_slice %arg3[%dma_start3A_19, %dma_start3A_20] : memref<10000x128xf32, #tpu.memory_space<hbm>> -> memref<10000x128xf32, #tpu.memory_space<hbm>>
    tpu.enqueue_indirect_dma source(%dma_start3A_21 : memref<10000x128xf32, #tpu.memory_space<hbm>>) target(%arg12 : memref<200x128xf32, #tpu.memory_space<vmem>>) offsets(%dma_start3A_18 : memref<200xi32, #tpu.memory_space<vmem>>) semaphore(%arg16 : memref<!tpu.dma_semaphore, #tpu.memory_space<semaphore_mem>>)
    %scan3A = arith.constant 0 : i32
    %scan3A_22 = arith.constant 0 : i32
    %scan3A_23 = arith.constant 6 : i32
    %scan3A_24 = arith.addi %scan3A_22, %scan3A_23 : i32
    %scan3A_25 = arith.constant 1 : i32
    scf.for %scan3A_56 = %scan3A_22 to %scan3A_24 step %scan3A_25  : i32 {
      %mul3A_57 = arith.constant 2 : i32
      %mul3A_58 = arith.muli %mul3A_57, %scan3A_56 : i32
      %add3A_59 = arith.constant 0 : i32
      %add3A_60 = arith.addi %mul3A_58, %add3A_59 : i32
      %dma_wait3A_61 = arith.constant 0 : i32
      %dma_wait3A_62 = tpu.memref_slice %arg7[%dma_wait3A_61] : memref<2600xi32, #tpu.memory_space<vmem>> -> memref<200xi32, #tpu.memory_space<vmem>>
      %dma_wait3A_63 = arith.constant 0 : i32
      %dma_wait3A_64 = arith.constant 0 : i32
      %dma_wait3A_65 = tpu.memref_slice %arg2[%dma_wait3A_63, %dma_wait3A_64] : memref<10000x128xf32, #tpu.memory_space<hbm>> -> memref<10000x128xf32, #tpu.memory_space<hbm>>
      tpu.wait_indirect_dma semaphore(%arg13 : memref<!tpu.dma_semaphore, #tpu.memory_space<semaphore_mem>>) src(%dma_wait3A_65 : memref<10000x128xf32, #tpu.memory_space<hbm>>) dst(%arg9 : memref<200x128xf32, #tpu.memory_space<vmem>>)
      %dma_wait3A_66 = arith.constant 0 : i32
      %dma_wait3A_67 = tpu.memref_slice %arg8[%dma_wait3A_66] : memref<2600xi32, #tpu.memory_space<vmem>> -> memref<200xi32, #tpu.memory_space<vmem>>
      %dma_wait3A_68 = arith.constant 0 : i32
      %dma_wait3A_69 = arith.constant 0 : i32
      %dma_wait3A_70 = tpu.memref_slice %arg3[%dma_wait3A_68, %dma_wait3A_69] : memref<10000x128xf32, #tpu.memory_space<hbm>> -> memref<10000x128xf32, #tpu.memory_space<hbm>>
      tpu.wait_indirect_dma semaphore(%arg14 : memref<!tpu.dma_semaphore, #tpu.memory_space<semaphore_mem>>) src(%dma_wait3A_70 : memref<10000x128xf32, #tpu.memory_space<hbm>>) dst(%arg10 : memref<200x128xf32, #tpu.memory_space<vmem>>)
      %scan3A_71 = arith.constant 0 : i32
      %scan3A_72 = arith.constant 0 : i32
      %scan3A_73 = arith.constant 200 : i32
      %scan3A_74 = arith.addi %scan3A_72, %scan3A_73 : i32
      %scan3A_75 = arith.constant 1 : i32
      scf.for %scan3A_120 = %scan3A_72 to %scan3A_74 step %scan3A_75  : i32 {
        %get3A = arith.index_cast %scan3A_120 : i32 to index
        %get3A_121 = arith.constant 0 : index
        %get3A_122 = tpu.vector_load %arg9[%get3A, %get3A_121] {strides = array<i32>} : memref<200x128xf32, #tpu.memory_space<vmem>>, vector<1x16xf32>,
        %get3A_123 = vector.shape_cast %get3A_122 : vector<1x16xf32> to vector<16xf32>
        %get3A_124 = arith.index_cast %scan3A_120 : i32 to index
        %get3A_125 = arith.constant 0 : index
        %get3A_126 = tpu.vector_load %arg10[%get3A_124, %get3A_125] {strides = array<i32>} : memref<200x128xf32, #tpu.memory_space<vmem>>, vector<1x16xf32>,
        %get3A_127 = vector.shape_cast %get3A_126 : vector<1x16xf32> to vector<16xf32>
        %add3A_128 = arith.addf %get3A_123, %get3A_127 : vector<16xf32>
        %swap3A = arith.index_cast %scan3A_120 : i32 to index
        %swap3A_129 = arith.constant 0 : index
        %swap3A_130 = tpu.vector_load %arg9[%swap3A, %swap3A_129] {strides = array<i32>} : memref<200x128xf32, #tpu.memory_space<vmem>>, vector<1x16xf32>,
        %swap3A_131 = vector.shape_cast %swap3A_130 : vector<1x16xf32> to vector<16xf32>
        %swap3A_132 = vector.shape_cast %add3A_128 : vector<16xf32> to vector<1x16xf32>
        tpu.vector_store %arg9[%swap3A, %swap3A_129], %swap3A_132 {strides = array<i32>} : memref<200x128xf32, #tpu.memory_space<vmem>>, vector<1x16xf32>,
        %get3A_133 = arith.index_cast %scan3A_120 : i32 to index
        %get3A_134 = arith.constant 16 : index
        %get3A_135 = tpu.vector_load %arg9[%get3A_133, %get3A_134] {strides = array<i32>} : memref<200x128xf32, #tpu.memory_space<vmem>>, vector<1x16xf32>,
        %get3A_136 = vector.shape_cast %get3A_135 : vector<1x16xf32> to vector<16xf32>
        %get3A_137 = arith.index_cast %scan3A_120 : i32 to index
        %get3A_138 = arith.constant 16 : index
        %get3A_139 = tpu.vector_load %arg10[%get3A_137, %get3A_138] {strides = array<i32>} : memref<200x128xf32, #tpu.memory_space<vmem>>, vector<1x16xf32>,
        %get3A_140 = vector.shape_cast %get3A_139 : vector<1x16xf32> to vector<16xf32>
        %add3A_141 = arith.addf %get3A_136, %get3A_140 : vector<16xf32>
        %swap3A_142 = arith.index_cast %scan3A_120 : i32 to index
        %swap3A_143 = arith.constant 16 : index
        %swap3A_144 = tpu.vector_load %arg9[%swap3A_142, %swap3A_143] {strides = array<i32>} : memref<200x128xf32, #tpu.memory_space<vmem>>, vector<1x16xf32>,
        %swap3A_145 = vector.shape_cast %swap3A_144 : vector<1x16xf32> to vector<16xf32>
        %swap3A_146 = vector.shape_cast %add3A_141 : vector<16xf32> to vector<1x16xf32>
        tpu.vector_store %arg9[%swap3A_142, %swap3A_143], %swap3A_146 {strides = array<i32>} : memref<200x128xf32, #tpu.memory_space<vmem>>, vector<1x16xf32>,
        %get3A_147 = arith.index_cast %scan3A_120 : i32 to index
        %get3A_148 = arith.constant 32 : index
        %get3A_149 = tpu.vector_load %arg9[%get3A_147, %get3A_148] {strides = array<i32>} : memref<200x128xf32, #tpu.memory_space<vmem>>, vector<1x16xf32>,
        %get3A_150 = vector.shape_cast %get3A_149 : vector<1x16xf32> to vector<16xf32>
        %get3A_151 = arith.index_cast %scan3A_120 : i32 to index
        %get3A_152 = arith.constant 32 : index
        %get3A_153 = tpu.vector_load %arg10[%get3A_151, %get3A_152] {strides = array<i32>} : memref<200x128xf32, #tpu.memory_space<vmem>>, vector<1x16xf32>,
        %get3A_154 = vector.shape_cast %get3A_153 : vector<1x16xf32> to vector<16xf32>
        %add3A_155 = arith.addf %get3A_150, %get3A_154 : vector<16xf32>
        %swap3A_156 = arith.index_cast %scan3A_120 : i32 to index
        %swap3A_157 = arith.constant 32 : index
        %swap3A_158 = tpu.vector_load %arg9[%swap3A_156, %swap3A_157] {strides = array<i32>} : memref<200x128xf32, #tpu.memory_space<vmem>>, vector<1x16xf32>,
        %swap3A_159 = vector.shape_cast %swap3A_158 : vector<1x16xf32> to vector<16xf32>
        %swap3A_160 = vector.shape_cast %add3A_155 : vector<16xf32> to vector<1x16xf32>
        tpu.vector_store %arg9[%swap3A_156, %swap3A_157], %swap3A_160 {strides = array<i32>} : memref<200x128xf32, #tpu.memory_space<vmem>>, vector<1x16xf32>,
        %get3A_161 = arith.index_cast %scan3A_120 : i32 to index
        %get3A_162 = arith.constant 48 : index
        %get3A_163 = tpu.vector_load %arg9[%get3A_161, %get3A_162] {strides = array<i32>} : memref<200x128xf32, #tpu.memory_space<vmem>>, vector<1x16xf32>,
        %get3A_164 = vector.shape_cast %get3A_163 : vector<1x16xf32> to vector<16xf32>
        %get3A_165 = arith.index_cast %scan3A_120 : i32 to index
        %get3A_166 = arith.constant 48 : index
        %get3A_167 = tpu.vector_load %arg10[%get3A_165, %get3A_166] {strides = array<i32>} : memref<200x128xf32, #tpu.memory_space<vmem>>, vector<1x16xf32>,
        %get3A_168 = vector.shape_cast %get3A_167 : vector<1x16xf32> to vector<16xf32>
        %add3A_169 = arith.addf %get3A_164, %get3A_168 : vector<16xf32>
        %swap3A_170 = arith.index_cast %scan3A_120 : i32 to index
        %swap3A_171 = arith.constant 48 : index
        %swap3A_172 = tpu.vector_load %arg9[%swap3A_170, %swap3A_171] {strides = array<i32>} : memref<200x128xf32, #tpu.memory_space<vmem>>, vector<1x16xf32>,
        %swap3A_173 = vector.shape_cast %swap3A_172 : vector<1x16xf32> to vector<16xf32>
        %swap3A_174 = vector.shape_cast %add3A_169 : vector<16xf32> to vector<1x16xf32>
        tpu.vector_store %arg9[%swap3A_170, %swap3A_171], %swap3A_174 {strides = array<i32>} : memref<200x128xf32, #tpu.memory_space<vmem>>, vector<1x16xf32>,
        %get3A_175 = arith.index_cast %scan3A_120 : i32 to index
        %get3A_176 = arith.constant 64 : index
        %get3A_177 = tpu.vector_load %arg9[%get3A_175, %get3A_176] {strides = array<i32>} : memref<200x128xf32, #tpu.memory_space<vmem>>, vector<1x16xf32>,
        %get3A_178 = vector.shape_cast %get3A_177 : vector<1x16xf32> to vector<16xf32>
        %get3A_179 = arith.index_cast %scan3A_120 : i32 to index
        %get3A_180 = arith.constant 64 : index
        %get3A_181 = tpu.vector_load %arg10[%get3A_179, %get3A_180] {strides = array<i32>} : memref<200x128xf32, #tpu.memory_space<vmem>>, vector<1x16xf32>,
        %get3A_182 = vector.shape_cast %get3A_181 : vector<1x16xf32> to vector<16xf32>
        %add3A_183 = arith.addf %get3A_178, %get3A_182 : vector<16xf32>
        %swap3A_184 = arith.index_cast %scan3A_120 : i32 to index
        %swap3A_185 = arith.constant 64 : index
        %swap3A_186 = tpu.vector_load %arg9[%swap3A_184, %swap3A_185] {strides = array<i32>} : memref<200x128xf32, #tpu.memory_space<vmem>>, vector<1x16xf32>,
        %swap3A_187 = vector.shape_cast %swap3A_186 : vector<1x16xf32> to vector<16xf32>
        %swap3A_188 = vector.shape_cast %add3A_183 : vector<16xf32> to vector<1x16xf32>
        tpu.vector_store %arg9[%swap3A_184, %swap3A_185], %swap3A_188 {strides = array<i32>} : memref<200x128xf32, #tpu.memory_space<vmem>>, vector<1x16xf32>,
        %get3A_189 = arith.index_cast %scan3A_120 : i32 to index
        %get3A_190 = arith.constant 80 : index
        %get3A_191 = tpu.vector_load %arg9[%get3A_189, %get3A_190] {strides = array<i32>} : memref<200x128xf32, #tpu.memory_space<vmem>>, vector<1x16xf32>,
        %get3A_192 = vector.shape_cast %get3A_191 : vector<1x16xf32> to vector<16xf32>
        %get3A_193 = arith.index_cast %scan3A_120 : i32 to index
        %get3A_194 = arith.constant 80 : index
        %get3A_195 = tpu.vector_load %arg10[%get3A_193, %get3A_194] {strides = array<i32>} : memref<200x128xf32, #tpu.memory_space<vmem>>, vector<1x16xf32>,
        %get3A_196 = vector.shape_cast %get3A_195 : vector<1x16xf32> to vector<16xf32>
        %add3A_197 = arith.addf %get3A_192, %get3A_196 : vector<16xf32>
        %swap3A_198 = arith.index_cast %scan3A_120 : i32 to index
        %swap3A_199 = arith.constant 80 : index
        %swap3A_200 = tpu.vector_load %arg9[%swap3A_198, %swap3A_199] {strides = array<i32>} : memref<200x128xf32, #tpu.memory_space<vmem>>, vector<1x16xf32>,
        %swap3A_201 = vector.shape_cast %swap3A_200 : vector<1x16xf32> to vector<16xf32>
        %swap3A_202 = vector.shape_cast %add3A_197 : vector<16xf32> to vector<1x16xf32>
        tpu.vector_store %arg9[%swap3A_198, %swap3A_199], %swap3A_202 {strides = array<i32>} : memref<200x128xf32, #tpu.memory_space<vmem>>, vector<1x16xf32>,
        %get3A_203 = arith.index_cast %scan3A_120 : i32 to index
        %get3A_204 = arith.constant 96 : index
        %get3A_205 = tpu.vector_load %arg9[%get3A_203, %get3A_204] {strides = array<i32>} : memref<200x128xf32, #tpu.memory_space<vmem>>, vector<1x16xf32>,
        %get3A_206 = vector.shape_cast %get3A_205 : vector<1x16xf32> to vector<16xf32>
        %get3A_207 = arith.index_cast %scan3A_120 : i32 to index
        %get3A_208 = arith.constant 96 : index
        %get3A_209 = tpu.vector_load %arg10[%get3A_207, %get3A_208] {strides = array<i32>} : memref<200x128xf32, #tpu.memory_space<vmem>>, vector<1x16xf32>,
        %get3A_210 = vector.shape_cast %get3A_209 : vector<1x16xf32> to vector<16xf32>
        %add3A_211 = arith.addf %get3A_206, %get3A_210 : vector<16xf32>
        %swap3A_212 = arith.index_cast %scan3A_120 : i32 to index
        %swap3A_213 = arith.constant 96 : index
        %swap3A_214 = tpu.vector_load %arg9[%swap3A_212, %swap3A_213] {strides = array<i32>} : memref<200x128xf32, #tpu.memory_space<vmem>>, vector<1x16xf32>,
        %swap3A_215 = vector.shape_cast %swap3A_214 : vector<1x16xf32> to vector<16xf32>
        %swap3A_216 = vector.shape_cast %add3A_211 : vector<16xf32> to vector<1x16xf32>
        tpu.vector_store %arg9[%swap3A_212, %swap3A_213], %swap3A_216 {strides = array<i32>} : memref<200x128xf32, #tpu.memory_space<vmem>>, vector<1x16xf32>,
        %get3A_217 = arith.index_cast %scan3A_120 : i32 to index
        %get3A_218 = arith.constant 112 : index
        %get3A_219 = tpu.vector_load %arg9[%get3A_217, %get3A_218] {strides = array<i32>} : memref<200x128xf32, #tpu.memory_space<vmem>>, vector<1x16xf32>,
        %get3A_220 = vector.shape_cast %get3A_219 : vector<1x16xf32> to vector<16xf32>
        %get3A_221 = arith.index_cast %scan3A_120 : i32 to index
        %get3A_222 = arith.constant 112 : index
        %get3A_223 = tpu.vector_load %arg10[%get3A_221, %get3A_222] {strides = array<i32>} : memref<200x128xf32, #tpu.memory_space<vmem>>, vector<1x16xf32>,
        %get3A_224 = vector.shape_cast %get3A_223 : vector<1x16xf32> to vector<16xf32>
        %add3A_225 = arith.addf %get3A_220, %get3A_224 : vector<16xf32>
        %swap3A_226 = arith.index_cast %scan3A_120 : i32 to index
        %swap3A_227 = arith.constant 112 : index
        %swap3A_228 = tpu.vector_load %arg9[%swap3A_226, %swap3A_227] {strides = array<i32>} : memref<200x128xf32, #tpu.memory_space<vmem>>, vector<1x16xf32>,
        %swap3A_229 = vector.shape_cast %swap3A_228 : vector<1x16xf32> to vector<16xf32>
        %swap3A_230 = vector.shape_cast %add3A_225 : vector<16xf32> to vector<1x16xf32>
        tpu.vector_store %arg9[%swap3A_226, %swap3A_227], %swap3A_230 {strides = array<i32>} : memref<200x128xf32, #tpu.memory_space<vmem>>, vector<1x16xf32>,
      }
      %scan3A_76 = arith.constant 200 : i32
      %mul3A_77 = arith.constant 200 : i32
      %mul3A_78 = arith.muli %add3A_60, %mul3A_77 : i32
      %add3A_79 = arith.addi %mul3A_2, %mul3A_78 : i32
      %dma_start3A_80 = arith.constant 0 : i32
      %dma_start3A_81 = tpu.memref_slice %arg6[%add3A_79, %dma_start3A_80] : memref<83200x128xf32, #tpu.memory_space<hbm>> -> memref<200x128xf32, #tpu.memory_space<hbm>>
      %dma_start3A_82 = arith.constant 0 : i32
      %dma_start3A_83 = tpu.memref_slice %arg6[%add3A_79, %dma_start3A_82] : memref<83200x128xf32, #tpu.memory_space<hbm>> -> memref<200x128xf32, #tpu.memory_space<hbm>>
      tpu.enqueue_dma source(%arg9 : memref<200x128xf32, #tpu.memory_space<vmem>>) target(%dma_start3A_83 : memref<200x128xf32, #tpu.memory_space<hbm>>) target_semaphore(%arg17 : memref<!tpu.dma_semaphore, #tpu.memory_space<semaphore_mem>>)
      %add3A_84 = arith.constant 2 : i32
      %add3A_85 = arith.addi %add3A_60, %add3A_84 : i32
      %lt3A = arith.constant 13 : i32
      %lt3A_86 = arith.cmpi slt, %add3A_85, %lt3A : i32
      %convert_element_type3A = arith.extui %lt3A_86 : i1 to i32
      %cond3A = arith.constant 0 : i32
      %cond3A_87 = arith.cmpi ne, %convert_element_type3A, %cond3A : i32
      scf.if %cond3A_87 {
        %dma_wait3A_120 = arith.constant 0 : i32
        %dma_wait3A_121 = tpu.memref_slice %arg6[%mul3A_2, %dma_wait3A_120] : memref<83200x128xf32, #tpu.memory_space<hbm>> -> memref<200x128xf32, #tpu.memory_space<hbm>>
        %dma_wait3A_122 = arith.constant 0 : i32
        %dma_wait3A_123 = tpu.memref_slice %arg6[%mul3A_2, %dma_wait3A_122] : memref<83200x128xf32, #tpu.memory_space<hbm>> -> memref<200x128xf32, #tpu.memory_space<hbm>>
        tpu.wait_dma2 semaphore(%arg17 : memref<!tpu.dma_semaphore, #tpu.memory_space<semaphore_mem>>) src(%arg9 : memref<200x128xf32, #tpu.memory_space<vmem>>) dst(%dma_wait3A_123 : memref<200x128xf32, #tpu.memory_space<hbm>>)
        %add3A_124 = arith.constant 2 : i32
        %add3A_125 = arith.addi %add3A_60, %add3A_124 : i32
        %mul3A_126 = arith.constant 200 : i32
        %mul3A_127 = arith.muli %add3A_125, %mul3A_126 : i32
        %dma_start3A_128 = tpu.memref_slice %arg7[%mul3A_127] : memref<2600xi32, #tpu.memory_space<vmem>> -> memref<200xi32, #tpu.memory_space<vmem>>
        %dma_start3A_129 = arith.constant 0 : i32
        %dma_start3A_130 = arith.constant 0 : i32
        %dma_start3A_131 = tpu.memref_slice %arg2[%dma_start3A_129, %dma_start3A_130] : memref<10000x128xf32, #tpu.memory_space<hbm>> -> memref<10000x128xf32, #tpu.memory_space<hbm>>
        tpu.enqueue_indirect_dma source(%dma_start3A_131 : memref<10000x128xf32, #tpu.memory_space<hbm>>) target(%arg9 : memref<200x128xf32, #tpu.memory_space<vmem>>) offsets(%dma_start3A_128 : memref<200xi32, #tpu.memory_space<vmem>>) semaphore(%arg13 : memref<!tpu.dma_semaphore, #tpu.memory_space<semaphore_mem>>)
        %dma_start3A_132 = tpu.memref_slice %arg8[%mul3A_127] : memref<2600xi32, #tpu.memory_space<vmem>> -> memref<200xi32, #tpu.memory_space<vmem>>
        %dma_start3A_133 = arith.constant 0 : i32
        %dma_start3A_134 = arith.constant 0 : i32
        %dma_start3A_135 = tpu.memref_slice %arg3[%dma_start3A_133, %dma_start3A_134] : memref<10000x128xf32, #tpu.memory_space<hbm>> -> memref<10000x128xf32, #tpu.memory_space<hbm>>
        tpu.enqueue_indirect_dma source(%dma_start3A_135 : memref<10000x128xf32, #tpu.memory_space<hbm>>) target(%arg10 : memref<200x128xf32, #tpu.memory_space<vmem>>) offsets(%dma_start3A_132 : memref<200xi32, #tpu.memory_space<vmem>>) semaphore(%arg14 : memref<!tpu.dma_semaphore, #tpu.memory_space<semaphore_mem>>)
      } else {
      }
      %add3A_88 = arith.constant 1 : i32
      %add3A_89 = arith.addi %mul3A_58, %add3A_88 : i32
      %dma_wait3A_90 = arith.constant 0 : i32
      %dma_wait3A_91 = tpu.memref_slice %arg7[%dma_wait3A_90] : memref<2600xi32, #tpu.memory_space<vmem>> -> memref<200xi32, #tpu.memory_space<vmem>>
      %dma_wait3A_92 = arith.constant 0 : i32
      %dma_wait3A_93 = arith.constant 0 : i32
      %dma_wait3A_94 = tpu.memref_slice %arg2[%dma_wait3A_92, %dma_wait3A_93] : memref<10000x128xf32, #tpu.memory_space<hbm>> -> memref<10000x128xf32, #tpu.memory_space<hbm>>
      tpu.wait_indirect_dma semaphore(%arg15 : memref<!tpu.dma_semaphore, #tpu.memory_space<semaphore_mem>>) src(%dma_wait3A_94 : memref<10000x128xf32, #tpu.memory_space<hbm>>) dst(%arg11 : memref<200x128xf32, #tpu.memory_space<vmem>>)
      %dma_wait3A_95 = arith.constant 0 : i32
      %dma_wait3A_96 = tpu.memref_slice %arg8[%dma_wait3A_95] : memref<2600xi32, #tpu.memory_space<vmem>> -> memref<200xi32, #tpu.memory_space<vmem>>
      %dma_wait3A_97 = arith.constant 0 : i32
      %dma_wait3A_98 = arith.constant 0 : i32
      %dma_wait3A_99 = tpu.memref_slice %arg3[%dma_wait3A_97, %dma_wait3A_98] : memref<10000x128xf32, #tpu.memory_space<hbm>> -> memref<10000x128xf32, #tpu.memory_space<hbm>>
      tpu.wait_indirect_dma semaphore(%arg16 : memref<!tpu.dma_semaphore, #tpu.memory_space<semaphore_mem>>) src(%dma_wait3A_99 : memref<10000x128xf32, #tpu.memory_space<hbm>>) dst(%arg12 : memref<200x128xf32, #tpu.memory_space<vmem>>)
      %scan3A_100 = arith.constant 0 : i32
      %scan3A_101 = arith.constant 0 : i32
      %scan3A_102 = arith.constant 200 : i32
      %scan3A_103 = arith.addi %scan3A_101, %scan3A_102 : i32
      %scan3A_104 = arith.constant 1 : i32
      scf.for %scan3A_120 = %scan3A_101 to %scan3A_103 step %scan3A_104  : i32 {
        %get3A = arith.index_cast %scan3A_120 : i32 to index
        %get3A_121 = arith.constant 0 : index
        %get3A_122 = tpu.vector_load %arg11[%get3A, %get3A_121] {strides = array<i32>} : memref<200x128xf32, #tpu.memory_space<vmem>>, vector<1x16xf32>,
        %get3A_123 = vector.shape_cast %get3A_122 : vector<1x16xf32> to vector<16xf32>
        %get3A_124 = arith.index_cast %scan3A_120 : i32 to index
        %get3A_125 = arith.constant 0 : index
        %get3A_126 = tpu.vector_load %arg12[%get3A_124, %get3A_125] {strides = array<i32>} : memref<200x128xf32, #tpu.memory_space<vmem>>, vector<1x16xf32>,
        %get3A_127 = vector.shape_cast %get3A_126 : vector<1x16xf32> to vector<16xf32>
        %add3A_128 = arith.addf %get3A_123, %get3A_127 : vector<16xf32>
        %swap3A = arith.index_cast %scan3A_120 : i32 to index
        %swap3A_129 = arith.constant 0 : index
        %swap3A_130 = tpu.vector_load %arg11[%swap3A, %swap3A_129] {strides = array<i32>} : memref<200x128xf32, #tpu.memory_space<vmem>>, vector<1x16xf32>,
        %swap3A_131 = vector.shape_cast %swap3A_130 : vector<1x16xf32> to vector<16xf32>
        %swap3A_132 = vector.shape_cast %add3A_128 : vector<16xf32> to vector<1x16xf32>
        tpu.vector_store %arg11[%swap3A, %swap3A_129], %swap3A_132 {strides = array<i32>} : memref<200x128xf32, #tpu.memory_space<vmem>>, vector<1x16xf32>,
        %get3A_133 = arith.index_cast %scan3A_120 : i32 to index
        %get3A_134 = arith.constant 16 : index
        %get3A_135 = tpu.vector_load %arg11[%get3A_133, %get3A_134] {strides = array<i32>} : memref<200x128xf32, #tpu.memory_space<vmem>>, vector<1x16xf32>,
        %get3A_136 = vector.shape_cast %get3A_135 : vector<1x16xf32> to vector<16xf32>
        %get3A_137 = arith.index_cast %scan3A_120 : i32 to index
        %get3A_138 = arith.constant 16 : index
        %get3A_139 = tpu.vector_load %arg12[%get3A_137, %get3A_138] {strides = array<i32>} : memref<200x128xf32, #tpu.memory_space<vmem>>, vector<1x16xf32>,
        %get3A_140 = vector.shape_cast %get3A_139 : vector<1x16xf32> to vector<16xf32>
        %add3A_141 = arith.addf %get3A_136, %get3A_140 : vector<16xf32>
        %swap3A_142 = arith.index_cast %scan3A_120 : i32 to index
        %swap3A_143 = arith.constant 16 : index
        %swap3A_144 = tpu.vector_load %arg11[%swap3A_142, %swap3A_143] {strides = array<i32>} : memref<200x128xf32, #tpu.memory_space<vmem>>, vector<1x16xf32>,
        %swap3A_145 = vector.shape_cast %swap3A_144 : vector<1x16xf32> to vector<16xf32>
        %swap3A_146 = vector.shape_cast %add3A_141 : vector<16xf32> to vector<1x16xf32>
        tpu.vector_store %arg11[%swap3A_142, %swap3A_143], %swap3A_146 {strides = array<i32>} : memref<200x128xf32, #tpu.memory_space<vmem>>, vector<1x16xf32>,
        %get3A_147 = arith.index_cast %scan3A_120 : i32 to index
        %get3A_148 = arith.constant 32 : index
        %get3A_149 = tpu.vector_load %arg11[%get3A_147, %get3A_148] {strides = array<i32>} : memref<200x128xf32, #tpu.memory_space<vmem>>, vector<1x16xf32>,
        %get3A_150 = vector.shape_cast %get3A_149 : vector<1x16xf32> to vector<16xf32>
        %get3A_151 = arith.index_cast %scan3A_120 : i32 to index
        %get3A_152 = arith.constant 32 : index
        %get3A_153 = tpu.vector_load %arg12[%get3A_151, %get3A_152] {strides = array<i32>} : memref<200x128xf32, #tpu.memory_space<vmem>>, vector<1x16xf32>,
        %get3A_154 = vector.shape_cast %get3A_153 : vector<1x16xf32> to vector<16xf32>
        %add3A_155 = arith.addf %get3A_150, %get3A_154 : vector<16xf32>
        %swap3A_156 = arith.index_cast %scan3A_120 : i32 to index
        %swap3A_157 = arith.constant 32 : index
        %swap3A_158 = tpu.vector_load %arg11[%swap3A_156, %swap3A_157] {strides = array<i32>} : memref<200x128xf32, #tpu.memory_space<vmem>>, vector<1x16xf32>,
        %swap3A_159 = vector.shape_cast %swap3A_158 : vector<1x16xf32> to vector<16xf32>
        %swap3A_160 = vector.shape_cast %add3A_155 : vector<16xf32> to vector<1x16xf32>
        tpu.vector_store %arg11[%swap3A_156, %swap3A_157], %swap3A_160 {strides = array<i32>} : memref<200x128xf32, #tpu.memory_space<vmem>>, vector<1x16xf32>,
        %get3A_161 = arith.index_cast %scan3A_120 : i32 to index
        %get3A_162 = arith.constant 48 : index
        %get3A_163 = tpu.vector_load %arg11[%get3A_161, %get3A_162] {strides = array<i32>} : memref<200x128xf32, #tpu.memory_space<vmem>>, vector<1x16xf32>,
        %get3A_164 = vector.shape_cast %get3A_163 : vector<1x16xf32> to vector<16xf32>
        %get3A_165 = arith.index_cast %scan3A_120 : i32 to index
        %get3A_166 = arith.constant 48 : index
        %get3A_167 = tpu.vector_load %arg12[%get3A_165, %get3A_166] {strides = array<i32>} : memref<200x128xf32, #tpu.memory_space<vmem>>, vector<1x16xf32>,
        %get3A_168 = vector.shape_cast %get3A_167 : vector<1x16xf32> to vector<16xf32>
        %add3A_169 = arith.addf %get3A_164, %get3A_168 : vector<16xf32>
        %swap3A_170 = arith.index_cast %scan3A_120 : i32 to index
        %swap3A_171 = arith.constant 48 : index
        %swap3A_172 = tpu.vector_load %arg11[%swap3A_170, %swap3A_171] {strides = array<i32>} : memref<200x128xf32, #tpu.memory_space<vmem>>, vector<1x16xf32>,
        %swap3A_173 = vector.shape_cast %swap3A_172 : vector<1x16xf32> to vector<16xf32>
        %swap3A_174 = vector.shape_cast %add3A_169 : vector<16xf32> to vector<1x16xf32>
        tpu.vector_store %arg11[%swap3A_170, %swap3A_171], %swap3A_174 {strides = array<i32>} : memref<200x128xf32, #tpu.memory_space<vmem>>, vector<1x16xf32>,
        %get3A_175 = arith.index_cast %scan3A_120 : i32 to index
        %get3A_176 = arith.constant 64 : index
        %get3A_177 = tpu.vector_load %arg11[%get3A_175, %get3A_176] {strides = array<i32>} : memref<200x128xf32, #tpu.memory_space<vmem>>, vector<1x16xf32>,
        %get3A_178 = vector.shape_cast %get3A_177 : vector<1x16xf32> to vector<16xf32>
        %get3A_179 = arith.index_cast %scan3A_120 : i32 to index
        %get3A_180 = arith.constant 64 : index
        %get3A_181 = tpu.vector_load %arg12[%get3A_179, %get3A_180] {strides = array<i32>} : memref<200x128xf32, #tpu.memory_space<vmem>>, vector<1x16xf32>,
        %get3A_182 = vector.shape_cast %get3A_181 : vector<1x16xf32> to vector<16xf32>
        %add3A_183 = arith.addf %get3A_178, %get3A_182 : vector<16xf32>
        %swap3A_184 = arith.index_cast %scan3A_120 : i32 to index
        %swap3A_185 = arith.constant 64 : index
        %swap3A_186 = tpu.vector_load %arg11[%swap3A_184, %swap3A_185] {strides = array<i32>} : memref<200x128xf32, #tpu.memory_space<vmem>>, vector<1x16xf32>,
        %swap3A_187 = vector.shape_cast %swap3A_186 : vector<1x16xf32> to vector<16xf32>
        %swap3A_188 = vector.shape_cast %add3A_183 : vector<16xf32> to vector<1x16xf32>
        tpu.vector_store %arg11[%swap3A_184, %swap3A_185], %swap3A_188 {strides = array<i32>} : memref<200x128xf32, #tpu.memory_space<vmem>>, vector<1x16xf32>,
        %get3A_189 = arith.index_cast %scan3A_120 : i32 to index
        %get3A_190 = arith.constant 80 : index
        %get3A_191 = tpu.vector_load %arg11[%get3A_189, %get3A_190] {strides = array<i32>} : memref<200x128xf32, #tpu.memory_space<vmem>>, vector<1x16xf32>,
        %get3A_192 = vector.shape_cast %get3A_191 : vector<1x16xf32> to vector<16xf32>
        %get3A_193 = arith.index_cast %scan3A_120 : i32 to index
        %get3A_194 = arith.constant 80 : index
        %get3A_195 = tpu.vector_load %arg12[%get3A_193, %get3A_194] {strides = array<i32>} : memref<200x128xf32, #tpu.memory_space<vmem>>, vector<1x16xf32>,
        %get3A_196 = vector.shape_cast %get3A_195 : vector<1x16xf32> to vector<16xf32>
        %add3A_197 = arith.addf %get3A_192, %get3A_196 : vector<16xf32>
        %swap3A_198 = arith.index_cast %scan3A_120 : i32 to index
        %swap3A_199 = arith.constant 80 : index
        %swap3A_200 = tpu.vector_load %arg11[%swap3A_198, %swap3A_199] {strides = array<i32>} : memref<200x128xf32, #tpu.memory_space<vmem>>, vector<1x16xf32>,
        %swap3A_201 = vector.shape_cast %swap3A_200 : vector<1x16xf32> to vector<16xf32>
        %swap3A_202 = vector.shape_cast %add3A_197 : vector<16xf32> to vector<1x16xf32>
        tpu.vector_store %arg11[%swap3A_198, %swap3A_199], %swap3A_202 {strides = array<i32>} : memref<200x128xf32, #tpu.memory_space<vmem>>, vector<1x16xf32>,
        %get3A_203 = arith.index_cast %scan3A_120 : i32 to index
        %get3A_204 = arith.constant 96 : index
        %get3A_205 = tpu.vector_load %arg11[%get3A_203, %get3A_204] {strides = array<i32>} : memref<200x128xf32, #tpu.memory_space<vmem>>, vector<1x16xf32>,
        %get3A_206 = vector.shape_cast %get3A_205 : vector<1x16xf32> to vector<16xf32>
        %get3A_207 = arith.index_cast %scan3A_120 : i32 to index
        %get3A_208 = arith.constant 96 : index
        %get3A_209 = tpu.vector_load %arg12[%get3A_207, %get3A_208] {strides = array<i32>} : memref<200x128xf32, #tpu.memory_space<vmem>>, vector<1x16xf32>,
        %get3A_210 = vector.shape_cast %get3A_209 : vector<1x16xf32> to vector<16xf32>
        %add3A_211 = arith.addf %get3A_206, %get3A_210 : vector<16xf32>
        %swap3A_212 = arith.index_cast %scan3A_120 : i32 to index
        %swap3A_213 = arith.constant 96 : index
        %swap3A_214 = tpu.vector_load %arg11[%swap3A_212, %swap3A_213] {strides = array<i32>} : memref<200x128xf32, #tpu.memory_space<vmem>>, vector<1x16xf32>,
        %swap3A_215 = vector.shape_cast %swap3A_214 : vector<1x16xf32> to vector<16xf32>
        %swap3A_216 = vector.shape_cast %add3A_211 : vector<16xf32> to vector<1x16xf32>
        tpu.vector_store %arg11[%swap3A_212, %swap3A_213], %swap3A_216 {strides = array<i32>} : memref<200x128xf32, #tpu.memory_space<vmem>>, vector<1x16xf32>,
        %get3A_217 = arith.index_cast %scan3A_120 : i32 to index
        %get3A_218 = arith.constant 112 : index
        %get3A_219 = tpu.vector_load %arg11[%get3A_217, %get3A_218] {strides = array<i32>} : memref<200x128xf32, #tpu.memory_space<vmem>>, vector<1x16xf32>,
        %get3A_220 = vector.shape_cast %get3A_219 : vector<1x16xf32> to vector<16xf32>
        %get3A_221 = arith.index_cast %scan3A_120 : i32 to index
        %get3A_222 = arith.constant 112 : index
        %get3A_223 = tpu.vector_load %arg12[%get3A_221, %get3A_222] {strides = array<i32>} : memref<200x128xf32, #tpu.memory_space<vmem>>, vector<1x16xf32>,
        %get3A_224 = vector.shape_cast %get3A_223 : vector<1x16xf32> to vector<16xf32>
        %add3A_225 = arith.addf %get3A_220, %get3A_224 : vector<16xf32>
        %swap3A_226 = arith.index_cast %scan3A_120 : i32 to index
        %swap3A_227 = arith.constant 112 : index
        %swap3A_228 = tpu.vector_load %arg11[%swap3A_226, %swap3A_227] {strides = array<i32>} : memref<200x128xf32, #tpu.memory_space<vmem>>, vector<1x16xf32>,
        %swap3A_229 = vector.shape_cast %swap3A_228 : vector<1x16xf32> to vector<16xf32>
        %swap3A_230 = vector.shape_cast %add3A_225 : vector<16xf32> to vector<1x16xf32>
        tpu.vector_store %arg11[%swap3A_226, %swap3A_227], %swap3A_230 {strides = array<i32>} : memref<200x128xf32, #tpu.memory_space<vmem>>, vector<1x16xf32>,
      }
      %scan3A_105 = arith.constant 200 : i32
      %mul3A_106 = arith.constant 200 : i32
      %mul3A_107 = arith.muli %add3A_89, %mul3A_106 : i32
      %add3A_108 = arith.addi %mul3A_2, %mul3A_107 : i32
      %dma_start3A_109 = arith.constant 0 : i32
      %dma_start3A_110 = tpu.memref_slice %arg6[%add3A_108, %dma_start3A_109] : memref<83200x128xf32, #tpu.memory_space<hbm>> -> memref<200x128xf32, #tpu.memory_space<hbm>>
      %dma_start3A_111 = arith.constant 0 : i32
      %dma_start3A_112 = tpu.memref_slice %arg6[%add3A_108, %dma_start3A_111] : memref<83200x128xf32, #tpu.memory_space<hbm>> -> memref<200x128xf32, #tpu.memory_space<hbm>>
      tpu.enqueue_dma source(%arg11 : memref<200x128xf32, #tpu.memory_space<vmem>>) target(%dma_start3A_112 : memref<200x128xf32, #tpu.memory_space<hbm>>) target_semaphore(%arg18 : memref<!tpu.dma_semaphore, #tpu.memory_space<semaphore_mem>>)
      %add3A_113 = arith.constant 2 : i32
      %add3A_114 = arith.addi %add3A_89, %add3A_113 : i32
      %lt3A_115 = arith.constant 13 : i32
      %lt3A_116 = arith.cmpi slt, %add3A_114, %lt3A_115 : i32
      %convert_element_type3A_117 = arith.extui %lt3A_116 : i1 to i32
      %cond3A_118 = arith.constant 0 : i32
      %cond3A_119 = arith.cmpi ne, %convert_element_type3A_117, %cond3A_118 : i32
      scf.if %cond3A_119 {
        %dma_wait3A_120 = arith.constant 0 : i32
        %dma_wait3A_121 = tpu.memref_slice %arg6[%mul3A_2, %dma_wait3A_120] : memref<83200x128xf32, #tpu.memory_space<hbm>> -> memref<200x128xf32, #tpu.memory_space<hbm>>
        %dma_wait3A_122 = arith.constant 0 : i32
        %dma_wait3A_123 = tpu.memref_slice %arg6[%mul3A_2, %dma_wait3A_122] : memref<83200x128xf32, #tpu.memory_space<hbm>> -> memref<200x128xf32, #tpu.memory_space<hbm>>
        tpu.wait_dma2 semaphore(%arg18 : memref<!tpu.dma_semaphore, #tpu.memory_space<semaphore_mem>>) src(%arg11 : memref<200x128xf32, #tpu.memory_space<vmem>>) dst(%dma_wait3A_123 : memref<200x128xf32, #tpu.memory_space<hbm>>)
        %add3A_124 = arith.constant 2 : i32
        %add3A_125 = arith.addi %add3A_89, %add3A_124 : i32
        %mul3A_126 = arith.constant 200 : i32
        %mul3A_127 = arith.muli %add3A_125, %mul3A_126 : i32
        %dma_start3A_128 = tpu.memref_slice %arg7[%mul3A_127] : memref<2600xi32, #tpu.memory_space<vmem>> -> memref<200xi32, #tpu.memory_space<vmem>>
        %dma_start3A_129 = arith.constant 0 : i32
        %dma_start3A_130 = arith.constant 0 : i32
        %dma_start3A_131 = tpu.memref_slice %arg2[%dma_start3A_129, %dma_start3A_130] : memref<10000x128xf32, #tpu.memory_space<hbm>> -> memref<10000x128xf32, #tpu.memory_space<hbm>>
        tpu.enqueue_indirect_dma source(%dma_start3A_131 : memref<10000x128xf32, #tpu.memory_space<hbm>>) target(%arg11 : memref<200x128xf32, #tpu.memory_space<vmem>>) offsets(%dma_start3A_128 : memref<200xi32, #tpu.memory_space<vmem>>) semaphore(%arg15 : memref<!tpu.dma_semaphore, #tpu.memory_space<semaphore_mem>>)
        %dma_start3A_132 = tpu.memref_slice %arg8[%mul3A_127] : memref<2600xi32, #tpu.memory_space<vmem>> -> memref<200xi32, #tpu.memory_space<vmem>>
        %dma_start3A_133 = arith.constant 0 : i32
        %dma_start3A_134 = arith.constant 0 : i32
        %dma_start3A_135 = tpu.memref_slice %arg3[%dma_start3A_133, %dma_start3A_134] : memref<10000x128xf32, #tpu.memory_space<hbm>> -> memref<10000x128xf32, #tpu.memory_space<hbm>>
        tpu.enqueue_indirect_dma source(%dma_start3A_135 : memref<10000x128xf32, #tpu.memory_space<hbm>>) target(%arg12 : memref<200x128xf32, #tpu.memory_space<vmem>>) offsets(%dma_start3A_132 : memref<200xi32, #tpu.memory_space<vmem>>) semaphore(%arg16 : memref<!tpu.dma_semaphore, #tpu.memory_space<semaphore_mem>>)
      } else {
      }
    }
    %scan3A_26 = arith.constant 6 : i32
    %dma_wait3A = arith.constant 0 : i32
    %dma_wait3A_27 = tpu.memref_slice %arg7[%dma_wait3A] : memref<2600xi32, #tpu.memory_space<vmem>> -> memref<200xi32, #tpu.memory_space<vmem>>
    %dma_wait3A_28 = arith.constant 0 : i32
    %dma_wait3A_29 = arith.constant 0 : i32
    %dma_wait3A_30 = tpu.memref_slice %arg2[%dma_wait3A_28, %dma_wait3A_29] : memref<10000x128xf32, #tpu.memory_space<hbm>> -> memref<10000x128xf32, #tpu.memory_space<hbm>>
    tpu.wait_indirect_dma semaphore(%arg13 : memref<!tpu.dma_semaphore, #tpu.memory_space<semaphore_mem>>) src(%dma_wait3A_30 : memref<10000x128xf32, #tpu.memory_space<hbm>>) dst(%arg9 : memref<200x128xf32, #tpu.memory_space<vmem>>)
    %dma_wait3A_31 = arith.constant 0 : i32
    %dma_wait3A_32 = tpu.memref_slice %arg8[%dma_wait3A_31] : memref<2600xi32, #tpu.memory_space<vmem>> -> memref<200xi32, #tpu.memory_space<vmem>>
    %dma_wait3A_33 = arith.constant 0 : i32
    %dma_wait3A_34 = arith.constant 0 : i32
    %dma_wait3A_35 = tpu.memref_slice %arg3[%dma_wait3A_33, %dma_wait3A_34] : memref<10000x128xf32, #tpu.memory_space<hbm>> -> memref<10000x128xf32, #tpu.memory_space<hbm>>
    tpu.wait_indirect_dma semaphore(%arg14 : memref<!tpu.dma_semaphore, #tpu.memory_space<semaphore_mem>>) src(%dma_wait3A_35 : memref<10000x128xf32, #tpu.memory_space<hbm>>) dst(%arg10 : memref<200x128xf32, #tpu.memory_space<vmem>>)
    %scan3A_36 = arith.constant 0 : i32
    %scan3A_37 = arith.constant 0 : i32
    %scan3A_38 = arith.constant 200 : i32
    %scan3A_39 = arith.addi %scan3A_37, %scan3A_38 : i32
    %scan3A_40 = arith.constant 1 : i32
    scf.for %scan3A_56 = %scan3A_37 to %scan3A_39 step %scan3A_40  : i32 {
      %get3A = arith.index_cast %scan3A_56 : i32 to index
      %get3A_57 = arith.constant 0 : index
      %get3A_58 = tpu.vector_load %arg9[%get3A, %get3A_57] {strides = array<i32>} : memref<200x128xf32, #tpu.memory_space<vmem>>, vector<1x16xf32>,
      %get3A_59 = vector.shape_cast %get3A_58 : vector<1x16xf32> to vector<16xf32>
      %get3A_60 = arith.index_cast %scan3A_56 : i32 to index
      %get3A_61 = arith.constant 0 : index
      %get3A_62 = tpu.vector_load %arg10[%get3A_60, %get3A_61] {strides = array<i32>} : memref<200x128xf32, #tpu.memory_space<vmem>>, vector<1x16xf32>,
      %get3A_63 = vector.shape_cast %get3A_62 : vector<1x16xf32> to vector<16xf32>
      %add3A_64 = arith.addf %get3A_59, %get3A_63 : vector<16xf32>
      %swap3A = arith.index_cast %scan3A_56 : i32 to index
      %swap3A_65 = arith.constant 0 : index
      %swap3A_66 = tpu.vector_load %arg9[%swap3A, %swap3A_65] {strides = array<i32>} : memref<200x128xf32, #tpu.memory_space<vmem>>, vector<1x16xf32>,
      %swap3A_67 = vector.shape_cast %swap3A_66 : vector<1x16xf32> to vector<16xf32>
      %swap3A_68 = vector.shape_cast %add3A_64 : vector<16xf32> to vector<1x16xf32>
      tpu.vector_store %arg9[%swap3A, %swap3A_65], %swap3A_68 {strides = array<i32>} : memref<200x128xf32, #tpu.memory_space<vmem>>, vector<1x16xf32>,
      %get3A_69 = arith.index_cast %scan3A_56 : i32 to index
      %get3A_70 = arith.constant 16 : index
      %get3A_71 = tpu.vector_load %arg9[%get3A_69, %get3A_70] {strides = array<i32>} : memref<200x128xf32, #tpu.memory_space<vmem>>, vector<1x16xf32>,
      %get3A_72 = vector.shape_cast %get3A_71 : vector<1x16xf32> to vector<16xf32>
      %get3A_73 = arith.index_cast %scan3A_56 : i32 to index
      %get3A_74 = arith.constant 16 : index
      %get3A_75 = tpu.vector_load %arg10[%get3A_73, %get3A_74] {strides = array<i32>} : memref<200x128xf32, #tpu.memory_space<vmem>>, vector<1x16xf32>,
      %get3A_76 = vector.shape_cast %get3A_75 : vector<1x16xf32> to vector<16xf32>
      %add3A_77 = arith.addf %get3A_72, %get3A_76 : vector<16xf32>
      %swap3A_78 = arith.index_cast %scan3A_56 : i32 to index
      %swap3A_79 = arith.constant 16 : index
      %swap3A_80 = tpu.vector_load %arg9[%swap3A_78, %swap3A_79] {strides = array<i32>} : memref<200x128xf32, #tpu.memory_space<vmem>>, vector<1x16xf32>,
      %swap3A_81 = vector.shape_cast %swap3A_80 : vector<1x16xf32> to vector<16xf32>
      %swap3A_82 = vector.shape_cast %add3A_77 : vector<16xf32> to vector<1x16xf32>
      tpu.vector_store %arg9[%swap3A_78, %swap3A_79], %swap3A_82 {strides = array<i32>} : memref<200x128xf32, #tpu.memory_space<vmem>>, vector<1x16xf32>,
      %get3A_83 = arith.index_cast %scan3A_56 : i32 to index
      %get3A_84 = arith.constant 32 : index
      %get3A_85 = tpu.vector_load %arg9[%get3A_83, %get3A_84] {strides = array<i32>} : memref<200x128xf32, #tpu.memory_space<vmem>>, vector<1x16xf32>,
      %get3A_86 = vector.shape_cast %get3A_85 : vector<1x16xf32> to vector<16xf32>
      %get3A_87 = arith.index_cast %scan3A_56 : i32 to index
      %get3A_88 = arith.constant 32 : index
      %get3A_89 = tpu.vector_load %arg10[%get3A_87, %get3A_88] {strides = array<i32>} : memref<200x128xf32, #tpu.memory_space<vmem>>, vector<1x16xf32>,
      %get3A_90 = vector.shape_cast %get3A_89 : vector<1x16xf32> to vector<16xf32>
      %add3A_91 = arith.addf %get3A_86, %get3A_90 : vector<16xf32>
      %swap3A_92 = arith.index_cast %scan3A_56 : i32 to index
      %swap3A_93 = arith.constant 32 : index
      %swap3A_94 = tpu.vector_load %arg9[%swap3A_92, %swap3A_93] {strides = array<i32>} : memref<200x128xf32, #tpu.memory_space<vmem>>, vector<1x16xf32>,
      %swap3A_95 = vector.shape_cast %swap3A_94 : vector<1x16xf32> to vector<16xf32>
      %swap3A_96 = vector.shape_cast %add3A_91 : vector<16xf32> to vector<1x16xf32>
      tpu.vector_store %arg9[%swap3A_92, %swap3A_93], %swap3A_96 {strides = array<i32>} : memref<200x128xf32, #tpu.memory_space<vmem>>, vector<1x16xf32>,
      %get3A_97 = arith.index_cast %scan3A_56 : i32 to index
      %get3A_98 = arith.constant 48 : index
      %get3A_99 = tpu.vector_load %arg9[%get3A_97, %get3A_98] {strides = array<i32>} : memref<200x128xf32, #tpu.memory_space<vmem>>, vector<1x16xf32>,
      %get3A_100 = vector.shape_cast %get3A_99 : vector<1x16xf32> to vector<16xf32>
      %get3A_101 = arith.index_cast %scan3A_56 : i32 to index
      %get3A_102 = arith.constant 48 : index
      %get3A_103 = tpu.vector_load %arg10[%get3A_101, %get3A_102] {strides = array<i32>} : memref<200x128xf32, #tpu.memory_space<vmem>>, vector<1x16xf32>,
      %get3A_104 = vector.shape_cast %get3A_103 : vector<1x16xf32> to vector<16xf32>
      %add3A_105 = arith.addf %get3A_100, %get3A_104 : vector<16xf32>
      %swap3A_106 = arith.index_cast %scan3A_56 : i32 to index
      %swap3A_107 = arith.constant 48 : index
      %swap3A_108 = tpu.vector_load %arg9[%swap3A_106, %swap3A_107] {strides = array<i32>} : memref<200x128xf32, #tpu.memory_space<vmem>>, vector<1x16xf32>,
      %swap3A_109 = vector.shape_cast %swap3A_108 : vector<1x16xf32> to vector<16xf32>
      %swap3A_110 = vector.shape_cast %add3A_105 : vector<16xf32> to vector<1x16xf32>
      tpu.vector_store %arg9[%swap3A_106, %swap3A_107], %swap3A_110 {strides = array<i32>} : memref<200x128xf32, #tpu.memory_space<vmem>>, vector<1x16xf32>,
      %get3A_111 = arith.index_cast %scan3A_56 : i32 to index
      %get3A_112 = arith.constant 64 : index
      %get3A_113 = tpu.vector_load %arg9[%get3A_111, %get3A_112] {strides = array<i32>} : memref<200x128xf32, #tpu.memory_space<vmem>>, vector<1x16xf32>,
      %get3A_114 = vector.shape_cast %get3A_113 : vector<1x16xf32> to vector<16xf32>
      %get3A_115 = arith.index_cast %scan3A_56 : i32 to index
      %get3A_116 = arith.constant 64 : index
      %get3A_117 = tpu.vector_load %arg10[%get3A_115, %get3A_116] {strides = array<i32>} : memref<200x128xf32, #tpu.memory_space<vmem>>, vector<1x16xf32>,
      %get3A_118 = vector.shape_cast %get3A_117 : vector<1x16xf32> to vector<16xf32>
      %add3A_119 = arith.addf %get3A_114, %get3A_118 : vector<16xf32>
      %swap3A_120 = arith.index_cast %scan3A_56 : i32 to index
      %swap3A_121 = arith.constant 64 : index
      %swap3A_122 = tpu.vector_load %arg9[%swap3A_120, %swap3A_121] {strides = array<i32>} : memref<200x128xf32, #tpu.memory_space<vmem>>, vector<1x16xf32>,
      %swap3A_123 = vector.shape_cast %swap3A_122 : vector<1x16xf32> to vector<16xf32>
      %swap3A_124 = vector.shape_cast %add3A_119 : vector<16xf32> to vector<1x16xf32>
      tpu.vector_store %arg9[%swap3A_120, %swap3A_121], %swap3A_124 {strides = array<i32>} : memref<200x128xf32, #tpu.memory_space<vmem>>, vector<1x16xf32>,
      %get3A_125 = arith.index_cast %scan3A_56 : i32 to index
      %get3A_126 = arith.constant 80 : index
      %get3A_127 = tpu.vector_load %arg9[%get3A_125, %get3A_126] {strides = array<i32>} : memref<200x128xf32, #tpu.memory_space<vmem>>, vector<1x16xf32>,
      %get3A_128 = vector.shape_cast %get3A_127 : vector<1x16xf32> to vector<16xf32>
      %get3A_129 = arith.index_cast %scan3A_56 : i32 to index
      %get3A_130 = arith.constant 80 : index
      %get3A_131 = tpu.vector_load %arg10[%get3A_129, %get3A_130] {strides = array<i32>} : memref<200x128xf32, #tpu.memory_space<vmem>>, vector<1x16xf32>,
      %get3A_132 = vector.shape_cast %get3A_131 : vector<1x16xf32> to vector<16xf32>
      %add3A_133 = arith.addf %get3A_128, %get3A_132 : vector<16xf32>
      %swap3A_134 = arith.index_cast %scan3A_56 : i32 to index
      %swap3A_135 = arith.constant 80 : index
      %swap3A_136 = tpu.vector_load %arg9[%swap3A_134, %swap3A_135] {strides = array<i32>} : memref<200x128xf32, #tpu.memory_space<vmem>>, vector<1x16xf32>,
      %swap3A_137 = vector.shape_cast %swap3A_136 : vector<1x16xf32> to vector<16xf32>
      %swap3A_138 = vector.shape_cast %add3A_133 : vector<16xf32> to vector<1x16xf32>
      tpu.vector_store %arg9[%swap3A_134, %swap3A_135], %swap3A_138 {strides = array<i32>} : memref<200x128xf32, #tpu.memory_space<vmem>>, vector<1x16xf32>,
      %get3A_139 = arith.index_cast %scan3A_56 : i32 to index
      %get3A_140 = arith.constant 96 : index
      %get3A_141 = tpu.vector_load %arg9[%get3A_139, %get3A_140] {strides = array<i32>} : memref<200x128xf32, #tpu.memory_space<vmem>>, vector<1x16xf32>,
      %get3A_142 = vector.shape_cast %get3A_141 : vector<1x16xf32> to vector<16xf32>
      %get3A_143 = arith.index_cast %scan3A_56 : i32 to index
      %get3A_144 = arith.constant 96 : index
      %get3A_145 = tpu.vector_load %arg10[%get3A_143, %get3A_144] {strides = array<i32>} : memref<200x128xf32, #tpu.memory_space<vmem>>, vector<1x16xf32>,
      %get3A_146 = vector.shape_cast %get3A_145 : vector<1x16xf32> to vector<16xf32>
      %add3A_147 = arith.addf %get3A_142, %get3A_146 : vector<16xf32>
      %swap3A_148 = arith.index_cast %scan3A_56 : i32 to index
      %swap3A_149 = arith.constant 96 : index
      %swap3A_150 = tpu.vector_load %arg9[%swap3A_148, %swap3A_149] {strides = array<i32>} : memref<200x128xf32, #tpu.memory_space<vmem>>, vector<1x16xf32>,
      %swap3A_151 = vector.shape_cast %swap3A_150 : vector<1x16xf32> to vector<16xf32>
      %swap3A_152 = vector.shape_cast %add3A_147 : vector<16xf32> to vector<1x16xf32>
      tpu.vector_store %arg9[%swap3A_148, %swap3A_149], %swap3A_152 {strides = array<i32>} : memref<200x128xf32, #tpu.memory_space<vmem>>, vector<1x16xf32>,
      %get3A_153 = arith.index_cast %scan3A_56 : i32 to index
      %get3A_154 = arith.constant 112 : index
      %get3A_155 = tpu.vector_load %arg9[%get3A_153, %get3A_154] {strides = array<i32>} : memref<200x128xf32, #tpu.memory_space<vmem>>, vector<1x16xf32>,
      %get3A_156 = vector.shape_cast %get3A_155 : vector<1x16xf32> to vector<16xf32>
      %get3A_157 = arith.index_cast %scan3A_56 : i32 to index
      %get3A_158 = arith.constant 112 : index
      %get3A_159 = tpu.vector_load %arg10[%get3A_157, %get3A_158] {strides = array<i32>} : memref<200x128xf32, #tpu.memory_space<vmem>>, vector<1x16xf32>,
      %get3A_160 = vector.shape_cast %get3A_159 : vector<1x16xf32> to vector<16xf32>
      %add3A_161 = arith.addf %get3A_156, %get3A_160 : vector<16xf32>
      %swap3A_162 = arith.index_cast %scan3A_56 : i32 to index
      %swap3A_163 = arith.constant 112 : index
      %swap3A_164 = tpu.vector_load %arg9[%swap3A_162, %swap3A_163] {strides = array<i32>} : memref<200x128xf32, #tpu.memory_space<vmem>>, vector<1x16xf32>,
      %swap3A_165 = vector.shape_cast %swap3A_164 : vector<1x16xf32> to vector<16xf32>
      %swap3A_166 = vector.shape_cast %add3A_161 : vector<16xf32> to vector<1x16xf32>
      tpu.vector_store %arg9[%swap3A_162, %swap3A_163], %swap3A_166 {strides = array<i32>} : memref<200x128xf32, #tpu.memory_space<vmem>>, vector<1x16xf32>,
    }
    %scan3A_41 = arith.constant 200 : i32
    %add3A_42 = arith.constant 2400 : i32
    %add3A_43 = arith.addi %mul3A_2, %add3A_42 : i32
    %dma_start3A_44 = arith.constant 0 : i32
    %dma_start3A_45 = tpu.memref_slice %arg6[%add3A_43, %dma_start3A_44] : memref<83200x128xf32, #tpu.memory_space<hbm>> -> memref<200x128xf32, #tpu.memory_space<hbm>>
    %dma_start3A_46 = arith.constant 0 : i32
    %dma_start3A_47 = tpu.memref_slice %arg6[%add3A_43, %dma_start3A_46] : memref<83200x128xf32, #tpu.memory_space<hbm>> -> memref<200x128xf32, #tpu.memory_space<hbm>>
    tpu.enqueue_dma source(%arg9 : memref<200x128xf32, #tpu.memory_space<vmem>>) target(%dma_start3A_47 : memref<200x128xf32, #tpu.memory_space<hbm>>) target_semaphore(%arg17 : memref<!tpu.dma_semaphore, #tpu.memory_space<semaphore_mem>>)
    %dma_wait3A_48 = arith.constant 0 : i32
    %dma_wait3A_49 = tpu.memref_slice %arg6[%mul3A_2, %dma_wait3A_48] : memref<83200x128xf32, #tpu.memory_space<hbm>> -> memref<200x128xf32, #tpu.memory_space<hbm>>
    %dma_wait3A_50 = arith.constant 0 : i32
    %dma_wait3A_51 = tpu.memref_slice %arg6[%mul3A_2, %dma_wait3A_50] : memref<83200x128xf32, #tpu.memory_space<hbm>> -> memref<200x128xf32, #tpu.memory_space<hbm>>
    tpu.wait_dma2 semaphore(%arg17 : memref<!tpu.dma_semaphore, #tpu.memory_space<semaphore_mem>>) src(%arg9 : memref<200x128xf32, #tpu.memory_space<vmem>>) dst(%dma_wait3A_51 : memref<200x128xf32, #tpu.memory_space<hbm>>)
    %dma_wait3A_52 = arith.constant 0 : i32
    %dma_wait3A_53 = tpu.memref_slice %arg6[%mul3A_2, %dma_wait3A_52] : memref<83200x128xf32, #tpu.memory_space<hbm>> -> memref<200x128xf32, #tpu.memory_space<hbm>>
    %dma_wait3A_54 = arith.constant 0 : i32
    %dma_wait3A_55 = tpu.memref_slice %arg6[%mul3A_2, %dma_wait3A_54] : memref<83200x128xf32, #tpu.memory_space<hbm>> -> memref<200x128xf32, #tpu.memory_space<hbm>>
    tpu.wait_dma2 semaphore(%arg18 : memref<!tpu.dma_semaphore, #tpu.memory_space<semaphore_mem>>) src(%arg11 : memref<200x128xf32, #tpu.memory_space<vmem>>) dst(%dma_wait3A_55 : memref<200x128xf32, #tpu.memory_space<hbm>>)
    return
  }
}

#map = affine_map<(d0, d1) -> (0, 0)>
#map1 = affine_map<(d0, d1) -> (0)>
module attributes {stable_mosaic.version = 14 : i64} {
  func.func @k(%arg0: i32, %arg1: i32, %arg2: memref<10000x128xf32, #tpu.memory_space<hbm>>, %arg3: memref<10000x128xf32, #tpu.memory_space<hbm>>, %arg4: memref<76800xi32, #tpu.memory_space<hbm>>, %arg5: memref<76800xi32, #tpu.memory_space<hbm>>, %arg6: memref<76800x128xf32, #tpu.memory_space<hbm>>, %arg7: memref<2400xi32, #tpu.memory_space<vmem>>, %arg8: memref<2400xi32, #tpu.memory_space<vmem>>, %arg9: memref<200x128xf32, #tpu.memory_space<vmem>>, %arg10: memref<200x128xf32, #tpu.memory_space<vmem>>, %arg11: memref<200x128xf32, #tpu.memory_space<vmem>>, %arg12: memref<200x128xf32, #tpu.memory_space<vmem>>, %arg13: memref<!tpu.dma_semaphore, #tpu.memory_space<semaphore_mem>>, %arg14: memref<!tpu.dma_semaphore, #tpu.memory_space<semaphore_mem>>, %arg15: memref<!tpu.dma_semaphore, #tpu.memory_space<semaphore_mem>>, %arg16: memref<!tpu.dma_semaphore, #tpu.memory_space<semaphore_mem>>, %arg17: memref<!tpu.dma_semaphore, #tpu.memory_space<semaphore_mem>>, %arg18: memref<!tpu.dma_semaphore, #tpu.memory_space<semaphore_mem>>) attributes {dimension_semantics = [#tpu.dimension_semantics<core_parallel>, #tpu.dimension_semantics<subcore_parallel>], iteration_bounds = array<i64: 2, 16>, scalar_prefetch = 0 : i64, scratch_operands = 12 : i64, tpu.core_type = #tpu.core_type<sc_vector_subcore>, window_params = [{transform_indices = #map}, {transform_indices = #map}, {transform_indices = #map1}, {transform_indices = #map1}, {transform_indices = #map}]} {
    %mul3A = arith.constant 2 : i32
    %mul3A_0 = arith.muli %arg1, %mul3A : i32
    %add3A = arith.addi %mul3A_0, %arg0 : i32
    %mul3A_1 = arith.constant 2400 : i32
    %mul3A_2 = arith.muli %add3A, %mul3A_1 : i32
    "tpu.region"() ({
      %run_scoped3A = tpu.sem_alloc : memref<!tpu.dma_semaphore, #tpu.memory_space<semaphore_mem>>
      %dma_start3A_34 = tpu.memref_slice %arg4[%mul3A_2] : memref<76800xi32, #tpu.memory_space<hbm>> -> memref<2400xi32, #tpu.memory_space<hbm>>
      %dma_start3A_35 = tpu.memref_slice %arg4[%mul3A_2] : memref<76800xi32, #tpu.memory_space<hbm>> -> memref<2400xi32, #tpu.memory_space<hbm>>
      tpu.enqueue_dma source(%dma_start3A_35 : memref<2400xi32, #tpu.memory_space<hbm>>) target(%arg7 : memref<2400xi32, #tpu.memory_space<vmem>>) target_semaphore(%run_scoped3A : memref<!tpu.dma_semaphore, #tpu.memory_space<semaphore_mem>>)
      %dma_wait3A_36 = tpu.memref_slice %arg4[%mul3A_2] : memref<76800xi32, #tpu.memory_space<hbm>> -> memref<2400xi32, #tpu.memory_space<hbm>>
      %dma_wait3A_37 = tpu.memref_slice %arg4[%mul3A_2] : memref<76800xi32, #tpu.memory_space<hbm>> -> memref<2400xi32, #tpu.memory_space<hbm>>
      tpu.wait_dma2 semaphore(%run_scoped3A : memref<!tpu.dma_semaphore, #tpu.memory_space<semaphore_mem>>) src(%dma_wait3A_37 : memref<2400xi32, #tpu.memory_space<hbm>>) dst(%arg7 : memref<2400xi32, #tpu.memory_space<vmem>>)
      tpu.yield
    }) : () -> ()
    "tpu.region"() ({
      %run_scoped3A = tpu.sem_alloc : memref<!tpu.dma_semaphore, #tpu.memory_space<semaphore_mem>>
      %dma_start3A_34 = tpu.memref_slice %arg5[%mul3A_2] : memref<76800xi32, #tpu.memory_space<hbm>> -> memref<2400xi32, #tpu.memory_space<hbm>>
      %dma_start3A_35 = tpu.memref_slice %arg5[%mul3A_2] : memref<76800xi32, #tpu.memory_space<hbm>> -> memref<2400xi32, #tpu.memory_space<hbm>>
      tpu.enqueue_dma source(%dma_start3A_35 : memref<2400xi32, #tpu.memory_space<hbm>>) target(%arg8 : memref<2400xi32, #tpu.memory_space<vmem>>) target_semaphore(%run_scoped3A : memref<!tpu.dma_semaphore, #tpu.memory_space<semaphore_mem>>)
      %dma_wait3A_36 = tpu.memref_slice %arg5[%mul3A_2] : memref<76800xi32, #tpu.memory_space<hbm>> -> memref<2400xi32, #tpu.memory_space<hbm>>
      %dma_wait3A_37 = tpu.memref_slice %arg5[%mul3A_2] : memref<76800xi32, #tpu.memory_space<hbm>> -> memref<2400xi32, #tpu.memory_space<hbm>>
      tpu.wait_dma2 semaphore(%run_scoped3A : memref<!tpu.dma_semaphore, #tpu.memory_space<semaphore_mem>>) src(%dma_wait3A_37 : memref<2400xi32, #tpu.memory_space<hbm>>) dst(%arg8 : memref<2400xi32, #tpu.memory_space<vmem>>)
      tpu.yield
    }) : () -> ()
    %dma_start3A = arith.constant 0 : i32
    %dma_start3A_3 = tpu.memref_slice %arg7[%dma_start3A] : memref<2400xi32, #tpu.memory_space<vmem>> -> memref<200xi32, #tpu.memory_space<vmem>>
    %dma_start3A_4 = arith.constant 0 : i32
    %dma_start3A_5 = arith.constant 0 : i32
    %dma_start3A_6 = tpu.memref_slice %arg2[%dma_start3A_4, %dma_start3A_5] : memref<10000x128xf32, #tpu.memory_space<hbm>> -> memref<10000x128xf32, #tpu.memory_space<hbm>>
    tpu.enqueue_indirect_dma source(%dma_start3A_6 : memref<10000x128xf32, #tpu.memory_space<hbm>>) target(%arg9 : memref<200x128xf32, #tpu.memory_space<vmem>>) offsets(%dma_start3A_3 : memref<200xi32, #tpu.memory_space<vmem>>) semaphore(%arg13 : memref<!tpu.dma_semaphore, #tpu.memory_space<semaphore_mem>>)
    %dma_start3A_7 = arith.constant 0 : i32
    %dma_start3A_8 = tpu.memref_slice %arg8[%dma_start3A_7] : memref<2400xi32, #tpu.memory_space<vmem>> -> memref<200xi32, #tpu.memory_space<vmem>>
    %dma_start3A_9 = arith.constant 0 : i32
    %dma_start3A_10 = arith.constant 0 : i32
    %dma_start3A_11 = tpu.memref_slice %arg3[%dma_start3A_9, %dma_start3A_10] : memref<10000x128xf32, #tpu.memory_space<hbm>> -> memref<10000x128xf32, #tpu.memory_space<hbm>>
    tpu.enqueue_indirect_dma source(%dma_start3A_11 : memref<10000x128xf32, #tpu.memory_space<hbm>>) target(%arg10 : memref<200x128xf32, #tpu.memory_space<vmem>>) offsets(%dma_start3A_8 : memref<200xi32, #tpu.memory_space<vmem>>) semaphore(%arg14 : memref<!tpu.dma_semaphore, #tpu.memory_space<semaphore_mem>>)
    %dma_start3A_12 = arith.constant 200 : i32
    %dma_start3A_13 = tpu.memref_slice %arg7[%dma_start3A_12] : memref<2400xi32, #tpu.memory_space<vmem>> -> memref<200xi32, #tpu.memory_space<vmem>>
    %dma_start3A_14 = arith.constant 0 : i32
    %dma_start3A_15 = arith.constant 0 : i32
    %dma_start3A_16 = tpu.memref_slice %arg2[%dma_start3A_14, %dma_start3A_15] : memref<10000x128xf32, #tpu.memory_space<hbm>> -> memref<10000x128xf32, #tpu.memory_space<hbm>>
    tpu.enqueue_indirect_dma source(%dma_start3A_16 : memref<10000x128xf32, #tpu.memory_space<hbm>>) target(%arg11 : memref<200x128xf32, #tpu.memory_space<vmem>>) offsets(%dma_start3A_13 : memref<200xi32, #tpu.memory_space<vmem>>) semaphore(%arg15 : memref<!tpu.dma_semaphore, #tpu.memory_space<semaphore_mem>>)
    %dma_start3A_17 = arith.constant 200 : i32
    %dma_start3A_18 = tpu.memref_slice %arg8[%dma_start3A_17] : memref<2400xi32, #tpu.memory_space<vmem>> -> memref<200xi32, #tpu.memory_space<vmem>>
    %dma_start3A_19 = arith.constant 0 : i32
    %dma_start3A_20 = arith.constant 0 : i32
    %dma_start3A_21 = tpu.memref_slice %arg3[%dma_start3A_19, %dma_start3A_20] : memref<10000x128xf32, #tpu.memory_space<hbm>> -> memref<10000x128xf32, #tpu.memory_space<hbm>>
    tpu.enqueue_indirect_dma source(%dma_start3A_21 : memref<10000x128xf32, #tpu.memory_space<hbm>>) target(%arg12 : memref<200x128xf32, #tpu.memory_space<vmem>>) offsets(%dma_start3A_18 : memref<200xi32, #tpu.memory_space<vmem>>) semaphore(%arg16 : memref<!tpu.dma_semaphore, #tpu.memory_space<semaphore_mem>>)
    %scan3A = arith.constant 0 : i32
    %scan3A_22 = arith.constant 0 : i32
    %scan3A_23 = arith.constant 6 : i32
    %scan3A_24 = arith.addi %scan3A_22, %scan3A_23 : i32
    %scan3A_25 = arith.constant 1 : i32
    scf.for %scan3A_34 = %scan3A_22 to %scan3A_24 step %scan3A_25  : i32 {
      %mul3A_35 = arith.constant 2 : i32
      %mul3A_36 = arith.muli %mul3A_35, %scan3A_34 : i32
      %add3A_37 = arith.constant 0 : i32
      %add3A_38 = arith.addi %mul3A_36, %add3A_37 : i32
      %dma_wait3A_39 = arith.constant 0 : i32
      %dma_wait3A_40 = tpu.memref_slice %arg7[%dma_wait3A_39] : memref<2400xi32, #tpu.memory_space<vmem>> -> memref<200xi32, #tpu.memory_space<vmem>>
      %dma_wait3A_41 = arith.constant 0 : i32
      %dma_wait3A_42 = arith.constant 0 : i32
      %dma_wait3A_43 = tpu.memref_slice %arg2[%dma_wait3A_41, %dma_wait3A_42] : memref<10000x128xf32, #tpu.memory_space<hbm>> -> memref<10000x128xf32, #tpu.memory_space<hbm>>
      tpu.wait_indirect_dma semaphore(%arg13 : memref<!tpu.dma_semaphore, #tpu.memory_space<semaphore_mem>>) src(%dma_wait3A_43 : memref<10000x128xf32, #tpu.memory_space<hbm>>) dst(%arg9 : memref<200x128xf32, #tpu.memory_space<vmem>>)
      %dma_wait3A_44 = arith.constant 0 : i32
      %dma_wait3A_45 = tpu.memref_slice %arg8[%dma_wait3A_44] : memref<2400xi32, #tpu.memory_space<vmem>> -> memref<200xi32, #tpu.memory_space<vmem>>
      %dma_wait3A_46 = arith.constant 0 : i32
      %dma_wait3A_47 = arith.constant 0 : i32
      %dma_wait3A_48 = tpu.memref_slice %arg3[%dma_wait3A_46, %dma_wait3A_47] : memref<10000x128xf32, #tpu.memory_space<hbm>> -> memref<10000x128xf32, #tpu.memory_space<hbm>>
      tpu.wait_indirect_dma semaphore(%arg14 : memref<!tpu.dma_semaphore, #tpu.memory_space<semaphore_mem>>) src(%dma_wait3A_48 : memref<10000x128xf32, #tpu.memory_space<hbm>>) dst(%arg10 : memref<200x128xf32, #tpu.memory_space<vmem>>)
      %scan3A_49 = arith.constant 0 : i32
      %scan3A_50 = arith.constant 0 : i32
      %scan3A_51 = arith.constant 200 : i32
      %scan3A_52 = arith.addi %scan3A_50, %scan3A_51 : i32
      %scan3A_53 = arith.constant 1 : i32
      scf.for %scan3A_98 = %scan3A_50 to %scan3A_52 step %scan3A_53  : i32 {
        %get3A = arith.index_cast %scan3A_98 : i32 to index
        %get3A_99 = arith.constant 0 : index
        %get3A_100 = tpu.vector_load %arg9[%get3A, %get3A_99] {strides = array<i32>} : memref<200x128xf32, #tpu.memory_space<vmem>>, vector<1x16xf32>,
        %get3A_101 = vector.shape_cast %get3A_100 : vector<1x16xf32> to vector<16xf32>
        %get3A_102 = arith.index_cast %scan3A_98 : i32 to index
        %get3A_103 = arith.constant 0 : index
        %get3A_104 = tpu.vector_load %arg10[%get3A_102, %get3A_103] {strides = array<i32>} : memref<200x128xf32, #tpu.memory_space<vmem>>, vector<1x16xf32>,
        %get3A_105 = vector.shape_cast %get3A_104 : vector<1x16xf32> to vector<16xf32>
        %add3A_106 = arith.addf %get3A_101, %get3A_105 : vector<16xf32>
        %swap3A = arith.index_cast %scan3A_98 : i32 to index
        %swap3A_107 = arith.constant 0 : index
        %swap3A_108 = tpu.vector_load %arg9[%swap3A, %swap3A_107] {strides = array<i32>} : memref<200x128xf32, #tpu.memory_space<vmem>>, vector<1x16xf32>,
        %swap3A_109 = vector.shape_cast %swap3A_108 : vector<1x16xf32> to vector<16xf32>
        %swap3A_110 = vector.shape_cast %add3A_106 : vector<16xf32> to vector<1x16xf32>
        tpu.vector_store %arg9[%swap3A, %swap3A_107], %swap3A_110 {strides = array<i32>} : memref<200x128xf32, #tpu.memory_space<vmem>>, vector<1x16xf32>,
        %get3A_111 = arith.index_cast %scan3A_98 : i32 to index
        %get3A_112 = arith.constant 16 : index
        %get3A_113 = tpu.vector_load %arg9[%get3A_111, %get3A_112] {strides = array<i32>} : memref<200x128xf32, #tpu.memory_space<vmem>>, vector<1x16xf32>,
        %get3A_114 = vector.shape_cast %get3A_113 : vector<1x16xf32> to vector<16xf32>
        %get3A_115 = arith.index_cast %scan3A_98 : i32 to index
        %get3A_116 = arith.constant 16 : index
        %get3A_117 = tpu.vector_load %arg10[%get3A_115, %get3A_116] {strides = array<i32>} : memref<200x128xf32, #tpu.memory_space<vmem>>, vector<1x16xf32>,
        %get3A_118 = vector.shape_cast %get3A_117 : vector<1x16xf32> to vector<16xf32>
        %add3A_119 = arith.addf %get3A_114, %get3A_118 : vector<16xf32>
        %swap3A_120 = arith.index_cast %scan3A_98 : i32 to index
        %swap3A_121 = arith.constant 16 : index
        %swap3A_122 = tpu.vector_load %arg9[%swap3A_120, %swap3A_121] {strides = array<i32>} : memref<200x128xf32, #tpu.memory_space<vmem>>, vector<1x16xf32>,
        %swap3A_123 = vector.shape_cast %swap3A_122 : vector<1x16xf32> to vector<16xf32>
        %swap3A_124 = vector.shape_cast %add3A_119 : vector<16xf32> to vector<1x16xf32>
        tpu.vector_store %arg9[%swap3A_120, %swap3A_121], %swap3A_124 {strides = array<i32>} : memref<200x128xf32, #tpu.memory_space<vmem>>, vector<1x16xf32>,
        %get3A_125 = arith.index_cast %scan3A_98 : i32 to index
        %get3A_126 = arith.constant 32 : index
        %get3A_127 = tpu.vector_load %arg9[%get3A_125, %get3A_126] {strides = array<i32>} : memref<200x128xf32, #tpu.memory_space<vmem>>, vector<1x16xf32>,
        %get3A_128 = vector.shape_cast %get3A_127 : vector<1x16xf32> to vector<16xf32>
        %get3A_129 = arith.index_cast %scan3A_98 : i32 to index
        %get3A_130 = arith.constant 32 : index
        %get3A_131 = tpu.vector_load %arg10[%get3A_129, %get3A_130] {strides = array<i32>} : memref<200x128xf32, #tpu.memory_space<vmem>>, vector<1x16xf32>,
        %get3A_132 = vector.shape_cast %get3A_131 : vector<1x16xf32> to vector<16xf32>
        %add3A_133 = arith.addf %get3A_128, %get3A_132 : vector<16xf32>
        %swap3A_134 = arith.index_cast %scan3A_98 : i32 to index
        %swap3A_135 = arith.constant 32 : index
        %swap3A_136 = tpu.vector_load %arg9[%swap3A_134, %swap3A_135] {strides = array<i32>} : memref<200x128xf32, #tpu.memory_space<vmem>>, vector<1x16xf32>,
        %swap3A_137 = vector.shape_cast %swap3A_136 : vector<1x16xf32> to vector<16xf32>
        %swap3A_138 = vector.shape_cast %add3A_133 : vector<16xf32> to vector<1x16xf32>
        tpu.vector_store %arg9[%swap3A_134, %swap3A_135], %swap3A_138 {strides = array<i32>} : memref<200x128xf32, #tpu.memory_space<vmem>>, vector<1x16xf32>,
        %get3A_139 = arith.index_cast %scan3A_98 : i32 to index
        %get3A_140 = arith.constant 48 : index
        %get3A_141 = tpu.vector_load %arg9[%get3A_139, %get3A_140] {strides = array<i32>} : memref<200x128xf32, #tpu.memory_space<vmem>>, vector<1x16xf32>,
        %get3A_142 = vector.shape_cast %get3A_141 : vector<1x16xf32> to vector<16xf32>
        %get3A_143 = arith.index_cast %scan3A_98 : i32 to index
        %get3A_144 = arith.constant 48 : index
        %get3A_145 = tpu.vector_load %arg10[%get3A_143, %get3A_144] {strides = array<i32>} : memref<200x128xf32, #tpu.memory_space<vmem>>, vector<1x16xf32>,
        %get3A_146 = vector.shape_cast %get3A_145 : vector<1x16xf32> to vector<16xf32>
        %add3A_147 = arith.addf %get3A_142, %get3A_146 : vector<16xf32>
        %swap3A_148 = arith.index_cast %scan3A_98 : i32 to index
        %swap3A_149 = arith.constant 48 : index
        %swap3A_150 = tpu.vector_load %arg9[%swap3A_148, %swap3A_149] {strides = array<i32>} : memref<200x128xf32, #tpu.memory_space<vmem>>, vector<1x16xf32>,
        %swap3A_151 = vector.shape_cast %swap3A_150 : vector<1x16xf32> to vector<16xf32>
        %swap3A_152 = vector.shape_cast %add3A_147 : vector<16xf32> to vector<1x16xf32>
        tpu.vector_store %arg9[%swap3A_148, %swap3A_149], %swap3A_152 {strides = array<i32>} : memref<200x128xf32, #tpu.memory_space<vmem>>, vector<1x16xf32>,
        %get3A_153 = arith.index_cast %scan3A_98 : i32 to index
        %get3A_154 = arith.constant 64 : index
        %get3A_155 = tpu.vector_load %arg9[%get3A_153, %get3A_154] {strides = array<i32>} : memref<200x128xf32, #tpu.memory_space<vmem>>, vector<1x16xf32>,
        %get3A_156 = vector.shape_cast %get3A_155 : vector<1x16xf32> to vector<16xf32>
        %get3A_157 = arith.index_cast %scan3A_98 : i32 to index
        %get3A_158 = arith.constant 64 : index
        %get3A_159 = tpu.vector_load %arg10[%get3A_157, %get3A_158] {strides = array<i32>} : memref<200x128xf32, #tpu.memory_space<vmem>>, vector<1x16xf32>,
        %get3A_160 = vector.shape_cast %get3A_159 : vector<1x16xf32> to vector<16xf32>
        %add3A_161 = arith.addf %get3A_156, %get3A_160 : vector<16xf32>
        %swap3A_162 = arith.index_cast %scan3A_98 : i32 to index
        %swap3A_163 = arith.constant 64 : index
        %swap3A_164 = tpu.vector_load %arg9[%swap3A_162, %swap3A_163] {strides = array<i32>} : memref<200x128xf32, #tpu.memory_space<vmem>>, vector<1x16xf32>,
        %swap3A_165 = vector.shape_cast %swap3A_164 : vector<1x16xf32> to vector<16xf32>
        %swap3A_166 = vector.shape_cast %add3A_161 : vector<16xf32> to vector<1x16xf32>
        tpu.vector_store %arg9[%swap3A_162, %swap3A_163], %swap3A_166 {strides = array<i32>} : memref<200x128xf32, #tpu.memory_space<vmem>>, vector<1x16xf32>,
        %get3A_167 = arith.index_cast %scan3A_98 : i32 to index
        %get3A_168 = arith.constant 80 : index
        %get3A_169 = tpu.vector_load %arg9[%get3A_167, %get3A_168] {strides = array<i32>} : memref<200x128xf32, #tpu.memory_space<vmem>>, vector<1x16xf32>,
        %get3A_170 = vector.shape_cast %get3A_169 : vector<1x16xf32> to vector<16xf32>
        %get3A_171 = arith.index_cast %scan3A_98 : i32 to index
        %get3A_172 = arith.constant 80 : index
        %get3A_173 = tpu.vector_load %arg10[%get3A_171, %get3A_172] {strides = array<i32>} : memref<200x128xf32, #tpu.memory_space<vmem>>, vector<1x16xf32>,
        %get3A_174 = vector.shape_cast %get3A_173 : vector<1x16xf32> to vector<16xf32>
        %add3A_175 = arith.addf %get3A_170, %get3A_174 : vector<16xf32>
        %swap3A_176 = arith.index_cast %scan3A_98 : i32 to index
        %swap3A_177 = arith.constant 80 : index
        %swap3A_178 = tpu.vector_load %arg9[%swap3A_176, %swap3A_177] {strides = array<i32>} : memref<200x128xf32, #tpu.memory_space<vmem>>, vector<1x16xf32>,
        %swap3A_179 = vector.shape_cast %swap3A_178 : vector<1x16xf32> to vector<16xf32>
        %swap3A_180 = vector.shape_cast %add3A_175 : vector<16xf32> to vector<1x16xf32>
        tpu.vector_store %arg9[%swap3A_176, %swap3A_177], %swap3A_180 {strides = array<i32>} : memref<200x128xf32, #tpu.memory_space<vmem>>, vector<1x16xf32>,
        %get3A_181 = arith.index_cast %scan3A_98 : i32 to index
        %get3A_182 = arith.constant 96 : index
        %get3A_183 = tpu.vector_load %arg9[%get3A_181, %get3A_182] {strides = array<i32>} : memref<200x128xf32, #tpu.memory_space<vmem>>, vector<1x16xf32>,
        %get3A_184 = vector.shape_cast %get3A_183 : vector<1x16xf32> to vector<16xf32>
        %get3A_185 = arith.index_cast %scan3A_98 : i32 to index
        %get3A_186 = arith.constant 96 : index
        %get3A_187 = tpu.vector_load %arg10[%get3A_185, %get3A_186] {strides = array<i32>} : memref<200x128xf32, #tpu.memory_space<vmem>>, vector<1x16xf32>,
        %get3A_188 = vector.shape_cast %get3A_187 : vector<1x16xf32> to vector<16xf32>
        %add3A_189 = arith.addf %get3A_184, %get3A_188 : vector<16xf32>
        %swap3A_190 = arith.index_cast %scan3A_98 : i32 to index
        %swap3A_191 = arith.constant 96 : index
        %swap3A_192 = tpu.vector_load %arg9[%swap3A_190, %swap3A_191] {strides = array<i32>} : memref<200x128xf32, #tpu.memory_space<vmem>>, vector<1x16xf32>,
        %swap3A_193 = vector.shape_cast %swap3A_192 : vector<1x16xf32> to vector<16xf32>
        %swap3A_194 = vector.shape_cast %add3A_189 : vector<16xf32> to vector<1x16xf32>
        tpu.vector_store %arg9[%swap3A_190, %swap3A_191], %swap3A_194 {strides = array<i32>} : memref<200x128xf32, #tpu.memory_space<vmem>>, vector<1x16xf32>,
        %get3A_195 = arith.index_cast %scan3A_98 : i32 to index
        %get3A_196 = arith.constant 112 : index
        %get3A_197 = tpu.vector_load %arg9[%get3A_195, %get3A_196] {strides = array<i32>} : memref<200x128xf32, #tpu.memory_space<vmem>>, vector<1x16xf32>,
        %get3A_198 = vector.shape_cast %get3A_197 : vector<1x16xf32> to vector<16xf32>
        %get3A_199 = arith.index_cast %scan3A_98 : i32 to index
        %get3A_200 = arith.constant 112 : index
        %get3A_201 = tpu.vector_load %arg10[%get3A_199, %get3A_200] {strides = array<i32>} : memref<200x128xf32, #tpu.memory_space<vmem>>, vector<1x16xf32>,
        %get3A_202 = vector.shape_cast %get3A_201 : vector<1x16xf32> to vector<16xf32>
        %add3A_203 = arith.addf %get3A_198, %get3A_202 : vector<16xf32>
        %swap3A_204 = arith.index_cast %scan3A_98 : i32 to index
        %swap3A_205 = arith.constant 112 : index
        %swap3A_206 = tpu.vector_load %arg9[%swap3A_204, %swap3A_205] {strides = array<i32>} : memref<200x128xf32, #tpu.memory_space<vmem>>, vector<1x16xf32>,
        %swap3A_207 = vector.shape_cast %swap3A_206 : vector<1x16xf32> to vector<16xf32>
        %swap3A_208 = vector.shape_cast %add3A_203 : vector<16xf32> to vector<1x16xf32>
        tpu.vector_store %arg9[%swap3A_204, %swap3A_205], %swap3A_208 {strides = array<i32>} : memref<200x128xf32, #tpu.memory_space<vmem>>, vector<1x16xf32>,
      }
      %scan3A_54 = arith.constant 200 : i32
      %mul3A_55 = arith.constant 200 : i32
      %mul3A_56 = arith.muli %add3A_38, %mul3A_55 : i32
      %add3A_57 = arith.addi %mul3A_2, %mul3A_56 : i32
      %dma_start3A_58 = arith.constant 0 : i32
      %dma_start3A_59 = tpu.memref_slice %arg6[%add3A_57, %dma_start3A_58] : memref<76800x128xf32, #tpu.memory_space<hbm>> -> memref<200x128xf32, #tpu.memory_space<hbm>>
      %dma_start3A_60 = arith.constant 0 : i32
      %dma_start3A_61 = tpu.memref_slice %arg6[%add3A_57, %dma_start3A_60] : memref<76800x128xf32, #tpu.memory_space<hbm>> -> memref<200x128xf32, #tpu.memory_space<hbm>>
      tpu.enqueue_dma source(%arg9 : memref<200x128xf32, #tpu.memory_space<vmem>>) target(%dma_start3A_61 : memref<200x128xf32, #tpu.memory_space<hbm>>) target_semaphore(%arg17 : memref<!tpu.dma_semaphore, #tpu.memory_space<semaphore_mem>>)
      %add3A_62 = arith.constant 2 : i32
      %add3A_63 = arith.addi %add3A_38, %add3A_62 : i32
      %lt3A = arith.constant 12 : i32
      %lt3A_64 = arith.cmpi slt, %add3A_63, %lt3A : i32
      %convert_element_type3A = arith.extui %lt3A_64 : i1 to i32
      %cond3A = arith.constant 0 : i32
      %cond3A_65 = arith.cmpi ne, %convert_element_type3A, %cond3A : i32
      scf.if %cond3A_65 {
        %dma_wait3A_98 = arith.constant 0 : i32
        %dma_wait3A_99 = tpu.memref_slice %arg6[%mul3A_2, %dma_wait3A_98] : memref<76800x128xf32, #tpu.memory_space<hbm>> -> memref<200x128xf32, #tpu.memory_space<hbm>>
        %dma_wait3A_100 = arith.constant 0 : i32
        %dma_wait3A_101 = tpu.memref_slice %arg6[%mul3A_2, %dma_wait3A_100] : memref<76800x128xf32, #tpu.memory_space<hbm>> -> memref<200x128xf32, #tpu.memory_space<hbm>>
        tpu.wait_dma2 semaphore(%arg17 : memref<!tpu.dma_semaphore, #tpu.memory_space<semaphore_mem>>) src(%arg9 : memref<200x128xf32, #tpu.memory_space<vmem>>) dst(%dma_wait3A_101 : memref<200x128xf32, #tpu.memory_space<hbm>>)
        %add3A_102 = arith.constant 2 : i32
        %add3A_103 = arith.addi %add3A_38, %add3A_102 : i32
        %mul3A_104 = arith.constant 200 : i32
        %mul3A_105 = arith.muli %add3A_103, %mul3A_104 : i32
        %dma_start3A_106 = tpu.memref_slice %arg7[%mul3A_105] : memref<2400xi32, #tpu.memory_space<vmem>> -> memref<200xi32, #tpu.memory_space<vmem>>
        %dma_start3A_107 = arith.constant 0 : i32
        %dma_start3A_108 = arith.constant 0 : i32
        %dma_start3A_109 = tpu.memref_slice %arg2[%dma_start3A_107, %dma_start3A_108] : memref<10000x128xf32, #tpu.memory_space<hbm>> -> memref<10000x128xf32, #tpu.memory_space<hbm>>
        tpu.enqueue_indirect_dma source(%dma_start3A_109 : memref<10000x128xf32, #tpu.memory_space<hbm>>) target(%arg9 : memref<200x128xf32, #tpu.memory_space<vmem>>) offsets(%dma_start3A_106 : memref<200xi32, #tpu.memory_space<vmem>>) semaphore(%arg13 : memref<!tpu.dma_semaphore, #tpu.memory_space<semaphore_mem>>)
        %dma_start3A_110 = tpu.memref_slice %arg8[%mul3A_105] : memref<2400xi32, #tpu.memory_space<vmem>> -> memref<200xi32, #tpu.memory_space<vmem>>
        %dma_start3A_111 = arith.constant 0 : i32
        %dma_start3A_112 = arith.constant 0 : i32
        %dma_start3A_113 = tpu.memref_slice %arg3[%dma_start3A_111, %dma_start3A_112] : memref<10000x128xf32, #tpu.memory_space<hbm>> -> memref<10000x128xf32, #tpu.memory_space<hbm>>
        tpu.enqueue_indirect_dma source(%dma_start3A_113 : memref<10000x128xf32, #tpu.memory_space<hbm>>) target(%arg10 : memref<200x128xf32, #tpu.memory_space<vmem>>) offsets(%dma_start3A_110 : memref<200xi32, #tpu.memory_space<vmem>>) semaphore(%arg14 : memref<!tpu.dma_semaphore, #tpu.memory_space<semaphore_mem>>)
      } else {
      }
      %add3A_66 = arith.constant 1 : i32
      %add3A_67 = arith.addi %mul3A_36, %add3A_66 : i32
      %dma_wait3A_68 = arith.constant 0 : i32
      %dma_wait3A_69 = tpu.memref_slice %arg7[%dma_wait3A_68] : memref<2400xi32, #tpu.memory_space<vmem>> -> memref<200xi32, #tpu.memory_space<vmem>>
      %dma_wait3A_70 = arith.constant 0 : i32
      %dma_wait3A_71 = arith.constant 0 : i32
      %dma_wait3A_72 = tpu.memref_slice %arg2[%dma_wait3A_70, %dma_wait3A_71] : memref<10000x128xf32, #tpu.memory_space<hbm>> -> memref<10000x128xf32, #tpu.memory_space<hbm>>
      tpu.wait_indirect_dma semaphore(%arg15 : memref<!tpu.dma_semaphore, #tpu.memory_space<semaphore_mem>>) src(%dma_wait3A_72 : memref<10000x128xf32, #tpu.memory_space<hbm>>) dst(%arg11 : memref<200x128xf32, #tpu.memory_space<vmem>>)
      %dma_wait3A_73 = arith.constant 0 : i32
      %dma_wait3A_74 = tpu.memref_slice %arg8[%dma_wait3A_73] : memref<2400xi32, #tpu.memory_space<vmem>> -> memref<200xi32, #tpu.memory_space<vmem>>
      %dma_wait3A_75 = arith.constant 0 : i32
      %dma_wait3A_76 = arith.constant 0 : i32
      %dma_wait3A_77 = tpu.memref_slice %arg3[%dma_wait3A_75, %dma_wait3A_76] : memref<10000x128xf32, #tpu.memory_space<hbm>> -> memref<10000x128xf32, #tpu.memory_space<hbm>>
      tpu.wait_indirect_dma semaphore(%arg16 : memref<!tpu.dma_semaphore, #tpu.memory_space<semaphore_mem>>) src(%dma_wait3A_77 : memref<10000x128xf32, #tpu.memory_space<hbm>>) dst(%arg12 : memref<200x128xf32, #tpu.memory_space<vmem>>)
      %scan3A_78 = arith.constant 0 : i32
      %scan3A_79 = arith.constant 0 : i32
      %scan3A_80 = arith.constant 200 : i32
      %scan3A_81 = arith.addi %scan3A_79, %scan3A_80 : i32
      %scan3A_82 = arith.constant 1 : i32
      scf.for %scan3A_98 = %scan3A_79 to %scan3A_81 step %scan3A_82  : i32 {
        %get3A = arith.index_cast %scan3A_98 : i32 to index
        %get3A_99 = arith.constant 0 : index
        %get3A_100 = tpu.vector_load %arg11[%get3A, %get3A_99] {strides = array<i32>} : memref<200x128xf32, #tpu.memory_space<vmem>>, vector<1x16xf32>,
        %get3A_101 = vector.shape_cast %get3A_100 : vector<1x16xf32> to vector<16xf32>
        %get3A_102 = arith.index_cast %scan3A_98 : i32 to index
        %get3A_103 = arith.constant 0 : index
        %get3A_104 = tpu.vector_load %arg12[%get3A_102, %get3A_103] {strides = array<i32>} : memref<200x128xf32, #tpu.memory_space<vmem>>, vector<1x16xf32>,
        %get3A_105 = vector.shape_cast %get3A_104 : vector<1x16xf32> to vector<16xf32>
        %add3A_106 = arith.addf %get3A_101, %get3A_105 : vector<16xf32>
        %swap3A = arith.index_cast %scan3A_98 : i32 to index
        %swap3A_107 = arith.constant 0 : index
        %swap3A_108 = tpu.vector_load %arg11[%swap3A, %swap3A_107] {strides = array<i32>} : memref<200x128xf32, #tpu.memory_space<vmem>>, vector<1x16xf32>,
        %swap3A_109 = vector.shape_cast %swap3A_108 : vector<1x16xf32> to vector<16xf32>
        %swap3A_110 = vector.shape_cast %add3A_106 : vector<16xf32> to vector<1x16xf32>
        tpu.vector_store %arg11[%swap3A, %swap3A_107], %swap3A_110 {strides = array<i32>} : memref<200x128xf32, #tpu.memory_space<vmem>>, vector<1x16xf32>,
        %get3A_111 = arith.index_cast %scan3A_98 : i32 to index
        %get3A_112 = arith.constant 16 : index
        %get3A_113 = tpu.vector_load %arg11[%get3A_111, %get3A_112] {strides = array<i32>} : memref<200x128xf32, #tpu.memory_space<vmem>>, vector<1x16xf32>,
        %get3A_114 = vector.shape_cast %get3A_113 : vector<1x16xf32> to vector<16xf32>
        %get3A_115 = arith.index_cast %scan3A_98 : i32 to index
        %get3A_116 = arith.constant 16 : index
        %get3A_117 = tpu.vector_load %arg12[%get3A_115, %get3A_116] {strides = array<i32>} : memref<200x128xf32, #tpu.memory_space<vmem>>, vector<1x16xf32>,
        %get3A_118 = vector.shape_cast %get3A_117 : vector<1x16xf32> to vector<16xf32>
        %add3A_119 = arith.addf %get3A_114, %get3A_118 : vector<16xf32>
        %swap3A_120 = arith.index_cast %scan3A_98 : i32 to index
        %swap3A_121 = arith.constant 16 : index
        %swap3A_122 = tpu.vector_load %arg11[%swap3A_120, %swap3A_121] {strides = array<i32>} : memref<200x128xf32, #tpu.memory_space<vmem>>, vector<1x16xf32>,
        %swap3A_123 = vector.shape_cast %swap3A_122 : vector<1x16xf32> to vector<16xf32>
        %swap3A_124 = vector.shape_cast %add3A_119 : vector<16xf32> to vector<1x16xf32>
        tpu.vector_store %arg11[%swap3A_120, %swap3A_121], %swap3A_124 {strides = array<i32>} : memref<200x128xf32, #tpu.memory_space<vmem>>, vector<1x16xf32>,
        %get3A_125 = arith.index_cast %scan3A_98 : i32 to index
        %get3A_126 = arith.constant 32 : index
        %get3A_127 = tpu.vector_load %arg11[%get3A_125, %get3A_126] {strides = array<i32>} : memref<200x128xf32, #tpu.memory_space<vmem>>, vector<1x16xf32>,
        %get3A_128 = vector.shape_cast %get3A_127 : vector<1x16xf32> to vector<16xf32>
        %get3A_129 = arith.index_cast %scan3A_98 : i32 to index
        %get3A_130 = arith.constant 32 : index
        %get3A_131 = tpu.vector_load %arg12[%get3A_129, %get3A_130] {strides = array<i32>} : memref<200x128xf32, #tpu.memory_space<vmem>>, vector<1x16xf32>,
        %get3A_132 = vector.shape_cast %get3A_131 : vector<1x16xf32> to vector<16xf32>
        %add3A_133 = arith.addf %get3A_128, %get3A_132 : vector<16xf32>
        %swap3A_134 = arith.index_cast %scan3A_98 : i32 to index
        %swap3A_135 = arith.constant 32 : index
        %swap3A_136 = tpu.vector_load %arg11[%swap3A_134, %swap3A_135] {strides = array<i32>} : memref<200x128xf32, #tpu.memory_space<vmem>>, vector<1x16xf32>,
        %swap3A_137 = vector.shape_cast %swap3A_136 : vector<1x16xf32> to vector<16xf32>
        %swap3A_138 = vector.shape_cast %add3A_133 : vector<16xf32> to vector<1x16xf32>
        tpu.vector_store %arg11[%swap3A_134, %swap3A_135], %swap3A_138 {strides = array<i32>} : memref<200x128xf32, #tpu.memory_space<vmem>>, vector<1x16xf32>,
        %get3A_139 = arith.index_cast %scan3A_98 : i32 to index
        %get3A_140 = arith.constant 48 : index
        %get3A_141 = tpu.vector_load %arg11[%get3A_139, %get3A_140] {strides = array<i32>} : memref<200x128xf32, #tpu.memory_space<vmem>>, vector<1x16xf32>,
        %get3A_142 = vector.shape_cast %get3A_141 : vector<1x16xf32> to vector<16xf32>
        %get3A_143 = arith.index_cast %scan3A_98 : i32 to index
        %get3A_144 = arith.constant 48 : index
        %get3A_145 = tpu.vector_load %arg12[%get3A_143, %get3A_144] {strides = array<i32>} : memref<200x128xf32, #tpu.memory_space<vmem>>, vector<1x16xf32>,
        %get3A_146 = vector.shape_cast %get3A_145 : vector<1x16xf32> to vector<16xf32>
        %add3A_147 = arith.addf %get3A_142, %get3A_146 : vector<16xf32>
        %swap3A_148 = arith.index_cast %scan3A_98 : i32 to index
        %swap3A_149 = arith.constant 48 : index
        %swap3A_150 = tpu.vector_load %arg11[%swap3A_148, %swap3A_149] {strides = array<i32>} : memref<200x128xf32, #tpu.memory_space<vmem>>, vector<1x16xf32>,
        %swap3A_151 = vector.shape_cast %swap3A_150 : vector<1x16xf32> to vector<16xf32>
        %swap3A_152 = vector.shape_cast %add3A_147 : vector<16xf32> to vector<1x16xf32>
        tpu.vector_store %arg11[%swap3A_148, %swap3A_149], %swap3A_152 {strides = array<i32>} : memref<200x128xf32, #tpu.memory_space<vmem>>, vector<1x16xf32>,
        %get3A_153 = arith.index_cast %scan3A_98 : i32 to index
        %get3A_154 = arith.constant 64 : index
        %get3A_155 = tpu.vector_load %arg11[%get3A_153, %get3A_154] {strides = array<i32>} : memref<200x128xf32, #tpu.memory_space<vmem>>, vector<1x16xf32>,
        %get3A_156 = vector.shape_cast %get3A_155 : vector<1x16xf32> to vector<16xf32>
        %get3A_157 = arith.index_cast %scan3A_98 : i32 to index
        %get3A_158 = arith.constant 64 : index
        %get3A_159 = tpu.vector_load %arg12[%get3A_157, %get3A_158] {strides = array<i32>} : memref<200x128xf32, #tpu.memory_space<vmem>>, vector<1x16xf32>,
        %get3A_160 = vector.shape_cast %get3A_159 : vector<1x16xf32> to vector<16xf32>
        %add3A_161 = arith.addf %get3A_156, %get3A_160 : vector<16xf32>
        %swap3A_162 = arith.index_cast %scan3A_98 : i32 to index
        %swap3A_163 = arith.constant 64 : index
        %swap3A_164 = tpu.vector_load %arg11[%swap3A_162, %swap3A_163] {strides = array<i32>} : memref<200x128xf32, #tpu.memory_space<vmem>>, vector<1x16xf32>,
        %swap3A_165 = vector.shape_cast %swap3A_164 : vector<1x16xf32> to vector<16xf32>
        %swap3A_166 = vector.shape_cast %add3A_161 : vector<16xf32> to vector<1x16xf32>
        tpu.vector_store %arg11[%swap3A_162, %swap3A_163], %swap3A_166 {strides = array<i32>} : memref<200x128xf32, #tpu.memory_space<vmem>>, vector<1x16xf32>,
        %get3A_167 = arith.index_cast %scan3A_98 : i32 to index
        %get3A_168 = arith.constant 80 : index
        %get3A_169 = tpu.vector_load %arg11[%get3A_167, %get3A_168] {strides = array<i32>} : memref<200x128xf32, #tpu.memory_space<vmem>>, vector<1x16xf32>,
        %get3A_170 = vector.shape_cast %get3A_169 : vector<1x16xf32> to vector<16xf32>
        %get3A_171 = arith.index_cast %scan3A_98 : i32 to index
        %get3A_172 = arith.constant 80 : index
        %get3A_173 = tpu.vector_load %arg12[%get3A_171, %get3A_172] {strides = array<i32>} : memref<200x128xf32, #tpu.memory_space<vmem>>, vector<1x16xf32>,
        %get3A_174 = vector.shape_cast %get3A_173 : vector<1x16xf32> to vector<16xf32>
        %add3A_175 = arith.addf %get3A_170, %get3A_174 : vector<16xf32>
        %swap3A_176 = arith.index_cast %scan3A_98 : i32 to index
        %swap3A_177 = arith.constant 80 : index
        %swap3A_178 = tpu.vector_load %arg11[%swap3A_176, %swap3A_177] {strides = array<i32>} : memref<200x128xf32, #tpu.memory_space<vmem>>, vector<1x16xf32>,
        %swap3A_179 = vector.shape_cast %swap3A_178 : vector<1x16xf32> to vector<16xf32>
        %swap3A_180 = vector.shape_cast %add3A_175 : vector<16xf32> to vector<1x16xf32>
        tpu.vector_store %arg11[%swap3A_176, %swap3A_177], %swap3A_180 {strides = array<i32>} : memref<200x128xf32, #tpu.memory_space<vmem>>, vector<1x16xf32>,
        %get3A_181 = arith.index_cast %scan3A_98 : i32 to index
        %get3A_182 = arith.constant 96 : index
        %get3A_183 = tpu.vector_load %arg11[%get3A_181, %get3A_182] {strides = array<i32>} : memref<200x128xf32, #tpu.memory_space<vmem>>, vector<1x16xf32>,
        %get3A_184 = vector.shape_cast %get3A_183 : vector<1x16xf32> to vector<16xf32>
        %get3A_185 = arith.index_cast %scan3A_98 : i32 to index
        %get3A_186 = arith.constant 96 : index
        %get3A_187 = tpu.vector_load %arg12[%get3A_185, %get3A_186] {strides = array<i32>} : memref<200x128xf32, #tpu.memory_space<vmem>>, vector<1x16xf32>,
        %get3A_188 = vector.shape_cast %get3A_187 : vector<1x16xf32> to vector<16xf32>
        %add3A_189 = arith.addf %get3A_184, %get3A_188 : vector<16xf32>
        %swap3A_190 = arith.index_cast %scan3A_98 : i32 to index
        %swap3A_191 = arith.constant 96 : index
        %swap3A_192 = tpu.vector_load %arg11[%swap3A_190, %swap3A_191] {strides = array<i32>} : memref<200x128xf32, #tpu.memory_space<vmem>>, vector<1x16xf32>,
        %swap3A_193 = vector.shape_cast %swap3A_192 : vector<1x16xf32> to vector<16xf32>
        %swap3A_194 = vector.shape_cast %add3A_189 : vector<16xf32> to vector<1x16xf32>
        tpu.vector_store %arg11[%swap3A_190, %swap3A_191], %swap3A_194 {strides = array<i32>} : memref<200x128xf32, #tpu.memory_space<vmem>>, vector<1x16xf32>,
        %get3A_195 = arith.index_cast %scan3A_98 : i32 to index
        %get3A_196 = arith.constant 112 : index
        %get3A_197 = tpu.vector_load %arg11[%get3A_195, %get3A_196] {strides = array<i32>} : memref<200x128xf32, #tpu.memory_space<vmem>>, vector<1x16xf32>,
        %get3A_198 = vector.shape_cast %get3A_197 : vector<1x16xf32> to vector<16xf32>
        %get3A_199 = arith.index_cast %scan3A_98 : i32 to index
        %get3A_200 = arith.constant 112 : index
        %get3A_201 = tpu.vector_load %arg12[%get3A_199, %get3A_200] {strides = array<i32>} : memref<200x128xf32, #tpu.memory_space<vmem>>, vector<1x16xf32>,
        %get3A_202 = vector.shape_cast %get3A_201 : vector<1x16xf32> to vector<16xf32>
        %add3A_203 = arith.addf %get3A_198, %get3A_202 : vector<16xf32>
        %swap3A_204 = arith.index_cast %scan3A_98 : i32 to index
        %swap3A_205 = arith.constant 112 : index
        %swap3A_206 = tpu.vector_load %arg11[%swap3A_204, %swap3A_205] {strides = array<i32>} : memref<200x128xf32, #tpu.memory_space<vmem>>, vector<1x16xf32>,
        %swap3A_207 = vector.shape_cast %swap3A_206 : vector<1x16xf32> to vector<16xf32>
        %swap3A_208 = vector.shape_cast %add3A_203 : vector<16xf32> to vector<1x16xf32>
        tpu.vector_store %arg11[%swap3A_204, %swap3A_205], %swap3A_208 {strides = array<i32>} : memref<200x128xf32, #tpu.memory_space<vmem>>, vector<1x16xf32>,
      }
      %scan3A_83 = arith.constant 200 : i32
      %mul3A_84 = arith.constant 200 : i32
      %mul3A_85 = arith.muli %add3A_67, %mul3A_84 : i32
      %add3A_86 = arith.addi %mul3A_2, %mul3A_85 : i32
      %dma_start3A_87 = arith.constant 0 : i32
      %dma_start3A_88 = tpu.memref_slice %arg6[%add3A_86, %dma_start3A_87] : memref<76800x128xf32, #tpu.memory_space<hbm>> -> memref<200x128xf32, #tpu.memory_space<hbm>>
      %dma_start3A_89 = arith.constant 0 : i32
      %dma_start3A_90 = tpu.memref_slice %arg6[%add3A_86, %dma_start3A_89] : memref<76800x128xf32, #tpu.memory_space<hbm>> -> memref<200x128xf32, #tpu.memory_space<hbm>>
      tpu.enqueue_dma source(%arg11 : memref<200x128xf32, #tpu.memory_space<vmem>>) target(%dma_start3A_90 : memref<200x128xf32, #tpu.memory_space<hbm>>) target_semaphore(%arg18 : memref<!tpu.dma_semaphore, #tpu.memory_space<semaphore_mem>>)
      %add3A_91 = arith.constant 2 : i32
      %add3A_92 = arith.addi %add3A_67, %add3A_91 : i32
      %lt3A_93 = arith.constant 12 : i32
      %lt3A_94 = arith.cmpi slt, %add3A_92, %lt3A_93 : i32
      %convert_element_type3A_95 = arith.extui %lt3A_94 : i1 to i32
      %cond3A_96 = arith.constant 0 : i32
      %cond3A_97 = arith.cmpi ne, %convert_element_type3A_95, %cond3A_96 : i32
      scf.if %cond3A_97 {
        %dma_wait3A_98 = arith.constant 0 : i32
        %dma_wait3A_99 = tpu.memref_slice %arg6[%mul3A_2, %dma_wait3A_98] : memref<76800x128xf32, #tpu.memory_space<hbm>> -> memref<200x128xf32, #tpu.memory_space<hbm>>
        %dma_wait3A_100 = arith.constant 0 : i32
        %dma_wait3A_101 = tpu.memref_slice %arg6[%mul3A_2, %dma_wait3A_100] : memref<76800x128xf32, #tpu.memory_space<hbm>> -> memref<200x128xf32, #tpu.memory_space<hbm>>
        tpu.wait_dma2 semaphore(%arg18 : memref<!tpu.dma_semaphore, #tpu.memory_space<semaphore_mem>>) src(%arg11 : memref<200x128xf32, #tpu.memory_space<vmem>>) dst(%dma_wait3A_101 : memref<200x128xf32, #tpu.memory_space<hbm>>)
        %add3A_102 = arith.constant 2 : i32
        %add3A_103 = arith.addi %add3A_67, %add3A_102 : i32
        %mul3A_104 = arith.constant 200 : i32
        %mul3A_105 = arith.muli %add3A_103, %mul3A_104 : i32
        %dma_start3A_106 = tpu.memref_slice %arg7[%mul3A_105] : memref<2400xi32, #tpu.memory_space<vmem>> -> memref<200xi32, #tpu.memory_space<vmem>>
        %dma_start3A_107 = arith.constant 0 : i32
        %dma_start3A_108 = arith.constant 0 : i32
        %dma_start3A_109 = tpu.memref_slice %arg2[%dma_start3A_107, %dma_start3A_108] : memref<10000x128xf32, #tpu.memory_space<hbm>> -> memref<10000x128xf32, #tpu.memory_space<hbm>>
        tpu.enqueue_indirect_dma source(%dma_start3A_109 : memref<10000x128xf32, #tpu.memory_space<hbm>>) target(%arg11 : memref<200x128xf32, #tpu.memory_space<vmem>>) offsets(%dma_start3A_106 : memref<200xi32, #tpu.memory_space<vmem>>) semaphore(%arg15 : memref<!tpu.dma_semaphore, #tpu.memory_space<semaphore_mem>>)
        %dma_start3A_110 = tpu.memref_slice %arg8[%mul3A_105] : memref<2400xi32, #tpu.memory_space<vmem>> -> memref<200xi32, #tpu.memory_space<vmem>>
        %dma_start3A_111 = arith.constant 0 : i32
        %dma_start3A_112 = arith.constant 0 : i32
        %dma_start3A_113 = tpu.memref_slice %arg3[%dma_start3A_111, %dma_start3A_112] : memref<10000x128xf32, #tpu.memory_space<hbm>> -> memref<10000x128xf32, #tpu.memory_space<hbm>>
        tpu.enqueue_indirect_dma source(%dma_start3A_113 : memref<10000x128xf32, #tpu.memory_space<hbm>>) target(%arg12 : memref<200x128xf32, #tpu.memory_space<vmem>>) offsets(%dma_start3A_110 : memref<200xi32, #tpu.memory_space<vmem>>) semaphore(%arg16 : memref<!tpu.dma_semaphore, #tpu.memory_space<semaphore_mem>>)
      } else {
      }
    }
    %scan3A_26 = arith.constant 6 : i32
    %dma_wait3A = arith.constant 0 : i32
    %dma_wait3A_27 = tpu.memref_slice %arg6[%mul3A_2, %dma_wait3A] : memref<76800x128xf32, #tpu.memory_space<hbm>> -> memref<200x128xf32, #tpu.memory_space<hbm>>
    %dma_wait3A_28 = arith.constant 0 : i32
    %dma_wait3A_29 = tpu.memref_slice %arg6[%mul3A_2, %dma_wait3A_28] : memref<76800x128xf32, #tpu.memory_space<hbm>> -> memref<200x128xf32, #tpu.memory_space<hbm>>
    tpu.wait_dma2 semaphore(%arg17 : memref<!tpu.dma_semaphore, #tpu.memory_space<semaphore_mem>>) src(%arg9 : memref<200x128xf32, #tpu.memory_space<vmem>>) dst(%dma_wait3A_29 : memref<200x128xf32, #tpu.memory_space<hbm>>)
    %dma_wait3A_30 = arith.constant 0 : i32
    %dma_wait3A_31 = tpu.memref_slice %arg6[%mul3A_2, %dma_wait3A_30] : memref<76800x128xf32, #tpu.memory_space<hbm>> -> memref<200x128xf32, #tpu.memory_space<hbm>>
    %dma_wait3A_32 = arith.constant 0 : i32
    %dma_wait3A_33 = tpu.memref_slice %arg6[%mul3A_2, %dma_wait3A_32] : memref<76800x128xf32, #tpu.memory_space<hbm>> -> memref<200x128xf32, #tpu.memory_space<hbm>>
    tpu.wait_dma2 semaphore(%arg18 : memref<!tpu.dma_semaphore, #tpu.memory_space<semaphore_mem>>) src(%arg11 : memref<200x128xf32, #tpu.memory_space<vmem>>) dst(%dma_wait3A_33 : memref<200x128xf32, #tpu.memory_space<hbm>>)
    return
  }
}

#map = affine_map<(d0, d1) -> (0, 0)>
#map1 = affine_map<(d0, d1) -> (0)>
#map2 = affine_map<(d0, d1) -> (0, 0, 0)>
module attributes {stable_mosaic.version = 14 : i64} {
  func.func @k(%arg0: i32, %arg1: i32, %arg2: memref<76800x128xf32, #tpu.memory_space<hbm>>, %arg3: memref<76800x128xf32, #tpu.memory_space<hbm>>, %arg4: memref<76800xi32, #tpu.memory_space<hbm>>, %arg5: memref<76800xi32, #tpu.memory_space<hbm>>, %arg6: memref<640x128xf32, #tpu.memory_space<hbm>>, %arg7: memref<2x10000x128xf32, #tpu.memory_space<hbm>>, %arg8: memref<200x128xf32, #tpu.memory_space<vmem>>, %arg9: memref<4800xi32, #tpu.memory_space<vmem>>, %arg10: memref<10000x128xf32, #tpu.memory_space<vmem_shared>>, %arg11: memref<!tpu.dma_semaphore, #tpu.memory_space<semaphore_mem>>) attributes {dimension_semantics = [#tpu.dimension_semantics<core_parallel>, #tpu.dimension_semantics<subcore_parallel>], iteration_bounds = array<i64: 2, 16>, scalar_prefetch = 0 : i64, scratch_operands = 4 : i64, tpu.core_type = #tpu.core_type<sc_vector_subcore>, window_params = [{transform_indices = #map}, {transform_indices = #map}, {transform_indices = #map1}, {transform_indices = #map1}, {transform_indices = #map}, {transform_indices = #map2}]} {
    %mul3A = arith.constant 2 : i32
    %mul3A_0 = arith.muli %arg1, %mul3A : i32
    %add3A = arith.addi %mul3A_0, %arg0 : i32
    %mul3A_1 = arith.constant 2400 : i32
    %mul3A_2 = arith.muli %add3A, %mul3A_1 : i32
    "tpu.region"() ({
      %run_scoped3A = tpu.sem_alloc : memref<!tpu.dma_semaphore, #tpu.memory_space<semaphore_mem>>
      %dma_start3A = arith.constant 0 : i32
      %dma_start3A_21 = tpu.memref_slice %arg9[%dma_start3A] : memref<4800xi32, #tpu.memory_space<vmem>> -> memref<2400xi32, #tpu.memory_space<vmem>>
      %dma_start3A_22 = tpu.memref_slice %arg4[%mul3A_2] : memref<76800xi32, #tpu.memory_space<hbm>> -> memref<2400xi32, #tpu.memory_space<hbm>>
      %dma_start3A_23 = arith.constant 0 : i32
      %dma_start3A_24 = tpu.memref_slice %arg9[%dma_start3A_23] : memref<4800xi32, #tpu.memory_space<vmem>> -> memref<2400xi32, #tpu.memory_space<vmem>>
      %dma_start3A_25 = tpu.memref_slice %arg4[%mul3A_2] : memref<76800xi32, #tpu.memory_space<hbm>> -> memref<2400xi32, #tpu.memory_space<hbm>>
      tpu.enqueue_dma source(%dma_start3A_25 : memref<2400xi32, #tpu.memory_space<hbm>>) target(%dma_start3A_24 : memref<2400xi32, #tpu.memory_space<vmem>>) target_semaphore(%run_scoped3A : memref<!tpu.dma_semaphore, #tpu.memory_space<semaphore_mem>>)
      %dma_wait3A = arith.constant 0 : i32
      %dma_wait3A_26 = tpu.memref_slice %arg9[%dma_wait3A] : memref<4800xi32, #tpu.memory_space<vmem>> -> memref<2400xi32, #tpu.memory_space<vmem>>
      %dma_wait3A_27 = tpu.memref_slice %arg4[%mul3A_2] : memref<76800xi32, #tpu.memory_space<hbm>> -> memref<2400xi32, #tpu.memory_space<hbm>>
      %dma_wait3A_28 = arith.constant 0 : i32
      %dma_wait3A_29 = tpu.memref_slice %arg9[%dma_wait3A_28] : memref<4800xi32, #tpu.memory_space<vmem>> -> memref<2400xi32, #tpu.memory_space<vmem>>
      %dma_wait3A_30 = tpu.memref_slice %arg4[%mul3A_2] : memref<76800xi32, #tpu.memory_space<hbm>> -> memref<2400xi32, #tpu.memory_space<hbm>>
      tpu.wait_dma2 semaphore(%run_scoped3A : memref<!tpu.dma_semaphore, #tpu.memory_space<semaphore_mem>>) src(%dma_wait3A_30 : memref<2400xi32, #tpu.memory_space<hbm>>) dst(%dma_wait3A_29 : memref<2400xi32, #tpu.memory_space<vmem>>)
      tpu.yield
    }) : () -> ()
    "tpu.region"() ({
      %run_scoped3A = tpu.sem_alloc : memref<!tpu.dma_semaphore, #tpu.memory_space<semaphore_mem>>
      %dma_start3A = arith.constant 2400 : i32
      %dma_start3A_21 = tpu.memref_slice %arg9[%dma_start3A] : memref<4800xi32, #tpu.memory_space<vmem>> -> memref<2400xi32, #tpu.memory_space<vmem>>
      %dma_start3A_22 = tpu.memref_slice %arg5[%mul3A_2] : memref<76800xi32, #tpu.memory_space<hbm>> -> memref<2400xi32, #tpu.memory_space<hbm>>
      %dma_start3A_23 = arith.constant 2400 : i32
      %dma_start3A_24 = tpu.memref_slice %arg9[%dma_start3A_23] : memref<4800xi32, #tpu.memory_space<vmem>> -> memref<2400xi32, #tpu.memory_space<vmem>>
      %dma_start3A_25 = tpu.memref_slice %arg5[%mul3A_2] : memref<76800xi32, #tpu.memory_space<hbm>> -> memref<2400xi32, #tpu.memory_space<hbm>>
      tpu.enqueue_dma source(%dma_start3A_25 : memref<2400xi32, #tpu.memory_space<hbm>>) target(%dma_start3A_24 : memref<2400xi32, #tpu.memory_space<vmem>>) target_semaphore(%run_scoped3A : memref<!tpu.dma_semaphore, #tpu.memory_space<semaphore_mem>>)
      %dma_wait3A = arith.constant 2400 : i32
      %dma_wait3A_26 = tpu.memref_slice %arg9[%dma_wait3A] : memref<4800xi32, #tpu.memory_space<vmem>> -> memref<2400xi32, #tpu.memory_space<vmem>>
      %dma_wait3A_27 = tpu.memref_slice %arg5[%mul3A_2] : memref<76800xi32, #tpu.memory_space<hbm>> -> memref<2400xi32, #tpu.memory_space<hbm>>
      %dma_wait3A_28 = arith.constant 2400 : i32
      %dma_wait3A_29 = tpu.memref_slice %arg9[%dma_wait3A_28] : memref<4800xi32, #tpu.memory_space<vmem>> -> memref<2400xi32, #tpu.memory_space<vmem>>
      %dma_wait3A_30 = tpu.memref_slice %arg5[%mul3A_2] : memref<76800xi32, #tpu.memory_space<hbm>> -> memref<2400xi32, #tpu.memory_space<hbm>>
      tpu.wait_dma2 semaphore(%run_scoped3A : memref<!tpu.dma_semaphore, #tpu.memory_space<semaphore_mem>>) src(%dma_wait3A_30 : memref<2400xi32, #tpu.memory_space<hbm>>) dst(%dma_wait3A_29 : memref<2400xi32, #tpu.memory_space<vmem>>)
      tpu.yield
    }) : () -> ()
    %mul3A_3 = arith.constant 624 : i32
    %mul3A_4 = arith.muli %arg1, %mul3A_3 : i32
    "tpu.region"() ({
      %run_scoped3A = tpu.sem_alloc : memref<!tpu.dma_semaphore, #tpu.memory_space<semaphore_mem>>
      %dma_start3A = arith.constant 0 : i32
      %dma_start3A_21 = tpu.memref_slice %arg10[%mul3A_4, %dma_start3A] : memref<10000x128xf32, #tpu.memory_space<vmem_shared>> -> memref<640x128xf32, #tpu.memory_space<vmem_shared>>
      tpu.enqueue_dma source(%arg6 : memref<640x128xf32, #tpu.memory_space<hbm>>) target(%dma_start3A_21 : memref<640x128xf32, #tpu.memory_space<vmem_shared>>) target_semaphore(%run_scoped3A : memref<!tpu.dma_semaphore, #tpu.memory_space<semaphore_mem>>)
      %dma_wait3A = arith.constant 0 : i32
      %dma_wait3A_22 = tpu.memref_slice %arg10[%mul3A_4, %dma_wait3A] : memref<10000x128xf32, #tpu.memory_space<vmem_shared>> -> memref<640x128xf32, #tpu.memory_space<vmem_shared>>
      tpu.wait_dma2 semaphore(%run_scoped3A : memref<!tpu.dma_semaphore, #tpu.memory_space<semaphore_mem>>) src(%arg6 : memref<640x128xf32, #tpu.memory_space<hbm>>) dst(%dma_wait3A_22 : memref<640x128xf32, #tpu.memory_space<vmem_shared>>)
      tpu.yield
    }) : () -> ()
    %barrier3A = arith.constant 0 : index
    tpu.barrier barrier_id(%barrier3A)
    %scan3A = arith.constant 0 : i32
    %scan3A_5 = arith.constant 0 : i32
    %scan3A_6 = arith.constant 12 : i32
    %scan3A_7 = arith.addi %scan3A_5, %scan3A_6 : i32
    %scan3A_8 = arith.constant 1 : i32
    scf.for %scan3A_21 = %scan3A_5 to %scan3A_7 step %scan3A_8  : i32 {
      %mul3A_22 = arith.constant 200 : i32
      %mul3A_23 = arith.muli %scan3A_21, %mul3A_22 : i32
      %add3A_24 = arith.addi %mul3A_2, %mul3A_23 : i32
      "tpu.region"() ({
        %run_scoped3A = tpu.sem_alloc : memref<!tpu.dma_semaphore, #tpu.memory_space<semaphore_mem>>
        %dma_start3A = arith.constant 0 : i32
        %dma_start3A_27 = tpu.memref_slice %arg2[%add3A_24, %dma_start3A] : memref<76800x128xf32, #tpu.memory_space<hbm>> -> memref<200x128xf32, #tpu.memory_space<hbm>>
        %dma_start3A_28 = arith.constant 0 : i32
        %dma_start3A_29 = tpu.memref_slice %arg2[%add3A_24, %dma_start3A_28] : memref<76800x128xf32, #tpu.memory_space<hbm>> -> memref<200x128xf32, #tpu.memory_space<hbm>>
        tpu.enqueue_dma source(%dma_start3A_29 : memref<200x128xf32, #tpu.memory_space<hbm>>) target(%arg8 : memref<200x128xf32, #tpu.memory_space<vmem>>) target_semaphore(%run_scoped3A : memref<!tpu.dma_semaphore, #tpu.memory_space<semaphore_mem>>)
        %dma_wait3A = arith.constant 0 : i32
        %dma_wait3A_30 = tpu.memref_slice %arg2[%add3A_24, %dma_wait3A] : memref<76800x128xf32, #tpu.memory_space<hbm>> -> memref<200x128xf32, #tpu.memory_space<hbm>>
        %dma_wait3A_31 = arith.constant 0 : i32
        %dma_wait3A_32 = tpu.memref_slice %arg2[%add3A_24, %dma_wait3A_31] : memref<76800x128xf32, #tpu.memory_space<hbm>> -> memref<200x128xf32, #tpu.memory_space<hbm>>
        tpu.wait_dma2 semaphore(%run_scoped3A : memref<!tpu.dma_semaphore, #tpu.memory_space<semaphore_mem>>) src(%dma_wait3A_32 : memref<200x128xf32, #tpu.memory_space<hbm>>) dst(%arg8 : memref<200x128xf32, #tpu.memory_space<vmem>>)
        tpu.yield
      }) : () -> ()
      %add3A_25 = arith.constant 0 : i32
      %add3A_26 = arith.addi %add3A_25, %mul3A_23 : i32
      "tpu.region"() ({
        %run_scoped3A = tpu.sem_alloc : memref<!tpu.dma_semaphore, #tpu.memory_space<semaphore_mem>>
        %dma_start3A = tpu.memref_slice %arg9[%add3A_26] : memref<4800xi32, #tpu.memory_space<vmem>> -> memref<200xi32, #tpu.memory_space<vmem>>
        %dma_start3A_27 = arith.constant 0 : i32
        %dma_start3A_28 = arith.constant 0 : i32
        %dma_start3A_29 = tpu.memref_slice %arg10[%dma_start3A_27, %dma_start3A_28] : memref<10000x128xf32, #tpu.memory_space<vmem_shared>> -> memref<10000x128xf32, #tpu.memory_space<vmem_shared>>
        tpu.enqueue_indirect_dma source(%arg8 : memref<200x128xf32, #tpu.memory_space<vmem>>) target(%dma_start3A_29 : memref<10000x128xf32, #tpu.memory_space<vmem_shared>>) offsets(%dma_start3A : memref<200xi32, #tpu.memory_space<vmem>>) semaphore(%run_scoped3A : memref<!tpu.dma_semaphore, #tpu.memory_space<semaphore_mem>>) {add = true}
        %dma_wait3A = tpu.memref_slice %arg9[%add3A_26] : memref<4800xi32, #tpu.memory_space<vmem>> -> memref<200xi32, #tpu.memory_space<vmem>>
        %dma_wait3A_30 = arith.constant 0 : i32
        %dma_wait3A_31 = arith.constant 0 : i32
        %dma_wait3A_32 = tpu.memref_slice %arg10[%dma_wait3A_30, %dma_wait3A_31] : memref<10000x128xf32, #tpu.memory_space<vmem_shared>> -> memref<10000x128xf32, #tpu.memory_space<vmem_shared>>
        tpu.wait_indirect_dma semaphore(%run_scoped3A : memref<!tpu.dma_semaphore, #tpu.memory_space<semaphore_mem>>) src(%arg8 : memref<200x128xf32, #tpu.memory_space<vmem>>) dst(%dma_wait3A_32 : memref<10000x128xf32, #tpu.memory_space<vmem_shared>>)
        tpu.yield
      }) : () -> ()
    }
    %scan3A_9 = arith.constant 12 : i32
    %scan3A_10 = arith.constant 0 : i32
    %scan3A_11 = arith.constant 0 : i32
    %scan3A_12 = arith.constant 12 : i32
    %scan3A_13 = arith.addi %scan3A_11, %scan3A_12 : i32
    %scan3A_14 = arith.constant 1 : i32
    scf.for %scan3A_21 = %scan3A_11 to %scan3A_13 step %scan3A_14  : i32 {
      %mul3A_22 = arith.constant 200 : i32
      %mul3A_23 = arith.muli %scan3A_21, %mul3A_22 : i32
      %add3A_24 = arith.addi %mul3A_2, %mul3A_23 : i32
      "tpu.region"() ({
        %run_scoped3A = tpu.sem_alloc : memref<!tpu.dma_semaphore, #tpu.memory_space<semaphore_mem>>
        %dma_start3A = arith.constant 0 : i32
        %dma_start3A_27 = tpu.memref_slice %arg3[%add3A_24, %dma_start3A] : memref<76800x128xf32, #tpu.memory_space<hbm>> -> memref<200x128xf32, #tpu.memory_space<hbm>>
        %dma_start3A_28 = arith.constant 0 : i32
        %dma_start3A_29 = tpu.memref_slice %arg3[%add3A_24, %dma_start3A_28] : memref<76800x128xf32, #tpu.memory_space<hbm>> -> memref<200x128xf32, #tpu.memory_space<hbm>>
        tpu.enqueue_dma source(%dma_start3A_29 : memref<200x128xf32, #tpu.memory_space<hbm>>) target(%arg8 : memref<200x128xf32, #tpu.memory_space<vmem>>) target_semaphore(%run_scoped3A : memref<!tpu.dma_semaphore, #tpu.memory_space<semaphore_mem>>)
        %dma_wait3A = arith.constant 0 : i32
        %dma_wait3A_30 = tpu.memref_slice %arg3[%add3A_24, %dma_wait3A] : memref<76800x128xf32, #tpu.memory_space<hbm>> -> memref<200x128xf32, #tpu.memory_space<hbm>>
        %dma_wait3A_31 = arith.constant 0 : i32
        %dma_wait3A_32 = tpu.memref_slice %arg3[%add3A_24, %dma_wait3A_31] : memref<76800x128xf32, #tpu.memory_space<hbm>> -> memref<200x128xf32, #tpu.memory_space<hbm>>
        tpu.wait_dma2 semaphore(%run_scoped3A : memref<!tpu.dma_semaphore, #tpu.memory_space<semaphore_mem>>) src(%dma_wait3A_32 : memref<200x128xf32, #tpu.memory_space<hbm>>) dst(%arg8 : memref<200x128xf32, #tpu.memory_space<vmem>>)
        tpu.yield
      }) : () -> ()
      %add3A_25 = arith.constant 2400 : i32
      %add3A_26 = arith.addi %add3A_25, %mul3A_23 : i32
      "tpu.region"() ({
        %run_scoped3A = tpu.sem_alloc : memref<!tpu.dma_semaphore, #tpu.memory_space<semaphore_mem>>
        %dma_start3A = tpu.memref_slice %arg9[%add3A_26] : memref<4800xi32, #tpu.memory_space<vmem>> -> memref<200xi32, #tpu.memory_space<vmem>>
        %dma_start3A_27 = arith.constant 0 : i32
        %dma_start3A_28 = arith.constant 0 : i32
        %dma_start3A_29 = tpu.memref_slice %arg10[%dma_start3A_27, %dma_start3A_28] : memref<10000x128xf32, #tpu.memory_space<vmem_shared>> -> memref<10000x128xf32, #tpu.memory_space<vmem_shared>>
        tpu.enqueue_indirect_dma source(%arg8 : memref<200x128xf32, #tpu.memory_space<vmem>>) target(%dma_start3A_29 : memref<10000x128xf32, #tpu.memory_space<vmem_shared>>) offsets(%dma_start3A : memref<200xi32, #tpu.memory_space<vmem>>) semaphore(%run_scoped3A : memref<!tpu.dma_semaphore, #tpu.memory_space<semaphore_mem>>) {add = true}
        %dma_wait3A = tpu.memref_slice %arg9[%add3A_26] : memref<4800xi32, #tpu.memory_space<vmem>> -> memref<200xi32, #tpu.memory_space<vmem>>
        %dma_wait3A_30 = arith.constant 0 : i32
        %dma_wait3A_31 = arith.constant 0 : i32
        %dma_wait3A_32 = tpu.memref_slice %arg10[%dma_wait3A_30, %dma_wait3A_31] : memref<10000x128xf32, #tpu.memory_space<vmem_shared>> -> memref<10000x128xf32, #tpu.memory_space<vmem_shared>>
        tpu.wait_indirect_dma semaphore(%run_scoped3A : memref<!tpu.dma_semaphore, #tpu.memory_space<semaphore_mem>>) src(%arg8 : memref<200x128xf32, #tpu.memory_space<vmem>>) dst(%dma_wait3A_32 : memref<10000x128xf32, #tpu.memory_space<vmem_shared>>)
        tpu.yield
      }) : () -> ()
    }
    %scan3A_15 = arith.constant 12 : i32
    %barrier3A_16 = arith.constant 0 : index
    tpu.barrier barrier_id(%barrier3A_16)
    %mul3A_17 = arith.constant 624 : i32
    %mul3A_18 = arith.muli %arg1, %mul3A_17 : i32
    %mul3A_19 = arith.constant 624 : i32
    %mul3A_20 = arith.muli %arg1, %mul3A_19 : i32
    "tpu.region"() ({
      %run_scoped3A = tpu.sem_alloc : memref<!tpu.dma_semaphore, #tpu.memory_space<semaphore_mem>>
      %dma_start3A = arith.constant 0 : i32
      %dma_start3A_21 = tpu.memref_slice %arg7[%arg0, %mul3A_20, %dma_start3A] : memref<2x10000x128xf32, #tpu.memory_space<hbm>> -> memref<1x640x128xf32, #tpu.memory_space<hbm>>
      %dma_start3A_22 = tpu.memref_squeeze %dma_start3A_21 : memref<1x640x128xf32, #tpu.memory_space<hbm>> -> memref<640x128xf32, #tpu.memory_space<hbm>>
      %dma_start3A_23 = arith.constant 0 : i32
      %dma_start3A_24 = tpu.memref_slice %arg10[%mul3A_18, %dma_start3A_23] : memref<10000x128xf32, #tpu.memory_space<vmem_shared>> -> memref<640x128xf32, #tpu.memory_space<vmem_shared>>
      tpu.enqueue_dma source(%dma_start3A_24 : memref<640x128xf32, #tpu.memory_space<vmem_shared>>) target(%dma_start3A_22 : memref<640x128xf32, #tpu.memory_space<hbm>>) target_semaphore(%run_scoped3A : memref<!tpu.dma_semaphore, #tpu.memory_space<semaphore_mem>>)
      %dma_wait3A = arith.constant 0 : i32
      %dma_wait3A_25 = tpu.memref_slice %arg7[%arg0, %mul3A_20, %dma_wait3A] : memref<2x10000x128xf32, #tpu.memory_space<hbm>> -> memref<1x640x128xf32, #tpu.memory_space<hbm>>
      %dma_wait3A_26 = tpu.memref_squeeze %dma_wait3A_25 : memref<1x640x128xf32, #tpu.memory_space<hbm>> -> memref<640x128xf32, #tpu.memory_space<hbm>>
      %dma_wait3A_27 = arith.constant 0 : i32
      %dma_wait3A_28 = tpu.memref_slice %arg10[%mul3A_18, %dma_wait3A_27] : memref<10000x128xf32, #tpu.memory_space<vmem_shared>> -> memref<640x128xf32, #tpu.memory_space<vmem_shared>>
      tpu.wait_dma2 semaphore(%run_scoped3A : memref<!tpu.dma_semaphore, #tpu.memory_space<semaphore_mem>>) src(%dma_wait3A_28 : memref<640x128xf32, #tpu.memory_space<vmem_shared>>) dst(%dma_wait3A_26 : memref<640x128xf32, #tpu.memory_space<hbm>>)
      tpu.yield
    }) : () -> ()
    return
  }
}

#map = affine_map<(d0, d1) -> (0, 0)>
#map1 = affine_map<(d0, d1) -> (0)>
#map2 = affine_map<(d0, d1) -> (0, 0, 0)>
module attributes {stable_mosaic.version = 14 : i64} {
  func.func @k(%arg0: i32, %arg1: i32, %arg2: memref<83200x128xf32, #tpu.memory_space<hbm>>, %arg3: memref<83200x128xf32, #tpu.memory_space<hbm>>, %arg4: memref<83200xi32, #tpu.memory_space<hbm>>, %arg5: memref<83200xi32, #tpu.memory_space<hbm>>, %arg6: memref<640x128xf32, #tpu.memory_space<hbm>>, %arg7: memref<2x10000x128xf32, #tpu.memory_space<hbm>>, %arg8: memref<200x128xf32, #tpu.memory_space<vmem>>, %arg9: memref<5200xi32, #tpu.memory_space<vmem>>, %arg10: memref<10000x128xf32, #tpu.memory_space<vmem_shared>>, %arg11: memref<!tpu.dma_semaphore, #tpu.memory_space<semaphore_mem>>) attributes {dimension_semantics = [#tpu.dimension_semantics<core_parallel>, #tpu.dimension_semantics<subcore_parallel>], iteration_bounds = array<i64: 2, 16>, scalar_prefetch = 0 : i64, scratch_operands = 4 : i64, tpu.core_type = #tpu.core_type<sc_vector_subcore>, window_params = [{transform_indices = #map}, {transform_indices = #map}, {transform_indices = #map1}, {transform_indices = #map1}, {transform_indices = #map}, {transform_indices = #map2}]} {
    %mul3A = arith.constant 2 : i32
    %mul3A_0 = arith.muli %arg1, %mul3A : i32
    %add3A = arith.addi %mul3A_0, %arg0 : i32
    %mul3A_1 = arith.constant 2600 : i32
    %mul3A_2 = arith.muli %add3A, %mul3A_1 : i32
    "tpu.region"() ({
      %run_scoped3A = tpu.sem_alloc : memref<!tpu.dma_semaphore, #tpu.memory_space<semaphore_mem>>
      %dma_start3A = arith.constant 0 : i32
      %dma_start3A_21 = tpu.memref_slice %arg9[%dma_start3A] : memref<5200xi32, #tpu.memory_space<vmem>> -> memref<2600xi32, #tpu.memory_space<vmem>>
      %dma_start3A_22 = tpu.memref_slice %arg4[%mul3A_2] : memref<83200xi32, #tpu.memory_space<hbm>> -> memref<2600xi32, #tpu.memory_space<hbm>>
      %dma_start3A_23 = arith.constant 0 : i32
      %dma_start3A_24 = tpu.memref_slice %arg9[%dma_start3A_23] : memref<5200xi32, #tpu.memory_space<vmem>> -> memref<2600xi32, #tpu.memory_space<vmem>>
      %dma_start3A_25 = tpu.memref_slice %arg4[%mul3A_2] : memref<83200xi32, #tpu.memory_space<hbm>> -> memref<2600xi32, #tpu.memory_space<hbm>>
      tpu.enqueue_dma source(%dma_start3A_25 : memref<2600xi32, #tpu.memory_space<hbm>>) target(%dma_start3A_24 : memref<2600xi32, #tpu.memory_space<vmem>>) target_semaphore(%run_scoped3A : memref<!tpu.dma_semaphore, #tpu.memory_space<semaphore_mem>>)
      %dma_wait3A = arith.constant 0 : i32
      %dma_wait3A_26 = tpu.memref_slice %arg9[%dma_wait3A] : memref<5200xi32, #tpu.memory_space<vmem>> -> memref<2600xi32, #tpu.memory_space<vmem>>
      %dma_wait3A_27 = tpu.memref_slice %arg4[%mul3A_2] : memref<83200xi32, #tpu.memory_space<hbm>> -> memref<2600xi32, #tpu.memory_space<hbm>>
      %dma_wait3A_28 = arith.constant 0 : i32
      %dma_wait3A_29 = tpu.memref_slice %arg9[%dma_wait3A_28] : memref<5200xi32, #tpu.memory_space<vmem>> -> memref<2600xi32, #tpu.memory_space<vmem>>
      %dma_wait3A_30 = tpu.memref_slice %arg4[%mul3A_2] : memref<83200xi32, #tpu.memory_space<hbm>> -> memref<2600xi32, #tpu.memory_space<hbm>>
      tpu.wait_dma2 semaphore(%run_scoped3A : memref<!tpu.dma_semaphore, #tpu.memory_space<semaphore_mem>>) src(%dma_wait3A_30 : memref<2600xi32, #tpu.memory_space<hbm>>) dst(%dma_wait3A_29 : memref<2600xi32, #tpu.memory_space<vmem>>)
      tpu.yield
    }) : () -> ()
    "tpu.region"() ({
      %run_scoped3A = tpu.sem_alloc : memref<!tpu.dma_semaphore, #tpu.memory_space<semaphore_mem>>
      %dma_start3A = arith.constant 2600 : i32
      %dma_start3A_21 = tpu.memref_slice %arg9[%dma_start3A] : memref<5200xi32, #tpu.memory_space<vmem>> -> memref<2600xi32, #tpu.memory_space<vmem>>
      %dma_start3A_22 = tpu.memref_slice %arg5[%mul3A_2] : memref<83200xi32, #tpu.memory_space<hbm>> -> memref<2600xi32, #tpu.memory_space<hbm>>
      %dma_start3A_23 = arith.constant 2600 : i32
      %dma_start3A_24 = tpu.memref_slice %arg9[%dma_start3A_23] : memref<5200xi32, #tpu.memory_space<vmem>> -> memref<2600xi32, #tpu.memory_space<vmem>>
      %dma_start3A_25 = tpu.memref_slice %arg5[%mul3A_2] : memref<83200xi32, #tpu.memory_space<hbm>> -> memref<2600xi32, #tpu.memory_space<hbm>>
      tpu.enqueue_dma source(%dma_start3A_25 : memref<2600xi32, #tpu.memory_space<hbm>>) target(%dma_start3A_24 : memref<2600xi32, #tpu.memory_space<vmem>>) target_semaphore(%run_scoped3A : memref<!tpu.dma_semaphore, #tpu.memory_space<semaphore_mem>>)
      %dma_wait3A = arith.constant 2600 : i32
      %dma_wait3A_26 = tpu.memref_slice %arg9[%dma_wait3A] : memref<5200xi32, #tpu.memory_space<vmem>> -> memref<2600xi32, #tpu.memory_space<vmem>>
      %dma_wait3A_27 = tpu.memref_slice %arg5[%mul3A_2] : memref<83200xi32, #tpu.memory_space<hbm>> -> memref<2600xi32, #tpu.memory_space<hbm>>
      %dma_wait3A_28 = arith.constant 2600 : i32
      %dma_wait3A_29 = tpu.memref_slice %arg9[%dma_wait3A_28] : memref<5200xi32, #tpu.memory_space<vmem>> -> memref<2600xi32, #tpu.memory_space<vmem>>
      %dma_wait3A_30 = tpu.memref_slice %arg5[%mul3A_2] : memref<83200xi32, #tpu.memory_space<hbm>> -> memref<2600xi32, #tpu.memory_space<hbm>>
      tpu.wait_dma2 semaphore(%run_scoped3A : memref<!tpu.dma_semaphore, #tpu.memory_space<semaphore_mem>>) src(%dma_wait3A_30 : memref<2600xi32, #tpu.memory_space<hbm>>) dst(%dma_wait3A_29 : memref<2600xi32, #tpu.memory_space<vmem>>)
      tpu.yield
    }) : () -> ()
    %mul3A_3 = arith.constant 624 : i32
    %mul3A_4 = arith.muli %arg1, %mul3A_3 : i32
    "tpu.region"() ({
      %run_scoped3A = tpu.sem_alloc : memref<!tpu.dma_semaphore, #tpu.memory_space<semaphore_mem>>
      %dma_start3A = arith.constant 0 : i32
      %dma_start3A_21 = tpu.memref_slice %arg10[%mul3A_4, %dma_start3A] : memref<10000x128xf32, #tpu.memory_space<vmem_shared>> -> memref<640x128xf32, #tpu.memory_space<vmem_shared>>
      tpu.enqueue_dma source(%arg6 : memref<640x128xf32, #tpu.memory_space<hbm>>) target(%dma_start3A_21 : memref<640x128xf32, #tpu.memory_space<vmem_shared>>) target_semaphore(%run_scoped3A : memref<!tpu.dma_semaphore, #tpu.memory_space<semaphore_mem>>)
      %dma_wait3A = arith.constant 0 : i32
      %dma_wait3A_22 = tpu.memref_slice %arg10[%mul3A_4, %dma_wait3A] : memref<10000x128xf32, #tpu.memory_space<vmem_shared>> -> memref<640x128xf32, #tpu.memory_space<vmem_shared>>
      tpu.wait_dma2 semaphore(%run_scoped3A : memref<!tpu.dma_semaphore, #tpu.memory_space<semaphore_mem>>) src(%arg6 : memref<640x128xf32, #tpu.memory_space<hbm>>) dst(%dma_wait3A_22 : memref<640x128xf32, #tpu.memory_space<vmem_shared>>)
      tpu.yield
    }) : () -> ()
    %barrier3A = arith.constant 0 : index
    tpu.barrier barrier_id(%barrier3A)
    %scan3A = arith.constant 0 : i32
    %scan3A_5 = arith.constant 0 : i32
    %scan3A_6 = arith.constant 13 : i32
    %scan3A_7 = arith.addi %scan3A_5, %scan3A_6 : i32
    %scan3A_8 = arith.constant 1 : i32
    scf.for %scan3A_21 = %scan3A_5 to %scan3A_7 step %scan3A_8  : i32 {
      %mul3A_22 = arith.constant 200 : i32
      %mul3A_23 = arith.muli %scan3A_21, %mul3A_22 : i32
      %add3A_24 = arith.addi %mul3A_2, %mul3A_23 : i32
      "tpu.region"() ({
        %run_scoped3A = tpu.sem_alloc : memref<!tpu.dma_semaphore, #tpu.memory_space<semaphore_mem>>
        %dma_start3A = arith.constant 0 : i32
        %dma_start3A_27 = tpu.memref_slice %arg2[%add3A_24, %dma_start3A] : memref<83200x128xf32, #tpu.memory_space<hbm>> -> memref<200x128xf32, #tpu.memory_space<hbm>>
        %dma_start3A_28 = arith.constant 0 : i32
        %dma_start3A_29 = tpu.memref_slice %arg2[%add3A_24, %dma_start3A_28] : memref<83200x128xf32, #tpu.memory_space<hbm>> -> memref<200x128xf32, #tpu.memory_space<hbm>>
        tpu.enqueue_dma source(%dma_start3A_29 : memref<200x128xf32, #tpu.memory_space<hbm>>) target(%arg8 : memref<200x128xf32, #tpu.memory_space<vmem>>) target_semaphore(%run_scoped3A : memref<!tpu.dma_semaphore, #tpu.memory_space<semaphore_mem>>)
        %dma_wait3A = arith.constant 0 : i32
        %dma_wait3A_30 = tpu.memref_slice %arg2[%add3A_24, %dma_wait3A] : memref<83200x128xf32, #tpu.memory_space<hbm>> -> memref<200x128xf32, #tpu.memory_space<hbm>>
        %dma_wait3A_31 = arith.constant 0 : i32
        %dma_wait3A_32 = tpu.memref_slice %arg2[%add3A_24, %dma_wait3A_31] : memref<83200x128xf32, #tpu.memory_space<hbm>> -> memref<200x128xf32, #tpu.memory_space<hbm>>
        tpu.wait_dma2 semaphore(%run_scoped3A : memref<!tpu.dma_semaphore, #tpu.memory_space<semaphore_mem>>) src(%dma_wait3A_32 : memref<200x128xf32, #tpu.memory_space<hbm>>) dst(%arg8 : memref<200x128xf32, #tpu.memory_space<vmem>>)
        tpu.yield
      }) : () -> ()
      %add3A_25 = arith.constant 0 : i32
      %add3A_26 = arith.addi %add3A_25, %mul3A_23 : i32
      "tpu.region"() ({
        %run_scoped3A = tpu.sem_alloc : memref<!tpu.dma_semaphore, #tpu.memory_space<semaphore_mem>>
        %dma_start3A = tpu.memref_slice %arg9[%add3A_26] : memref<5200xi32, #tpu.memory_space<vmem>> -> memref<200xi32, #tpu.memory_space<vmem>>
        %dma_start3A_27 = arith.constant 0 : i32
        %dma_start3A_28 = arith.constant 0 : i32
        %dma_start3A_29 = tpu.memref_slice %arg10[%dma_start3A_27, %dma_start3A_28] : memref<10000x128xf32, #tpu.memory_space<vmem_shared>> -> memref<10000x128xf32, #tpu.memory_space<vmem_shared>>
        tpu.enqueue_indirect_dma source(%arg8 : memref<200x128xf32, #tpu.memory_space<vmem>>) target(%dma_start3A_29 : memref<10000x128xf32, #tpu.memory_space<vmem_shared>>) offsets(%dma_start3A : memref<200xi32, #tpu.memory_space<vmem>>) semaphore(%run_scoped3A : memref<!tpu.dma_semaphore, #tpu.memory_space<semaphore_mem>>) {add = true}
        %dma_wait3A = tpu.memref_slice %arg9[%add3A_26] : memref<5200xi32, #tpu.memory_space<vmem>> -> memref<200xi32, #tpu.memory_space<vmem>>
        %dma_wait3A_30 = arith.constant 0 : i32
        %dma_wait3A_31 = arith.constant 0 : i32
        %dma_wait3A_32 = tpu.memref_slice %arg10[%dma_wait3A_30, %dma_wait3A_31] : memref<10000x128xf32, #tpu.memory_space<vmem_shared>> -> memref<10000x128xf32, #tpu.memory_space<vmem_shared>>
        tpu.wait_indirect_dma semaphore(%run_scoped3A : memref<!tpu.dma_semaphore, #tpu.memory_space<semaphore_mem>>) src(%arg8 : memref<200x128xf32, #tpu.memory_space<vmem>>) dst(%dma_wait3A_32 : memref<10000x128xf32, #tpu.memory_space<vmem_shared>>)
        tpu.yield
      }) : () -> ()
    }
    %scan3A_9 = arith.constant 13 : i32
    %scan3A_10 = arith.constant 0 : i32
    %scan3A_11 = arith.constant 0 : i32
    %scan3A_12 = arith.constant 13 : i32
    %scan3A_13 = arith.addi %scan3A_11, %scan3A_12 : i32
    %scan3A_14 = arith.constant 1 : i32
    scf.for %scan3A_21 = %scan3A_11 to %scan3A_13 step %scan3A_14  : i32 {
      %mul3A_22 = arith.constant 200 : i32
      %mul3A_23 = arith.muli %scan3A_21, %mul3A_22 : i32
      %add3A_24 = arith.addi %mul3A_2, %mul3A_23 : i32
      "tpu.region"() ({
        %run_scoped3A = tpu.sem_alloc : memref<!tpu.dma_semaphore, #tpu.memory_space<semaphore_mem>>
        %dma_start3A = arith.constant 0 : i32
        %dma_start3A_27 = tpu.memref_slice %arg3[%add3A_24, %dma_start3A] : memref<83200x128xf32, #tpu.memory_space<hbm>> -> memref<200x128xf32, #tpu.memory_space<hbm>>
        %dma_start3A_28 = arith.constant 0 : i32
        %dma_start3A_29 = tpu.memref_slice %arg3[%add3A_24, %dma_start3A_28] : memref<83200x128xf32, #tpu.memory_space<hbm>> -> memref<200x128xf32, #tpu.memory_space<hbm>>
        tpu.enqueue_dma source(%dma_start3A_29 : memref<200x128xf32, #tpu.memory_space<hbm>>) target(%arg8 : memref<200x128xf32, #tpu.memory_space<vmem>>) target_semaphore(%run_scoped3A : memref<!tpu.dma_semaphore, #tpu.memory_space<semaphore_mem>>)
        %dma_wait3A = arith.constant 0 : i32
        %dma_wait3A_30 = tpu.memref_slice %arg3[%add3A_24, %dma_wait3A] : memref<83200x128xf32, #tpu.memory_space<hbm>> -> memref<200x128xf32, #tpu.memory_space<hbm>>
        %dma_wait3A_31 = arith.constant 0 : i32
        %dma_wait3A_32 = tpu.memref_slice %arg3[%add3A_24, %dma_wait3A_31] : memref<83200x128xf32, #tpu.memory_space<hbm>> -> memref<200x128xf32, #tpu.memory_space<hbm>>
        tpu.wait_dma2 semaphore(%run_scoped3A : memref<!tpu.dma_semaphore, #tpu.memory_space<semaphore_mem>>) src(%dma_wait3A_32 : memref<200x128xf32, #tpu.memory_space<hbm>>) dst(%arg8 : memref<200x128xf32, #tpu.memory_space<vmem>>)
        tpu.yield
      }) : () -> ()
      %add3A_25 = arith.constant 2600 : i32
      %add3A_26 = arith.addi %add3A_25, %mul3A_23 : i32
      "tpu.region"() ({
        %run_scoped3A = tpu.sem_alloc : memref<!tpu.dma_semaphore, #tpu.memory_space<semaphore_mem>>
        %dma_start3A = tpu.memref_slice %arg9[%add3A_26] : memref<5200xi32, #tpu.memory_space<vmem>> -> memref<200xi32, #tpu.memory_space<vmem>>
        %dma_start3A_27 = arith.constant 0 : i32
        %dma_start3A_28 = arith.constant 0 : i32
        %dma_start3A_29 = tpu.memref_slice %arg10[%dma_start3A_27, %dma_start3A_28] : memref<10000x128xf32, #tpu.memory_space<vmem_shared>> -> memref<10000x128xf32, #tpu.memory_space<vmem_shared>>
        tpu.enqueue_indirect_dma source(%arg8 : memref<200x128xf32, #tpu.memory_space<vmem>>) target(%dma_start3A_29 : memref<10000x128xf32, #tpu.memory_space<vmem_shared>>) offsets(%dma_start3A : memref<200xi32, #tpu.memory_space<vmem>>) semaphore(%run_scoped3A : memref<!tpu.dma_semaphore, #tpu.memory_space<semaphore_mem>>) {add = true}
        %dma_wait3A = tpu.memref_slice %arg9[%add3A_26] : memref<5200xi32, #tpu.memory_space<vmem>> -> memref<200xi32, #tpu.memory_space<vmem>>
        %dma_wait3A_30 = arith.constant 0 : i32
        %dma_wait3A_31 = arith.constant 0 : i32
        %dma_wait3A_32 = tpu.memref_slice %arg10[%dma_wait3A_30, %dma_wait3A_31] : memref<10000x128xf32, #tpu.memory_space<vmem_shared>> -> memref<10000x128xf32, #tpu.memory_space<vmem_shared>>
        tpu.wait_indirect_dma semaphore(%run_scoped3A : memref<!tpu.dma_semaphore, #tpu.memory_space<semaphore_mem>>) src(%arg8 : memref<200x128xf32, #tpu.memory_space<vmem>>) dst(%dma_wait3A_32 : memref<10000x128xf32, #tpu.memory_space<vmem_shared>>)
        tpu.yield
      }) : () -> ()
    }
    %scan3A_15 = arith.constant 13 : i32
    %barrier3A_16 = arith.constant 0 : index
    tpu.barrier barrier_id(%barrier3A_16)
    %mul3A_17 = arith.constant 624 : i32
    %mul3A_18 = arith.muli %arg1, %mul3A_17 : i32
    %mul3A_19 = arith.constant 624 : i32
    %mul3A_20 = arith.muli %arg1, %mul3A_19 : i32
    "tpu.region"() ({
      %run_scoped3A = tpu.sem_alloc : memref<!tpu.dma_semaphore, #tpu.memory_space<semaphore_mem>>
      %dma_start3A = arith.constant 0 : i32
      %dma_start3A_21 = tpu.memref_slice %arg7[%arg0, %mul3A_20, %dma_start3A] : memref<2x10000x128xf32, #tpu.memory_space<hbm>> -> memref<1x640x128xf32, #tpu.memory_space<hbm>>
      %dma_start3A_22 = tpu.memref_squeeze %dma_start3A_21 : memref<1x640x128xf32, #tpu.memory_space<hbm>> -> memref<640x128xf32, #tpu.memory_space<hbm>>
      %dma_start3A_23 = arith.constant 0 : i32
      %dma_start3A_24 = tpu.memref_slice %arg10[%mul3A_18, %dma_start3A_23] : memref<10000x128xf32, #tpu.memory_space<vmem_shared>> -> memref<640x128xf32, #tpu.memory_space<vmem_shared>>
      tpu.enqueue_dma source(%dma_start3A_24 : memref<640x128xf32, #tpu.memory_space<vmem_shared>>) target(%dma_start3A_22 : memref<640x128xf32, #tpu.memory_space<hbm>>) target_semaphore(%run_scoped3A : memref<!tpu.dma_semaphore, #tpu.memory_space<semaphore_mem>>)
      %dma_wait3A = arith.constant 0 : i32
      %dma_wait3A_25 = tpu.memref_slice %arg7[%arg0, %mul3A_20, %dma_wait3A] : memref<2x10000x128xf32, #tpu.memory_space<hbm>> -> memref<1x640x128xf32, #tpu.memory_space<hbm>>
      %dma_wait3A_26 = tpu.memref_squeeze %dma_wait3A_25 : memref<1x640x128xf32, #tpu.memory_space<hbm>> -> memref<640x128xf32, #tpu.memory_space<hbm>>
      %dma_wait3A_27 = arith.constant 0 : i32
      %dma_wait3A_28 = tpu.memref_slice %arg10[%mul3A_18, %dma_wait3A_27] : memref<10000x128xf32, #tpu.memory_space<vmem_shared>> -> memref<640x128xf32, #tpu.memory_space<vmem_shared>>
      tpu.wait_dma2 semaphore(%run_scoped3A : memref<!tpu.dma_semaphore, #tpu.memory_space<semaphore_mem>>) src(%dma_wait3A_28 : memref<640x128xf32, #tpu.memory_space<vmem_shared>>) dst(%dma_wait3A_26 : memref<640x128xf32, #tpu.memory_space<hbm>>)
      tpu.yield
    }) : () -> ()
    return
  }
}

module attributes {stable_mosaic.version = 14 : i64} {
  func.func @_node_body(%arg0: i32, %arg1: memref<2000x128xf32, #tpu.memory_space<vmem>>, %arg2: memref<128x128xf32, #tpu.memory_space<vmem>>, %arg3: memref<128xf32, #tpu.memory_space<vmem>>, %arg4: memref<128x128xf32, #tpu.memory_space<vmem>>, %arg5: memref<128xf32, #tpu.memory_space<vmem>>, %arg6: memref<128xf32, #tpu.memory_space<vmem>>, %arg7: memref<128xf32, #tpu.memory_space<vmem>>, %arg8: memref<128x128xf32, #tpu.memory_space<vmem>>, %arg9: memref<2000x128xf32, #tpu.memory_space<vmem>>, %arg10: memref<2000x128xf32, #tpu.memory_space<vmem>>) attributes {dimension_semantics = [#tpu.dimension_semantics<arbitrary>], iteration_bounds = array<i64: 5>, scalar_prefetch = 0 : i64, scratch_operands = 0 : i64, tpu.core_type = #tpu.core_type<tc>, window_params = [{transform_indices = @transform_0, window_bounds = array<i64: 2000, 128>}, {pipeline_mode = #tpu.pipeline_mode<synchronous>, transform_indices = @transform_1, window_bounds = array<i64: 128, 128>}, {pipeline_mode = #tpu.pipeline_mode<synchronous>, transform_indices = @transform_2, window_bounds = array<i64: 128>}, {pipeline_mode = #tpu.pipeline_mode<synchronous>, transform_indices = @transform_3, window_bounds = array<i64: 128, 128>}, {pipeline_mode = #tpu.pipeline_mode<synchronous>, transform_indices = @transform_4, window_bounds = array<i64: 128>}, {pipeline_mode = #tpu.pipeline_mode<synchronous>, transform_indices = @transform_5, window_bounds = array<i64: 128>}, {pipeline_mode = #tpu.pipeline_mode<synchronous>, transform_indices = @transform_6, window_bounds = array<i64: 128>}, {pipeline_mode = #tpu.pipeline_mode<synchronous>, transform_indices = @transform_7, window_bounds = array<i64: 128, 128>}, {transform_indices = @transform_8, window_bounds = array<i64: 2000, 128>}, {transform_indices = @transform_9, window_bounds = array<i64: 2000, 128>}]} {
    %get3A = arith.constant 0 : index
    %get3A_0 = arith.constant 0 : index
    %get3A_1 = vector.load %arg1[%get3A, %get3A_0] : memref<2000x128xf32, #tpu.memory_space<vmem>>, vector<2000x128xf32>
    %get3A_2 = arith.constant 0 : index
    %get3A_3 = arith.constant 0 : index
    %get3A_4 = vector.load %arg2[%get3A_2, %get3A_3] : memref<128x128xf32, #tpu.memory_space<vmem>>, vector<128x128xf32>
    %dot_general3A = arith.constant dense<0.000000e+00> : vector<2000x128xf32>
    %dot_general3A_5 = tpu.matmul %get3A_1, %get3A_4, %dot_general3A {dimension_numbers = #tpu.dot_dimension_numbers<[1], [0], [0], [1], [0, 0, 1, 1], [], []>, transpose_lhs_hint = false} : vector<2000x128xf32>, vector<128x128xf32>, vector<2000x128xf32> -> vector<2000x128xf32>
    %get3A_6 = arith.constant 0 : index
    %get3A_7 = vector.load %arg3[%get3A_6] : memref<128xf32, #tpu.memory_space<vmem>>, vector<128xf32>
    %broadcast_in_dim3A = vector.shape_cast %get3A_7 : vector<128xf32> to vector<1x128xf32>
    %add3A = vector.broadcast %broadcast_in_dim3A : vector<1x128xf32> to vector<2000x128xf32>
    %add3A_8 = arith.addf %dot_general3A_5, %add3A : vector<2000x128xf32>
    %neg3A = arith.constant 0.000000e+00 : f32
    %neg3A_9 = vector.broadcast %neg3A : f32 to vector<2000x128xf32>
    %neg3A_10 = arith.subf %neg3A_9, %add3A_8 : vector<2000x128xf32>
    %exp3A = math.exp %neg3A_10 : vector<2000x128xf32>
    %add3A_11 = arith.constant 1.000000e+00 : f32
    %add3A_12 = vector.broadcast %add3A_11 : f32 to vector<2000x128xf32>
    %add3A_13 = arith.addf %add3A_12, %exp3A : vector<2000x128xf32>
    %div3A = arith.constant 1.000000e+00 : f32
    %div3A_14 = vector.broadcast %div3A : f32 to vector<2000x128xf32>
    %div3A_15 = arith.divf %div3A_14, %add3A_13 : vector<2000x128xf32>
    %mul3A = arith.mulf %add3A_8, %div3A_15 : vector<2000x128xf32>
    %get3A_16 = arith.constant 0 : index
    %get3A_17 = arith.constant 0 : index
    %get3A_18 = vector.load %arg4[%get3A_16, %get3A_17] : memref<128x128xf32, #tpu.memory_space<vmem>>, vector<128x128xf32>
    %dot_general3A_19 = arith.constant dense<0.000000e+00> : vector<2000x128xf32>
    %dot_general3A_20 = tpu.matmul %mul3A, %get3A_18, %dot_general3A_19 {dimension_numbers = #tpu.dot_dimension_numbers<[1], [0], [0], [1], [0, 0, 1, 1], [], []>, transpose_lhs_hint = false} : vector<2000x128xf32>, vector<128x128xf32>, vector<2000x128xf32> -> vector<2000x128xf32>
    %get3A_21 = arith.constant 0 : index
    %get3A_22 = vector.load %arg5[%get3A_21] : memref<128xf32, #tpu.memory_space<vmem>>, vector<128xf32>
    %broadcast_in_dim3A_23 = vector.shape_cast %get3A_22 : vector<128xf32> to vector<1x128xf32>
    %add3A_24 = vector.broadcast %broadcast_in_dim3A_23 : vector<1x128xf32> to vector<2000x128xf32>
    %add3A_25 = arith.addf %dot_general3A_20, %add3A_24 : vector<2000x128xf32>
    %get3A_26 = arith.constant 0 : index
    %get3A_27 = vector.load %arg6[%get3A_26] : memref<128xf32, #tpu.memory_space<vmem>>, vector<128xf32>
    %get3A_28 = arith.constant 0 : index
    %get3A_29 = vector.load %arg7[%get3A_28] : memref<128xf32, #tpu.memory_space<vmem>>, vector<128xf32>
    %reduce_sum3A = arith.constant dense<0.000000e+00> : vector<2000xf32>
    %reduce_sum3A_30 = vector.multi_reduction <add>, %add3A_25, %reduce_sum3A [1] : vector<2000x128xf32> to vector<2000xf32>
    %broadcast_in_dim3A_31 = vector.shape_cast %reduce_sum3A_30 : vector<2000xf32> to vector<2000x1xf32>
    %div3A_32 = arith.constant 1.280000e+02 : f32
    %div3A_33 = vector.broadcast %div3A_32 : f32 to vector<2000x1xf32>
    %div3A_34 = arith.divf %broadcast_in_dim3A_31, %div3A_33 : vector<2000x1xf32>
    %jit3A = arith.constant 0 : i32
    %reduce_sum3A_35 = arith.constant dense<0.000000e+00> : vector<2000xf32>
    %reduce_sum3A_36 = vector.multi_reduction <add>, %add3A_25, %reduce_sum3A_35 [1] : vector<2000x128xf32> to vector<2000xf32>
    %broadcast_in_dim3A_37 = vector.shape_cast %reduce_sum3A_36 : vector<2000xf32> to vector<2000x1xf32>
    %div3A_38 = arith.constant 1.280000e+02 : f32
    %div3A_39 = vector.broadcast %div3A_38 : f32 to vector<2000x1xf32>
    %div3A_40 = arith.divf %broadcast_in_dim3A_37, %div3A_39 : vector<2000x1xf32>
    %sub3A = vector.broadcast %div3A_40 : vector<2000x1xf32> to vector<2000x128xf32>
    %sub3A_41 = arith.subf %add3A_25, %sub3A : vector<2000x128xf32>
    %square3A = arith.mulf %sub3A_41, %sub3A_41 : vector<2000x128xf32>
    %convert_element_type3A = arith.sitofp %jit3A : i32 to f32
    %sub3A_42 = arith.constant 1.280000e+02 : f32
    %sub3A_43 = arith.subf %sub3A_42, %convert_element_type3A : f32
    %reduce_sum3A_44 = arith.constant dense<0.000000e+00> : vector<2000xf32>
    %reduce_sum3A_45 = vector.multi_reduction <add>, %square3A, %reduce_sum3A_44 [1] : vector<2000x128xf32> to vector<2000xf32>
    %broadcast_in_dim3A_46 = vector.shape_cast %reduce_sum3A_45 : vector<2000xf32> to vector<2000x1xf32>
    %div3A_47 = vector.broadcast %sub3A_43 : f32 to vector<2000x1xf32>
    %div3A_48 = arith.divf %broadcast_in_dim3A_46, %div3A_47 : vector<2000x1xf32>
    %gt3A = arith.constant 0.000000e+00 : f32
    %gt3A_49 = arith.cmpf ogt, %sub3A_43, %gt3A : f32
    %jit3A_50 = arith.constant 0x7FC00000 : f32
    %broadcast_in_dim3A_51 = vector.broadcast %jit3A_50 : f32 to vector<2000x1xf32>
    %select_n3A = arith.select %gt3A_49, %div3A_48, %broadcast_in_dim3A_51 : vector<2000x1xf32>
    %sub3A_52 = vector.broadcast %div3A_34 : vector<2000x1xf32> to vector<2000x128xf32>
    %sub3A_53 = arith.subf %add3A_25, %sub3A_52 : vector<2000x128xf32>
    %add3A_54 = arith.constant 9.99999974E-6 : f32
    %add3A_55 = vector.broadcast %add3A_54 : f32 to vector<2000x1xf32>
    %add3A_56 = arith.addf %select_n3A, %add3A_55 : vector<2000x1xf32>
    %sqrt3A = math.sqrt %add3A_56 : vector<2000x1xf32>
    %div3A_57 = vector.broadcast %sqrt3A : vector<2000x1xf32> to vector<2000x128xf32>
    %div3A_58 = arith.divf %sub3A_53, %div3A_57 : vector<2000x128xf32>
    %broadcast_in_dim3A_59 = vector.shape_cast %get3A_27 : vector<128xf32> to vector<1x128xf32>
    %mul3A_60 = vector.broadcast %broadcast_in_dim3A_59 : vector<1x128xf32> to vector<2000x128xf32>
    %mul3A_61 = arith.mulf %div3A_58, %mul3A_60 : vector<2000x128xf32>
    %broadcast_in_dim3A_62 = vector.shape_cast %get3A_29 : vector<128xf32> to vector<1x128xf32>
    %add3A_63 = vector.broadcast %broadcast_in_dim3A_62 : vector<1x128xf32> to vector<2000x128xf32>
    %add3A_64 = arith.addf %mul3A_61, %add3A_63 : vector<2000x128xf32>
    %swap3A = arith.constant 0 : index
    %swap3A_65 = arith.constant 0 : index
    %swap3A_66 = vector.load %arg9[%swap3A, %swap3A_65] : memref<2000x128xf32, #tpu.memory_space<vmem>>, vector<2000x128xf32>
    tpu.vector_store %arg9[%swap3A, %swap3A_65], %add3A_64 {strides = array<i32>} : memref<2000x128xf32, #tpu.memory_space<vmem>>, vector<2000x128xf32>,
    %get3A_67 = arith.constant 0 : index
    %get3A_68 = arith.constant 0 : index
    %get3A_69 = vector.load %arg8[%get3A_67, %get3A_68] : memref<128x128xf32, #tpu.memory_space<vmem>>, vector<128x128xf32>
    %dot_general3A_70 = arith.constant dense<0.000000e+00> : vector<2000x128xf32>
    %dot_general3A_71 = tpu.matmul %add3A_64, %get3A_69, %dot_general3A_70 {dimension_numbers = #tpu.dot_dimension_numbers<[1], [0], [0], [1], [0, 0, 1, 1], [], []>, transpose_lhs_hint = false} : vector<2000x128xf32>, vector<128x128xf32>, vector<2000x128xf32> -> vector<2000x128xf32>
    %swap3A_72 = arith.constant 0 : index
    %swap3A_73 = arith.constant 0 : index
    %swap3A_74 = vector.load %arg10[%swap3A_72, %swap3A_73] : memref<2000x128xf32, #tpu.memory_space<vmem>>, vector<2000x128xf32>
    tpu.vector_store %arg10[%swap3A_72, %swap3A_73], %dot_general3A_71 {strides = array<i32>} : memref<2000x128xf32, #tpu.memory_space<vmem>>, vector<2000x128xf32>,
    return
  }
  func.func @transform_0(%arg0: i32) -> (i32, i32) {
    %c0_i32 = arith.constant 0 : i32
    %c0_i32_0 = arith.constant 0 : i32
    return %arg0, %c0_i32 : i32, i32
  }
  func.func @transform_1(%arg0: i32) -> (i32, i32) {
    %c0_i32 = arith.constant 0 : i32
    %c0_i32_0 = arith.constant 0 : i32
    %c0_i32_1 = arith.constant 0 : i32
    return %c0_i32, %c0_i32_0 : i32, i32
  }
  func.func @transform_2(%arg0: i32) -> i32 {
    %c0_i32 = arith.constant 0 : i32
    %c0_i32_0 = arith.constant 0 : i32
    return %c0_i32 : i32
  }
  func.func @transform_3(%arg0: i32) -> (i32, i32) {
    %c0_i32 = arith.constant 0 : i32
    %c0_i32_0 = arith.constant 0 : i32
    %c0_i32_1 = arith.constant 0 : i32
    return %c0_i32, %c0_i32_0 : i32, i32
  }
  func.func @transform_4(%arg0: i32) -> i32 {
    %c0_i32 = arith.constant 0 : i32
    %c0_i32_0 = arith.constant 0 : i32
    return %c0_i32 : i32
  }
  func.func @transform_5(%arg0: i32) -> i32 {
    %c0_i32 = arith.constant 0 : i32
    %c0_i32_0 = arith.constant 0 : i32
    return %c0_i32 : i32
  }
  func.func @transform_6(%arg0: i32) -> i32 {
    %c0_i32 = arith.constant 0 : i32
    %c0_i32_0 = arith.constant 0 : i32
    return %c0_i32 : i32
  }
  func.func @transform_7(%arg0: i32) -> (i32, i32) {
    %c0_i32 = arith.constant 0 : i32
    %c0_i32_0 = arith.constant 0 : i32
    %c0_i32_1 = arith.constant 0 : i32
    return %c0_i32, %c0_i32_0 : i32, i32
  }
  func.func @transform_8(%arg0: i32) -> (i32, i32) {
    %c0_i32 = arith.constant 0 : i32
    %c0_i32_0 = arith.constant 0 : i32
    return %arg0, %c0_i32 : i32, i32
  }
  func.func @transform_9(%arg0: i32) -> (i32, i32) {
    %c0_i32 = arith.constant 0 : i32
    %c0_i32_0 = arith.constant 0 : i32
    return %arg0, %c0_i32 : i32, i32
  }
}

module attributes {stable_mosaic.version = 14 : i64} {
  func.func @_node_body(%arg0: i32, %arg1: memref<2000x128xf32, #tpu.memory_space<vmem>>, %arg2: memref<128x128xf32, #tpu.memory_space<vmem>>, %arg3: memref<128xf32, #tpu.memory_space<vmem>>, %arg4: memref<128x128xf32, #tpu.memory_space<vmem>>, %arg5: memref<128xf32, #tpu.memory_space<vmem>>, %arg6: memref<128xf32, #tpu.memory_space<vmem>>, %arg7: memref<128xf32, #tpu.memory_space<vmem>>, %arg8: memref<128x128xf32, #tpu.memory_space<vmem>>, %arg9: memref<2000x128xf32, #tpu.memory_space<vmem>>, %arg10: memref<2000x128xf32, #tpu.memory_space<vmem>>) attributes {dimension_semantics = [#tpu.dimension_semantics<arbitrary>], iteration_bounds = array<i64: 5>, scalar_prefetch = 0 : i64, scratch_operands = 0 : i64, tpu.core_type = #tpu.core_type<tc>, window_params = [{transform_indices = @transform_0, window_bounds = array<i64: 2000, 128>}, {pipeline_mode = #tpu.pipeline_mode<synchronous>, transform_indices = @transform_1, window_bounds = array<i64: 128, 128>}, {pipeline_mode = #tpu.pipeline_mode<synchronous>, transform_indices = @transform_2, window_bounds = array<i64: 128>}, {pipeline_mode = #tpu.pipeline_mode<synchronous>, transform_indices = @transform_3, window_bounds = array<i64: 128, 128>}, {pipeline_mode = #tpu.pipeline_mode<synchronous>, transform_indices = @transform_4, window_bounds = array<i64: 128>}, {pipeline_mode = #tpu.pipeline_mode<synchronous>, transform_indices = @transform_5, window_bounds = array<i64: 128>}, {pipeline_mode = #tpu.pipeline_mode<synchronous>, transform_indices = @transform_6, window_bounds = array<i64: 128>}, {pipeline_mode = #tpu.pipeline_mode<synchronous>, transform_indices = @transform_7, window_bounds = array<i64: 128, 128>}, {transform_indices = @transform_8, window_bounds = array<i64: 2000, 128>}, {transform_indices = @transform_9, window_bounds = array<i64: 2000, 128>}]} {
    %get3A = arith.constant 0 : index
    %get3A_0 = arith.constant 0 : index
    %get3A_1 = vector.load %arg1[%get3A, %get3A_0] : memref<2000x128xf32, #tpu.memory_space<vmem>>, vector<2000x128xf32>
    %get3A_2 = arith.constant 0 : index
    %get3A_3 = arith.constant 0 : index
    %get3A_4 = vector.load %arg2[%get3A_2, %get3A_3] : memref<128x128xf32, #tpu.memory_space<vmem>>, vector<128x128xf32>
    %dot_general3A = arith.constant dense<0.000000e+00> : vector<2000x128xf32>
    %dot_general3A_5 = tpu.matmul %get3A_1, %get3A_4, %dot_general3A {dimension_numbers = #tpu.dot_dimension_numbers<[1], [0], [0], [1], [0, 0, 1, 1], [], []>, transpose_lhs_hint = false} : vector<2000x128xf32>, vector<128x128xf32>, vector<2000x128xf32> -> vector<2000x128xf32>
    %get3A_6 = arith.constant 0 : index
    %get3A_7 = vector.load %arg3[%get3A_6] : memref<128xf32, #tpu.memory_space<vmem>>, vector<128xf32>
    %broadcast_in_dim3A = vector.shape_cast %get3A_7 : vector<128xf32> to vector<1x128xf32>
    %add3A = vector.broadcast %broadcast_in_dim3A : vector<1x128xf32> to vector<2000x128xf32>
    %add3A_8 = arith.addf %dot_general3A_5, %add3A : vector<2000x128xf32>
    %neg3A = arith.constant 0.000000e+00 : f32
    %neg3A_9 = vector.broadcast %neg3A : f32 to vector<2000x128xf32>
    %neg3A_10 = arith.subf %neg3A_9, %add3A_8 : vector<2000x128xf32>
    %exp3A = math.exp %neg3A_10 : vector<2000x128xf32>
    %add3A_11 = arith.constant 1.000000e+00 : f32
    %add3A_12 = vector.broadcast %add3A_11 : f32 to vector<2000x128xf32>
    %add3A_13 = arith.addf %add3A_12, %exp3A : vector<2000x128xf32>
    %div3A = arith.constant 1.000000e+00 : f32
    %div3A_14 = vector.broadcast %div3A : f32 to vector<2000x128xf32>
    %div3A_15 = arith.divf %div3A_14, %add3A_13 : vector<2000x128xf32>
    %mul3A = arith.mulf %add3A_8, %div3A_15 : vector<2000x128xf32>
    %get3A_16 = arith.constant 0 : index
    %get3A_17 = arith.constant 0 : index
    %get3A_18 = vector.load %arg4[%get3A_16, %get3A_17] : memref<128x128xf32, #tpu.memory_space<vmem>>, vector<128x128xf32>
    %dot_general3A_19 = arith.constant dense<0.000000e+00> : vector<2000x128xf32>
    %dot_general3A_20 = tpu.matmul %mul3A, %get3A_18, %dot_general3A_19 {dimension_numbers = #tpu.dot_dimension_numbers<[1], [0], [0], [1], [0, 0, 1, 1], [], []>, transpose_lhs_hint = false} : vector<2000x128xf32>, vector<128x128xf32>, vector<2000x128xf32> -> vector<2000x128xf32>
    %get3A_21 = arith.constant 0 : index
    %get3A_22 = vector.load %arg5[%get3A_21] : memref<128xf32, #tpu.memory_space<vmem>>, vector<128xf32>
    %broadcast_in_dim3A_23 = vector.shape_cast %get3A_22 : vector<128xf32> to vector<1x128xf32>
    %add3A_24 = vector.broadcast %broadcast_in_dim3A_23 : vector<1x128xf32> to vector<2000x128xf32>
    %add3A_25 = arith.addf %dot_general3A_20, %add3A_24 : vector<2000x128xf32>
    %get3A_26 = arith.constant 0 : index
    %get3A_27 = vector.load %arg6[%get3A_26] : memref<128xf32, #tpu.memory_space<vmem>>, vector<128xf32>
    %get3A_28 = arith.constant 0 : index
    %get3A_29 = vector.load %arg7[%get3A_28] : memref<128xf32, #tpu.memory_space<vmem>>, vector<128xf32>
    %reduce_sum3A = arith.constant dense<0.000000e+00> : vector<2000xf32>
    %reduce_sum3A_30 = vector.multi_reduction <add>, %add3A_25, %reduce_sum3A [1] : vector<2000x128xf32> to vector<2000xf32>
    %broadcast_in_dim3A_31 = vector.shape_cast %reduce_sum3A_30 : vector<2000xf32> to vector<2000x1xf32>
    %div3A_32 = arith.constant 1.280000e+02 : f32
    %div3A_33 = vector.broadcast %div3A_32 : f32 to vector<2000x1xf32>
    %div3A_34 = arith.divf %broadcast_in_dim3A_31, %div3A_33 : vector<2000x1xf32>
    %jit3A = arith.constant 0 : i32
    %reduce_sum3A_35 = arith.constant dense<0.000000e+00> : vector<2000xf32>
    %reduce_sum3A_36 = vector.multi_reduction <add>, %add3A_25, %reduce_sum3A_35 [1] : vector<2000x128xf32> to vector<2000xf32>
    %broadcast_in_dim3A_37 = vector.shape_cast %reduce_sum3A_36 : vector<2000xf32> to vector<2000x1xf32>
    %div3A_38 = arith.constant 1.280000e+02 : f32
    %div3A_39 = vector.broadcast %div3A_38 : f32 to vector<2000x1xf32>
    %div3A_40 = arith.divf %broadcast_in_dim3A_37, %div3A_39 : vector<2000x1xf32>
    %sub3A = vector.broadcast %div3A_40 : vector<2000x1xf32> to vector<2000x128xf32>
    %sub3A_41 = arith.subf %add3A_25, %sub3A : vector<2000x128xf32>
    %square3A = arith.mulf %sub3A_41, %sub3A_41 : vector<2000x128xf32>
    %convert_element_type3A = arith.sitofp %jit3A : i32 to f32
    %sub3A_42 = arith.constant 1.280000e+02 : f32
    %sub3A_43 = arith.subf %sub3A_42, %convert_element_type3A : f32
    %reduce_sum3A_44 = arith.constant dense<0.000000e+00> : vector<2000xf32>
    %reduce_sum3A_45 = vector.multi_reduction <add>, %square3A, %reduce_sum3A_44 [1] : vector<2000x128xf32> to vector<2000xf32>
    %broadcast_in_dim3A_46 = vector.shape_cast %reduce_sum3A_45 : vector<2000xf32> to vector<2000x1xf32>
    %div3A_47 = vector.broadcast %sub3A_43 : f32 to vector<2000x1xf32>
    %div3A_48 = arith.divf %broadcast_in_dim3A_46, %div3A_47 : vector<2000x1xf32>
    %gt3A = arith.constant 0.000000e+00 : f32
    %gt3A_49 = arith.cmpf ogt, %sub3A_43, %gt3A : f32
    %jit3A_50 = arith.constant 0x7FC00000 : f32
    %broadcast_in_dim3A_51 = vector.broadcast %jit3A_50 : f32 to vector<2000x1xf32>
    %select_n3A = arith.select %gt3A_49, %div3A_48, %broadcast_in_dim3A_51 : vector<2000x1xf32>
    %sub3A_52 = vector.broadcast %div3A_34 : vector<2000x1xf32> to vector<2000x128xf32>
    %sub3A_53 = arith.subf %add3A_25, %sub3A_52 : vector<2000x128xf32>
    %add3A_54 = arith.constant 9.99999974E-6 : f32
    %add3A_55 = vector.broadcast %add3A_54 : f32 to vector<2000x1xf32>
    %add3A_56 = arith.addf %select_n3A, %add3A_55 : vector<2000x1xf32>
    %sqrt3A = math.sqrt %add3A_56 : vector<2000x1xf32>
    %div3A_57 = vector.broadcast %sqrt3A : vector<2000x1xf32> to vector<2000x128xf32>
    %div3A_58 = arith.divf %sub3A_53, %div3A_57 : vector<2000x128xf32>
    %broadcast_in_dim3A_59 = vector.shape_cast %get3A_27 : vector<128xf32> to vector<1x128xf32>
    %mul3A_60 = vector.broadcast %broadcast_in_dim3A_59 : vector<1x128xf32> to vector<2000x128xf32>
    %mul3A_61 = arith.mulf %div3A_58, %mul3A_60 : vector<2000x128xf32>
    %broadcast_in_dim3A_62 = vector.shape_cast %get3A_29 : vector<128xf32> to vector<1x128xf32>
    %add3A_63 = vector.broadcast %broadcast_in_dim3A_62 : vector<1x128xf32> to vector<2000x128xf32>
    %add3A_64 = arith.addf %mul3A_61, %add3A_63 : vector<2000x128xf32>
    %swap3A = arith.constant 0 : index
    %swap3A_65 = arith.constant 0 : index
    %swap3A_66 = vector.load %arg9[%swap3A, %swap3A_65] : memref<2000x128xf32, #tpu.memory_space<vmem>>, vector<2000x128xf32>
    tpu.vector_store %arg9[%swap3A, %swap3A_65], %add3A_64 {strides = array<i32>} : memref<2000x128xf32, #tpu.memory_space<vmem>>, vector<2000x128xf32>,
    %get3A_67 = arith.constant 0 : index
    %get3A_68 = arith.constant 0 : index
    %get3A_69 = vector.load %arg8[%get3A_67, %get3A_68] : memref<128x128xf32, #tpu.memory_space<vmem>>, vector<128x128xf32>
    %dot_general3A_70 = arith.constant dense<0.000000e+00> : vector<2000x128xf32>
    %dot_general3A_71 = tpu.matmul %add3A_64, %get3A_69, %dot_general3A_70 {dimension_numbers = #tpu.dot_dimension_numbers<[1], [0], [0], [1], [0, 0, 1, 1], [], []>, transpose_lhs_hint = false} : vector<2000x128xf32>, vector<128x128xf32>, vector<2000x128xf32> -> vector<2000x128xf32>
    %swap3A_72 = arith.constant 0 : index
    %swap3A_73 = arith.constant 0 : index
    %swap3A_74 = vector.load %arg10[%swap3A_72, %swap3A_73] : memref<2000x128xf32, #tpu.memory_space<vmem>>, vector<2000x128xf32>
    tpu.vector_store %arg10[%swap3A_72, %swap3A_73], %dot_general3A_71 {strides = array<i32>} : memref<2000x128xf32, #tpu.memory_space<vmem>>, vector<2000x128xf32>,
    return
  }
  func.func @transform_0(%arg0: i32) -> (i32, i32) {
    %c0_i32 = arith.constant 0 : i32
    %c0_i32_0 = arith.constant 0 : i32
    return %arg0, %c0_i32 : i32, i32
  }
  func.func @transform_1(%arg0: i32) -> (i32, i32) {
    %c0_i32 = arith.constant 0 : i32
    %c0_i32_0 = arith.constant 0 : i32
    %c0_i32_1 = arith.constant 0 : i32
    return %c0_i32, %c0_i32_0 : i32, i32
  }
  func.func @transform_2(%arg0: i32) -> i32 {
    %c0_i32 = arith.constant 0 : i32
    %c0_i32_0 = arith.constant 0 : i32
    return %c0_i32 : i32
  }
  func.func @transform_3(%arg0: i32) -> (i32, i32) {
    %c0_i32 = arith.constant 0 : i32
    %c0_i32_0 = arith.constant 0 : i32
    %c0_i32_1 = arith.constant 0 : i32
    return %c0_i32, %c0_i32_0 : i32, i32
  }
  func.func @transform_4(%arg0: i32) -> i32 {
    %c0_i32 = arith.constant 0 : i32
    %c0_i32_0 = arith.constant 0 : i32
    return %c0_i32 : i32
  }
  func.func @transform_5(%arg0: i32) -> i32 {
    %c0_i32 = arith.constant 0 : i32
    %c0_i32_0 = arith.constant 0 : i32
    return %c0_i32 : i32
  }
  func.func @transform_6(%arg0: i32) -> i32 {
    %c0_i32 = arith.constant 0 : i32
    %c0_i32_0 = arith.constant 0 : i32
    return %c0_i32 : i32
  }
  func.func @transform_7(%arg0: i32) -> (i32, i32) {
    %c0_i32 = arith.constant 0 : i32
    %c0_i32_0 = arith.constant 0 : i32
    %c0_i32_1 = arith.constant 0 : i32
    return %c0_i32, %c0_i32_0 : i32, i32
  }
  func.func @transform_8(%arg0: i32) -> (i32, i32) {
    %c0_i32 = arith.constant 0 : i32
    %c0_i32_0 = arith.constant 0 : i32
    return %arg0, %c0_i32 : i32, i32
  }
  func.func @transform_9(%arg0: i32) -> (i32, i32) {
    %c0_i32 = arith.constant 0 : i32
    %c0_i32_0 = arith.constant 0 : i32
    return %arg0, %c0_i32 : i32, i32
  }
}

module attributes {stable_mosaic.version = 14 : i64} {
  func.func @_edge_body(%arg0: i32, %arg1: memref<6400x16xf32, #tpu.memory_space<vmem>>, %arg2: memref<6400x128xf32, #tpu.memory_space<vmem>>, %arg3: memref<16x128xf32, #tpu.memory_space<vmem>>, %arg4: memref<128xf32, #tpu.memory_space<vmem>>, %arg5: memref<128x128xf32, #tpu.memory_space<vmem>>, %arg6: memref<128xf32, #tpu.memory_space<vmem>>, %arg7: memref<128xf32, #tpu.memory_space<vmem>>, %arg8: memref<128xf32, #tpu.memory_space<vmem>>, %arg9: memref<128x128xf32, #tpu.memory_space<vmem>>, %arg10: memref<128xf32, #tpu.memory_space<vmem>>, %arg11: memref<128x128xf32, #tpu.memory_space<vmem>>, %arg12: memref<128xf32, #tpu.memory_space<vmem>>, %arg13: memref<128xf32, #tpu.memory_space<vmem>>, %arg14: memref<128xf32, #tpu.memory_space<vmem>>, %arg15: memref<6400x128xf32, #tpu.memory_space<vmem>>) attributes {dimension_semantics = [#tpu.dimension_semantics<arbitrary>], iteration_bounds = array<i64: 12>, scalar_prefetch = 0 : i64, scratch_operands = 0 : i64, tpu.core_type = #tpu.core_type<tc>, window_params = [{transform_indices = @transform_0, window_bounds = array<i64: 6400, 16>}, {transform_indices = @transform_1, window_bounds = array<i64: 6400, 128>}, {pipeline_mode = #tpu.pipeline_mode<synchronous>, transform_indices = @transform_2, window_bounds = array<i64: 16, 128>}, {pipeline_mode = #tpu.pipeline_mode<synchronous>, transform_indices = @transform_3, window_bounds = array<i64: 128>}, {pipeline_mode = #tpu.pipeline_mode<synchronous>, transform_indices = @transform_4, window_bounds = array<i64: 128, 128>}, {pipeline_mode = #tpu.pipeline_mode<synchronous>, transform_indices = @transform_5, window_bounds = array<i64: 128>}, {pipeline_mode = #tpu.pipeline_mode<synchronous>, transform_indices = @transform_6, window_bounds = array<i64: 128>}, {pipeline_mode = #tpu.pipeline_mode<synchronous>, transform_indices = @transform_7, window_bounds = array<i64: 128>}, {pipeline_mode = #tpu.pipeline_mode<synchronous>, transform_indices = @transform_8, window_bounds = array<i64: 128, 128>}, {pipeline_mode = #tpu.pipeline_mode<synchronous>, transform_indices = @transform_9, window_bounds = array<i64: 128>}, {pipeline_mode = #tpu.pipeline_mode<synchronous>, transform_indices = @transform_10, window_bounds = array<i64: 128, 128>}, {pipeline_mode = #tpu.pipeline_mode<synchronous>, transform_indices = @transform_11, window_bounds = array<i64: 128>}, {pipeline_mode = #tpu.pipeline_mode<synchronous>, transform_indices = @transform_12, window_bounds = array<i64: 128>}, {pipeline_mode = #tpu.pipeline_mode<synchronous>, transform_indices = @transform_13, window_bounds = array<i64: 128>}, {transform_indices = @transform_14, window_bounds = array<i64: 6400, 128>}]} {
    %get3A = arith.constant 0 : index
    %get3A_0 = arith.constant 0 : index
    %get3A_1 = vector.load %arg1[%get3A, %get3A_0] : memref<6400x16xf32, #tpu.memory_space<vmem>>, vector<6400x16xf32>
    %get3A_2 = arith.constant 0 : index
    %get3A_3 = arith.constant 0 : index
    %get3A_4 = vector.load %arg3[%get3A_2, %get3A_3] : memref<16x128xf32, #tpu.memory_space<vmem>>, vector<16x128xf32>
    %dot_general3A = arith.constant dense<0.000000e+00> : vector<6400x128xf32>
    %dot_general3A_5 = tpu.matmul %get3A_1, %get3A_4, %dot_general3A {dimension_numbers = #tpu.dot_dimension_numbers<[1], [0], [0], [1], [0, 0, 1, 1], [], []>, transpose_lhs_hint = false} : vector<6400x16xf32>, vector<16x128xf32>, vector<6400x128xf32> -> vector<6400x128xf32>
    %get3A_6 = arith.constant 0 : index
    %get3A_7 = vector.load %arg4[%get3A_6] : memref<128xf32, #tpu.memory_space<vmem>>, vector<128xf32>
    %broadcast_in_dim3A = vector.shape_cast %get3A_7 : vector<128xf32> to vector<1x128xf32>
    %add3A = vector.broadcast %broadcast_in_dim3A : vector<1x128xf32> to vector<6400x128xf32>
    %add3A_8 = arith.addf %dot_general3A_5, %add3A : vector<6400x128xf32>
    %neg3A = arith.constant 0.000000e+00 : f32
    %neg3A_9 = vector.broadcast %neg3A : f32 to vector<6400x128xf32>
    %neg3A_10 = arith.subf %neg3A_9, %add3A_8 : vector<6400x128xf32>
    %exp3A = math.exp %neg3A_10 : vector<6400x128xf32>
    %add3A_11 = arith.constant 1.000000e+00 : f32
    %add3A_12 = vector.broadcast %add3A_11 : f32 to vector<6400x128xf32>
    %add3A_13 = arith.addf %add3A_12, %exp3A : vector<6400x128xf32>
    %div3A = arith.constant 1.000000e+00 : f32
    %div3A_14 = vector.broadcast %div3A : f32 to vector<6400x128xf32>
    %div3A_15 = arith.divf %div3A_14, %add3A_13 : vector<6400x128xf32>
    %mul3A = arith.mulf %add3A_8, %div3A_15 : vector<6400x128xf32>
    %get3A_16 = arith.constant 0 : index
    %get3A_17 = arith.constant 0 : index
    %get3A_18 = vector.load %arg5[%get3A_16, %get3A_17] : memref<128x128xf32, #tpu.memory_space<vmem>>, vector<128x128xf32>
    %dot_general3A_19 = arith.constant dense<0.000000e+00> : vector<6400x128xf32>
    %dot_general3A_20 = tpu.matmul %mul3A, %get3A_18, %dot_general3A_19 {dimension_numbers = #tpu.dot_dimension_numbers<[1], [0], [0], [1], [0, 0, 1, 1], [], []>, transpose_lhs_hint = false} : vector<6400x128xf32>, vector<128x128xf32>, vector<6400x128xf32> -> vector<6400x128xf32>
    %get3A_21 = arith.constant 0 : index
    %get3A_22 = vector.load %arg6[%get3A_21] : memref<128xf32, #tpu.memory_space<vmem>>, vector<128xf32>
    %broadcast_in_dim3A_23 = vector.shape_cast %get3A_22 : vector<128xf32> to vector<1x128xf32>
    %add3A_24 = vector.broadcast %broadcast_in_dim3A_23 : vector<1x128xf32> to vector<6400x128xf32>
    %add3A_25 = arith.addf %dot_general3A_20, %add3A_24 : vector<6400x128xf32>
    %get3A_26 = arith.constant 0 : index
    %get3A_27 = vector.load %arg7[%get3A_26] : memref<128xf32, #tpu.memory_space<vmem>>, vector<128xf32>
    %get3A_28 = arith.constant 0 : index
    %get3A_29 = vector.load %arg8[%get3A_28] : memref<128xf32, #tpu.memory_space<vmem>>, vector<128xf32>
    %reduce_sum3A = arith.constant dense<0.000000e+00> : vector<6400xf32>
    %reduce_sum3A_30 = vector.multi_reduction <add>, %add3A_25, %reduce_sum3A [1] : vector<6400x128xf32> to vector<6400xf32>
    %broadcast_in_dim3A_31 = vector.shape_cast %reduce_sum3A_30 : vector<6400xf32> to vector<6400x1xf32>
    %div3A_32 = arith.constant 1.280000e+02 : f32
    %div3A_33 = vector.broadcast %div3A_32 : f32 to vector<6400x1xf32>
    %div3A_34 = arith.divf %broadcast_in_dim3A_31, %div3A_33 : vector<6400x1xf32>
    %jit3A = arith.constant 0 : i32
    %reduce_sum3A_35 = arith.constant dense<0.000000e+00> : vector<6400xf32>
    %reduce_sum3A_36 = vector.multi_reduction <add>, %add3A_25, %reduce_sum3A_35 [1] : vector<6400x128xf32> to vector<6400xf32>
    %broadcast_in_dim3A_37 = vector.shape_cast %reduce_sum3A_36 : vector<6400xf32> to vector<6400x1xf32>
    %div3A_38 = arith.constant 1.280000e+02 : f32
    %div3A_39 = vector.broadcast %div3A_38 : f32 to vector<6400x1xf32>
    %div3A_40 = arith.divf %broadcast_in_dim3A_37, %div3A_39 : vector<6400x1xf32>
    %sub3A = vector.broadcast %div3A_40 : vector<6400x1xf32> to vector<6400x128xf32>
    %sub3A_41 = arith.subf %add3A_25, %sub3A : vector<6400x128xf32>
    %square3A = arith.mulf %sub3A_41, %sub3A_41 : vector<6400x128xf32>
    %convert_element_type3A = arith.sitofp %jit3A : i32 to f32
    %sub3A_42 = arith.constant 1.280000e+02 : f32
    %sub3A_43 = arith.subf %sub3A_42, %convert_element_type3A : f32
    %reduce_sum3A_44 = arith.constant dense<0.000000e+00> : vector<6400xf32>
    %reduce_sum3A_45 = vector.multi_reduction <add>, %square3A, %reduce_sum3A_44 [1] : vector<6400x128xf32> to vector<6400xf32>
    %broadcast_in_dim3A_46 = vector.shape_cast %reduce_sum3A_45 : vector<6400xf32> to vector<6400x1xf32>
    %div3A_47 = vector.broadcast %sub3A_43 : f32 to vector<6400x1xf32>
    %div3A_48 = arith.divf %broadcast_in_dim3A_46, %div3A_47 : vector<6400x1xf32>
    %gt3A = arith.constant 0.000000e+00 : f32
    %gt3A_49 = arith.cmpf ogt, %sub3A_43, %gt3A : f32
    %jit3A_50 = arith.constant 0x7FC00000 : f32
    %broadcast_in_dim3A_51 = vector.broadcast %jit3A_50 : f32 to vector<6400x1xf32>
    %select_n3A = arith.select %gt3A_49, %div3A_48, %broadcast_in_dim3A_51 : vector<6400x1xf32>
    %sub3A_52 = vector.broadcast %div3A_34 : vector<6400x1xf32> to vector<6400x128xf32>
    %sub3A_53 = arith.subf %add3A_25, %sub3A_52 : vector<6400x128xf32>
    %add3A_54 = arith.constant 9.99999974E-6 : f32
    %add3A_55 = vector.broadcast %add3A_54 : f32 to vector<6400x1xf32>
    %add3A_56 = arith.addf %select_n3A, %add3A_55 : vector<6400x1xf32>
    %sqrt3A = math.sqrt %add3A_56 : vector<6400x1xf32>
    %div3A_57 = vector.broadcast %sqrt3A : vector<6400x1xf32> to vector<6400x128xf32>
    %div3A_58 = arith.divf %sub3A_53, %div3A_57 : vector<6400x128xf32>
    %broadcast_in_dim3A_59 = vector.shape_cast %get3A_27 : vector<128xf32> to vector<1x128xf32>
    %mul3A_60 = vector.broadcast %broadcast_in_dim3A_59 : vector<1x128xf32> to vector<6400x128xf32>
    %mul3A_61 = arith.mulf %div3A_58, %mul3A_60 : vector<6400x128xf32>
    %broadcast_in_dim3A_62 = vector.shape_cast %get3A_29 : vector<128xf32> to vector<1x128xf32>
    %add3A_63 = vector.broadcast %broadcast_in_dim3A_62 : vector<1x128xf32> to vector<6400x128xf32>
    %add3A_64 = arith.addf %mul3A_61, %add3A_63 : vector<6400x128xf32>
    %get3A_65 = arith.constant 0 : index
    %get3A_66 = arith.constant 0 : index
    %get3A_67 = vector.load %arg2[%get3A_65, %get3A_66] : memref<6400x128xf32, #tpu.memory_space<vmem>>, vector<6400x128xf32>
    %get3A_68 = arith.constant 0 : index
    %get3A_69 = arith.constant 0 : index
    %get3A_70 = vector.load %arg9[%get3A_68, %get3A_69] : memref<128x128xf32, #tpu.memory_space<vmem>>, vector<128x128xf32>
    %dot_general3A_71 = arith.constant dense<0.000000e+00> : vector<6400x128xf32>
    %dot_general3A_72 = tpu.matmul %add3A_64, %get3A_70, %dot_general3A_71 {dimension_numbers = #tpu.dot_dimension_numbers<[1], [0], [0], [1], [0, 0, 1, 1], [], []>, transpose_lhs_hint = false} : vector<6400x128xf32>, vector<128x128xf32>, vector<6400x128xf32> -> vector<6400x128xf32>
    %add3A_73 = arith.addf %get3A_67, %dot_general3A_72 : vector<6400x128xf32>
    %get3A_74 = arith.constant 0 : index
    %get3A_75 = vector.load %arg10[%get3A_74] : memref<128xf32, #tpu.memory_space<vmem>>, vector<128xf32>
    %broadcast_in_dim3A_76 = vector.shape_cast %get3A_75 : vector<128xf32> to vector<1x128xf32>
    %add3A_77 = vector.broadcast %broadcast_in_dim3A_76 : vector<1x128xf32> to vector<6400x128xf32>
    %add3A_78 = arith.addf %add3A_73, %add3A_77 : vector<6400x128xf32>
    %neg3A_79 = arith.constant 0.000000e+00 : f32
    %neg3A_80 = vector.broadcast %neg3A_79 : f32 to vector<6400x128xf32>
    %neg3A_81 = arith.subf %neg3A_80, %add3A_78 : vector<6400x128xf32>
    %exp3A_82 = math.exp %neg3A_81 : vector<6400x128xf32>
    %add3A_83 = arith.constant 1.000000e+00 : f32
    %add3A_84 = vector.broadcast %add3A_83 : f32 to vector<6400x128xf32>
    %add3A_85 = arith.addf %add3A_84, %exp3A_82 : vector<6400x128xf32>
    %div3A_86 = arith.constant 1.000000e+00 : f32
    %div3A_87 = vector.broadcast %div3A_86 : f32 to vector<6400x128xf32>
    %div3A_88 = arith.divf %div3A_87, %add3A_85 : vector<6400x128xf32>
    %mul3A_89 = arith.mulf %add3A_78, %div3A_88 : vector<6400x128xf32>
    %get3A_90 = arith.constant 0 : index
    %get3A_91 = arith.constant 0 : index
    %get3A_92 = vector.load %arg11[%get3A_90, %get3A_91] : memref<128x128xf32, #tpu.memory_space<vmem>>, vector<128x128xf32>
    %dot_general3A_93 = arith.constant dense<0.000000e+00> : vector<6400x128xf32>
    %dot_general3A_94 = tpu.matmul %mul3A_89, %get3A_92, %dot_general3A_93 {dimension_numbers = #tpu.dot_dimension_numbers<[1], [0], [0], [1], [0, 0, 1, 1], [], []>, transpose_lhs_hint = false} : vector<6400x128xf32>, vector<128x128xf32>, vector<6400x128xf32> -> vector<6400x128xf32>
    %get3A_95 = arith.constant 0 : index
    %get3A_96 = vector.load %arg12[%get3A_95] : memref<128xf32, #tpu.memory_space<vmem>>, vector<128xf32>
    %broadcast_in_dim3A_97 = vector.shape_cast %get3A_96 : vector<128xf32> to vector<1x128xf32>
    %add3A_98 = vector.broadcast %broadcast_in_dim3A_97 : vector<1x128xf32> to vector<6400x128xf32>
    %add3A_99 = arith.addf %dot_general3A_94, %add3A_98 : vector<6400x128xf32>
    %get3A_100 = arith.constant 0 : index
    %get3A_101 = vector.load %arg13[%get3A_100] : memref<128xf32, #tpu.memory_space<vmem>>, vector<128xf32>
    %get3A_102 = arith.constant 0 : index
    %get3A_103 = vector.load %arg14[%get3A_102] : memref<128xf32, #tpu.memory_space<vmem>>, vector<128xf32>
    %reduce_sum3A_104 = arith.constant dense<0.000000e+00> : vector<6400xf32>
    %reduce_sum3A_105 = vector.multi_reduction <add>, %add3A_99, %reduce_sum3A_104 [1] : vector<6400x128xf32> to vector<6400xf32>
    %broadcast_in_dim3A_106 = vector.shape_cast %reduce_sum3A_105 : vector<6400xf32> to vector<6400x1xf32>
    %div3A_107 = arith.constant 1.280000e+02 : f32
    %div3A_108 = vector.broadcast %div3A_107 : f32 to vector<6400x1xf32>
    %div3A_109 = arith.divf %broadcast_in_dim3A_106, %div3A_108 : vector<6400x1xf32>
    %jit3A_110 = arith.constant 0 : i32
    %reduce_sum3A_111 = arith.constant dense<0.000000e+00> : vector<6400xf32>
    %reduce_sum3A_112 = vector.multi_reduction <add>, %add3A_99, %reduce_sum3A_111 [1] : vector<6400x128xf32> to vector<6400xf32>
    %broadcast_in_dim3A_113 = vector.shape_cast %reduce_sum3A_112 : vector<6400xf32> to vector<6400x1xf32>
    %div3A_114 = arith.constant 1.280000e+02 : f32
    %div3A_115 = vector.broadcast %div3A_114 : f32 to vector<6400x1xf32>
    %div3A_116 = arith.divf %broadcast_in_dim3A_113, %div3A_115 : vector<6400x1xf32>
    %sub3A_117 = vector.broadcast %div3A_116 : vector<6400x1xf32> to vector<6400x128xf32>
    %sub3A_118 = arith.subf %add3A_99, %sub3A_117 : vector<6400x128xf32>
    %square3A_119 = arith.mulf %sub3A_118, %sub3A_118 : vector<6400x128xf32>
    %convert_element_type3A_120 = arith.sitofp %jit3A_110 : i32 to f32
    %sub3A_121 = arith.constant 1.280000e+02 : f32
    %sub3A_122 = arith.subf %sub3A_121, %convert_element_type3A_120 : f32
    %reduce_sum3A_123 = arith.constant dense<0.000000e+00> : vector<6400xf32>
    %reduce_sum3A_124 = vector.multi_reduction <add>, %square3A_119, %reduce_sum3A_123 [1] : vector<6400x128xf32> to vector<6400xf32>
    %broadcast_in_dim3A_125 = vector.shape_cast %reduce_sum3A_124 : vector<6400xf32> to vector<6400x1xf32>
    %div3A_126 = vector.broadcast %sub3A_122 : f32 to vector<6400x1xf32>
    %div3A_127 = arith.divf %broadcast_in_dim3A_125, %div3A_126 : vector<6400x1xf32>
    %gt3A_128 = arith.constant 0.000000e+00 : f32
    %gt3A_129 = arith.cmpf ogt, %sub3A_122, %gt3A_128 : f32
    %jit3A_130 = arith.constant 0x7FC00000 : f32
    %broadcast_in_dim3A_131 = vector.broadcast %jit3A_130 : f32 to vector<6400x1xf32>
    %select_n3A_132 = arith.select %gt3A_129, %div3A_127, %broadcast_in_dim3A_131 : vector<6400x1xf32>
    %sub3A_133 = vector.broadcast %div3A_109 : vector<6400x1xf32> to vector<6400x128xf32>
    %sub3A_134 = arith.subf %add3A_99, %sub3A_133 : vector<6400x128xf32>
    %add3A_135 = arith.constant 9.99999974E-6 : f32
    %add3A_136 = vector.broadcast %add3A_135 : f32 to vector<6400x1xf32>
    %add3A_137 = arith.addf %select_n3A_132, %add3A_136 : vector<6400x1xf32>
    %sqrt3A_138 = math.sqrt %add3A_137 : vector<6400x1xf32>
    %div3A_139 = vector.broadcast %sqrt3A_138 : vector<6400x1xf32> to vector<6400x128xf32>
    %div3A_140 = arith.divf %sub3A_134, %div3A_139 : vector<6400x128xf32>
    %broadcast_in_dim3A_141 = vector.shape_cast %get3A_101 : vector<128xf32> to vector<1x128xf32>
    %mul3A_142 = vector.broadcast %broadcast_in_dim3A_141 : vector<1x128xf32> to vector<6400x128xf32>
    %mul3A_143 = arith.mulf %div3A_140, %mul3A_142 : vector<6400x128xf32>
    %broadcast_in_dim3A_144 = vector.shape_cast %get3A_103 : vector<128xf32> to vector<1x128xf32>
    %add3A_145 = vector.broadcast %broadcast_in_dim3A_144 : vector<1x128xf32> to vector<6400x128xf32>
    %add3A_146 = arith.addf %mul3A_143, %add3A_145 : vector<6400x128xf32>
    %swap3A = arith.constant 0 : index
    %swap3A_147 = arith.constant 0 : index
    %swap3A_148 = vector.load %arg15[%swap3A, %swap3A_147] : memref<6400x128xf32, #tpu.memory_space<vmem>>, vector<6400x128xf32>
    tpu.vector_store %arg15[%swap3A, %swap3A_147], %add3A_146 {strides = array<i32>} : memref<6400x128xf32, #tpu.memory_space<vmem>>, vector<6400x128xf32>,
    return
  }
  func.func @transform_0(%arg0: i32) -> (i32, i32) {
    %add3A = arith.constant 26 : i32
    %add3A_0 = arith.addi %arg0, %add3A : i32
    %c0_i32 = arith.constant 0 : i32
    %c0_i32_1 = arith.constant 0 : i32
    return %add3A_0, %c0_i32 : i32, i32
  }
  func.func @transform_1(%arg0: i32) -> (i32, i32) {
    %c0_i32 = arith.constant 0 : i32
    %c0_i32_0 = arith.constant 0 : i32
    return %arg0, %c0_i32 : i32, i32
  }
  func.func @transform_2(%arg0: i32) -> (i32, i32) {
    %c0_i32 = arith.constant 0 : i32
    %c0_i32_0 = arith.constant 0 : i32
    %c0_i32_1 = arith.constant 0 : i32
    return %c0_i32, %c0_i32_0 : i32, i32
  }
  func.func @transform_3(%arg0: i32) -> i32 {
    %c0_i32 = arith.constant 0 : i32
    %c0_i32_0 = arith.constant 0 : i32
    return %c0_i32 : i32
  }
  func.func @transform_4(%arg0: i32) -> (i32, i32) {
    %c0_i32 = arith.constant 0 : i32
    %c0_i32_0 = arith.constant 0 : i32
    %c0_i32_1 = arith.constant 0 : i32
    return %c0_i32, %c0_i32_0 : i32, i32
  }
  func.func @transform_5(%arg0: i32) -> i32 {
    %c0_i32 = arith.constant 0 : i32
    %c0_i32_0 = arith.constant 0 : i32
    return %c0_i32 : i32
  }
  func.func @transform_6(%arg0: i32) -> i32 {
    %c0_i32 = arith.constant 0 : i32
    %c0_i32_0 = arith.constant 0 : i32
    return %c0_i32 : i32
  }
  func.func @transform_7(%arg0: i32) -> i32 {
    %c0_i32 = arith.constant 0 : i32
    %c0_i32_0 = arith.constant 0 : i32
    return %c0_i32 : i32
  }
  func.func @transform_8(%arg0: i32) -> (i32, i32) {
    %c0_i32 = arith.constant 0 : i32
    %c0_i32_0 = arith.constant 0 : i32
    %c0_i32_1 = arith.constant 0 : i32
    return %c0_i32, %c0_i32_0 : i32, i32
  }
  func.func @transform_9(%arg0: i32) -> i32 {
    %c0_i32 = arith.constant 0 : i32
    %c0_i32_0 = arith.constant 0 : i32
    return %c0_i32 : i32
  }
  func.func @transform_10(%arg0: i32) -> (i32, i32) {
    %c0_i32 = arith.constant 0 : i32
    %c0_i32_0 = arith.constant 0 : i32
    %c0_i32_1 = arith.constant 0 : i32
    return %c0_i32, %c0_i32_0 : i32, i32
  }
  func.func @transform_11(%arg0: i32) -> i32 {
    %c0_i32 = arith.constant 0 : i32
    %c0_i32_0 = arith.constant 0 : i32
    return %c0_i32 : i32
  }
  func.func @transform_12(%arg0: i32) -> i32 {
    %c0_i32 = arith.constant 0 : i32
    %c0_i32_0 = arith.constant 0 : i32
    return %c0_i32 : i32
  }
  func.func @transform_13(%arg0: i32) -> i32 {
    %c0_i32 = arith.constant 0 : i32
    %c0_i32_0 = arith.constant 0 : i32
    return %c0_i32 : i32
  }
  func.func @transform_14(%arg0: i32) -> (i32, i32) {
    %c0_i32 = arith.constant 0 : i32
    %c0_i32_0 = arith.constant 0 : i32
    return %arg0, %c0_i32 : i32, i32
  }
}

module attributes {stable_mosaic.version = 14 : i64} {
  func.func @_edge_body(%arg0: i32, %arg1: memref<6400x16xf32, #tpu.memory_space<vmem>>, %arg2: memref<6400x128xf32, #tpu.memory_space<vmem>>, %arg3: memref<16x128xf32, #tpu.memory_space<vmem>>, %arg4: memref<128xf32, #tpu.memory_space<vmem>>, %arg5: memref<128x128xf32, #tpu.memory_space<vmem>>, %arg6: memref<128xf32, #tpu.memory_space<vmem>>, %arg7: memref<128xf32, #tpu.memory_space<vmem>>, %arg8: memref<128xf32, #tpu.memory_space<vmem>>, %arg9: memref<128x128xf32, #tpu.memory_space<vmem>>, %arg10: memref<128xf32, #tpu.memory_space<vmem>>, %arg11: memref<128x128xf32, #tpu.memory_space<vmem>>, %arg12: memref<128xf32, #tpu.memory_space<vmem>>, %arg13: memref<128xf32, #tpu.memory_space<vmem>>, %arg14: memref<128xf32, #tpu.memory_space<vmem>>, %arg15: memref<6400x128xf32, #tpu.memory_space<vmem>>) attributes {dimension_semantics = [#tpu.dimension_semantics<arbitrary>], iteration_bounds = array<i64: 12>, scalar_prefetch = 0 : i64, scratch_operands = 0 : i64, tpu.core_type = #tpu.core_type<tc>, window_params = [{transform_indices = @transform_0, window_bounds = array<i64: 6400, 16>}, {transform_indices = @transform_1, window_bounds = array<i64: 6400, 128>}, {pipeline_mode = #tpu.pipeline_mode<synchronous>, transform_indices = @transform_2, window_bounds = array<i64: 16, 128>}, {pipeline_mode = #tpu.pipeline_mode<synchronous>, transform_indices = @transform_3, window_bounds = array<i64: 128>}, {pipeline_mode = #tpu.pipeline_mode<synchronous>, transform_indices = @transform_4, window_bounds = array<i64: 128, 128>}, {pipeline_mode = #tpu.pipeline_mode<synchronous>, transform_indices = @transform_5, window_bounds = array<i64: 128>}, {pipeline_mode = #tpu.pipeline_mode<synchronous>, transform_indices = @transform_6, window_bounds = array<i64: 128>}, {pipeline_mode = #tpu.pipeline_mode<synchronous>, transform_indices = @transform_7, window_bounds = array<i64: 128>}, {pipeline_mode = #tpu.pipeline_mode<synchronous>, transform_indices = @transform_8, window_bounds = array<i64: 128, 128>}, {pipeline_mode = #tpu.pipeline_mode<synchronous>, transform_indices = @transform_9, window_bounds = array<i64: 128>}, {pipeline_mode = #tpu.pipeline_mode<synchronous>, transform_indices = @transform_10, window_bounds = array<i64: 128, 128>}, {pipeline_mode = #tpu.pipeline_mode<synchronous>, transform_indices = @transform_11, window_bounds = array<i64: 128>}, {pipeline_mode = #tpu.pipeline_mode<synchronous>, transform_indices = @transform_12, window_bounds = array<i64: 128>}, {pipeline_mode = #tpu.pipeline_mode<synchronous>, transform_indices = @transform_13, window_bounds = array<i64: 128>}, {transform_indices = @transform_14, window_bounds = array<i64: 6400, 128>}]} {
    %get3A = arith.constant 0 : index
    %get3A_0 = arith.constant 0 : index
    %get3A_1 = vector.load %arg1[%get3A, %get3A_0] : memref<6400x16xf32, #tpu.memory_space<vmem>>, vector<6400x16xf32>
    %get3A_2 = arith.constant 0 : index
    %get3A_3 = arith.constant 0 : index
    %get3A_4 = vector.load %arg3[%get3A_2, %get3A_3] : memref<16x128xf32, #tpu.memory_space<vmem>>, vector<16x128xf32>
    %dot_general3A = arith.constant dense<0.000000e+00> : vector<6400x128xf32>
    %dot_general3A_5 = tpu.matmul %get3A_1, %get3A_4, %dot_general3A {dimension_numbers = #tpu.dot_dimension_numbers<[1], [0], [0], [1], [0, 0, 1, 1], [], []>, transpose_lhs_hint = false} : vector<6400x16xf32>, vector<16x128xf32>, vector<6400x128xf32> -> vector<6400x128xf32>
    %get3A_6 = arith.constant 0 : index
    %get3A_7 = vector.load %arg4[%get3A_6] : memref<128xf32, #tpu.memory_space<vmem>>, vector<128xf32>
    %broadcast_in_dim3A = vector.shape_cast %get3A_7 : vector<128xf32> to vector<1x128xf32>
    %add3A = vector.broadcast %broadcast_in_dim3A : vector<1x128xf32> to vector<6400x128xf32>
    %add3A_8 = arith.addf %dot_general3A_5, %add3A : vector<6400x128xf32>
    %neg3A = arith.constant 0.000000e+00 : f32
    %neg3A_9 = vector.broadcast %neg3A : f32 to vector<6400x128xf32>
    %neg3A_10 = arith.subf %neg3A_9, %add3A_8 : vector<6400x128xf32>
    %exp3A = math.exp %neg3A_10 : vector<6400x128xf32>
    %add3A_11 = arith.constant 1.000000e+00 : f32
    %add3A_12 = vector.broadcast %add3A_11 : f32 to vector<6400x128xf32>
    %add3A_13 = arith.addf %add3A_12, %exp3A : vector<6400x128xf32>
    %div3A = arith.constant 1.000000e+00 : f32
    %div3A_14 = vector.broadcast %div3A : f32 to vector<6400x128xf32>
    %div3A_15 = arith.divf %div3A_14, %add3A_13 : vector<6400x128xf32>
    %mul3A = arith.mulf %add3A_8, %div3A_15 : vector<6400x128xf32>
    %get3A_16 = arith.constant 0 : index
    %get3A_17 = arith.constant 0 : index
    %get3A_18 = vector.load %arg5[%get3A_16, %get3A_17] : memref<128x128xf32, #tpu.memory_space<vmem>>, vector<128x128xf32>
    %dot_general3A_19 = arith.constant dense<0.000000e+00> : vector<6400x128xf32>
    %dot_general3A_20 = tpu.matmul %mul3A, %get3A_18, %dot_general3A_19 {dimension_numbers = #tpu.dot_dimension_numbers<[1], [0], [0], [1], [0, 0, 1, 1], [], []>, transpose_lhs_hint = false} : vector<6400x128xf32>, vector<128x128xf32>, vector<6400x128xf32> -> vector<6400x128xf32>
    %get3A_21 = arith.constant 0 : index
    %get3A_22 = vector.load %arg6[%get3A_21] : memref<128xf32, #tpu.memory_space<vmem>>, vector<128xf32>
    %broadcast_in_dim3A_23 = vector.shape_cast %get3A_22 : vector<128xf32> to vector<1x128xf32>
    %add3A_24 = vector.broadcast %broadcast_in_dim3A_23 : vector<1x128xf32> to vector<6400x128xf32>
    %add3A_25 = arith.addf %dot_general3A_20, %add3A_24 : vector<6400x128xf32>
    %get3A_26 = arith.constant 0 : index
    %get3A_27 = vector.load %arg7[%get3A_26] : memref<128xf32, #tpu.memory_space<vmem>>, vector<128xf32>
    %get3A_28 = arith.constant 0 : index
    %get3A_29 = vector.load %arg8[%get3A_28] : memref<128xf32, #tpu.memory_space<vmem>>, vector<128xf32>
    %reduce_sum3A = arith.constant dense<0.000000e+00> : vector<6400xf32>
    %reduce_sum3A_30 = vector.multi_reduction <add>, %add3A_25, %reduce_sum3A [1] : vector<6400x128xf32> to vector<6400xf32>
    %broadcast_in_dim3A_31 = vector.shape_cast %reduce_sum3A_30 : vector<6400xf32> to vector<6400x1xf32>
    %div3A_32 = arith.constant 1.280000e+02 : f32
    %div3A_33 = vector.broadcast %div3A_32 : f32 to vector<6400x1xf32>
    %div3A_34 = arith.divf %broadcast_in_dim3A_31, %div3A_33 : vector<6400x1xf32>
    %jit3A = arith.constant 0 : i32
    %reduce_sum3A_35 = arith.constant dense<0.000000e+00> : vector<6400xf32>
    %reduce_sum3A_36 = vector.multi_reduction <add>, %add3A_25, %reduce_sum3A_35 [1] : vector<6400x128xf32> to vector<6400xf32>
    %broadcast_in_dim3A_37 = vector.shape_cast %reduce_sum3A_36 : vector<6400xf32> to vector<6400x1xf32>
    %div3A_38 = arith.constant 1.280000e+02 : f32
    %div3A_39 = vector.broadcast %div3A_38 : f32 to vector<6400x1xf32>
    %div3A_40 = arith.divf %broadcast_in_dim3A_37, %div3A_39 : vector<6400x1xf32>
    %sub3A = vector.broadcast %div3A_40 : vector<6400x1xf32> to vector<6400x128xf32>
    %sub3A_41 = arith.subf %add3A_25, %sub3A : vector<6400x128xf32>
    %square3A = arith.mulf %sub3A_41, %sub3A_41 : vector<6400x128xf32>
    %convert_element_type3A = arith.sitofp %jit3A : i32 to f32
    %sub3A_42 = arith.constant 1.280000e+02 : f32
    %sub3A_43 = arith.subf %sub3A_42, %convert_element_type3A : f32
    %reduce_sum3A_44 = arith.constant dense<0.000000e+00> : vector<6400xf32>
    %reduce_sum3A_45 = vector.multi_reduction <add>, %square3A, %reduce_sum3A_44 [1] : vector<6400x128xf32> to vector<6400xf32>
    %broadcast_in_dim3A_46 = vector.shape_cast %reduce_sum3A_45 : vector<6400xf32> to vector<6400x1xf32>
    %div3A_47 = vector.broadcast %sub3A_43 : f32 to vector<6400x1xf32>
    %div3A_48 = arith.divf %broadcast_in_dim3A_46, %div3A_47 : vector<6400x1xf32>
    %gt3A = arith.constant 0.000000e+00 : f32
    %gt3A_49 = arith.cmpf ogt, %sub3A_43, %gt3A : f32
    %jit3A_50 = arith.constant 0x7FC00000 : f32
    %broadcast_in_dim3A_51 = vector.broadcast %jit3A_50 : f32 to vector<6400x1xf32>
    %select_n3A = arith.select %gt3A_49, %div3A_48, %broadcast_in_dim3A_51 : vector<6400x1xf32>
    %sub3A_52 = vector.broadcast %div3A_34 : vector<6400x1xf32> to vector<6400x128xf32>
    %sub3A_53 = arith.subf %add3A_25, %sub3A_52 : vector<6400x128xf32>
    %add3A_54 = arith.constant 9.99999974E-6 : f32
    %add3A_55 = vector.broadcast %add3A_54 : f32 to vector<6400x1xf32>
    %add3A_56 = arith.addf %select_n3A, %add3A_55 : vector<6400x1xf32>
    %sqrt3A = math.sqrt %add3A_56 : vector<6400x1xf32>
    %div3A_57 = vector.broadcast %sqrt3A : vector<6400x1xf32> to vector<6400x128xf32>
    %div3A_58 = arith.divf %sub3A_53, %div3A_57 : vector<6400x128xf32>
    %broadcast_in_dim3A_59 = vector.shape_cast %get3A_27 : vector<128xf32> to vector<1x128xf32>
    %mul3A_60 = vector.broadcast %broadcast_in_dim3A_59 : vector<1x128xf32> to vector<6400x128xf32>
    %mul3A_61 = arith.mulf %div3A_58, %mul3A_60 : vector<6400x128xf32>
    %broadcast_in_dim3A_62 = vector.shape_cast %get3A_29 : vector<128xf32> to vector<1x128xf32>
    %add3A_63 = vector.broadcast %broadcast_in_dim3A_62 : vector<1x128xf32> to vector<6400x128xf32>
    %add3A_64 = arith.addf %mul3A_61, %add3A_63 : vector<6400x128xf32>
    %get3A_65 = arith.constant 0 : index
    %get3A_66 = arith.constant 0 : index
    %get3A_67 = vector.load %arg2[%get3A_65, %get3A_66] : memref<6400x128xf32, #tpu.memory_space<vmem>>, vector<6400x128xf32>
    %get3A_68 = arith.constant 0 : index
    %get3A_69 = arith.constant 0 : index
    %get3A_70 = vector.load %arg9[%get3A_68, %get3A_69] : memref<128x128xf32, #tpu.memory_space<vmem>>, vector<128x128xf32>
    %dot_general3A_71 = arith.constant dense<0.000000e+00> : vector<6400x128xf32>
    %dot_general3A_72 = tpu.matmul %add3A_64, %get3A_70, %dot_general3A_71 {dimension_numbers = #tpu.dot_dimension_numbers<[1], [0], [0], [1], [0, 0, 1, 1], [], []>, transpose_lhs_hint = false} : vector<6400x128xf32>, vector<128x128xf32>, vector<6400x128xf32> -> vector<6400x128xf32>
    %add3A_73 = arith.addf %get3A_67, %dot_general3A_72 : vector<6400x128xf32>
    %get3A_74 = arith.constant 0 : index
    %get3A_75 = vector.load %arg10[%get3A_74] : memref<128xf32, #tpu.memory_space<vmem>>, vector<128xf32>
    %broadcast_in_dim3A_76 = vector.shape_cast %get3A_75 : vector<128xf32> to vector<1x128xf32>
    %add3A_77 = vector.broadcast %broadcast_in_dim3A_76 : vector<1x128xf32> to vector<6400x128xf32>
    %add3A_78 = arith.addf %add3A_73, %add3A_77 : vector<6400x128xf32>
    %neg3A_79 = arith.constant 0.000000e+00 : f32
    %neg3A_80 = vector.broadcast %neg3A_79 : f32 to vector<6400x128xf32>
    %neg3A_81 = arith.subf %neg3A_80, %add3A_78 : vector<6400x128xf32>
    %exp3A_82 = math.exp %neg3A_81 : vector<6400x128xf32>
    %add3A_83 = arith.constant 1.000000e+00 : f32
    %add3A_84 = vector.broadcast %add3A_83 : f32 to vector<6400x128xf32>
    %add3A_85 = arith.addf %add3A_84, %exp3A_82 : vector<6400x128xf32>
    %div3A_86 = arith.constant 1.000000e+00 : f32
    %div3A_87 = vector.broadcast %div3A_86 : f32 to vector<6400x128xf32>
    %div3A_88 = arith.divf %div3A_87, %add3A_85 : vector<6400x128xf32>
    %mul3A_89 = arith.mulf %add3A_78, %div3A_88 : vector<6400x128xf32>
    %get3A_90 = arith.constant 0 : index
    %get3A_91 = arith.constant 0 : index
    %get3A_92 = vector.load %arg11[%get3A_90, %get3A_91] : memref<128x128xf32, #tpu.memory_space<vmem>>, vector<128x128xf32>
    %dot_general3A_93 = arith.constant dense<0.000000e+00> : vector<6400x128xf32>
    %dot_general3A_94 = tpu.matmul %mul3A_89, %get3A_92, %dot_general3A_93 {dimension_numbers = #tpu.dot_dimension_numbers<[1], [0], [0], [1], [0, 0, 1, 1], [], []>, transpose_lhs_hint = false} : vector<6400x128xf32>, vector<128x128xf32>, vector<6400x128xf32> -> vector<6400x128xf32>
    %get3A_95 = arith.constant 0 : index
    %get3A_96 = vector.load %arg12[%get3A_95] : memref<128xf32, #tpu.memory_space<vmem>>, vector<128xf32>
    %broadcast_in_dim3A_97 = vector.shape_cast %get3A_96 : vector<128xf32> to vector<1x128xf32>
    %add3A_98 = vector.broadcast %broadcast_in_dim3A_97 : vector<1x128xf32> to vector<6400x128xf32>
    %add3A_99 = arith.addf %dot_general3A_94, %add3A_98 : vector<6400x128xf32>
    %get3A_100 = arith.constant 0 : index
    %get3A_101 = vector.load %arg13[%get3A_100] : memref<128xf32, #tpu.memory_space<vmem>>, vector<128xf32>
    %get3A_102 = arith.constant 0 : index
    %get3A_103 = vector.load %arg14[%get3A_102] : memref<128xf32, #tpu.memory_space<vmem>>, vector<128xf32>
    %reduce_sum3A_104 = arith.constant dense<0.000000e+00> : vector<6400xf32>
    %reduce_sum3A_105 = vector.multi_reduction <add>, %add3A_99, %reduce_sum3A_104 [1] : vector<6400x128xf32> to vector<6400xf32>
    %broadcast_in_dim3A_106 = vector.shape_cast %reduce_sum3A_105 : vector<6400xf32> to vector<6400x1xf32>
    %div3A_107 = arith.constant 1.280000e+02 : f32
    %div3A_108 = vector.broadcast %div3A_107 : f32 to vector<6400x1xf32>
    %div3A_109 = arith.divf %broadcast_in_dim3A_106, %div3A_108 : vector<6400x1xf32>
    %jit3A_110 = arith.constant 0 : i32
    %reduce_sum3A_111 = arith.constant dense<0.000000e+00> : vector<6400xf32>
    %reduce_sum3A_112 = vector.multi_reduction <add>, %add3A_99, %reduce_sum3A_111 [1] : vector<6400x128xf32> to vector<6400xf32>
    %broadcast_in_dim3A_113 = vector.shape_cast %reduce_sum3A_112 : vector<6400xf32> to vector<6400x1xf32>
    %div3A_114 = arith.constant 1.280000e+02 : f32
    %div3A_115 = vector.broadcast %div3A_114 : f32 to vector<6400x1xf32>
    %div3A_116 = arith.divf %broadcast_in_dim3A_113, %div3A_115 : vector<6400x1xf32>
    %sub3A_117 = vector.broadcast %div3A_116 : vector<6400x1xf32> to vector<6400x128xf32>
    %sub3A_118 = arith.subf %add3A_99, %sub3A_117 : vector<6400x128xf32>
    %square3A_119 = arith.mulf %sub3A_118, %sub3A_118 : vector<6400x128xf32>
    %convert_element_type3A_120 = arith.sitofp %jit3A_110 : i32 to f32
    %sub3A_121 = arith.constant 1.280000e+02 : f32
    %sub3A_122 = arith.subf %sub3A_121, %convert_element_type3A_120 : f32
    %reduce_sum3A_123 = arith.constant dense<0.000000e+00> : vector<6400xf32>
    %reduce_sum3A_124 = vector.multi_reduction <add>, %square3A_119, %reduce_sum3A_123 [1] : vector<6400x128xf32> to vector<6400xf32>
    %broadcast_in_dim3A_125 = vector.shape_cast %reduce_sum3A_124 : vector<6400xf32> to vector<6400x1xf32>
    %div3A_126 = vector.broadcast %sub3A_122 : f32 to vector<6400x1xf32>
    %div3A_127 = arith.divf %broadcast_in_dim3A_125, %div3A_126 : vector<6400x1xf32>
    %gt3A_128 = arith.constant 0.000000e+00 : f32
    %gt3A_129 = arith.cmpf ogt, %sub3A_122, %gt3A_128 : f32
    %jit3A_130 = arith.constant 0x7FC00000 : f32
    %broadcast_in_dim3A_131 = vector.broadcast %jit3A_130 : f32 to vector<6400x1xf32>
    %select_n3A_132 = arith.select %gt3A_129, %div3A_127, %broadcast_in_dim3A_131 : vector<6400x1xf32>
    %sub3A_133 = vector.broadcast %div3A_109 : vector<6400x1xf32> to vector<6400x128xf32>
    %sub3A_134 = arith.subf %add3A_99, %sub3A_133 : vector<6400x128xf32>
    %add3A_135 = arith.constant 9.99999974E-6 : f32
    %add3A_136 = vector.broadcast %add3A_135 : f32 to vector<6400x1xf32>
    %add3A_137 = arith.addf %select_n3A_132, %add3A_136 : vector<6400x1xf32>
    %sqrt3A_138 = math.sqrt %add3A_137 : vector<6400x1xf32>
    %div3A_139 = vector.broadcast %sqrt3A_138 : vector<6400x1xf32> to vector<6400x128xf32>
    %div3A_140 = arith.divf %sub3A_134, %div3A_139 : vector<6400x128xf32>
    %broadcast_in_dim3A_141 = vector.shape_cast %get3A_101 : vector<128xf32> to vector<1x128xf32>
    %mul3A_142 = vector.broadcast %broadcast_in_dim3A_141 : vector<1x128xf32> to vector<6400x128xf32>
    %mul3A_143 = arith.mulf %div3A_140, %mul3A_142 : vector<6400x128xf32>
    %broadcast_in_dim3A_144 = vector.shape_cast %get3A_103 : vector<128xf32> to vector<1x128xf32>
    %add3A_145 = vector.broadcast %broadcast_in_dim3A_144 : vector<1x128xf32> to vector<6400x128xf32>
    %add3A_146 = arith.addf %mul3A_143, %add3A_145 : vector<6400x128xf32>
    %swap3A = arith.constant 0 : index
    %swap3A_147 = arith.constant 0 : index
    %swap3A_148 = vector.load %arg15[%swap3A, %swap3A_147] : memref<6400x128xf32, #tpu.memory_space<vmem>>, vector<6400x128xf32>
    tpu.vector_store %arg15[%swap3A, %swap3A_147], %add3A_146 {strides = array<i32>} : memref<6400x128xf32, #tpu.memory_space<vmem>>, vector<6400x128xf32>,
    return
  }
  func.func @transform_0(%arg0: i32) -> (i32, i32) {
    %add3A = arith.constant 38 : i32
    %add3A_0 = arith.addi %arg0, %add3A : i32
    %c0_i32 = arith.constant 0 : i32
    %c0_i32_1 = arith.constant 0 : i32
    return %add3A_0, %c0_i32 : i32, i32
  }
  func.func @transform_1(%arg0: i32) -> (i32, i32) {
    %c0_i32 = arith.constant 0 : i32
    %c0_i32_0 = arith.constant 0 : i32
    return %arg0, %c0_i32 : i32, i32
  }
  func.func @transform_2(%arg0: i32) -> (i32, i32) {
    %c0_i32 = arith.constant 0 : i32
    %c0_i32_0 = arith.constant 0 : i32
    %c0_i32_1 = arith.constant 0 : i32
    return %c0_i32, %c0_i32_0 : i32, i32
  }
  func.func @transform_3(%arg0: i32) -> i32 {
    %c0_i32 = arith.constant 0 : i32
    %c0_i32_0 = arith.constant 0 : i32
    return %c0_i32 : i32
  }
  func.func @transform_4(%arg0: i32) -> (i32, i32) {
    %c0_i32 = arith.constant 0 : i32
    %c0_i32_0 = arith.constant 0 : i32
    %c0_i32_1 = arith.constant 0 : i32
    return %c0_i32, %c0_i32_0 : i32, i32
  }
  func.func @transform_5(%arg0: i32) -> i32 {
    %c0_i32 = arith.constant 0 : i32
    %c0_i32_0 = arith.constant 0 : i32
    return %c0_i32 : i32
  }
  func.func @transform_6(%arg0: i32) -> i32 {
    %c0_i32 = arith.constant 0 : i32
    %c0_i32_0 = arith.constant 0 : i32
    return %c0_i32 : i32
  }
  func.func @transform_7(%arg0: i32) -> i32 {
    %c0_i32 = arith.constant 0 : i32
    %c0_i32_0 = arith.constant 0 : i32
    return %c0_i32 : i32
  }
  func.func @transform_8(%arg0: i32) -> (i32, i32) {
    %c0_i32 = arith.constant 0 : i32
    %c0_i32_0 = arith.constant 0 : i32
    %c0_i32_1 = arith.constant 0 : i32
    return %c0_i32, %c0_i32_0 : i32, i32
  }
  func.func @transform_9(%arg0: i32) -> i32 {
    %c0_i32 = arith.constant 0 : i32
    %c0_i32_0 = arith.constant 0 : i32
    return %c0_i32 : i32
  }
  func.func @transform_10(%arg0: i32) -> (i32, i32) {
    %c0_i32 = arith.constant 0 : i32
    %c0_i32_0 = arith.constant 0 : i32
    %c0_i32_1 = arith.constant 0 : i32
    return %c0_i32, %c0_i32_0 : i32, i32
  }
  func.func @transform_11(%arg0: i32) -> i32 {
    %c0_i32 = arith.constant 0 : i32
    %c0_i32_0 = arith.constant 0 : i32
    return %c0_i32 : i32
  }
  func.func @transform_12(%arg0: i32) -> i32 {
    %c0_i32 = arith.constant 0 : i32
    %c0_i32_0 = arith.constant 0 : i32
    return %c0_i32 : i32
  }
  func.func @transform_13(%arg0: i32) -> i32 {
    %c0_i32 = arith.constant 0 : i32
    %c0_i32_0 = arith.constant 0 : i32
    return %c0_i32 : i32
  }
  func.func @transform_14(%arg0: i32) -> (i32, i32) {
    %c0_i32 = arith.constant 0 : i32
    %c0_i32_0 = arith.constant 0 : i32
    return %arg0, %c0_i32 : i32, i32
  }
}

module attributes {stable_mosaic.version = 14 : i64} {
  func.func @_edge_body(%arg0: i32, %arg1: memref<6400x16xf32, #tpu.memory_space<vmem>>, %arg2: memref<6400x128xf32, #tpu.memory_space<vmem>>, %arg3: memref<16x128xf32, #tpu.memory_space<vmem>>, %arg4: memref<128xf32, #tpu.memory_space<vmem>>, %arg5: memref<128x128xf32, #tpu.memory_space<vmem>>, %arg6: memref<128xf32, #tpu.memory_space<vmem>>, %arg7: memref<128xf32, #tpu.memory_space<vmem>>, %arg8: memref<128xf32, #tpu.memory_space<vmem>>, %arg9: memref<128x128xf32, #tpu.memory_space<vmem>>, %arg10: memref<128xf32, #tpu.memory_space<vmem>>, %arg11: memref<128x128xf32, #tpu.memory_space<vmem>>, %arg12: memref<128xf32, #tpu.memory_space<vmem>>, %arg13: memref<128xf32, #tpu.memory_space<vmem>>, %arg14: memref<128xf32, #tpu.memory_space<vmem>>, %arg15: memref<6400x128xf32, #tpu.memory_space<vmem>>) attributes {dimension_semantics = [#tpu.dimension_semantics<arbitrary>], iteration_bounds = array<i64: 13>, scalar_prefetch = 0 : i64, scratch_operands = 0 : i64, tpu.core_type = #tpu.core_type<tc>, window_params = [{transform_indices = @transform_0, window_bounds = array<i64: 6400, 16>}, {transform_indices = @transform_1, window_bounds = array<i64: 6400, 128>}, {pipeline_mode = #tpu.pipeline_mode<synchronous>, transform_indices = @transform_2, window_bounds = array<i64: 16, 128>}, {pipeline_mode = #tpu.pipeline_mode<synchronous>, transform_indices = @transform_3, window_bounds = array<i64: 128>}, {pipeline_mode = #tpu.pipeline_mode<synchronous>, transform_indices = @transform_4, window_bounds = array<i64: 128, 128>}, {pipeline_mode = #tpu.pipeline_mode<synchronous>, transform_indices = @transform_5, window_bounds = array<i64: 128>}, {pipeline_mode = #tpu.pipeline_mode<synchronous>, transform_indices = @transform_6, window_bounds = array<i64: 128>}, {pipeline_mode = #tpu.pipeline_mode<synchronous>, transform_indices = @transform_7, window_bounds = array<i64: 128>}, {pipeline_mode = #tpu.pipeline_mode<synchronous>, transform_indices = @transform_8, window_bounds = array<i64: 128, 128>}, {pipeline_mode = #tpu.pipeline_mode<synchronous>, transform_indices = @transform_9, window_bounds = array<i64: 128>}, {pipeline_mode = #tpu.pipeline_mode<synchronous>, transform_indices = @transform_10, window_bounds = array<i64: 128, 128>}, {pipeline_mode = #tpu.pipeline_mode<synchronous>, transform_indices = @transform_11, window_bounds = array<i64: 128>}, {pipeline_mode = #tpu.pipeline_mode<synchronous>, transform_indices = @transform_12, window_bounds = array<i64: 128>}, {pipeline_mode = #tpu.pipeline_mode<synchronous>, transform_indices = @transform_13, window_bounds = array<i64: 128>}, {transform_indices = @transform_14, window_bounds = array<i64: 6400, 128>}]} {
    %get3A = arith.constant 0 : index
    %get3A_0 = arith.constant 0 : index
    %get3A_1 = vector.load %arg1[%get3A, %get3A_0] : memref<6400x16xf32, #tpu.memory_space<vmem>>, vector<6400x16xf32>
    %get3A_2 = arith.constant 0 : index
    %get3A_3 = arith.constant 0 : index
    %get3A_4 = vector.load %arg3[%get3A_2, %get3A_3] : memref<16x128xf32, #tpu.memory_space<vmem>>, vector<16x128xf32>
    %dot_general3A = arith.constant dense<0.000000e+00> : vector<6400x128xf32>
    %dot_general3A_5 = tpu.matmul %get3A_1, %get3A_4, %dot_general3A {dimension_numbers = #tpu.dot_dimension_numbers<[1], [0], [0], [1], [0, 0, 1, 1], [], []>, transpose_lhs_hint = false} : vector<6400x16xf32>, vector<16x128xf32>, vector<6400x128xf32> -> vector<6400x128xf32>
    %get3A_6 = arith.constant 0 : index
    %get3A_7 = vector.load %arg4[%get3A_6] : memref<128xf32, #tpu.memory_space<vmem>>, vector<128xf32>
    %broadcast_in_dim3A = vector.shape_cast %get3A_7 : vector<128xf32> to vector<1x128xf32>
    %add3A = vector.broadcast %broadcast_in_dim3A : vector<1x128xf32> to vector<6400x128xf32>
    %add3A_8 = arith.addf %dot_general3A_5, %add3A : vector<6400x128xf32>
    %neg3A = arith.constant 0.000000e+00 : f32
    %neg3A_9 = vector.broadcast %neg3A : f32 to vector<6400x128xf32>
    %neg3A_10 = arith.subf %neg3A_9, %add3A_8 : vector<6400x128xf32>
    %exp3A = math.exp %neg3A_10 : vector<6400x128xf32>
    %add3A_11 = arith.constant 1.000000e+00 : f32
    %add3A_12 = vector.broadcast %add3A_11 : f32 to vector<6400x128xf32>
    %add3A_13 = arith.addf %add3A_12, %exp3A : vector<6400x128xf32>
    %div3A = arith.constant 1.000000e+00 : f32
    %div3A_14 = vector.broadcast %div3A : f32 to vector<6400x128xf32>
    %div3A_15 = arith.divf %div3A_14, %add3A_13 : vector<6400x128xf32>
    %mul3A = arith.mulf %add3A_8, %div3A_15 : vector<6400x128xf32>
    %get3A_16 = arith.constant 0 : index
    %get3A_17 = arith.constant 0 : index
    %get3A_18 = vector.load %arg5[%get3A_16, %get3A_17] : memref<128x128xf32, #tpu.memory_space<vmem>>, vector<128x128xf32>
    %dot_general3A_19 = arith.constant dense<0.000000e+00> : vector<6400x128xf32>
    %dot_general3A_20 = tpu.matmul %mul3A, %get3A_18, %dot_general3A_19 {dimension_numbers = #tpu.dot_dimension_numbers<[1], [0], [0], [1], [0, 0, 1, 1], [], []>, transpose_lhs_hint = false} : vector<6400x128xf32>, vector<128x128xf32>, vector<6400x128xf32> -> vector<6400x128xf32>
    %get3A_21 = arith.constant 0 : index
    %get3A_22 = vector.load %arg6[%get3A_21] : memref<128xf32, #tpu.memory_space<vmem>>, vector<128xf32>
    %broadcast_in_dim3A_23 = vector.shape_cast %get3A_22 : vector<128xf32> to vector<1x128xf32>
    %add3A_24 = vector.broadcast %broadcast_in_dim3A_23 : vector<1x128xf32> to vector<6400x128xf32>
    %add3A_25 = arith.addf %dot_general3A_20, %add3A_24 : vector<6400x128xf32>
    %get3A_26 = arith.constant 0 : index
    %get3A_27 = vector.load %arg7[%get3A_26] : memref<128xf32, #tpu.memory_space<vmem>>, vector<128xf32>
    %get3A_28 = arith.constant 0 : index
    %get3A_29 = vector.load %arg8[%get3A_28] : memref<128xf32, #tpu.memory_space<vmem>>, vector<128xf32>
    %reduce_sum3A = arith.constant dense<0.000000e+00> : vector<6400xf32>
    %reduce_sum3A_30 = vector.multi_reduction <add>, %add3A_25, %reduce_sum3A [1] : vector<6400x128xf32> to vector<6400xf32>
    %broadcast_in_dim3A_31 = vector.shape_cast %reduce_sum3A_30 : vector<6400xf32> to vector<6400x1xf32>
    %div3A_32 = arith.constant 1.280000e+02 : f32
    %div3A_33 = vector.broadcast %div3A_32 : f32 to vector<6400x1xf32>
    %div3A_34 = arith.divf %broadcast_in_dim3A_31, %div3A_33 : vector<6400x1xf32>
    %jit3A = arith.constant 0 : i32
    %reduce_sum3A_35 = arith.constant dense<0.000000e+00> : vector<6400xf32>
    %reduce_sum3A_36 = vector.multi_reduction <add>, %add3A_25, %reduce_sum3A_35 [1] : vector<6400x128xf32> to vector<6400xf32>
    %broadcast_in_dim3A_37 = vector.shape_cast %reduce_sum3A_36 : vector<6400xf32> to vector<6400x1xf32>
    %div3A_38 = arith.constant 1.280000e+02 : f32
    %div3A_39 = vector.broadcast %div3A_38 : f32 to vector<6400x1xf32>
    %div3A_40 = arith.divf %broadcast_in_dim3A_37, %div3A_39 : vector<6400x1xf32>
    %sub3A = vector.broadcast %div3A_40 : vector<6400x1xf32> to vector<6400x128xf32>
    %sub3A_41 = arith.subf %add3A_25, %sub3A : vector<6400x128xf32>
    %square3A = arith.mulf %sub3A_41, %sub3A_41 : vector<6400x128xf32>
    %convert_element_type3A = arith.sitofp %jit3A : i32 to f32
    %sub3A_42 = arith.constant 1.280000e+02 : f32
    %sub3A_43 = arith.subf %sub3A_42, %convert_element_type3A : f32
    %reduce_sum3A_44 = arith.constant dense<0.000000e+00> : vector<6400xf32>
    %reduce_sum3A_45 = vector.multi_reduction <add>, %square3A, %reduce_sum3A_44 [1] : vector<6400x128xf32> to vector<6400xf32>
    %broadcast_in_dim3A_46 = vector.shape_cast %reduce_sum3A_45 : vector<6400xf32> to vector<6400x1xf32>
    %div3A_47 = vector.broadcast %sub3A_43 : f32 to vector<6400x1xf32>
    %div3A_48 = arith.divf %broadcast_in_dim3A_46, %div3A_47 : vector<6400x1xf32>
    %gt3A = arith.constant 0.000000e+00 : f32
    %gt3A_49 = arith.cmpf ogt, %sub3A_43, %gt3A : f32
    %jit3A_50 = arith.constant 0x7FC00000 : f32
    %broadcast_in_dim3A_51 = vector.broadcast %jit3A_50 : f32 to vector<6400x1xf32>
    %select_n3A = arith.select %gt3A_49, %div3A_48, %broadcast_in_dim3A_51 : vector<6400x1xf32>
    %sub3A_52 = vector.broadcast %div3A_34 : vector<6400x1xf32> to vector<6400x128xf32>
    %sub3A_53 = arith.subf %add3A_25, %sub3A_52 : vector<6400x128xf32>
    %add3A_54 = arith.constant 9.99999974E-6 : f32
    %add3A_55 = vector.broadcast %add3A_54 : f32 to vector<6400x1xf32>
    %add3A_56 = arith.addf %select_n3A, %add3A_55 : vector<6400x1xf32>
    %sqrt3A = math.sqrt %add3A_56 : vector<6400x1xf32>
    %div3A_57 = vector.broadcast %sqrt3A : vector<6400x1xf32> to vector<6400x128xf32>
    %div3A_58 = arith.divf %sub3A_53, %div3A_57 : vector<6400x128xf32>
    %broadcast_in_dim3A_59 = vector.shape_cast %get3A_27 : vector<128xf32> to vector<1x128xf32>
    %mul3A_60 = vector.broadcast %broadcast_in_dim3A_59 : vector<1x128xf32> to vector<6400x128xf32>
    %mul3A_61 = arith.mulf %div3A_58, %mul3A_60 : vector<6400x128xf32>
    %broadcast_in_dim3A_62 = vector.shape_cast %get3A_29 : vector<128xf32> to vector<1x128xf32>
    %add3A_63 = vector.broadcast %broadcast_in_dim3A_62 : vector<1x128xf32> to vector<6400x128xf32>
    %add3A_64 = arith.addf %mul3A_61, %add3A_63 : vector<6400x128xf32>
    %get3A_65 = arith.constant 0 : index
    %get3A_66 = arith.constant 0 : index
    %get3A_67 = vector.load %arg2[%get3A_65, %get3A_66] : memref<6400x128xf32, #tpu.memory_space<vmem>>, vector<6400x128xf32>
    %get3A_68 = arith.constant 0 : index
    %get3A_69 = arith.constant 0 : index
    %get3A_70 = vector.load %arg9[%get3A_68, %get3A_69] : memref<128x128xf32, #tpu.memory_space<vmem>>, vector<128x128xf32>
    %dot_general3A_71 = arith.constant dense<0.000000e+00> : vector<6400x128xf32>
    %dot_general3A_72 = tpu.matmul %add3A_64, %get3A_70, %dot_general3A_71 {dimension_numbers = #tpu.dot_dimension_numbers<[1], [0], [0], [1], [0, 0, 1, 1], [], []>, transpose_lhs_hint = false} : vector<6400x128xf32>, vector<128x128xf32>, vector<6400x128xf32> -> vector<6400x128xf32>
    %add3A_73 = arith.addf %get3A_67, %dot_general3A_72 : vector<6400x128xf32>
    %get3A_74 = arith.constant 0 : index
    %get3A_75 = vector.load %arg10[%get3A_74] : memref<128xf32, #tpu.memory_space<vmem>>, vector<128xf32>
    %broadcast_in_dim3A_76 = vector.shape_cast %get3A_75 : vector<128xf32> to vector<1x128xf32>
    %add3A_77 = vector.broadcast %broadcast_in_dim3A_76 : vector<1x128xf32> to vector<6400x128xf32>
    %add3A_78 = arith.addf %add3A_73, %add3A_77 : vector<6400x128xf32>
    %neg3A_79 = arith.constant 0.000000e+00 : f32
    %neg3A_80 = vector.broadcast %neg3A_79 : f32 to vector<6400x128xf32>
    %neg3A_81 = arith.subf %neg3A_80, %add3A_78 : vector<6400x128xf32>
    %exp3A_82 = math.exp %neg3A_81 : vector<6400x128xf32>
    %add3A_83 = arith.constant 1.000000e+00 : f32
    %add3A_84 = vector.broadcast %add3A_83 : f32 to vector<6400x128xf32>
    %add3A_85 = arith.addf %add3A_84, %exp3A_82 : vector<6400x128xf32>
    %div3A_86 = arith.constant 1.000000e+00 : f32
    %div3A_87 = vector.broadcast %div3A_86 : f32 to vector<6400x128xf32>
    %div3A_88 = arith.divf %div3A_87, %add3A_85 : vector<6400x128xf32>
    %mul3A_89 = arith.mulf %add3A_78, %div3A_88 : vector<6400x128xf32>
    %get3A_90 = arith.constant 0 : index
    %get3A_91 = arith.constant 0 : index
    %get3A_92 = vector.load %arg11[%get3A_90, %get3A_91] : memref<128x128xf32, #tpu.memory_space<vmem>>, vector<128x128xf32>
    %dot_general3A_93 = arith.constant dense<0.000000e+00> : vector<6400x128xf32>
    %dot_general3A_94 = tpu.matmul %mul3A_89, %get3A_92, %dot_general3A_93 {dimension_numbers = #tpu.dot_dimension_numbers<[1], [0], [0], [1], [0, 0, 1, 1], [], []>, transpose_lhs_hint = false} : vector<6400x128xf32>, vector<128x128xf32>, vector<6400x128xf32> -> vector<6400x128xf32>
    %get3A_95 = arith.constant 0 : index
    %get3A_96 = vector.load %arg12[%get3A_95] : memref<128xf32, #tpu.memory_space<vmem>>, vector<128xf32>
    %broadcast_in_dim3A_97 = vector.shape_cast %get3A_96 : vector<128xf32> to vector<1x128xf32>
    %add3A_98 = vector.broadcast %broadcast_in_dim3A_97 : vector<1x128xf32> to vector<6400x128xf32>
    %add3A_99 = arith.addf %dot_general3A_94, %add3A_98 : vector<6400x128xf32>
    %get3A_100 = arith.constant 0 : index
    %get3A_101 = vector.load %arg13[%get3A_100] : memref<128xf32, #tpu.memory_space<vmem>>, vector<128xf32>
    %get3A_102 = arith.constant 0 : index
    %get3A_103 = vector.load %arg14[%get3A_102] : memref<128xf32, #tpu.memory_space<vmem>>, vector<128xf32>
    %reduce_sum3A_104 = arith.constant dense<0.000000e+00> : vector<6400xf32>
    %reduce_sum3A_105 = vector.multi_reduction <add>, %add3A_99, %reduce_sum3A_104 [1] : vector<6400x128xf32> to vector<6400xf32>
    %broadcast_in_dim3A_106 = vector.shape_cast %reduce_sum3A_105 : vector<6400xf32> to vector<6400x1xf32>
    %div3A_107 = arith.constant 1.280000e+02 : f32
    %div3A_108 = vector.broadcast %div3A_107 : f32 to vector<6400x1xf32>
    %div3A_109 = arith.divf %broadcast_in_dim3A_106, %div3A_108 : vector<6400x1xf32>
    %jit3A_110 = arith.constant 0 : i32
    %reduce_sum3A_111 = arith.constant dense<0.000000e+00> : vector<6400xf32>
    %reduce_sum3A_112 = vector.multi_reduction <add>, %add3A_99, %reduce_sum3A_111 [1] : vector<6400x128xf32> to vector<6400xf32>
    %broadcast_in_dim3A_113 = vector.shape_cast %reduce_sum3A_112 : vector<6400xf32> to vector<6400x1xf32>
    %div3A_114 = arith.constant 1.280000e+02 : f32
    %div3A_115 = vector.broadcast %div3A_114 : f32 to vector<6400x1xf32>
    %div3A_116 = arith.divf %broadcast_in_dim3A_113, %div3A_115 : vector<6400x1xf32>
    %sub3A_117 = vector.broadcast %div3A_116 : vector<6400x1xf32> to vector<6400x128xf32>
    %sub3A_118 = arith.subf %add3A_99, %sub3A_117 : vector<6400x128xf32>
    %square3A_119 = arith.mulf %sub3A_118, %sub3A_118 : vector<6400x128xf32>
    %convert_element_type3A_120 = arith.sitofp %jit3A_110 : i32 to f32
    %sub3A_121 = arith.constant 1.280000e+02 : f32
    %sub3A_122 = arith.subf %sub3A_121, %convert_element_type3A_120 : f32
    %reduce_sum3A_123 = arith.constant dense<0.000000e+00> : vector<6400xf32>
    %reduce_sum3A_124 = vector.multi_reduction <add>, %square3A_119, %reduce_sum3A_123 [1] : vector<6400x128xf32> to vector<6400xf32>
    %broadcast_in_dim3A_125 = vector.shape_cast %reduce_sum3A_124 : vector<6400xf32> to vector<6400x1xf32>
    %div3A_126 = vector.broadcast %sub3A_122 : f32 to vector<6400x1xf32>
    %div3A_127 = arith.divf %broadcast_in_dim3A_125, %div3A_126 : vector<6400x1xf32>
    %gt3A_128 = arith.constant 0.000000e+00 : f32
    %gt3A_129 = arith.cmpf ogt, %sub3A_122, %gt3A_128 : f32
    %jit3A_130 = arith.constant 0x7FC00000 : f32
    %broadcast_in_dim3A_131 = vector.broadcast %jit3A_130 : f32 to vector<6400x1xf32>
    %select_n3A_132 = arith.select %gt3A_129, %div3A_127, %broadcast_in_dim3A_131 : vector<6400x1xf32>
    %sub3A_133 = vector.broadcast %div3A_109 : vector<6400x1xf32> to vector<6400x128xf32>
    %sub3A_134 = arith.subf %add3A_99, %sub3A_133 : vector<6400x128xf32>
    %add3A_135 = arith.constant 9.99999974E-6 : f32
    %add3A_136 = vector.broadcast %add3A_135 : f32 to vector<6400x1xf32>
    %add3A_137 = arith.addf %select_n3A_132, %add3A_136 : vector<6400x1xf32>
    %sqrt3A_138 = math.sqrt %add3A_137 : vector<6400x1xf32>
    %div3A_139 = vector.broadcast %sqrt3A_138 : vector<6400x1xf32> to vector<6400x128xf32>
    %div3A_140 = arith.divf %sub3A_134, %div3A_139 : vector<6400x128xf32>
    %broadcast_in_dim3A_141 = vector.shape_cast %get3A_101 : vector<128xf32> to vector<1x128xf32>
    %mul3A_142 = vector.broadcast %broadcast_in_dim3A_141 : vector<1x128xf32> to vector<6400x128xf32>
    %mul3A_143 = arith.mulf %div3A_140, %mul3A_142 : vector<6400x128xf32>
    %broadcast_in_dim3A_144 = vector.shape_cast %get3A_103 : vector<128xf32> to vector<1x128xf32>
    %add3A_145 = vector.broadcast %broadcast_in_dim3A_144 : vector<1x128xf32> to vector<6400x128xf32>
    %add3A_146 = arith.addf %mul3A_143, %add3A_145 : vector<6400x128xf32>
    %swap3A = arith.constant 0 : index
    %swap3A_147 = arith.constant 0 : index
    %swap3A_148 = vector.load %arg15[%swap3A, %swap3A_147] : memref<6400x128xf32, #tpu.memory_space<vmem>>, vector<6400x128xf32>
    tpu.vector_store %arg15[%swap3A, %swap3A_147], %add3A_146 {strides = array<i32>} : memref<6400x128xf32, #tpu.memory_space<vmem>>, vector<6400x128xf32>,
    return
  }
  func.func @transform_0(%arg0: i32) -> (i32, i32) {
    %add3A = arith.constant 13 : i32
    %add3A_0 = arith.addi %arg0, %add3A : i32
    %c0_i32 = arith.constant 0 : i32
    %c0_i32_1 = arith.constant 0 : i32
    return %add3A_0, %c0_i32 : i32, i32
  }
  func.func @transform_1(%arg0: i32) -> (i32, i32) {
    %c0_i32 = arith.constant 0 : i32
    %c0_i32_0 = arith.constant 0 : i32
    return %arg0, %c0_i32 : i32, i32
  }
  func.func @transform_2(%arg0: i32) -> (i32, i32) {
    %c0_i32 = arith.constant 0 : i32
    %c0_i32_0 = arith.constant 0 : i32
    %c0_i32_1 = arith.constant 0 : i32
    return %c0_i32, %c0_i32_0 : i32, i32
  }
  func.func @transform_3(%arg0: i32) -> i32 {
    %c0_i32 = arith.constant 0 : i32
    %c0_i32_0 = arith.constant 0 : i32
    return %c0_i32 : i32
  }
  func.func @transform_4(%arg0: i32) -> (i32, i32) {
    %c0_i32 = arith.constant 0 : i32
    %c0_i32_0 = arith.constant 0 : i32
    %c0_i32_1 = arith.constant 0 : i32
    return %c0_i32, %c0_i32_0 : i32, i32
  }
  func.func @transform_5(%arg0: i32) -> i32 {
    %c0_i32 = arith.constant 0 : i32
    %c0_i32_0 = arith.constant 0 : i32
    return %c0_i32 : i32
  }
  func.func @transform_6(%arg0: i32) -> i32 {
    %c0_i32 = arith.constant 0 : i32
    %c0_i32_0 = arith.constant 0 : i32
    return %c0_i32 : i32
  }
  func.func @transform_7(%arg0: i32) -> i32 {
    %c0_i32 = arith.constant 0 : i32
    %c0_i32_0 = arith.constant 0 : i32
    return %c0_i32 : i32
  }
  func.func @transform_8(%arg0: i32) -> (i32, i32) {
    %c0_i32 = arith.constant 0 : i32
    %c0_i32_0 = arith.constant 0 : i32
    %c0_i32_1 = arith.constant 0 : i32
    return %c0_i32, %c0_i32_0 : i32, i32
  }
  func.func @transform_9(%arg0: i32) -> i32 {
    %c0_i32 = arith.constant 0 : i32
    %c0_i32_0 = arith.constant 0 : i32
    return %c0_i32 : i32
  }
  func.func @transform_10(%arg0: i32) -> (i32, i32) {
    %c0_i32 = arith.constant 0 : i32
    %c0_i32_0 = arith.constant 0 : i32
    %c0_i32_1 = arith.constant 0 : i32
    return %c0_i32, %c0_i32_0 : i32, i32
  }
  func.func @transform_11(%arg0: i32) -> i32 {
    %c0_i32 = arith.constant 0 : i32
    %c0_i32_0 = arith.constant 0 : i32
    return %c0_i32 : i32
  }
  func.func @transform_12(%arg0: i32) -> i32 {
    %c0_i32 = arith.constant 0 : i32
    %c0_i32_0 = arith.constant 0 : i32
    return %c0_i32 : i32
  }
  func.func @transform_13(%arg0: i32) -> i32 {
    %c0_i32 = arith.constant 0 : i32
    %c0_i32_0 = arith.constant 0 : i32
    return %c0_i32 : i32
  }
  func.func @transform_14(%arg0: i32) -> (i32, i32) {
    %c0_i32 = arith.constant 0 : i32
    %c0_i32_0 = arith.constant 0 : i32
    return %arg0, %c0_i32 : i32, i32
  }
}

module attributes {stable_mosaic.version = 14 : i64} {
  func.func @_edge_body(%arg0: i32, %arg1: memref<6400x16xf32, #tpu.memory_space<vmem>>, %arg2: memref<6400x128xf32, #tpu.memory_space<vmem>>, %arg3: memref<16x128xf32, #tpu.memory_space<vmem>>, %arg4: memref<128xf32, #tpu.memory_space<vmem>>, %arg5: memref<128x128xf32, #tpu.memory_space<vmem>>, %arg6: memref<128xf32, #tpu.memory_space<vmem>>, %arg7: memref<128xf32, #tpu.memory_space<vmem>>, %arg8: memref<128xf32, #tpu.memory_space<vmem>>, %arg9: memref<128x128xf32, #tpu.memory_space<vmem>>, %arg10: memref<128xf32, #tpu.memory_space<vmem>>, %arg11: memref<128x128xf32, #tpu.memory_space<vmem>>, %arg12: memref<128xf32, #tpu.memory_space<vmem>>, %arg13: memref<128xf32, #tpu.memory_space<vmem>>, %arg14: memref<128xf32, #tpu.memory_space<vmem>>, %arg15: memref<6400x128xf32, #tpu.memory_space<vmem>>) attributes {dimension_semantics = [#tpu.dimension_semantics<arbitrary>], iteration_bounds = array<i64: 13>, scalar_prefetch = 0 : i64, scratch_operands = 0 : i64, tpu.core_type = #tpu.core_type<tc>, window_params = [{transform_indices = @transform_0, window_bounds = array<i64: 6400, 16>}, {transform_indices = @transform_1, window_bounds = array<i64: 6400, 128>}, {pipeline_mode = #tpu.pipeline_mode<synchronous>, transform_indices = @transform_2, window_bounds = array<i64: 16, 128>}, {pipeline_mode = #tpu.pipeline_mode<synchronous>, transform_indices = @transform_3, window_bounds = array<i64: 128>}, {pipeline_mode = #tpu.pipeline_mode<synchronous>, transform_indices = @transform_4, window_bounds = array<i64: 128, 128>}, {pipeline_mode = #tpu.pipeline_mode<synchronous>, transform_indices = @transform_5, window_bounds = array<i64: 128>}, {pipeline_mode = #tpu.pipeline_mode<synchronous>, transform_indices = @transform_6, window_bounds = array<i64: 128>}, {pipeline_mode = #tpu.pipeline_mode<synchronous>, transform_indices = @transform_7, window_bounds = array<i64: 128>}, {pipeline_mode = #tpu.pipeline_mode<synchronous>, transform_indices = @transform_8, window_bounds = array<i64: 128, 128>}, {pipeline_mode = #tpu.pipeline_mode<synchronous>, transform_indices = @transform_9, window_bounds = array<i64: 128>}, {pipeline_mode = #tpu.pipeline_mode<synchronous>, transform_indices = @transform_10, window_bounds = array<i64: 128, 128>}, {pipeline_mode = #tpu.pipeline_mode<synchronous>, transform_indices = @transform_11, window_bounds = array<i64: 128>}, {pipeline_mode = #tpu.pipeline_mode<synchronous>, transform_indices = @transform_12, window_bounds = array<i64: 128>}, {pipeline_mode = #tpu.pipeline_mode<synchronous>, transform_indices = @transform_13, window_bounds = array<i64: 128>}, {transform_indices = @transform_14, window_bounds = array<i64: 6400, 128>}]} {
    %get3A = arith.constant 0 : index
    %get3A_0 = arith.constant 0 : index
    %get3A_1 = vector.load %arg1[%get3A, %get3A_0] : memref<6400x16xf32, #tpu.memory_space<vmem>>, vector<6400x16xf32>
    %get3A_2 = arith.constant 0 : index
    %get3A_3 = arith.constant 0 : index
    %get3A_4 = vector.load %arg3[%get3A_2, %get3A_3] : memref<16x128xf32, #tpu.memory_space<vmem>>, vector<16x128xf32>
    %dot_general3A = arith.constant dense<0.000000e+00> : vector<6400x128xf32>
    %dot_general3A_5 = tpu.matmul %get3A_1, %get3A_4, %dot_general3A {dimension_numbers = #tpu.dot_dimension_numbers<[1], [0], [0], [1], [0, 0, 1, 1], [], []>, transpose_lhs_hint = false} : vector<6400x16xf32>, vector<16x128xf32>, vector<6400x128xf32> -> vector<6400x128xf32>
    %get3A_6 = arith.constant 0 : index
    %get3A_7 = vector.load %arg4[%get3A_6] : memref<128xf32, #tpu.memory_space<vmem>>, vector<128xf32>
    %broadcast_in_dim3A = vector.shape_cast %get3A_7 : vector<128xf32> to vector<1x128xf32>
    %add3A = vector.broadcast %broadcast_in_dim3A : vector<1x128xf32> to vector<6400x128xf32>
    %add3A_8 = arith.addf %dot_general3A_5, %add3A : vector<6400x128xf32>
    %neg3A = arith.constant 0.000000e+00 : f32
    %neg3A_9 = vector.broadcast %neg3A : f32 to vector<6400x128xf32>
    %neg3A_10 = arith.subf %neg3A_9, %add3A_8 : vector<6400x128xf32>
    %exp3A = math.exp %neg3A_10 : vector<6400x128xf32>
    %add3A_11 = arith.constant 1.000000e+00 : f32
    %add3A_12 = vector.broadcast %add3A_11 : f32 to vector<6400x128xf32>
    %add3A_13 = arith.addf %add3A_12, %exp3A : vector<6400x128xf32>
    %div3A = arith.constant 1.000000e+00 : f32
    %div3A_14 = vector.broadcast %div3A : f32 to vector<6400x128xf32>
    %div3A_15 = arith.divf %div3A_14, %add3A_13 : vector<6400x128xf32>
    %mul3A = arith.mulf %add3A_8, %div3A_15 : vector<6400x128xf32>
    %get3A_16 = arith.constant 0 : index
    %get3A_17 = arith.constant 0 : index
    %get3A_18 = vector.load %arg5[%get3A_16, %get3A_17] : memref<128x128xf32, #tpu.memory_space<vmem>>, vector<128x128xf32>
    %dot_general3A_19 = arith.constant dense<0.000000e+00> : vector<6400x128xf32>
    %dot_general3A_20 = tpu.matmul %mul3A, %get3A_18, %dot_general3A_19 {dimension_numbers = #tpu.dot_dimension_numbers<[1], [0], [0], [1], [0, 0, 1, 1], [], []>, transpose_lhs_hint = false} : vector<6400x128xf32>, vector<128x128xf32>, vector<6400x128xf32> -> vector<6400x128xf32>
    %get3A_21 = arith.constant 0 : index
    %get3A_22 = vector.load %arg6[%get3A_21] : memref<128xf32, #tpu.memory_space<vmem>>, vector<128xf32>
    %broadcast_in_dim3A_23 = vector.shape_cast %get3A_22 : vector<128xf32> to vector<1x128xf32>
    %add3A_24 = vector.broadcast %broadcast_in_dim3A_23 : vector<1x128xf32> to vector<6400x128xf32>
    %add3A_25 = arith.addf %dot_general3A_20, %add3A_24 : vector<6400x128xf32>
    %get3A_26 = arith.constant 0 : index
    %get3A_27 = vector.load %arg7[%get3A_26] : memref<128xf32, #tpu.memory_space<vmem>>, vector<128xf32>
    %get3A_28 = arith.constant 0 : index
    %get3A_29 = vector.load %arg8[%get3A_28] : memref<128xf32, #tpu.memory_space<vmem>>, vector<128xf32>
    %reduce_sum3A = arith.constant dense<0.000000e+00> : vector<6400xf32>
    %reduce_sum3A_30 = vector.multi_reduction <add>, %add3A_25, %reduce_sum3A [1] : vector<6400x128xf32> to vector<6400xf32>
    %broadcast_in_dim3A_31 = vector.shape_cast %reduce_sum3A_30 : vector<6400xf32> to vector<6400x1xf32>
    %div3A_32 = arith.constant 1.280000e+02 : f32
    %div3A_33 = vector.broadcast %div3A_32 : f32 to vector<6400x1xf32>
    %div3A_34 = arith.divf %broadcast_in_dim3A_31, %div3A_33 : vector<6400x1xf32>
    %jit3A = arith.constant 0 : i32
    %reduce_sum3A_35 = arith.constant dense<0.000000e+00> : vector<6400xf32>
    %reduce_sum3A_36 = vector.multi_reduction <add>, %add3A_25, %reduce_sum3A_35 [1] : vector<6400x128xf32> to vector<6400xf32>
    %broadcast_in_dim3A_37 = vector.shape_cast %reduce_sum3A_36 : vector<6400xf32> to vector<6400x1xf32>
    %div3A_38 = arith.constant 1.280000e+02 : f32
    %div3A_39 = vector.broadcast %div3A_38 : f32 to vector<6400x1xf32>
    %div3A_40 = arith.divf %broadcast_in_dim3A_37, %div3A_39 : vector<6400x1xf32>
    %sub3A = vector.broadcast %div3A_40 : vector<6400x1xf32> to vector<6400x128xf32>
    %sub3A_41 = arith.subf %add3A_25, %sub3A : vector<6400x128xf32>
    %square3A = arith.mulf %sub3A_41, %sub3A_41 : vector<6400x128xf32>
    %convert_element_type3A = arith.sitofp %jit3A : i32 to f32
    %sub3A_42 = arith.constant 1.280000e+02 : f32
    %sub3A_43 = arith.subf %sub3A_42, %convert_element_type3A : f32
    %reduce_sum3A_44 = arith.constant dense<0.000000e+00> : vector<6400xf32>
    %reduce_sum3A_45 = vector.multi_reduction <add>, %square3A, %reduce_sum3A_44 [1] : vector<6400x128xf32> to vector<6400xf32>
    %broadcast_in_dim3A_46 = vector.shape_cast %reduce_sum3A_45 : vector<6400xf32> to vector<6400x1xf32>
    %div3A_47 = vector.broadcast %sub3A_43 : f32 to vector<6400x1xf32>
    %div3A_48 = arith.divf %broadcast_in_dim3A_46, %div3A_47 : vector<6400x1xf32>
    %gt3A = arith.constant 0.000000e+00 : f32
    %gt3A_49 = arith.cmpf ogt, %sub3A_43, %gt3A : f32
    %jit3A_50 = arith.constant 0x7FC00000 : f32
    %broadcast_in_dim3A_51 = vector.broadcast %jit3A_50 : f32 to vector<6400x1xf32>
    %select_n3A = arith.select %gt3A_49, %div3A_48, %broadcast_in_dim3A_51 : vector<6400x1xf32>
    %sub3A_52 = vector.broadcast %div3A_34 : vector<6400x1xf32> to vector<6400x128xf32>
    %sub3A_53 = arith.subf %add3A_25, %sub3A_52 : vector<6400x128xf32>
    %add3A_54 = arith.constant 9.99999974E-6 : f32
    %add3A_55 = vector.broadcast %add3A_54 : f32 to vector<6400x1xf32>
    %add3A_56 = arith.addf %select_n3A, %add3A_55 : vector<6400x1xf32>
    %sqrt3A = math.sqrt %add3A_56 : vector<6400x1xf32>
    %div3A_57 = vector.broadcast %sqrt3A : vector<6400x1xf32> to vector<6400x128xf32>
    %div3A_58 = arith.divf %sub3A_53, %div3A_57 : vector<6400x128xf32>
    %broadcast_in_dim3A_59 = vector.shape_cast %get3A_27 : vector<128xf32> to vector<1x128xf32>
    %mul3A_60 = vector.broadcast %broadcast_in_dim3A_59 : vector<1x128xf32> to vector<6400x128xf32>
    %mul3A_61 = arith.mulf %div3A_58, %mul3A_60 : vector<6400x128xf32>
    %broadcast_in_dim3A_62 = vector.shape_cast %get3A_29 : vector<128xf32> to vector<1x128xf32>
    %add3A_63 = vector.broadcast %broadcast_in_dim3A_62 : vector<1x128xf32> to vector<6400x128xf32>
    %add3A_64 = arith.addf %mul3A_61, %add3A_63 : vector<6400x128xf32>
    %get3A_65 = arith.constant 0 : index
    %get3A_66 = arith.constant 0 : index
    %get3A_67 = vector.load %arg2[%get3A_65, %get3A_66] : memref<6400x128xf32, #tpu.memory_space<vmem>>, vector<6400x128xf32>
    %get3A_68 = arith.constant 0 : index
    %get3A_69 = arith.constant 0 : index
    %get3A_70 = vector.load %arg9[%get3A_68, %get3A_69] : memref<128x128xf32, #tpu.memory_space<vmem>>, vector<128x128xf32>
    %dot_general3A_71 = arith.constant dense<0.000000e+00> : vector<6400x128xf32>
    %dot_general3A_72 = tpu.matmul %add3A_64, %get3A_70, %dot_general3A_71 {dimension_numbers = #tpu.dot_dimension_numbers<[1], [0], [0], [1], [0, 0, 1, 1], [], []>, transpose_lhs_hint = false} : vector<6400x128xf32>, vector<128x128xf32>, vector<6400x128xf32> -> vector<6400x128xf32>
    %add3A_73 = arith.addf %get3A_67, %dot_general3A_72 : vector<6400x128xf32>
    %get3A_74 = arith.constant 0 : index
    %get3A_75 = vector.load %arg10[%get3A_74] : memref<128xf32, #tpu.memory_space<vmem>>, vector<128xf32>
    %broadcast_in_dim3A_76 = vector.shape_cast %get3A_75 : vector<128xf32> to vector<1x128xf32>
    %add3A_77 = vector.broadcast %broadcast_in_dim3A_76 : vector<1x128xf32> to vector<6400x128xf32>
    %add3A_78 = arith.addf %add3A_73, %add3A_77 : vector<6400x128xf32>
    %neg3A_79 = arith.constant 0.000000e+00 : f32
    %neg3A_80 = vector.broadcast %neg3A_79 : f32 to vector<6400x128xf32>
    %neg3A_81 = arith.subf %neg3A_80, %add3A_78 : vector<6400x128xf32>
    %exp3A_82 = math.exp %neg3A_81 : vector<6400x128xf32>
    %add3A_83 = arith.constant 1.000000e+00 : f32
    %add3A_84 = vector.broadcast %add3A_83 : f32 to vector<6400x128xf32>
    %add3A_85 = arith.addf %add3A_84, %exp3A_82 : vector<6400x128xf32>
    %div3A_86 = arith.constant 1.000000e+00 : f32
    %div3A_87 = vector.broadcast %div3A_86 : f32 to vector<6400x128xf32>
    %div3A_88 = arith.divf %div3A_87, %add3A_85 : vector<6400x128xf32>
    %mul3A_89 = arith.mulf %add3A_78, %div3A_88 : vector<6400x128xf32>
    %get3A_90 = arith.constant 0 : index
    %get3A_91 = arith.constant 0 : index
    %get3A_92 = vector.load %arg11[%get3A_90, %get3A_91] : memref<128x128xf32, #tpu.memory_space<vmem>>, vector<128x128xf32>
    %dot_general3A_93 = arith.constant dense<0.000000e+00> : vector<6400x128xf32>
    %dot_general3A_94 = tpu.matmul %mul3A_89, %get3A_92, %dot_general3A_93 {dimension_numbers = #tpu.dot_dimension_numbers<[1], [0], [0], [1], [0, 0, 1, 1], [], []>, transpose_lhs_hint = false} : vector<6400x128xf32>, vector<128x128xf32>, vector<6400x128xf32> -> vector<6400x128xf32>
    %get3A_95 = arith.constant 0 : index
    %get3A_96 = vector.load %arg12[%get3A_95] : memref<128xf32, #tpu.memory_space<vmem>>, vector<128xf32>
    %broadcast_in_dim3A_97 = vector.shape_cast %get3A_96 : vector<128xf32> to vector<1x128xf32>
    %add3A_98 = vector.broadcast %broadcast_in_dim3A_97 : vector<1x128xf32> to vector<6400x128xf32>
    %add3A_99 = arith.addf %dot_general3A_94, %add3A_98 : vector<6400x128xf32>
    %get3A_100 = arith.constant 0 : index
    %get3A_101 = vector.load %arg13[%get3A_100] : memref<128xf32, #tpu.memory_space<vmem>>, vector<128xf32>
    %get3A_102 = arith.constant 0 : index
    %get3A_103 = vector.load %arg14[%get3A_102] : memref<128xf32, #tpu.memory_space<vmem>>, vector<128xf32>
    %reduce_sum3A_104 = arith.constant dense<0.000000e+00> : vector<6400xf32>
    %reduce_sum3A_105 = vector.multi_reduction <add>, %add3A_99, %reduce_sum3A_104 [1] : vector<6400x128xf32> to vector<6400xf32>
    %broadcast_in_dim3A_106 = vector.shape_cast %reduce_sum3A_105 : vector<6400xf32> to vector<6400x1xf32>
    %div3A_107 = arith.constant 1.280000e+02 : f32
    %div3A_108 = vector.broadcast %div3A_107 : f32 to vector<6400x1xf32>
    %div3A_109 = arith.divf %broadcast_in_dim3A_106, %div3A_108 : vector<6400x1xf32>
    %jit3A_110 = arith.constant 0 : i32
    %reduce_sum3A_111 = arith.constant dense<0.000000e+00> : vector<6400xf32>
    %reduce_sum3A_112 = vector.multi_reduction <add>, %add3A_99, %reduce_sum3A_111 [1] : vector<6400x128xf32> to vector<6400xf32>
    %broadcast_in_dim3A_113 = vector.shape_cast %reduce_sum3A_112 : vector<6400xf32> to vector<6400x1xf32>
    %div3A_114 = arith.constant 1.280000e+02 : f32
    %div3A_115 = vector.broadcast %div3A_114 : f32 to vector<6400x1xf32>
    %div3A_116 = arith.divf %broadcast_in_dim3A_113, %div3A_115 : vector<6400x1xf32>
    %sub3A_117 = vector.broadcast %div3A_116 : vector<6400x1xf32> to vector<6400x128xf32>
    %sub3A_118 = arith.subf %add3A_99, %sub3A_117 : vector<6400x128xf32>
    %square3A_119 = arith.mulf %sub3A_118, %sub3A_118 : vector<6400x128xf32>
    %convert_element_type3A_120 = arith.sitofp %jit3A_110 : i32 to f32
    %sub3A_121 = arith.constant 1.280000e+02 : f32
    %sub3A_122 = arith.subf %sub3A_121, %convert_element_type3A_120 : f32
    %reduce_sum3A_123 = arith.constant dense<0.000000e+00> : vector<6400xf32>
    %reduce_sum3A_124 = vector.multi_reduction <add>, %square3A_119, %reduce_sum3A_123 [1] : vector<6400x128xf32> to vector<6400xf32>
    %broadcast_in_dim3A_125 = vector.shape_cast %reduce_sum3A_124 : vector<6400xf32> to vector<6400x1xf32>
    %div3A_126 = vector.broadcast %sub3A_122 : f32 to vector<6400x1xf32>
    %div3A_127 = arith.divf %broadcast_in_dim3A_125, %div3A_126 : vector<6400x1xf32>
    %gt3A_128 = arith.constant 0.000000e+00 : f32
    %gt3A_129 = arith.cmpf ogt, %sub3A_122, %gt3A_128 : f32
    %jit3A_130 = arith.constant 0x7FC00000 : f32
    %broadcast_in_dim3A_131 = vector.broadcast %jit3A_130 : f32 to vector<6400x1xf32>
    %select_n3A_132 = arith.select %gt3A_129, %div3A_127, %broadcast_in_dim3A_131 : vector<6400x1xf32>
    %sub3A_133 = vector.broadcast %div3A_109 : vector<6400x1xf32> to vector<6400x128xf32>
    %sub3A_134 = arith.subf %add3A_99, %sub3A_133 : vector<6400x128xf32>
    %add3A_135 = arith.constant 9.99999974E-6 : f32
    %add3A_136 = vector.broadcast %add3A_135 : f32 to vector<6400x1xf32>
    %add3A_137 = arith.addf %select_n3A_132, %add3A_136 : vector<6400x1xf32>
    %sqrt3A_138 = math.sqrt %add3A_137 : vector<6400x1xf32>
    %div3A_139 = vector.broadcast %sqrt3A_138 : vector<6400x1xf32> to vector<6400x128xf32>
    %div3A_140 = arith.divf %sub3A_134, %div3A_139 : vector<6400x128xf32>
    %broadcast_in_dim3A_141 = vector.shape_cast %get3A_101 : vector<128xf32> to vector<1x128xf32>
    %mul3A_142 = vector.broadcast %broadcast_in_dim3A_141 : vector<1x128xf32> to vector<6400x128xf32>
    %mul3A_143 = arith.mulf %div3A_140, %mul3A_142 : vector<6400x128xf32>
    %broadcast_in_dim3A_144 = vector.shape_cast %get3A_103 : vector<128xf32> to vector<1x128xf32>
    %add3A_145 = vector.broadcast %broadcast_in_dim3A_144 : vector<1x128xf32> to vector<6400x128xf32>
    %add3A_146 = arith.addf %mul3A_143, %add3A_145 : vector<6400x128xf32>
    %swap3A = arith.constant 0 : index
    %swap3A_147 = arith.constant 0 : index
    %swap3A_148 = vector.load %arg15[%swap3A, %swap3A_147] : memref<6400x128xf32, #tpu.memory_space<vmem>>, vector<6400x128xf32>
    tpu.vector_store %arg15[%swap3A, %swap3A_147], %add3A_146 {strides = array<i32>} : memref<6400x128xf32, #tpu.memory_space<vmem>>, vector<6400x128xf32>,
    return
  }
  func.func @transform_0(%arg0: i32) -> (i32, i32) {
    %add3A = arith.constant 0 : i32
    %add3A_0 = arith.addi %arg0, %add3A : i32
    %c0_i32 = arith.constant 0 : i32
    %c0_i32_1 = arith.constant 0 : i32
    return %add3A_0, %c0_i32 : i32, i32
  }
  func.func @transform_1(%arg0: i32) -> (i32, i32) {
    %c0_i32 = arith.constant 0 : i32
    %c0_i32_0 = arith.constant 0 : i32
    return %arg0, %c0_i32 : i32, i32
  }
  func.func @transform_2(%arg0: i32) -> (i32, i32) {
    %c0_i32 = arith.constant 0 : i32
    %c0_i32_0 = arith.constant 0 : i32
    %c0_i32_1 = arith.constant 0 : i32
    return %c0_i32, %c0_i32_0 : i32, i32
  }
  func.func @transform_3(%arg0: i32) -> i32 {
    %c0_i32 = arith.constant 0 : i32
    %c0_i32_0 = arith.constant 0 : i32
    return %c0_i32 : i32
  }
  func.func @transform_4(%arg0: i32) -> (i32, i32) {
    %c0_i32 = arith.constant 0 : i32
    %c0_i32_0 = arith.constant 0 : i32
    %c0_i32_1 = arith.constant 0 : i32
    return %c0_i32, %c0_i32_0 : i32, i32
  }
  func.func @transform_5(%arg0: i32) -> i32 {
    %c0_i32 = arith.constant 0 : i32
    %c0_i32_0 = arith.constant 0 : i32
    return %c0_i32 : i32
  }
  func.func @transform_6(%arg0: i32) -> i32 {
    %c0_i32 = arith.constant 0 : i32
    %c0_i32_0 = arith.constant 0 : i32
    return %c0_i32 : i32
  }
  func.func @transform_7(%arg0: i32) -> i32 {
    %c0_i32 = arith.constant 0 : i32
    %c0_i32_0 = arith.constant 0 : i32
    return %c0_i32 : i32
  }
  func.func @transform_8(%arg0: i32) -> (i32, i32) {
    %c0_i32 = arith.constant 0 : i32
    %c0_i32_0 = arith.constant 0 : i32
    %c0_i32_1 = arith.constant 0 : i32
    return %c0_i32, %c0_i32_0 : i32, i32
  }
  func.func @transform_9(%arg0: i32) -> i32 {
    %c0_i32 = arith.constant 0 : i32
    %c0_i32_0 = arith.constant 0 : i32
    return %c0_i32 : i32
  }
  func.func @transform_10(%arg0: i32) -> (i32, i32) {
    %c0_i32 = arith.constant 0 : i32
    %c0_i32_0 = arith.constant 0 : i32
    %c0_i32_1 = arith.constant 0 : i32
    return %c0_i32, %c0_i32_0 : i32, i32
  }
  func.func @transform_11(%arg0: i32) -> i32 {
    %c0_i32 = arith.constant 0 : i32
    %c0_i32_0 = arith.constant 0 : i32
    return %c0_i32 : i32
  }
  func.func @transform_12(%arg0: i32) -> i32 {
    %c0_i32 = arith.constant 0 : i32
    %c0_i32_0 = arith.constant 0 : i32
    return %c0_i32 : i32
  }
  func.func @transform_13(%arg0: i32) -> i32 {
    %c0_i32 = arith.constant 0 : i32
    %c0_i32_0 = arith.constant 0 : i32
    return %c0_i32 : i32
  }
  func.func @transform_14(%arg0: i32) -> (i32, i32) {
    %c0_i32 = arith.constant 0 : i32
    %c0_i32_0 = arith.constant 0 : i32
    return %arg0, %c0_i32 : i32, i32
  }
}

module attributes {stable_mosaic.version = 14 : i64} {
  func.func @_post_body(%arg0: i32, %arg1: memref<2000x128xf32, #tpu.memory_space<vmem>>, %arg2: memref<2x2000x128xf32, #tpu.memory_space<vmem>>, %arg3: memref<2x2000x128xf32, #tpu.memory_space<vmem>>, %arg4: memref<128x128xf32, #tpu.memory_space<vmem>>, %arg5: memref<128xf32, #tpu.memory_space<vmem>>, %arg6: memref<128x128xf32, #tpu.memory_space<vmem>>, %arg7: memref<128xf32, #tpu.memory_space<vmem>>, %arg8: memref<2000x128xf32, #tpu.memory_space<vmem>>) attributes {dimension_semantics = [#tpu.dimension_semantics<arbitrary>], iteration_bounds = array<i64: 5>, scalar_prefetch = 0 : i64, scratch_operands = 0 : i64, tpu.core_type = #tpu.core_type<tc>, window_params = [{transform_indices = @transform_0, window_bounds = array<i64: 2000, 128>}, {transform_indices = @transform_1, window_bounds = array<i64: 2, 2000, 128>}, {transform_indices = @transform_2, window_bounds = array<i64: 2, 2000, 128>}, {pipeline_mode = #tpu.pipeline_mode<synchronous>, transform_indices = @transform_3, window_bounds = array<i64: 128, 128>}, {pipeline_mode = #tpu.pipeline_mode<synchronous>, transform_indices = @transform_4, window_bounds = array<i64: 128>}, {pipeline_mode = #tpu.pipeline_mode<synchronous>, transform_indices = @transform_5, window_bounds = array<i64: 128, 128>}, {pipeline_mode = #tpu.pipeline_mode<synchronous>, transform_indices = @transform_6, window_bounds = array<i64: 128>}, {transform_indices = @transform_7, window_bounds = array<i64: 2000, 128>}]} {
    %get3A = arith.constant 0 : index
    %get3A_0 = arith.constant 0 : index
    %get3A_1 = vector.load %arg1[%get3A, %get3A_0] : memref<2000x128xf32, #tpu.memory_space<vmem>>, vector<2000x128xf32>
    %get3A_2 = arith.constant 0 : index
    %get3A_3 = arith.constant 0 : index
    %get3A_4 = arith.constant 0 : index
    %get3A_5 = vector.load %arg2[%get3A_2, %get3A_3, %get3A_4] : memref<2x2000x128xf32, #tpu.memory_space<vmem>>, vector<1x2000x128xf32>
    %get3A_6 = vector.shape_cast %get3A_5 : vector<1x2000x128xf32> to vector<2000x128xf32>
    %add3A = arith.addf %get3A_1, %get3A_6 : vector<2000x128xf32>
    %get3A_7 = arith.constant 1 : index
    %get3A_8 = arith.constant 0 : index
    %get3A_9 = arith.constant 0 : index
    %get3A_10 = vector.load %arg2[%get3A_7, %get3A_8, %get3A_9] : memref<2x2000x128xf32, #tpu.memory_space<vmem>>, vector<1x2000x128xf32>
    %get3A_11 = vector.shape_cast %get3A_10 : vector<1x2000x128xf32> to vector<2000x128xf32>
    %add3A_12 = arith.addf %add3A, %get3A_11 : vector<2000x128xf32>
    %get3A_13 = arith.constant 0 : index
    %get3A_14 = arith.constant 0 : index
    %get3A_15 = arith.constant 0 : index
    %get3A_16 = vector.load %arg3[%get3A_13, %get3A_14, %get3A_15] : memref<2x2000x128xf32, #tpu.memory_space<vmem>>, vector<1x2000x128xf32>
    %get3A_17 = vector.shape_cast %get3A_16 : vector<1x2000x128xf32> to vector<2000x128xf32>
    %add3A_18 = arith.addf %add3A_12, %get3A_17 : vector<2000x128xf32>
    %get3A_19 = arith.constant 1 : index
    %get3A_20 = arith.constant 0 : index
    %get3A_21 = arith.constant 0 : index
    %get3A_22 = vector.load %arg3[%get3A_19, %get3A_20, %get3A_21] : memref<2x2000x128xf32, #tpu.memory_space<vmem>>, vector<1x2000x128xf32>
    %get3A_23 = vector.shape_cast %get3A_22 : vector<1x2000x128xf32> to vector<2000x128xf32>
    %add3A_24 = arith.addf %add3A_18, %get3A_23 : vector<2000x128xf32>
    %get3A_25 = arith.constant 0 : index
    %get3A_26 = arith.constant 0 : index
    %get3A_27 = vector.load %arg4[%get3A_25, %get3A_26] : memref<128x128xf32, #tpu.memory_space<vmem>>, vector<128x128xf32>
    %dot_general3A = arith.constant dense<0.000000e+00> : vector<2000x128xf32>
    %dot_general3A_28 = tpu.matmul %add3A_24, %get3A_27, %dot_general3A {dimension_numbers = #tpu.dot_dimension_numbers<[1], [0], [0], [1], [0, 0, 1, 1], [], []>, transpose_lhs_hint = false} : vector<2000x128xf32>, vector<128x128xf32>, vector<2000x128xf32> -> vector<2000x128xf32>
    %get3A_29 = arith.constant 0 : index
    %get3A_30 = vector.load %arg5[%get3A_29] : memref<128xf32, #tpu.memory_space<vmem>>, vector<128xf32>
    %broadcast_in_dim3A = vector.shape_cast %get3A_30 : vector<128xf32> to vector<1x128xf32>
    %add3A_31 = vector.broadcast %broadcast_in_dim3A : vector<1x128xf32> to vector<2000x128xf32>
    %add3A_32 = arith.addf %dot_general3A_28, %add3A_31 : vector<2000x128xf32>
    %neg3A = arith.constant 0.000000e+00 : f32
    %neg3A_33 = vector.broadcast %neg3A : f32 to vector<2000x128xf32>
    %neg3A_34 = arith.subf %neg3A_33, %add3A_32 : vector<2000x128xf32>
    %exp3A = math.exp %neg3A_34 : vector<2000x128xf32>
    %add3A_35 = arith.constant 1.000000e+00 : f32
    %add3A_36 = vector.broadcast %add3A_35 : f32 to vector<2000x128xf32>
    %add3A_37 = arith.addf %add3A_36, %exp3A : vector<2000x128xf32>
    %div3A = arith.constant 1.000000e+00 : f32
    %div3A_38 = vector.broadcast %div3A : f32 to vector<2000x128xf32>
    %div3A_39 = arith.divf %div3A_38, %add3A_37 : vector<2000x128xf32>
    %mul3A = arith.mulf %add3A_32, %div3A_39 : vector<2000x128xf32>
    %get3A_40 = arith.constant 0 : index
    %get3A_41 = arith.constant 0 : index
    %get3A_42 = vector.load %arg6[%get3A_40, %get3A_41] : memref<128x128xf32, #tpu.memory_space<vmem>>, vector<128x128xf32>
    %dot_general3A_43 = arith.constant dense<0.000000e+00> : vector<2000x128xf32>
    %dot_general3A_44 = tpu.matmul %mul3A, %get3A_42, %dot_general3A_43 {dimension_numbers = #tpu.dot_dimension_numbers<[1], [0], [0], [1], [0, 0, 1, 1], [], []>, transpose_lhs_hint = false} : vector<2000x128xf32>, vector<128x128xf32>, vector<2000x128xf32> -> vector<2000x128xf32>
    %get3A_45 = arith.constant 0 : index
    %get3A_46 = vector.load %arg7[%get3A_45] : memref<128xf32, #tpu.memory_space<vmem>>, vector<128xf32>
    %broadcast_in_dim3A_47 = vector.shape_cast %get3A_46 : vector<128xf32> to vector<1x128xf32>
    %add3A_48 = vector.broadcast %broadcast_in_dim3A_47 : vector<1x128xf32> to vector<2000x128xf32>
    %add3A_49 = arith.addf %dot_general3A_44, %add3A_48 : vector<2000x128xf32>
    %swap3A = arith.constant 0 : index
    %swap3A_50 = arith.constant 0 : index
    %swap3A_51 = vector.load %arg8[%swap3A, %swap3A_50] : memref<2000x128xf32, #tpu.memory_space<vmem>>, vector<2000x128xf32>
    tpu.vector_store %arg8[%swap3A, %swap3A_50], %add3A_49 {strides = array<i32>} : memref<2000x128xf32, #tpu.memory_space<vmem>>, vector<2000x128xf32>,
    return
  }
  func.func @transform_0(%arg0: i32) -> (i32, i32) {
    %c0_i32 = arith.constant 0 : i32
    %c0_i32_0 = arith.constant 0 : i32
    return %arg0, %c0_i32 : i32, i32
  }
  func.func @transform_1(%arg0: i32) -> (i32, i32, i32) {
    %c0_i32 = arith.constant 0 : i32
    %c0_i32_0 = arith.constant 0 : i32
    %c0_i32_1 = arith.constant 0 : i32
    return %c0_i32, %arg0, %c0_i32_0 : i32, i32, i32
  }
  func.func @transform_2(%arg0: i32) -> (i32, i32, i32) {
    %c0_i32 = arith.constant 0 : i32
    %c0_i32_0 = arith.constant 0 : i32
    %c0_i32_1 = arith.constant 0 : i32
    return %c0_i32, %arg0, %c0_i32_0 : i32, i32, i32
  }
  func.func @transform_3(%arg0: i32) -> (i32, i32) {
    %c0_i32 = arith.constant 0 : i32
    %c0_i32_0 = arith.constant 0 : i32
    %c0_i32_1 = arith.constant 0 : i32
    return %c0_i32, %c0_i32_0 : i32, i32
  }
  func.func @transform_4(%arg0: i32) -> i32 {
    %c0_i32 = arith.constant 0 : i32
    %c0_i32_0 = arith.constant 0 : i32
    return %c0_i32 : i32
  }
  func.func @transform_5(%arg0: i32) -> (i32, i32) {
    %c0_i32 = arith.constant 0 : i32
    %c0_i32_0 = arith.constant 0 : i32
    %c0_i32_1 = arith.constant 0 : i32
    return %c0_i32, %c0_i32_0 : i32, i32
  }
  func.func @transform_6(%arg0: i32) -> i32 {
    %c0_i32 = arith.constant 0 : i32
    %c0_i32_0 = arith.constant 0 : i32
    return %c0_i32 : i32
  }
  func.func @transform_7(%arg0: i32) -> (i32, i32) {
    %c0_i32 = arith.constant 0 : i32
    %c0_i32_0 = arith.constant 0 : i32
    return %arg0, %c0_i32 : i32, i32
  }
}

</mosaic_0001>

<sc_bundles>
// kernel: kernel.15.cloned.1.call-start
scs
__scs_entry_jumppad:
0x0: {  	(pc) =	sbr.rel $0x88, $3  }
0x1: {  	(tag) =	ssettag $0x0;
	lr =	simm.s32 $0x1  }
0x2: {  	[smem:$0x3F81] =	sst lr;
	_ =	strace $0xD0000000  }
0x3: {  	_ = 	snop  }
0x4: {  	_ = 	snop  }
0x5: {  	_ = 	snop  }
0x6: {  	_ = 	snop  }
0x7: {  	_ = 	snop  }
__scs_overlays_trampoline_lowered:
0x8: {  	[smem:$0x3F90] =	sst s0  }
0x9: {  	[smem:$0x3F91] =	sst s1  }
0xa: {  	[smem:$0x3F92] =	sst s2  }
0xb: {  	[smem:$0x3F93] =	sst s3  }
0xc: {  	[smem:$0x3F94] =	sst s4  }
0xd: {  	[smem:$0x3F95] =	sst s5  }
0xe: {  	[smem:$0x3F96] =	sst s6  }
0xf: {  	[smem:$0x3F97] =	sst s7  }
0x10: {  	[smem:$0x3F98] =	sst s8  }
0x11: {  	[smem:$0x3F99] =	sst s9;
	s0 =	simm.s32 @!p0 $0x0  }
0x12: {  	s1 =	sld [smem:$0x3F7F];
	s0 =	simm.s32 @p0 $0x1  }
0x13: {  	[smem:$0x3F9A] =	sst s0;
	s0 =	simm.s32 @!p1 $0x0  }
0x14: {  	s2 =	sld [smem:$0x3F7E];
	s0 =	simm.s32 @p1 $0x1  }
0x15: {  	[smem:$0x3F9B] =	sst s0;
	s0 =	simm.s32 @!p2 $0x0  }
0x16: {  	s3 =	sld [smem:$0x3FDB];
	s0 =	simm.s32 @p2 $0x1  }
0x17: {  	s4 =	simm.s32 $0x1BF5;
	[smem:$0x3F9D] =	sst s0  }
0x18: {  	s0 =	sld [smem:$0x3F80];
	_ =	swait.ge [sflag:s4], $0x0  }
0x19: {  	s7 =	sld [smem:$0x3F81]  }
0x1a: {  	s8 =	sadd.s32 $0xFFFFE003, lr  }
0x1b: {  	s9 =	sadd.s32 $0xFFFFFEF7, lr;
	s5 =	simm.s32 $0xFFFFFFFF;
	p2 =	slt.u32 s8, $0xFFFFF086  }
0x1c: {  	p1 =	slt.u32 s9, $0xF7A;
	s5 =	simm.s32 @!p2 $0x0  }
0x1d: {  	s5 =	simm.s32 @p1 $0x1;
	p0 =	seq.s32 s7, s2  }
0x1e: {  	s7 =	smul.u32 @!p0 $0xF7A, s2;
	p2 =	seq.s32 @!p0 s5, $0x0  }
0x1f: {  	s9 =	smul.u32 $0xF7A, s1;
	s8 =	simm.s32 @!p0 $0x1BF5;
	p2 =	por !p2, p0  }
0x20: {  	[sflag:s8] =	ssyncset.s32 @!p0 $0xFFFFF086;
	s6 =	sadd.s32 @!p0 s3, s7;
	s7 =	simm.s32 @!p0 $0x108  }
0x21: {  	s3 =	sadd.s32 s3, s9;
	s6 =	sadd.s32 @!p0 $0x88, s6;
	s7 =	simm.s32 @p2 $0x1082  }
0x22: {  	[simem:s7], [sflag:s8] =	dma.local @!p0 [hbm:s6], $0xF7A  }
0x23: {  	s9 =	sor.u32 $0xD0000000, s2;
	s6 =	simm.s32 $0x108;
	_ =	swait.ge @!p0 [sflag:s8], $0x0  }
0x24: {  	s3 =	sadd.s32 $0x88, s3;
	s6 =	simm.s32 @!p1 $0x1082;
	[sflag:s4] =	ssyncset.s32 $0xFFFFF086  }
0x25: {  	[simem:s6], [sflag:s4] =	dma.local [hbm:s3], $0xF7A  }
0x26: {  	[smem:$0x3F81] =	sst s1;
	(tag) =	ssettag s2;
	_ =	strace s9  }
0x27: {  	s1 =	sld [smem:$0x3F91]  }
0x28: {  	s2 =	sld [smem:$0x3F92]  }
0x29: {  	s4 =	sld [smem:$0x3F94]  }
0x2a: {  	p0 =	seq.s32 s5, $0x0;
	s5 =	sld [smem:$0x3F95]  }
0x2b: {  	s6 =	sld [smem:$0x3F96]  }
0x2c: {  	s7 =	sld [smem:$0x3F97]  }
0x2d: {  	s3 =	simm.s32 $0x108;
	s8 =	sld [smem:$0x3F98]  }
0x2e: {  	s3 =	simm.s32 @!p0 $0x1082;
	s9 =	sld [smem:$0x3F99]  }
0x2f: {  	lr =	sadd.s32 s0, s3;
	s0 =	sld [smem:$0x3F90]  }
0x30: {  	s3 =	sld [smem:$0x3F93]  }
0x31: {  	[smem:$0x3F9C] =	sst s10  }
0x32: {  	s10 =	sld [smem:$0x3F9A];
	_ =	sdelay $0x3  }
0x33: {  	p0 =	seq.s32 s10, $0x1;
	s10 =	sld [smem:$0x3F9C];
	_ =	sdelay $0x3  }
0x34: {  	[smem:$0x3F9C] =	sst s10  }
0x35: {  	s10 =	sld [smem:$0x3F9B];
	_ =	sdelay $0x3  }
0x36: {  	p1 =	seq.s32 s10, $0x1;
	s10 =	sld [smem:$0x3F9C];
	_ =	sdelay $0x3  }
0x37: {  	[smem:$0x3F9C] =	sst s10  }
0x38: {  	s10 =	sld [smem:$0x3F9D]  }
0x39: {  	_ = 	snop;
	(pc) =	sbr.ind lr, $3  }
0x3a: {  	_ = 	snop  }
0x3b: {  	_ = 	snop  }
0x3c: {  	p2 =	seq.s32 s10, $0x1;
	s10 =	sld [smem:$0x3F9C]  }
0x3d: {  	_ =	shalt  }
0x3e: {  	_ =	shalt  }
0x3f: {  	_ =	shalt  }
0x40: {  	_ =	shalt  }
0x41: {  	_ =	shalt  }
0x42: {  	_ =	shalt  }
0x43: {  	_ =	shalt  }
0x44: {  	_ =	shalt  }
0x45: {  	_ =	shalt  }
0x46: {  	_ =	shalt  }
0x47: {  	_ =	shalt  }
0x48: {  	_ =	shalt  }
0x49: {  	_ =	shalt  }
0x4a: {  	_ =	shalt  }
0x4b: {  	_ =	shalt  }
0x4c: {  	_ =	shalt  }
0x4d: {  	_ =	shalt  }
0x4e: {  	_ =	shalt  }
0x4f: {  	_ =	shalt  }
0x50: {  	_ =	shalt  }
0x51: {  	_ =	shalt  }
0x52: {  	_ =	shalt  }
0x53: {  	_ =	shalt  }
0x54: {  	_ =	shalt  }
0x55: {  	_ =	shalt  }
0x56: {  	_ =	shalt  }
0x57: {  	_ =	shalt  }
0x58: {  	_ =	shalt  }
0x59: {  	_ =	shalt  }
0x5a: {  	_ =	shalt  }
0x5b: {  	_ =	shalt  }
0x5c: {  	_ =	shalt  }
0x5d: {  	_ =	shalt  }
0x5e: {  	_ =	shalt  }
0x5f: {  	_ =	shalt  }
0x60: {  	_ =	shalt  }
0x61: {  	_ =	shalt  }
0x62: {  	_ =	shalt  }
0x63: {  	_ =	shalt  }
0x64: {  	_ =	shalt  }
0x65: {  	_ =	shalt  }
0x66: {  	_ =	shalt  }
0x67: {  	_ =	shalt  }
0x68: {  	_ =	shalt  }
0x69: {  	_ =	shalt  }
0x6a: {  	_ =	shalt  }
0x6b: {  	_ =	shalt  }
0x6c: {  	_ =	shalt  }
0x6d: {  	_ =	shalt  }
0x6e: {  	_ =	shalt  }
0x6f: {  	_ =	shalt  }
0x70: {  	_ =	shalt  }
0x71: {  	_ =	shalt  }
0x72: {  	_ =	shalt  }
0x73: {  	_ =	shalt  }
0x74: {  	_ =	shalt  }
0x75: {  	_ =	shalt  }
0x76: {  	_ =	shalt  }
0x77: {  	_ =	shalt  }
0x78: {  	_ =	shalt  }
0x79: {  	_ =	shalt  }
0x7a: {  	_ =	shalt  }
0x7b: {  	_ =	shalt  }
0x7c: {  	_ =	shalt  }
0x7d: {  	_ =	shalt  }
0x7e: {  	_ =	shalt  }
0x7f: {  	_ =	shalt  }
0x80: {  	_ =	shalt  }
0x81: {  	_ =	shalt  }
0x82: {  	_ =	shalt  }
0x83: {  	_ =	shalt  }
0x84: {  	_ =	shalt  }
0x85: {  	_ =	shalt  }
0x86: {  	_ =	shalt  }
0x87: {  	_ =	shalt  }
.Lfunc_end0:
.L_simem_size_0:
called_computation_lowered:
.L_overlay_start_0:
0x88: {  	s2 =	sld [smem:$0x3FD9]  }
0x89: {  	s3 =	sld [smem:$0x3FFE];
	_ =	sdelay $0x1  }
0x8a: {  	s1 =	srdreg.scid  }
0x8b: {  	s0 =	sand.u32 $0x1, s1  }
0x8c: {  	s17 =	sshll.u32 s0, $0xA;
	s2 =	sadd.s32 s3, s2  }
0x8d: {  	s2 =	sadd.s32 s2, s17  }
0x8e: {  	[smem:$0x3FA8] =	sst s2  }
0x8f: {  	_ = 	snop  }
0x90: {  	(tm) =	ssettm $0x1  }
0x91: {  	s18 =	sld [smem:$0x3FFB];
	_ =	sdelay $0x3  }
0x92: {  	_ =	strace s18  }
0x93: {  	s2 =	sld [smem:$0x3FFC];
	_ =	sdelay $0x3  }
0x94: {  	_ =	strace s2  }
0x95: {  	s2 =	sld [smem:$0x3FFD];
	_ =	sdelay $0x3  }
0x96: {  	_ =	strace s2  }
0x97: {  	_ =	strace $0x8FFFFFFF  }
0x98: {  	s19 =	sld [smem:$0x3FDB];
	_ =	sdelay $0x1  }
0x99: {  	s20 =	simm.s32 $_scs_section_size  }
0x9a: {  	s4 =	simm.s32 $_size__tile_overlayer_lowered;
	s5 =	simm.s32 $_tile_overlayer_lowered  }
0x9b: {  	s6 =	simm.s32 $0x1BFF;
	s21 =	sshll.u32 s5, $0x1;
	s3 =	sadd.s32 s20, s19  }
0x9c: {  	s22 =	simm.s32 $0x0;
	s4 =	sshll.u32 s4, $0x1;
	s5 =	sadd.s32 s21, s3  }
0x9d: {  	[timem:s22], [sflag:s6] =	dma.local [hbm:s5], s4  }
0x9e: {  	_ =	swait.ge [sflag:s6], s4  }
0x9f: {  	s4 =	ssub.s32 $0x0, s4;
	[sflag:s6] =	ssyncset.done $0x0  }
0xa0: {  	[sflag:s6] =	ssyncadd.s32 s4;
	_ =	sdelay $0x1  }
0xa1: {  	s23 =	simm.s32 $0x1B8B  }
0xa2: {  	_ =	swait.ge [sflag:s23], $0x1  }
0xa3: {  	[sflag:s23] =	ssyncset.done $0x0  }
0xa4: {  	[sflag:s23] =	ssyncadd.s32 $0xFFFFFFFF  }
0xa5: {  	s4 =	sld [smem:$0x0]  }
0xa6: {  	s5 =	sand.u32 $0xFFFFFFFE, s1  }
0xa7: {  	p0 =	sne.s32 s1, s5  }
0xa8: {  	s5 =	sshll.u32 @p0 s5, $0xE  }
0xa9: {  	s5 =	sadd.s32 @p0 $0x11B8D, s5;
	s6 =	sshll.u32 @p0 s4, $0x11  }
0xaa: {  	s5 =	sor.u32 @p0 s6, s5  }
0xab: {  	[sflag:s5] =	ssyncadd.remote.s32 @p0 $0x1;
	_ =	sdelay $0x1  }
0xac: {  	s5 =	simm.s32 @p0 $0x1B8D  }
0xad: {  	_ =	swait.eq @p0 [sflag:s5], $0x1  }
0xae: {  	[sflag:s5] =	ssyncadd.s32 @p0 $0xFFFFFFFF  }
0xaf: {  	s6 =	sshll.u32 @!p0 s1, $0xE  }
0xb0: {  	s6 =	sor.u32 @!p0 $0x4000, s6;
	s5 =	simm.s32 @!p0 $0x1B8D  }
0xb1: {  	s4 =	sshll.u32 @!p0 s4, $0x11;
	s6 =	sadd.s32 @!p0 $0x11B8D, s6;
	_ =	swait.eq @!p0 [sflag:s5], $0x1  }
0xb2: {  	s4 =	sor.u32 @!p0 s4, s6;
	[sflag:s5] =	ssyncadd.s32 @!p0 $0xFFFFFFFF  }
0xb3: {  	s25 =	simm.s32 $0x1B8E;
	s24 =	sld [smem:$0x3FFE];
	[sflag:s4] =	ssyncadd.remote.s32 @!p0 $0x1  }
0xb4: {  	s26 =	simm.s32 $execute0_lowered;
	[smem:$0x3FD2] =	sst s25  }
0xb5: {  	s5 =	sshll.u32 s26, $0x1;
	_ =	strace $0x8000004F;
	[dreg:$0x1] =	wrdreg $0xFFFFFFFF  }
0xb6: {  	s28 =	simm.s32 $_size_execute0_lowered;
	s3 =	sadd.s32 s3, s5;
	[dreg:$0x0] =	wrdreg $0x0  }
0xb7: {  	s5 =	sshll.u32 s28, $0x1;
	[dreg:$0x2] =	wrdreg s3  }
0xb8: {  	[dreg:$0x3] =	wrdreg s5  }
0xb9: {  	[dreg:$0x4] =	wrdreg $0xC0  }
0xba: {  	_ =	task [dreg:s22], $0x5FFFF  }
0xbb: {  	[dreg:$0x1] =	wrdreg $0xFFFFFFFF  }
0xbc: {  	[dreg:$0x0] =	wrdreg $0x60  }
0xbd: {  	[dreg:$0x2] =	wrdreg s24  }
0xbe: {  	[dreg:$0x3] =	wrdreg $0x9  }
0xbf: {  	_ =	task.clear_ibuf [dreg:s22], $0x4FFFF;
	_ =	strace $0x9000004F  }
0xc0: {  	s29 =	simm.s32 $0x9;
	_ =	strace $0x80000051  }
0xc1: {  	_ =	swait.ge [sflag:s29], $0x1  }
0xc2: {  	[sflag:s29] =	ssyncadd.s32 $0xFFFFFFFF  }
0xc3: {  	_ =	strace $0x90000051  }
0xc4: {  	_ =	sfence  }
0xc5: {  	s30 =	sld [smem:$0x0];
	_ =	sdelay $0x2  }
0xc6: {  	s31 =	sshll.u32 s1, $0xD;
	s1 =	sshrl.u32 s1, $0x2  }
0xc7: {  	s4 =	sand.u32 $0x4000, s31;
	s1 =	sadd.s32 s1, s30  }
0xc8: {  	s0 =	sor.u32 s4, s0;
	s1 =	sshll.u32 s1, $0x11  }
0xc9: {  	s0 =	sor.u32 s1, s0  }
0xca: {  	s0 =	sadd.s32 $0x8F2B, s0  }
0xcb: {  	[sflag:s0] =	ssyncadd.remote.s32 $0x1  }
0xcc: {  	_ =	sfence.sel $0xFFFF  }
0xcd: {  	[dreg:$0x0] =	wrdreg $0xFFFFFFFF;
	(pc) =	sbr.abs _section_cstart, $3  }
0xce: {  	[dreg:$0x1] =	wrdreg $0xFFFFFFFF  }
0xcf: {  	_ =	task.clear_ibuf [dreg:s22], $0x2FFFF;
	_ =	strace $0x9FFFFFFF  }
0xd0: {  	(tm) =	ssettm $0x7FFFFFFF  }
0xd1: {  	_ =	shalt  }
tec
execute0_lowered:
.L_overlay_start_1:
0x0: {  	(tag) =	ssettag $0x1  }
0x1: {  	s1 =	srdreg.scid;
	s0 =	stileid.u32  }
0x2: {  	s6 =	rddreg [dreg:$0x0];
	s2 =	simm.s32 $0x0;
	s12 =	simm.s32 $0x7  }
0x3: {  	s13 =	simm.s32 $0xA80;
	s14 =	simm.s32 $0xC8;
	s15 =	simm.s32 $0x1500  }
0x4: {  	s16 =	simm.s32 $0x7900;
	s17 =	simm.s32 $0xDD00;
	s18 =	simm.s32 $0xB48  }
0x5: {  	s19 =	simm.s32 $0x14100;
	s20 =	simm.s32 $0x1;
	s21 =	simm.s32 $0x2  }
0x6: {  	s22 =	simm.s32 $0x5;
	s23 =	simm.s32 $0x3;
	s24 =	simm.s32 $0x4  }
0x7: {  	s25 =	simm.s32 $0x6;
	s5 =	sand.u32 $0x1, s1;
	s3 =	sshll.u32 s0, $0x1  }
0x8: {  	s26 =	simm.s32 $0x0;
	[smem:$0x7FF] =	sst s2;
	s7 =	sor.u32 s5, s3  }
0x9: {  	s4 =	sadd.s32 $0x10A00, s6;
	s9 =	ssub.s32 $0x2, s5;
	s3 =	smul.u32 $0xA28, s7  }
0xa: {  	_ =	strace $0x80000050;
	s7 =	smul.u32 $0x51400, s7;
	s10 =	sshrl.u32 s9, $0x1  }
0xb: {  	s5 =	sadd.s32 $0x37C00, s6;
	s11 =	ssub.s32 s9, s10;
	s8 =	sshrl.u32 s3, $0x3  }
0xc: {  	s30 =	sshrl.u32 s7, $0x3;
	s8 =	sadd.s32 s8, s6;
	s6 =	sadd.s32 $0x406600, s6  }
0xd: {  	s9 =	sadd.s32 $0xC8, s3;
	s7 =	sadd.s32 $0x401200, s8;
	s31 =	sadd.s32 s6, s30  }
0xe: {  	s11 =	smax.u32 s11, $0x1;
	s8 =	sadd.s32 $0x403C00, s8;
	s10 =	sadd.s32 $0x9600, s31  }
.LBB2_1:
0xf: {  	[tilespmem:s2], [sflag:$0x7] =	stream.linear.gather [hbm4b:s7+s2], $0xA28, $0x38;
	[tilespmem:$0x1A500] =	vst v63  }
0x10: {  	_ =	swait.ge [sflag:s12], $0xA28  }
0x11: {  	[sflag:s12] =	ssyncset.done $0x0  }
0x12: {  	[sflag:s12] =	ssyncadd.s32 $0xFFFFF5D8  }
0x13: {  	[tilespmem:s13], [sflag:$0x7] =	stream.linear.gather [hbm4b:s8+s2], $0xA28, $0x38;
	[tilespmem:$0x1A500] =	vst v63  }
0x14: {  	_ =	swait.ge [sflag:s12], $0xA28  }
0x15: {  	[sflag:s12] =	ssyncset.done $0x0  }
0x16: {  	[sflag:s12] =	ssyncadd.s32 $0xFFFFF5D8  }
0x17: {  	[tilespmem:s15], [sflag:$0x1] =	stream.indirect.gather [hbm4b:s4+s14], $0x80, s2, s14, $0xb8;
	[tilespmem:$0x1A500] =	vst v63  }
0x18: {  	_ = 	snop  }
0x19: {  	[tilespmem:s16], [sflag:$0x2] =	stream.indirect.gather [hbm4b:s5+s14], $0x80, s13, s14, $0xb8;
	[tilespmem:$0x1A500] =	vst v63  }
0x1a: {  	_ = 	snop  }
0x1b: {  	[tilespmem:s17], [sflag:$0x3] =	stream.indirect.gather [hbm4b:s4+s14], $0x80, s14, s14, $0xb8;
	[tilespmem:$0x1A500] =	vst v63  }
0x1c: {  	s28 =	simm.s32 $0x0  }
0x1d: {  	[tilespmem:s19], [sflag:$0x4] =	stream.indirect.gather [hbm4b:s5+s14], $0x80, s18, s14, $0xb8;
	[tilespmem:$0x1A500] =	vst v63  }
.LBB2_2:
0x1e: {  	_ =	swait.ge [sflag:s20], $0x6400  }
0x1f: {  	[sflag:s20] =	ssyncset.done $0x0  }
0x20: {  	[sflag:s20] =	ssyncadd.s32 $0xFFFF9C00  }
0x21: {  	_ =	swait.ge [sflag:s21], $0x6400  }
0x22: {  	[sflag:s21] =	ssyncset.done $0x0  }
0x23: {  	s30 =	simm.s32 $0x0;
	[sflag:s21] =	ssyncadd.s32 $0xFFFF9C00  }
0x24: {  	v6 =	vld [tilespmem:s30+$0x7900]  }
0x25: {  	v11 =	vld [tilespmem:s30+$0x7910]  }
0x26: {  	v5 =	vld [tilespmem:s30+$0x7920]  }
0x27: {  	v4 =	vld [tilespmem:s30+$0x7930]  }
0x28: {  	v3 =	vld [tilespmem:s30+$0x7940]  }
0x29: {  	v2 =	vld [tilespmem:s30+$0x7950]  }
0x2a: {  	v1 =	vld [tilespmem:s30+$0x7960]  }
0x2b: {  	v0 =	vld [tilespmem:s30+$0x7970]  }
0x2c: {  	v12 =	vld [tilespmem:s30+$0x1500]  }
0x2d: {  	v13 =	vld [tilespmem:s30+$0x1510]  }
0x2e: {  	v10 =	vld [tilespmem:s30+$0x1520]  }
0x2f: {  	v9 =	vld [tilespmem:s30+$0x1530]  }
0x30: {  	v8 =	vld [tilespmem:s30+$0x1540]  }
0x31: {  	v7 =	vld [tilespmem:s30+$0x1550];
	v12 =	vadd.f32 v6, v12  }
0x32: {  	s29 =	simm.s32 $0x200;
	v11 =	vadd.f32 v11, v13;
	v6 =	vld [tilespmem:s30+$0x1560]  }
.LBB2_3:
0x33: {  	s31 =	sshra.s32 s29, $0x2;
	p0 =	sne.s32 s29, $0x18E00;
	[tilespmem:s30+$0x1500] =	vst v12;
	v5 =	vadd.f32 v5, v10;
	v10 =	vld [tilespmem:s30+$0x1570]  }
0x34: {  	v12 =	vld [tilespmem:s31+$0x7900];
	[tilespmem:s30+$0x1510] =	vst v11;
	v4 =	vadd.f32 v4, v9  }
0x35: {  	v11 =	vld [tilespmem:s31+$0x7910];
	[tilespmem:s30+$0x1520] =	vst v5;
	v3 =	vadd.f32 v3, v8  }
0x36: {  	v5 =	vld [tilespmem:s31+$0x7920];
	[tilespmem:s30+$0x1530] =	vst v4;
	v2 =	vadd.f32 v2, v7  }
0x37: {  	v4 =	vld [tilespmem:s31+$0x7930];
	[tilespmem:s30+$0x1540] =	vst v3;
	v1 =	vadd.f32 v1, v6  }
0x38: {  	v3 =	vld [tilespmem:s31+$0x7940];
	[tilespmem:s30+$0x1550] =	vst v2;
	v0 =	vadd.f32 v0, v10  }
0x39: {  	v2 =	vld [tilespmem:s31+$0x7950];
	[tilespmem:s30+$0x1560] =	vst v1  }
0x3a: {  	v1 =	vld [tilespmem:s31+$0x7960];
	[tilespmem:s30+$0x1570] =	vst v0;
	s30 =	smov.u32 s31  }
0x3b: {  	v0 =	vld [tilespmem:s30+$0x7970]  }
0x3c: {  	v6 =	vld [tilespmem:s30+$0x1500]  }
0x3d: {  	v13 =	vld [tilespmem:s30+$0x1510]  }
.Ltmp0:
0x3e: {  	v10 =	vld [tilespmem:s30+$0x1520];
	(pc) =	sbr.rel @p0 .LBB2_3-.Ltmp0, $4  }
0x3f: {  	v9 =	vld [tilespmem:s30+$0x1530]  }
0x40: {  	v8 =	vld [tilespmem:s30+$0x1540]  }
0x41: {  	v12 =	vadd.f32 v12, v6;
	v7 =	vld [tilespmem:s30+$0x1550]  }
0x42: {  	s29 =	sadd.s32 $0x200, s29;
	v11 =	vadd.f32 v11, v13;
	v6 =	vld [tilespmem:s30+$0x1560]  }
0x43: {  	[tilespmem:s30+$0x1500] =	vst v12;
	v5 =	vadd.f32 v5, v10;
	v10 =	vld [tilespmem:s30+$0x1570]  }
0x44: {  	[tilespmem:s30+$0x1510] =	vst v11;
	v4 =	vadd.f32 v4, v9  }
0x45: {  	[tilespmem:s30+$0x1520] =	vst v5;
	v3 =	vadd.f32 v3, v8  }
0x46: {  	s29 =	smul.u32 $0x190, s28;
	[tilespmem:s30+$0x1530] =	vst v4;
	v2 =	vadd.f32 v2, v7  }
0x47: {  	[tilespmem:s30+$0x1540] =	vst v3;
	v1 =	vadd.f32 v1, v6  }
0x48: {  	s31 =	sadd.s32 s3, s29;
	[tilespmem:s30+$0x1550] =	vst v2;
	v0 =	vadd.f32 v0, v10  }
0x49: {  	s31 =	sshll.u32 s31, $0x4;
	[tilespmem:s30+$0x1560] =	vst v1  }
0x4a: {  	[tilespmem:s30+$0x1570] =	vst v0;
	s30 =	sadd.s32 s6, s31;
	s31 =	simm.s32 $0x0  }
0x4b: {  	[hbm4b:s30+s31] =	stream.linear.scatter [tilespmem:s15], [sflag:$0x5], $0x6400, $0x38;
	[tilespmem:$0x1A500] =	vst v63  }
0x4c: {  	_ =	swait.ge [sflag:s22], $0x6400  }
0x4d: {  	[sflag:s22] =	ssyncset.done $0x0  }
0x4e: {  	s30 =	sadd.s32 $0x190, s29;
	[sflag:s22] =	ssyncadd.s32 $0xFFFF9C00  }
0x4f: {  	[tilespmem:s15], [sflag:$0x1] =	stream.indirect.gather [hbm4b:s4+s14], $0x80, s30, s14, $0xb8;
	[tilespmem:$0x1A500] =	vst v63  }
0x50: {  	s30 =	sadd.s32 $0xC10, s29  }
0x51: {  	[tilespmem:s16], [sflag:$0x2] =	stream.indirect.gather [hbm4b:s5+s14], $0x80, s30, s14, $0xb8;
	[tilespmem:$0x1A500] =	vst v63  }
0x52: {  	_ =	swait.ge [sflag:s23], $0x6400  }
0x53: {  	[sflag:s23] =	ssyncset.done $0x0  }
0x54: {  	[sflag:s23] =	ssyncadd.s32 $0xFFFF9C00  }
0x55: {  	_ =	swait.ge [sflag:s24], $0x6400  }
0x56: {  	[sflag:s24] =	ssyncset.done $0x0  }
0x57: {  	s30 =	simm.s32 $0x0;
	[sflag:s24] =	ssyncadd.s32 $0xFFFF9C00  }
0x58: {  	v7 =	vld [tilespmem:s30+$0x14100]  }
0x59: {  	v11 =	vld [tilespmem:s30+$0x14110]  }
0x5a: {  	v5 =	vld [tilespmem:s30+$0x14120]  }
0x5b: {  	v4 =	vld [tilespmem:s30+$0x14130]  }
0x5c: {  	v3 =	vld [tilespmem:s30+$0x14140]  }
0x5d: {  	v2 =	vld [tilespmem:s30+$0x14150]  }
0x5e: {  	v1 =	vld [tilespmem:s30+$0x14160]  }
0x5f: {  	v0 =	vld [tilespmem:s30+$0x14170]  }
0x60: {  	v12 =	vld [tilespmem:s30+$0xDD00]  }
0x61: {  	v13 =	vld [tilespmem:s30+$0xDD10]  }
0x62: {  	v10 =	vld [tilespmem:s30+$0xDD20]  }
0x63: {  	v9 =	vld [tilespmem:s30+$0xDD30]  }
0x64: {  	v8 =	vld [tilespmem:s30+$0xDD40]  }
0x65: {  	v6 =	vld [tilespmem:s30+$0xDD50];
	v12 =	vadd.f32 v7, v12  }
0x66: {  	s31 =	simm.s32 $0x200;
	v11 =	vadd.f32 v11, v13;
	v7 =	vld [tilespmem:s30+$0xDD60]  }
.LBB2_5:
0x67: {  	s1 =	sshra.s32 s31, $0x2;
	p0 =	sne.s32 s31, $0x18E00;
	[tilespmem:s30+$0xDD00] =	vst v12;
	v5 =	vadd.f32 v5, v10;
	v10 =	vld [tilespmem:s30+$0xDD70]  }
0x68: {  	v12 =	vld [tilespmem:s1+$0x14100];
	[tilespmem:s30+$0xDD10] =	vst v11;
	v4 =	vadd.f32 v4, v9  }
0x69: {  	v11 =	vld [tilespmem:s1+$0x14110];
	[tilespmem:s30+$0xDD20] =	vst v5;
	v3 =	vadd.f32 v3, v8  }
0x6a: {  	v5 =	vld [tilespmem:s1+$0x14120];
	[tilespmem:s30+$0xDD30] =	vst v4;
	v2 =	vadd.f32 v2, v6  }
0x6b: {  	v4 =	vld [tilespmem:s1+$0x14130];
	[tilespmem:s30+$0xDD40] =	vst v3;
	v1 =	vadd.f32 v1, v7  }
0x6c: {  	v3 =	vld [tilespmem:s1+$0x14140];
	[tilespmem:s30+$0xDD50] =	vst v2;
	v0 =	vadd.f32 v0, v10  }
0x6d: {  	v2 =	vld [tilespmem:s1+$0x14150];
	[tilespmem:s30+$0xDD60] =	vst v1  }
0x6e: {  	v1 =	vld [tilespmem:s1+$0x14160];
	[tilespmem:s30+$0xDD70] =	vst v0;
	s30 =	smov.u32 s1  }
0x6f: {  	v0 =	vld [tilespmem:s30+$0x14170]  }
0x70: {  	v6 =	vld [tilespmem:s30+$0xDD00]  }
0x71: {  	v7 =	vld [tilespmem:s30+$0xDD10]  }
.Ltmp1:
0x72: {  	v10 =	vld [tilespmem:s30+$0xDD20];
	(pc) =	sbr.rel @p0 .LBB2_5-.Ltmp1, $4  }
0x73: {  	v9 =	vld [tilespmem:s30+$0xDD30]  }
0x74: {  	v8 =	vld [tilespmem:s30+$0xDD40]  }
0x75: {  	v12 =	vadd.f32 v12, v6;
	v6 =	vld [tilespmem:s30+$0xDD50]  }
0x76: {  	s31 =	sadd.s32 $0x200, s31;
	v11 =	vadd.f32 v11, v7;
	v7 =	vld [tilespmem:s30+$0xDD60]  }
0x77: {  	[tilespmem:s30+$0xDD00] =	vst v12;
	v5 =	vadd.f32 v5, v10;
	v63 =	vld [tilespmem:s30+$0xDD70]  }
0x78: {  	[tilespmem:s30+$0xDD10] =	vst v11;
	v4 =	vadd.f32 v4, v9  }
0x79: {  	[tilespmem:s30+$0xDD20] =	vst v5;
	v3 =	vadd.f32 v3, v8  }
0x7a: {  	p0 =	seq.s32 s28, $0x5;
	[tilespmem:s30+$0xDD30] =	vst v4;
	v2 =	vadd.f32 v2, v6  }
.Ltmp2:
0x7b: {  	[tilespmem:s30+$0xDD40] =	vst v3;
	v1 =	vadd.f32 v1, v7;
	(pc) =	sbr.rel @p0 .LBB2_8-.Ltmp2, $4  }
0x7c: {  	s1 =	sadd.s32 s29, s9;
	[tilespmem:s30+$0xDD50] =	vst v2;
	v0 =	vadd.f32 v0, v63  }
0x7d: {  	s1 =	sshll.u32 s1, $0x4;
	[tilespmem:s30+$0xDD60] =	vst v1  }
0x7e: {  	s1 =	sadd.s32 s6, s1;
	[tilespmem:s30+$0xDD70] =	vst v0  }
0x7f: {  	[hbm4b:s1+s2] =	stream.linear.scatter [tilespmem:s17], [sflag:$0x6], $0x6400, $0x38;
	[tilespmem:$0x1A500] =	vst v63  }
0x80: {  	_ =	swait.ge [sflag:s25], $0x6400  }
.Ltmp3:
0x81: {  	[sflag:s25] =	ssyncset.done $0x0;
	(pc) =	sbr.rel .LBB2_2-.Ltmp3, $4  }
0x82: {  	s1 =	sadd.s32 $0x258, s29;
	[sflag:s25] =	ssyncadd.s32 $0xFFFF9C00  }
0x83: {  	[tilespmem:s17], [sflag:$0x3] =	stream.indirect.gather [hbm4b:s4+s14], $0x80, s1, s14, $0xb8;
	[tilespmem:$0x1A500] =	vst v63  }
0x84: {  	s31 =	sadd.s32 $0xCD8, s29;
	s28 =	sadd.s32 $0x1, s28  }
0x85: {  	[tilespmem:s19], [sflag:$0x4] =	stream.indirect.gather [hbm4b:s5+s14], $0x80, s31, s14, $0xb8;
	[tilespmem:$0x1A500] =	vst v63  }
.LBB2_8:
0x86: {  	_ =	swait.ge [sflag:s20], $0x6400  }
0x87: {  	[sflag:s20] =	ssyncset.done $0x0  }
0x88: {  	[sflag:s20] =	ssyncadd.s32 $0xFFFF9C00  }
0x89: {  	_ =	swait.ge [sflag:s21], $0x6400  }
0x8a: {  	[sflag:s21] =	ssyncset.done $0x0  }
0x8b: {  	s28 =	simm.s32 $0x0;
	[sflag:s21] =	ssyncadd.s32 $0xFFFF9C00  }
0x8c: {  	v7 =	vld [tilespmem:s28+$0x7900]  }
0x8d: {  	v11 =	vld [tilespmem:s28+$0x7910]  }
0x8e: {  	v5 =	vld [tilespmem:s28+$0x7920]  }
0x8f: {  	v4 =	vld [tilespmem:s28+$0x7930]  }
0x90: {  	v3 =	vld [tilespmem:s28+$0x7940]  }
0x91: {  	v2 =	vld [tilespmem:s28+$0x7950]  }
0x92: {  	v1 =	vld [tilespmem:s28+$0x7960]  }
0x93: {  	v0 =	vld [tilespmem:s28+$0x7970]  }
0x94: {  	v12 =	vld [tilespmem:s28+$0x1500]  }
0x95: {  	v13 =	vld [tilespmem:s28+$0x1510]  }
0x96: {  	v10 =	vld [tilespmem:s28+$0x1520]  }
0x97: {  	v9 =	vld [tilespmem:s28+$0x1530]  }
0x98: {  	v8 =	vld [tilespmem:s28+$0x1540]  }
0x99: {  	v6 =	vld [tilespmem:s28+$0x1550];
	v12 =	vadd.f32 v7, v12  }
0x9a: {  	s29 =	simm.s32 $0x200;
	v11 =	vadd.f32 v11, v13;
	v7 =	vld [tilespmem:s28+$0x1560]  }
.LBB2_9:
0x9b: {  	s1 =	sshra.s32 s29, $0x2;
	p0 =	sne.s32 s29, $0x18E00;
	[tilespmem:s28+$0x1500] =	vst v12;
	v5 =	vadd.f32 v5, v10;
	v10 =	vld [tilespmem:s28+$0x1570]  }
0x9c: {  	v12 =	vld [tilespmem:s1+$0x7900];
	[tilespmem:s28+$0x1510] =	vst v11;
	v4 =	vadd.f32 v4, v9  }
0x9d: {  	v11 =	vld [tilespmem:s1+$0x7910];
	[tilespmem:s28+$0x1520] =	vst v5;
	v3 =	vadd.f32 v3, v8  }
0x9e: {  	v5 =	vld [tilespmem:s1+$0x7920];
	[tilespmem:s28+$0x1530] =	vst v4;
	v2 =	vadd.f32 v2, v6  }
0x9f: {  	v4 =	vld [tilespmem:s1+$0x7930];
	[tilespmem:s28+$0x1540] =	vst v3;
	v1 =	vadd.f32 v1, v7  }
0xa0: {  	v3 =	vld [tilespmem:s1+$0x7940];
	[tilespmem:s28+$0x1550] =	vst v2;
	v0 =	vadd.f32 v0, v10  }
0xa1: {  	v2 =	vld [tilespmem:s1+$0x7950];
	[tilespmem:s28+$0x1560] =	vst v1  }
0xa2: {  	v1 =	vld [tilespmem:s1+$0x7960];
	[tilespmem:s28+$0x1570] =	vst v0;
	s28 =	smov.u32 s1  }
0xa3: {  	v0 =	vld [tilespmem:s28+$0x7970]  }
0xa4: {  	v6 =	vld [tilespmem:s28+$0x1500]  }
0xa5: {  	v7 =	vld [tilespmem:s28+$0x1510]  }
.Ltmp4:
0xa6: {  	v10 =	vld [tilespmem:s28+$0x1520];
	(pc) =	sbr.rel @p0 .LBB2_9-.Ltmp4, $4  }
0xa7: {  	v9 =	vld [tilespmem:s28+$0x1530]  }
0xa8: {  	v8 =	vld [tilespmem:s28+$0x1540]  }
0xa9: {  	v12 =	vadd.f32 v12, v6;
	v6 =	vld [tilespmem:s28+$0x1550]  }
0xaa: {  	s29 =	sadd.s32 $0x200, s29;
	v11 =	vadd.f32 v11, v7;
	v7 =	vld [tilespmem:s28+$0x1560]  }
0xab: {  	[tilespmem:s28+$0x1500] =	vst v12;
	v5 =	vadd.f32 v5, v10;
	v63 =	vld [tilespmem:s28+$0x1570]  }
0xac: {  	[tilespmem:s28+$0x1510] =	vst v11;
	v4 =	vadd.f32 v4, v9  }
0xad: {  	[tilespmem:s28+$0x1520] =	vst v5;
	v3 =	vadd.f32 v3, v8  }
0xae: {  	[tilespmem:s28+$0x1530] =	vst v4;
	v2 =	vadd.f32 v2, v6  }
0xaf: {  	[tilespmem:s28+$0x1540] =	vst v3;
	v1 =	vadd.f32 v1, v7  }
0xb0: {  	[tilespmem:s28+$0x1550] =	vst v2;
	v0 =	vadd.f32 v0, v63  }
0xb1: {  	[tilespmem:s28+$0x1560] =	vst v1  }
0xb2: {  	s26 =	sadd.s32 $0x1, s26;
	[tilespmem:s28+$0x1570] =	vst v0  }
0xb3: {  	[hbm4b:s10+s2] =	stream.linear.scatter [tilespmem:s15], [sflag:$0x5], $0x6400, $0x38;
	[tilespmem:$0x1A500] =	vst v63  }
0xb4: {  	p0 =	sne.s32 s26, s11;
	_ =	swait.ge [sflag:s22], $0x6400  }
.Ltmp5:
0xb5: {  	[sflag:s22] =	ssyncset.done $0x0;
	(pc) =	sbr.rel @p0 .LBB2_1-.Ltmp5, $4  }
0xb6: {  	[sflag:s22] =	ssyncadd.s32 $0xFFFF9C00  }
0xb7: {  	_ =	swait.ge [sflag:s25], $0x6400  }
0xb8: {  	[sflag:s25] =	ssyncset.done $0x0  }
0xb9: {  	[sflag:s25] =	ssyncadd.s32 $0xFFFF9C00  }
0xba: {  	_ =	sfence.sel $0x180000  }
0xbb: {  	[bflag:$0x0] =	sbarrier.arrive $0xFFFF  }
0xbc: {  	_ =	strace $0x90000050  }
0xbd: {  	[bflag:$0x2] =	sbarrier.arrive $0xFFFF  }
0xbe: {  	p0 =	sne.s32 s0, $0x0;
	s0 =	rddreg [dreg:$0x1]  }
0xbf: {  	s0 =	sadd.s32 @!p0 $0x100000, s0  }
0xc0: {  	[sflag:s0] =	ssyncadd.tile.s32 @!p0 $0x1;
	_ =	shalt  }
.Lfunc_end2:
_tile_overlayer_lowered:
.L_overlay_start_2:
0xc1: {  	(tag) =	ssettag $0x2  }
0xc2: {  	s0 =	rddreg [dreg:$0x0];
	s2 =	stileid.u32  }
0xc3: {  	s1 =	rddreg [dreg:$0x1];
	p0 =	sne.s32 s2, $0x0  }
0xc4: {  	s3 =	rddreg [dreg:$0x2];
	[bflag:$0x3] =	sbarrier.arrive $0xFFFF;
	s2 =	simm.s32 @!p0 $0x1C07  }
0xc5: {  	[timem:s3], [sflag:s2] =	dma.local @!p0 [hbm:s0], s1  }
0xc6: {  	s0 =	simm.s32 @!p0 $0x7  }
0xc7: {  	_ =	swait.ge @!p0 [sflag:s0], s1  }
0xc8: {  	s1 =	ssub.s32 @!p0 $0x0, s1;
	[sflag:s0] =	ssyncset.done @!p0 $0x0  }
0xc9: {  	[sflag:s0] =	ssyncadd.s32 @!p0 s1  }
0xca: {  	[bflag:$0x3] =	sbarrier.arrive $0xFFFF  }
0xcb: {  	_ =	shalt  }

// kernel: kernel.18.cloned.1.call-start
scs
__scs_entry_jumppad:
0x0: {  	(pc) =	sbr.rel $0x88, $3  }
0x1: {  	(tag) =	ssettag $0x0;
	lr =	simm.s32 $0x1  }
0x2: {  	[smem:$0x3F81] =	sst lr;
	_ =	strace $0xD0000000  }
0x3: {  	_ = 	snop  }
0x4: {  	_ = 	snop  }
0x5: {  	_ = 	snop  }
0x6: {  	_ = 	snop  }
0x7: {  	_ = 	snop  }
__scs_overlays_trampoline_lowered:
0x8: {  	[smem:$0x3F90] =	sst s0  }
0x9: {  	[smem:$0x3F91] =	sst s1  }
0xa: {  	[smem:$0x3F92] =	sst s2  }
0xb: {  	[smem:$0x3F93] =	sst s3  }
0xc: {  	[smem:$0x3F94] =	sst s4  }
0xd: {  	[smem:$0x3F95] =	sst s5  }
0xe: {  	[smem:$0x3F96] =	sst s6  }
0xf: {  	[smem:$0x3F97] =	sst s7  }
0x10: {  	[smem:$0x3F98] =	sst s8  }
0x11: {  	[smem:$0x3F99] =	sst s9;
	s0 =	simm.s32 @!p0 $0x0  }
0x12: {  	s1 =	sld [smem:$0x3F7F];
	s0 =	simm.s32 @p0 $0x1  }
0x13: {  	[smem:$0x3F9A] =	sst s0;
	s0 =	simm.s32 @!p1 $0x0  }
0x14: {  	s2 =	sld [smem:$0x3F7E];
	s0 =	simm.s32 @p1 $0x1  }
0x15: {  	[smem:$0x3F9B] =	sst s0;
	s0 =	simm.s32 @!p2 $0x0  }
0x16: {  	s3 =	sld [smem:$0x3FDB];
	s0 =	simm.s32 @p2 $0x1  }
0x17: {  	s4 =	simm.s32 $0x1BF5;
	[smem:$0x3F9D] =	sst s0  }
0x18: {  	s0 =	sld [smem:$0x3F80];
	_ =	swait.ge [sflag:s4], $0x0  }
0x19: {  	s7 =	sld [smem:$0x3F81]  }
0x1a: {  	s8 =	sadd.s32 $0xFFFFE003, lr  }
0x1b: {  	s9 =	sadd.s32 $0xFFFFFEF7, lr;
	s5 =	simm.s32 $0xFFFFFFFF;
	p2 =	slt.u32 s8, $0xFFFFF086  }
0x1c: {  	p1 =	slt.u32 s9, $0xF7A;
	s5 =	simm.s32 @!p2 $0x0  }
0x1d: {  	s5 =	simm.s32 @p1 $0x1;
	p0 =	seq.s32 s7, s2  }
0x1e: {  	s7 =	smul.u32 @!p0 $0xF7A, s2;
	p2 =	seq.s32 @!p0 s5, $0x0  }
0x1f: {  	s9 =	smul.u32 $0xF7A, s1;
	s8 =	simm.s32 @!p0 $0x1BF5;
	p2 =	por !p2, p0  }
0x20: {  	[sflag:s8] =	ssyncset.s32 @!p0 $0xFFFFF086;
	s6 =	sadd.s32 @!p0 s3, s7;
	s7 =	simm.s32 @!p0 $0x108  }
0x21: {  	s3 =	sadd.s32 s3, s9;
	s6 =	sadd.s32 @!p0 $0x88, s6;
	s7 =	simm.s32 @p2 $0x1082  }
0x22: {  	[simem:s7], [sflag:s8] =	dma.local @!p0 [hbm:s6], $0xF7A  }
0x23: {  	s9 =	sor.u32 $0xD0000000, s2;
	s6 =	simm.s32 $0x108;
	_ =	swait.ge @!p0 [sflag:s8], $0x0  }
0x24: {  	s3 =	sadd.s32 $0x88, s3;
	s6 =	simm.s32 @!p1 $0x1082;
	[sflag:s4] =	ssyncset.s32 $0xFFFFF086  }
0x25: {  	[simem:s6], [sflag:s4] =	dma.local [hbm:s3], $0xF7A  }
0x26: {  	[smem:$0x3F81] =	sst s1;
	(tag) =	ssettag s2;
	_ =	strace s9  }
0x27: {  	s1 =	sld [smem:$0x3F91]  }
0x28: {  	s2 =	sld [smem:$0x3F92]  }
0x29: {  	s4 =	sld [smem:$0x3F94]  }
0x2a: {  	p0 =	seq.s32 s5, $0x0;
	s5 =	sld [smem:$0x3F95]  }
0x2b: {  	s6 =	sld [smem:$0x3F96]  }
0x2c: {  	s7 =	sld [smem:$0x3F97]  }
0x2d: {  	s3 =	simm.s32 $0x108;
	s8 =	sld [smem:$0x3F98]  }
0x2e: {  	s3 =	simm.s32 @!p0 $0x1082;
	s9 =	sld [smem:$0x3F99]  }
0x2f: {  	lr =	sadd.s32 s0, s3;
	s0 =	sld [smem:$0x3F90]  }
0x30: {  	s3 =	sld [smem:$0x3F93]  }
0x31: {  	[smem:$0x3F9C] =	sst s10  }
0x32: {  	s10 =	sld [smem:$0x3F9A];
	_ =	sdelay $0x3  }
0x33: {  	p0 =	seq.s32 s10, $0x1;
	s10 =	sld [smem:$0x3F9C];
	_ =	sdelay $0x3  }
0x34: {  	[smem:$0x3F9C] =	sst s10  }
0x35: {  	s10 =	sld [smem:$0x3F9B];
	_ =	sdelay $0x3  }
0x36: {  	p1 =	seq.s32 s10, $0x1;
	s10 =	sld [smem:$0x3F9C];
	_ =	sdelay $0x3  }
0x37: {  	[smem:$0x3F9C] =	sst s10  }
0x38: {  	s10 =	sld [smem:$0x3F9D]  }
0x39: {  	_ = 	snop;
	(pc) =	sbr.ind lr, $3  }
0x3a: {  	_ = 	snop  }
0x3b: {  	_ = 	snop  }
0x3c: {  	p2 =	seq.s32 s10, $0x1;
	s10 =	sld [smem:$0x3F9C]  }
0x3d: {  	_ =	shalt  }
0x3e: {  	_ =	shalt  }
0x3f: {  	_ =	shalt  }
0x40: {  	_ =	shalt  }
0x41: {  	_ =	shalt  }
0x42: {  	_ =	shalt  }
0x43: {  	_ =	shalt  }
0x44: {  	_ =	shalt  }
0x45: {  	_ =	shalt  }
0x46: {  	_ =	shalt  }
0x47: {  	_ =	shalt  }
0x48: {  	_ =	shalt  }
0x49: {  	_ =	shalt  }
0x4a: {  	_ =	shalt  }
0x4b: {  	_ =	shalt  }
0x4c: {  	_ =	shalt  }
0x4d: {  	_ =	shalt  }
0x4e: {  	_ =	shalt  }
0x4f: {  	_ =	shalt  }
0x50: {  	_ =	shalt  }
0x51: {  	_ =	shalt  }
0x52: {  	_ =	shalt  }
0x53: {  	_ =	shalt  }
0x54: {  	_ =	shalt  }
0x55: {  	_ =	shalt  }
0x56: {  	_ =	shalt  }
0x57: {  	_ =	shalt  }
0x58: {  	_ =	shalt  }
0x59: {  	_ =	shalt  }
0x5a: {  	_ =	shalt  }
0x5b: {  	_ =	shalt  }
0x5c: {  	_ =	shalt  }
0x5d: {  	_ =	shalt  }
0x5e: {  	_ =	shalt  }
0x5f: {  	_ =	shalt  }
0x60: {  	_ =	shalt  }
0x61: {  	_ =	shalt  }
0x62: {  	_ =	shalt  }
0x63: {  	_ =	shalt  }
0x64: {  	_ =	shalt  }
0x65: {  	_ =	shalt  }
0x66: {  	_ =	shalt  }
0x67: {  	_ =	shalt  }
0x68: {  	_ =	shalt  }
0x69: {  	_ =	shalt  }
0x6a: {  	_ =	shalt  }
0x6b: {  	_ =	shalt  }
0x6c: {  	_ =	shalt  }
0x6d: {  	_ =	shalt  }
0x6e: {  	_ =	shalt  }
0x6f: {  	_ =	shalt  }
0x70: {  	_ =	shalt  }
0x71: {  	_ =	shalt  }
0x72: {  	_ =	shalt  }
0x73: {  	_ =	shalt  }
0x74: {  	_ =	shalt  }
0x75: {  	_ =	shalt  }
0x76: {  	_ =	shalt  }
0x77: {  	_ =	shalt  }
0x78: {  	_ =	shalt  }
0x79: {  	_ =	shalt  }
0x7a: {  	_ =	shalt  }
0x7b: {  	_ =	shalt  }
0x7c: {  	_ =	shalt  }
0x7d: {  	_ =	shalt  }
0x7e: {  	_ =	shalt  }
0x7f: {  	_ =	shalt  }
0x80: {  	_ =	shalt  }
0x81: {  	_ =	shalt  }
0x82: {  	_ =	shalt  }
0x83: {  	_ =	shalt  }
0x84: {  	_ =	shalt  }
0x85: {  	_ =	shalt  }
0x86: {  	_ =	shalt  }
0x87: {  	_ =	shalt  }
.Lfunc_end0:
.L_simem_size_0:
called_computation.1_lowered:
.L_overlay_start_0:
0x88: {  	s2 =	sld [smem:$0x3FD9]  }
0x89: {  	s3 =	sld [smem:$0x3FFE];
	_ =	sdelay $0x1  }
0x8a: {  	s1 =	srdreg.scid  }
0x8b: {  	s0 =	sand.u32 $0x1, s1  }
0x8c: {  	s17 =	sshll.u32 s0, $0xA;
	s2 =	sadd.s32 s3, s2  }
0x8d: {  	s2 =	sadd.s32 s2, s17  }
0x8e: {  	[smem:$0x3FA8] =	sst s2  }
0x8f: {  	_ = 	snop  }
0x90: {  	(tm) =	ssettm $0x1  }
0x91: {  	s18 =	sld [smem:$0x3FFB];
	_ =	sdelay $0x3  }
0x92: {  	_ =	strace s18  }
0x93: {  	s2 =	sld [smem:$0x3FFC];
	_ =	sdelay $0x3  }
0x94: {  	_ =	strace s2  }
0x95: {  	s2 =	sld [smem:$0x3FFD];
	_ =	sdelay $0x3  }
0x96: {  	_ =	strace s2  }
0x97: {  	_ =	strace $0x8FFFFFFF  }
0x98: {  	s19 =	sld [smem:$0x3FDB];
	_ =	sdelay $0x1  }
0x99: {  	s20 =	simm.s32 $_scs_section_size  }
0x9a: {  	s4 =	simm.s32 $_size__tile_overlayer_lowered;
	s5 =	simm.s32 $_tile_overlayer_lowered  }
0x9b: {  	s6 =	simm.s32 $0x1BFF;
	s21 =	sshll.u32 s5, $0x1;
	s3 =	sadd.s32 s20, s19  }
0x9c: {  	s22 =	simm.s32 $0x0;
	s4 =	sshll.u32 s4, $0x1;
	s5 =	sadd.s32 s21, s3  }
0x9d: {  	[timem:s22], [sflag:s6] =	dma.local [hbm:s5], s4  }
0x9e: {  	_ =	swait.ge [sflag:s6], s4  }
0x9f: {  	s4 =	ssub.s32 $0x0, s4;
	[sflag:s6] =	ssyncset.done $0x0  }
0xa0: {  	[sflag:s6] =	ssyncadd.s32 s4;
	_ =	sdelay $0x1  }
0xa1: {  	s23 =	simm.s32 $0x1B8B  }
0xa2: {  	_ =	swait.ge [sflag:s23], $0x1  }
0xa3: {  	[sflag:s23] =	ssyncset.done $0x0  }
0xa4: {  	[sflag:s23] =	ssyncadd.s32 $0xFFFFFFFF  }
0xa5: {  	s4 =	sld [smem:$0x0]  }
0xa6: {  	s5 =	sand.u32 $0xFFFFFFFE, s1  }
0xa7: {  	p0 =	sne.s32 s1, s5  }
0xa8: {  	s5 =	sshll.u32 @p0 s5, $0xE  }
0xa9: {  	s5 =	sadd.s32 @p0 $0x11B8D, s5;
	s6 =	sshll.u32 @p0 s4, $0x11  }
0xaa: {  	s5 =	sor.u32 @p0 s6, s5  }
0xab: {  	[sflag:s5] =	ssyncadd.remote.s32 @p0 $0x1;
	_ =	sdelay $0x1  }
0xac: {  	s5 =	simm.s32 @p0 $0x1B8D  }
0xad: {  	_ =	swait.eq @p0 [sflag:s5], $0x1  }
0xae: {  	[sflag:s5] =	ssyncadd.s32 @p0 $0xFFFFFFFF  }
0xaf: {  	s6 =	sshll.u32 @!p0 s1, $0xE  }
0xb0: {  	s6 =	sor.u32 @!p0 $0x4000, s6;
	s5 =	simm.s32 @!p0 $0x1B8D  }
0xb1: {  	s4 =	sshll.u32 @!p0 s4, $0x11;
	s6 =	sadd.s32 @!p0 $0x11B8D, s6;
	_ =	swait.eq @!p0 [sflag:s5], $0x1  }
0xb2: {  	s4 =	sor.u32 @!p0 s4, s6;
	[sflag:s5] =	ssyncadd.s32 @!p0 $0xFFFFFFFF  }
0xb3: {  	s25 =	simm.s32 $0x1B8E;
	s24 =	sld [smem:$0x3FFE];
	[sflag:s4] =	ssyncadd.remote.s32 @!p0 $0x1  }
0xb4: {  	s26 =	simm.s32 $execute0_lowered;
	[smem:$0x3FD2] =	sst s25  }
0xb5: {  	s5 =	sshll.u32 s26, $0x1;
	_ =	strace $0x8000004C;
	[dreg:$0x1] =	wrdreg $0xFFFFFFFF  }
0xb6: {  	s28 =	simm.s32 $_size_execute0_lowered;
	s3 =	sadd.s32 s3, s5;
	[dreg:$0x0] =	wrdreg $0x0  }
0xb7: {  	s5 =	sshll.u32 s28, $0x1;
	[dreg:$0x2] =	wrdreg s3  }
0xb8: {  	[dreg:$0x3] =	wrdreg s5  }
0xb9: {  	[dreg:$0x4] =	wrdreg $0xC0  }
0xba: {  	_ =	task [dreg:s22], $0x5FFFF  }
0xbb: {  	[dreg:$0x1] =	wrdreg $0xFFFFFFFF  }
0xbc: {  	[dreg:$0x0] =	wrdreg $0x60  }
0xbd: {  	[dreg:$0x2] =	wrdreg s24  }
0xbe: {  	[dreg:$0x3] =	wrdreg $0xA  }
0xbf: {  	_ =	task.clear_ibuf [dreg:s22], $0x4FFFF;
	_ =	strace $0x9000004C  }
0xc0: {  	s29 =	simm.s32 $0xA;
	_ =	strace $0x8000004E  }
0xc1: {  	_ =	swait.ge [sflag:s29], $0x1  }
0xc2: {  	[sflag:s29] =	ssyncadd.s32 $0xFFFFFFFF  }
0xc3: {  	_ =	strace $0x9000004E  }
0xc4: {  	_ =	sfence  }
0xc5: {  	s30 =	sld [smem:$0x0];
	_ =	sdelay $0x2  }
0xc6: {  	s31 =	sshll.u32 s1, $0xD;
	s1 =	sshrl.u32 s1, $0x2  }
0xc7: {  	s4 =	sand.u32 $0x4000, s31;
	s1 =	sadd.s32 s1, s30  }
0xc8: {  	s0 =	sor.u32 s4, s0;
	s1 =	sshll.u32 s1, $0x11  }
0xc9: {  	s0 =	sor.u32 s1, s0  }
0xca: {  	s0 =	sadd.s32 $0x8F2B, s0  }
0xcb: {  	[sflag:s0] =	ssyncadd.remote.s32 $0x1  }
0xcc: {  	_ =	sfence.sel $0xFFFF  }
0xcd: {  	[dreg:$0x0] =	wrdreg $0xFFFFFFFF;
	(pc) =	sbr.abs _section_cstart, $3  }
0xce: {  	[dreg:$0x1] =	wrdreg $0xFFFFFFFF  }
0xcf: {  	_ =	task.clear_ibuf [dreg:s22], $0x2FFFF;
	_ =	strace $0x9FFFFFFF  }
0xd0: {  	(tm) =	ssettm $0x7FFFFFFF  }
0xd1: {  	_ =	shalt  }
tec
execute0_lowered:
.L_overlay_start_1:
0x0: {  	(tag) =	ssettag $0x1  }
0x1: {  	s1 =	srdreg.scid;
	s0 =	stileid.u32  }
0x2: {  	s6 =	rddreg [dreg:$0x0];
	s2 =	simm.s32 $0x0;
	s12 =	simm.s32 $0x7  }
0x3: {  	s13 =	simm.s32 $0xA80;
	s14 =	simm.s32 $0xC8;
	s15 =	simm.s32 $0x1500  }
0x4: {  	s16 =	simm.s32 $0x7900;
	s17 =	simm.s32 $0xDD00;
	s18 =	simm.s32 $0xB48  }
0x5: {  	s19 =	simm.s32 $0x14100;
	s20 =	simm.s32 $0x1;
	s21 =	simm.s32 $0x2  }
0x6: {  	s22 =	simm.s32 $0x5;
	s23 =	simm.s32 $0x3;
	s24 =	simm.s32 $0x4  }
0x7: {  	s25 =	simm.s32 $0x6;
	s5 =	sand.u32 $0x1, s1;
	s3 =	sshll.u32 s0, $0x1  }
0x8: {  	s26 =	simm.s32 $0x0;
	[smem:$0x7FF] =	sst s2;
	s7 =	sor.u32 s5, s3  }
0x9: {  	s4 =	sadd.s32 $0x10A00, s6;
	s9 =	ssub.s32 $0x2, s5;
	s3 =	smul.u32 $0xA28, s7  }
0xa: {  	_ =	strace $0x8000004D;
	s7 =	smul.u32 $0x51400, s7;
	s10 =	sshrl.u32 s9, $0x1  }
0xb: {  	s5 =	sadd.s32 $0x37C00, s6;
	s11 =	ssub.s32 s9, s10;
	s8 =	sshrl.u32 s3, $0x3  }
0xc: {  	s30 =	sshrl.u32 s7, $0x3;
	s8 =	sadd.s32 s8, s6;
	s6 =	sadd.s32 $0x2BC200, s6  }
0xd: {  	s9 =	sadd.s32 $0xC8, s3;
	s7 =	sadd.s32 $0x2B9800, s8;
	s31 =	sadd.s32 s6, s30  }
0xe: {  	s11 =	smax.u32 s11, $0x1;
	s8 =	sadd.s32 $0x2B6E00, s8;
	s10 =	sadd.s32 $0x9600, s31  }
.LBB2_1:
0xf: {  	[tilespmem:s2], [sflag:$0x7] =	stream.linear.gather [hbm4b:s7+s2], $0xA28, $0x38;
	[tilespmem:$0x1A500] =	vst v63  }
0x10: {  	_ =	swait.ge [sflag:s12], $0xA28  }
0x11: {  	[sflag:s12] =	ssyncset.done $0x0  }
0x12: {  	[sflag:s12] =	ssyncadd.s32 $0xFFFFF5D8  }
0x13: {  	[tilespmem:s13], [sflag:$0x7] =	stream.linear.gather [hbm4b:s8+s2], $0xA28, $0x38;
	[tilespmem:$0x1A500] =	vst v63  }
0x14: {  	_ =	swait.ge [sflag:s12], $0xA28  }
0x15: {  	[sflag:s12] =	ssyncset.done $0x0  }
0x16: {  	[sflag:s12] =	ssyncadd.s32 $0xFFFFF5D8  }
0x17: {  	[tilespmem:s15], [sflag:$0x1] =	stream.indirect.gather [hbm4b:s4+s14], $0x80, s2, s14, $0xb8;
	[tilespmem:$0x1A500] =	vst v63  }
0x18: {  	_ = 	snop  }
0x19: {  	[tilespmem:s16], [sflag:$0x2] =	stream.indirect.gather [hbm4b:s5+s14], $0x80, s13, s14, $0xb8;
	[tilespmem:$0x1A500] =	vst v63  }
0x1a: {  	_ = 	snop  }
0x1b: {  	[tilespmem:s17], [sflag:$0x3] =	stream.indirect.gather [hbm4b:s4+s14], $0x80, s14, s14, $0xb8;
	[tilespmem:$0x1A500] =	vst v63  }
0x1c: {  	s28 =	simm.s32 $0x0  }
0x1d: {  	[tilespmem:s19], [sflag:$0x4] =	stream.indirect.gather [hbm4b:s5+s14], $0x80, s18, s14, $0xb8;
	[tilespmem:$0x1A500] =	vst v63  }
.LBB2_2:
0x1e: {  	_ =	swait.ge [sflag:s20], $0x6400  }
0x1f: {  	[sflag:s20] =	ssyncset.done $0x0  }
0x20: {  	[sflag:s20] =	ssyncadd.s32 $0xFFFF9C00  }
0x21: {  	_ =	swait.ge [sflag:s21], $0x6400  }
0x22: {  	[sflag:s21] =	ssyncset.done $0x0  }
0x23: {  	s30 =	simm.s32 $0x0;
	[sflag:s21] =	ssyncadd.s32 $0xFFFF9C00  }
0x24: {  	v6 =	vld [tilespmem:s30+$0x7900]  }
0x25: {  	v11 =	vld [tilespmem:s30+$0x7910]  }
0x26: {  	v5 =	vld [tilespmem:s30+$0x7920]  }
0x27: {  	v4 =	vld [tilespmem:s30+$0x7930]  }
0x28: {  	v3 =	vld [tilespmem:s30+$0x7940]  }
0x29: {  	v2 =	vld [tilespmem:s30+$0x7950]  }
0x2a: {  	v1 =	vld [tilespmem:s30+$0x7960]  }
0x2b: {  	v0 =	vld [tilespmem:s30+$0x7970]  }
0x2c: {  	v12 =	vld [tilespmem:s30+$0x1500]  }
0x2d: {  	v13 =	vld [tilespmem:s30+$0x1510]  }
0x2e: {  	v10 =	vld [tilespmem:s30+$0x1520]  }
0x2f: {  	v9 =	vld [tilespmem:s30+$0x1530]  }
0x30: {  	v8 =	vld [tilespmem:s30+$0x1540]  }
0x31: {  	v7 =	vld [tilespmem:s30+$0x1550];
	v12 =	vadd.f32 v6, v12  }
0x32: {  	s29 =	simm.s32 $0x200;
	v11 =	vadd.f32 v11, v13;
	v6 =	vld [tilespmem:s30+$0x1560]  }
.LBB2_3:
0x33: {  	s31 =	sshra.s32 s29, $0x2;
	p0 =	sne.s32 s29, $0x18E00;
	[tilespmem:s30+$0x1500] =	vst v12;
	v5 =	vadd.f32 v5, v10;
	v10 =	vld [tilespmem:s30+$0x1570]  }
0x34: {  	v12 =	vld [tilespmem:s31+$0x7900];
	[tilespmem:s30+$0x1510] =	vst v11;
	v4 =	vadd.f32 v4, v9  }
0x35: {  	v11 =	vld [tilespmem:s31+$0x7910];
	[tilespmem:s30+$0x1520] =	vst v5;
	v3 =	vadd.f32 v3, v8  }
0x36: {  	v5 =	vld [tilespmem:s31+$0x7920];
	[tilespmem:s30+$0x1530] =	vst v4;
	v2 =	vadd.f32 v2, v7  }
0x37: {  	v4 =	vld [tilespmem:s31+$0x7930];
	[tilespmem:s30+$0x1540] =	vst v3;
	v1 =	vadd.f32 v1, v6  }
0x38: {  	v3 =	vld [tilespmem:s31+$0x7940];
	[tilespmem:s30+$0x1550] =	vst v2;
	v0 =	vadd.f32 v0, v10  }
0x39: {  	v2 =	vld [tilespmem:s31+$0x7950];
	[tilespmem:s30+$0x1560] =	vst v1  }
0x3a: {  	v1 =	vld [tilespmem:s31+$0x7960];
	[tilespmem:s30+$0x1570] =	vst v0;
	s30 =	smov.u32 s31  }
0x3b: {  	v0 =	vld [tilespmem:s30+$0x7970]  }
0x3c: {  	v6 =	vld [tilespmem:s30+$0x1500]  }
0x3d: {  	v13 =	vld [tilespmem:s30+$0x1510]  }
.Ltmp0:
0x3e: {  	v10 =	vld [tilespmem:s30+$0x1520];
	(pc) =	sbr.rel @p0 .LBB2_3-.Ltmp0, $4  }
0x3f: {  	v9 =	vld [tilespmem:s30+$0x1530]  }
0x40: {  	v8 =	vld [tilespmem:s30+$0x1540]  }
0x41: {  	v12 =	vadd.f32 v12, v6;
	v7 =	vld [tilespmem:s30+$0x1550]  }
0x42: {  	s29 =	sadd.s32 $0x200, s29;
	v11 =	vadd.f32 v11, v13;
	v6 =	vld [tilespmem:s30+$0x1560]  }
0x43: {  	[tilespmem:s30+$0x1500] =	vst v12;
	v5 =	vadd.f32 v5, v10;
	v10 =	vld [tilespmem:s30+$0x1570]  }
0x44: {  	[tilespmem:s30+$0x1510] =	vst v11;
	v4 =	vadd.f32 v4, v9  }
0x45: {  	[tilespmem:s30+$0x1520] =	vst v5;
	v3 =	vadd.f32 v3, v8  }
0x46: {  	s29 =	smul.u32 $0x190, s28;
	[tilespmem:s30+$0x1530] =	vst v4;
	v2 =	vadd.f32 v2, v7  }
0x47: {  	[tilespmem:s30+$0x1540] =	vst v3;
	v1 =	vadd.f32 v1, v6  }
0x48: {  	s31 =	sadd.s32 s3, s29;
	[tilespmem:s30+$0x1550] =	vst v2;
	v0 =	vadd.f32 v0, v10  }
0x49: {  	s31 =	sshll.u32 s31, $0x4;
	[tilespmem:s30+$0x1560] =	vst v1  }
0x4a: {  	[tilespmem:s30+$0x1570] =	vst v0;
	s30 =	sadd.s32 s6, s31;
	s31 =	simm.s32 $0x0  }
0x4b: {  	[hbm4b:s30+s31] =	stream.linear.scatter [tilespmem:s15], [sflag:$0x5], $0x6400, $0x38;
	[tilespmem:$0x1A500] =	vst v63  }
0x4c: {  	_ =	swait.ge [sflag:s22], $0x6400  }
0x4d: {  	[sflag:s22] =	ssyncset.done $0x0  }
0x4e: {  	s30 =	sadd.s32 $0x190, s29;
	[sflag:s22] =	ssyncadd.s32 $0xFFFF9C00  }
0x4f: {  	[tilespmem:s15], [sflag:$0x1] =	stream.indirect.gather [hbm4b:s4+s14], $0x80, s30, s14, $0xb8;
	[tilespmem:$0x1A500] =	vst v63  }
0x50: {  	s30 =	sadd.s32 $0xC10, s29  }
0x51: {  	[tilespmem:s16], [sflag:$0x2] =	stream.indirect.gather [hbm4b:s5+s14], $0x80, s30, s14, $0xb8;
	[tilespmem:$0x1A500] =	vst v63  }
0x52: {  	_ =	swait.ge [sflag:s23], $0x6400  }
0x53: {  	[sflag:s23] =	ssyncset.done $0x0  }
0x54: {  	[sflag:s23] =	ssyncadd.s32 $0xFFFF9C00  }
0x55: {  	_ =	swait.ge [sflag:s24], $0x6400  }
0x56: {  	[sflag:s24] =	ssyncset.done $0x0  }
0x57: {  	s30 =	simm.s32 $0x0;
	[sflag:s24] =	ssyncadd.s32 $0xFFFF9C00  }
0x58: {  	v7 =	vld [tilespmem:s30+$0x14100]  }
0x59: {  	v11 =	vld [tilespmem:s30+$0x14110]  }
0x5a: {  	v5 =	vld [tilespmem:s30+$0x14120]  }
0x5b: {  	v4 =	vld [tilespmem:s30+$0x14130]  }
0x5c: {  	v3 =	vld [tilespmem:s30+$0x14140]  }
0x5d: {  	v2 =	vld [tilespmem:s30+$0x14150]  }
0x5e: {  	v1 =	vld [tilespmem:s30+$0x14160]  }
0x5f: {  	v0 =	vld [tilespmem:s30+$0x14170]  }
0x60: {  	v12 =	vld [tilespmem:s30+$0xDD00]  }
0x61: {  	v13 =	vld [tilespmem:s30+$0xDD10]  }
0x62: {  	v10 =	vld [tilespmem:s30+$0xDD20]  }
0x63: {  	v9 =	vld [tilespmem:s30+$0xDD30]  }
0x64: {  	v8 =	vld [tilespmem:s30+$0xDD40]  }
0x65: {  	v6 =	vld [tilespmem:s30+$0xDD50];
	v12 =	vadd.f32 v7, v12  }
0x66: {  	s31 =	simm.s32 $0x200;
	v11 =	vadd.f32 v11, v13;
	v7 =	vld [tilespmem:s30+$0xDD60]  }
.LBB2_5:
0x67: {  	s1 =	sshra.s32 s31, $0x2;
	p0 =	sne.s32 s31, $0x18E00;
	[tilespmem:s30+$0xDD00] =	vst v12;
	v5 =	vadd.f32 v5, v10;
	v10 =	vld [tilespmem:s30+$0xDD70]  }
0x68: {  	v12 =	vld [tilespmem:s1+$0x14100];
	[tilespmem:s30+$0xDD10] =	vst v11;
	v4 =	vadd.f32 v4, v9  }
0x69: {  	v11 =	vld [tilespmem:s1+$0x14110];
	[tilespmem:s30+$0xDD20] =	vst v5;
	v3 =	vadd.f32 v3, v8  }
0x6a: {  	v5 =	vld [tilespmem:s1+$0x14120];
	[tilespmem:s30+$0xDD30] =	vst v4;
	v2 =	vadd.f32 v2, v6  }
0x6b: {  	v4 =	vld [tilespmem:s1+$0x14130];
	[tilespmem:s30+$0xDD40] =	vst v3;
	v1 =	vadd.f32 v1, v7  }
0x6c: {  	v3 =	vld [tilespmem:s1+$0x14140];
	[tilespmem:s30+$0xDD50] =	vst v2;
	v0 =	vadd.f32 v0, v10  }
0x6d: {  	v2 =	vld [tilespmem:s1+$0x14150];
	[tilespmem:s30+$0xDD60] =	vst v1  }
0x6e: {  	v1 =	vld [tilespmem:s1+$0x14160];
	[tilespmem:s30+$0xDD70] =	vst v0;
	s30 =	smov.u32 s1  }
0x6f: {  	v0 =	vld [tilespmem:s30+$0x14170]  }
0x70: {  	v6 =	vld [tilespmem:s30+$0xDD00]  }
0x71: {  	v7 =	vld [tilespmem:s30+$0xDD10]  }
.Ltmp1:
0x72: {  	v10 =	vld [tilespmem:s30+$0xDD20];
	(pc) =	sbr.rel @p0 .LBB2_5-.Ltmp1, $4  }
0x73: {  	v9 =	vld [tilespmem:s30+$0xDD30]  }
0x74: {  	v8 =	vld [tilespmem:s30+$0xDD40]  }
0x75: {  	v12 =	vadd.f32 v12, v6;
	v6 =	vld [tilespmem:s30+$0xDD50]  }
0x76: {  	s31 =	sadd.s32 $0x200, s31;
	v11 =	vadd.f32 v11, v7;
	v7 =	vld [tilespmem:s30+$0xDD60]  }
0x77: {  	[tilespmem:s30+$0xDD00] =	vst v12;
	v5 =	vadd.f32 v5, v10;
	v63 =	vld [tilespmem:s30+$0xDD70]  }
0x78: {  	[tilespmem:s30+$0xDD10] =	vst v11;
	v4 =	vadd.f32 v4, v9  }
0x79: {  	[tilespmem:s30+$0xDD20] =	vst v5;
	v3 =	vadd.f32 v3, v8  }
0x7a: {  	p0 =	seq.s32 s28, $0x5;
	[tilespmem:s30+$0xDD30] =	vst v4;
	v2 =	vadd.f32 v2, v6  }
.Ltmp2:
0x7b: {  	[tilespmem:s30+$0xDD40] =	vst v3;
	v1 =	vadd.f32 v1, v7;
	(pc) =	sbr.rel @p0 .LBB2_8-.Ltmp2, $4  }
0x7c: {  	s1 =	sadd.s32 s29, s9;
	[tilespmem:s30+$0xDD50] =	vst v2;
	v0 =	vadd.f32 v0, v63  }
0x7d: {  	s1 =	sshll.u32 s1, $0x4;
	[tilespmem:s30+$0xDD60] =	vst v1  }
0x7e: {  	s1 =	sadd.s32 s6, s1;
	[tilespmem:s30+$0xDD70] =	vst v0  }
0x7f: {  	[hbm4b:s1+s2] =	stream.linear.scatter [tilespmem:s17], [sflag:$0x6], $0x6400, $0x38;
	[tilespmem:$0x1A500] =	vst v63  }
0x80: {  	_ =	swait.ge [sflag:s25], $0x6400  }
.Ltmp3:
0x81: {  	[sflag:s25] =	ssyncset.done $0x0;
	(pc) =	sbr.rel .LBB2_2-.Ltmp3, $4  }
0x82: {  	s1 =	sadd.s32 $0x258, s29;
	[sflag:s25] =	ssyncadd.s32 $0xFFFF9C00  }
0x83: {  	[tilespmem:s17], [sflag:$0x3] =	stream.indirect.gather [hbm4b:s4+s14], $0x80, s1, s14, $0xb8;
	[tilespmem:$0x1A500] =	vst v63  }
0x84: {  	s31 =	sadd.s32 $0xCD8, s29;
	s28 =	sadd.s32 $0x1, s28  }
0x85: {  	[tilespmem:s19], [sflag:$0x4] =	stream.indirect.gather [hbm4b:s5+s14], $0x80, s31, s14, $0xb8;
	[tilespmem:$0x1A500] =	vst v63  }
.LBB2_8:
0x86: {  	_ =	swait.ge [sflag:s20], $0x6400  }
0x87: {  	[sflag:s20] =	ssyncset.done $0x0  }
0x88: {  	[sflag:s20] =	ssyncadd.s32 $0xFFFF9C00  }
0x89: {  	_ =	swait.ge [sflag:s21], $0x6400  }
0x8a: {  	[sflag:s21] =	ssyncset.done $0x0  }
0x8b: {  	s28 =	simm.s32 $0x0;
	[sflag:s21] =	ssyncadd.s32 $0xFFFF9C00  }
0x8c: {  	v7 =	vld [tilespmem:s28+$0x7900]  }
0x8d: {  	v11 =	vld [tilespmem:s28+$0x7910]  }
0x8e: {  	v5 =	vld [tilespmem:s28+$0x7920]  }
0x8f: {  	v4 =	vld [tilespmem:s28+$0x7930]  }
0x90: {  	v3 =	vld [tilespmem:s28+$0x7940]  }
0x91: {  	v2 =	vld [tilespmem:s28+$0x7950]  }
0x92: {  	v1 =	vld [tilespmem:s28+$0x7960]  }
0x93: {  	v0 =	vld [tilespmem:s28+$0x7970]  }
0x94: {  	v12 =	vld [tilespmem:s28+$0x1500]  }
0x95: {  	v13 =	vld [tilespmem:s28+$0x1510]  }
0x96: {  	v10 =	vld [tilespmem:s28+$0x1520]  }
0x97: {  	v9 =	vld [tilespmem:s28+$0x1530]  }
0x98: {  	v8 =	vld [tilespmem:s28+$0x1540]  }
0x99: {  	v6 =	vld [tilespmem:s28+$0x1550];
	v12 =	vadd.f32 v7, v12  }
0x9a: {  	s29 =	simm.s32 $0x200;
	v11 =	vadd.f32 v11, v13;
	v7 =	vld [tilespmem:s28+$0x1560]  }
.LBB2_9:
0x9b: {  	s1 =	sshra.s32 s29, $0x2;
	p0 =	sne.s32 s29, $0x18E00;
	[tilespmem:s28+$0x1500] =	vst v12;
	v5 =	vadd.f32 v5, v10;
	v10 =	vld [tilespmem:s28+$0x1570]  }
0x9c: {  	v12 =	vld [tilespmem:s1+$0x7900];
	[tilespmem:s28+$0x1510] =	vst v11;
	v4 =	vadd.f32 v4, v9  }
0x9d: {  	v11 =	vld [tilespmem:s1+$0x7910];
	[tilespmem:s28+$0x1520] =	vst v5;
	v3 =	vadd.f32 v3, v8  }
0x9e: {  	v5 =	vld [tilespmem:s1+$0x7920];
	[tilespmem:s28+$0x1530] =	vst v4;
	v2 =	vadd.f32 v2, v6  }
0x9f: {  	v4 =	vld [tilespmem:s1+$0x7930];
	[tilespmem:s28+$0x1540] =	vst v3;
	v1 =	vadd.f32 v1, v7  }
0xa0: {  	v3 =	vld [tilespmem:s1+$0x7940];
	[tilespmem:s28+$0x1550] =	vst v2;
	v0 =	vadd.f32 v0, v10  }
0xa1: {  	v2 =	vld [tilespmem:s1+$0x7950];
	[tilespmem:s28+$0x1560] =	vst v1  }
0xa2: {  	v1 =	vld [tilespmem:s1+$0x7960];
	[tilespmem:s28+$0x1570] =	vst v0;
	s28 =	smov.u32 s1  }
0xa3: {  	v0 =	vld [tilespmem:s28+$0x7970]  }
0xa4: {  	v6 =	vld [tilespmem:s28+$0x1500]  }
0xa5: {  	v7 =	vld [tilespmem:s28+$0x1510]  }
.Ltmp4:
0xa6: {  	v10 =	vld [tilespmem:s28+$0x1520];
	(pc) =	sbr.rel @p0 .LBB2_9-.Ltmp4, $4  }
0xa7: {  	v9 =	vld [tilespmem:s28+$0x1530]  }
0xa8: {  	v8 =	vld [tilespmem:s28+$0x1540]  }
0xa9: {  	v12 =	vadd.f32 v12, v6;
	v6 =	vld [tilespmem:s28+$0x1550]  }
0xaa: {  	s29 =	sadd.s32 $0x200, s29;
	v11 =	vadd.f32 v11, v7;
	v7 =	vld [tilespmem:s28+$0x1560]  }
0xab: {  	[tilespmem:s28+$0x1500] =	vst v12;
	v5 =	vadd.f32 v5, v10;
	v63 =	vld [tilespmem:s28+$0x1570]  }
0xac: {  	[tilespmem:s28+$0x1510] =	vst v11;
	v4 =	vadd.f32 v4, v9  }
0xad: {  	[tilespmem:s28+$0x1520] =	vst v5;
	v3 =	vadd.f32 v3, v8  }
0xae: {  	[tilespmem:s28+$0x1530] =	vst v4;
	v2 =	vadd.f32 v2, v6  }
0xaf: {  	[tilespmem:s28+$0x1540] =	vst v3;
	v1 =	vadd.f32 v1, v7  }
0xb0: {  	[tilespmem:s28+$0x1550] =	vst v2;
	v0 =	vadd.f32 v0, v63  }
0xb1: {  	[tilespmem:s28+$0x1560] =	vst v1  }
0xb2: {  	s26 =	sadd.s32 $0x1, s26;
	[tilespmem:s28+$0x1570] =	vst v0  }
0xb3: {  	[hbm4b:s10+s2] =	stream.linear.scatter [tilespmem:s15], [sflag:$0x5], $0x6400, $0x38;
	[tilespmem:$0x1A500] =	vst v63  }
0xb4: {  	p0 =	sne.s32 s26, s11;
	_ =	swait.ge [sflag:s22], $0x6400  }
.Ltmp5:
0xb5: {  	[sflag:s22] =	ssyncset.done $0x0;
	(pc) =	sbr.rel @p0 .LBB2_1-.Ltmp5, $4  }
0xb6: {  	[sflag:s22] =	ssyncadd.s32 $0xFFFF9C00  }
0xb7: {  	_ =	swait.ge [sflag:s25], $0x6400  }
0xb8: {  	[sflag:s25] =	ssyncset.done $0x0  }
0xb9: {  	[sflag:s25] =	ssyncadd.s32 $0xFFFF9C00  }
0xba: {  	_ =	sfence.sel $0x180000  }
0xbb: {  	[bflag:$0x0] =	sbarrier.arrive $0xFFFF  }
0xbc: {  	_ =	strace $0x9000004D  }
0xbd: {  	[bflag:$0x2] =	sbarrier.arrive $0xFFFF  }
0xbe: {  	p0 =	sne.s32 s0, $0x0;
	s0 =	rddreg [dreg:$0x1]  }
0xbf: {  	s0 =	sadd.s32 @!p0 $0x100000, s0  }
0xc0: {  	[sflag:s0] =	ssyncadd.tile.s32 @!p0 $0x1;
	_ =	shalt  }
.Lfunc_end2:
_tile_overlayer_lowered:
.L_overlay_start_2:
0xc1: {  	(tag) =	ssettag $0x2  }
0xc2: {  	s0 =	rddreg [dreg:$0x0];
	s2 =	stileid.u32  }
0xc3: {  	s1 =	rddreg [dreg:$0x1];
	p0 =	sne.s32 s2, $0x0  }
0xc4: {  	s3 =	rddreg [dreg:$0x2];
	[bflag:$0x3] =	sbarrier.arrive $0xFFFF;
	s2 =	simm.s32 @!p0 $0x1C07  }
0xc5: {  	[timem:s3], [sflag:s2] =	dma.local @!p0 [hbm:s0], s1  }
0xc6: {  	s0 =	simm.s32 @!p0 $0x7  }
0xc7: {  	_ =	swait.ge @!p0 [sflag:s0], s1  }
0xc8: {  	s1 =	ssub.s32 @!p0 $0x0, s1;
	[sflag:s0] =	ssyncset.done @!p0 $0x0  }
0xc9: {  	[sflag:s0] =	ssyncadd.s32 @!p0 s1  }
0xca: {  	[bflag:$0x3] =	sbarrier.arrive $0xFFFF  }
0xcb: {  	_ =	shalt  }

// kernel: kernel.21.cloned.1.call-start
scs
__scs_entry_jumppad:
0x0: {  	(pc) =	sbr.rel $0x88, $3  }
0x1: {  	(tag) =	ssettag $0x0;
	lr =	simm.s32 $0x1  }
0x2: {  	[smem:$0x3F81] =	sst lr;
	_ =	strace $0xD0000000  }
0x3: {  	_ = 	snop  }
0x4: {  	_ = 	snop  }
0x5: {  	_ = 	snop  }
0x6: {  	_ = 	snop  }
0x7: {  	_ = 	snop  }
__scs_overlays_trampoline_lowered:
0x8: {  	[smem:$0x3F90] =	sst s0  }
0x9: {  	[smem:$0x3F91] =	sst s1  }
0xa: {  	[smem:$0x3F92] =	sst s2  }
0xb: {  	[smem:$0x3F93] =	sst s3  }
0xc: {  	[smem:$0x3F94] =	sst s4  }
0xd: {  	[smem:$0x3F95] =	sst s5  }
0xe: {  	[smem:$0x3F96] =	sst s6  }
0xf: {  	[smem:$0x3F97] =	sst s7  }
0x10: {  	[smem:$0x3F98] =	sst s8  }
0x11: {  	[smem:$0x3F99] =	sst s9;
	s0 =	simm.s32 @!p0 $0x0  }
0x12: {  	s1 =	sld [smem:$0x3F7F];
	s0 =	simm.s32 @p0 $0x1  }
0x13: {  	[smem:$0x3F9A] =	sst s0;
	s0 =	simm.s32 @!p1 $0x0  }
0x14: {  	s2 =	sld [smem:$0x3F7E];
	s0 =	simm.s32 @p1 $0x1  }
0x15: {  	[smem:$0x3F9B] =	sst s0;
	s0 =	simm.s32 @!p2 $0x0  }
0x16: {  	s3 =	sld [smem:$0x3FDB];
	s0 =	simm.s32 @p2 $0x1  }
0x17: {  	s4 =	simm.s32 $0x1BF5;
	[smem:$0x3F9D] =	sst s0  }
0x18: {  	s0 =	sld [smem:$0x3F80];
	_ =	swait.ge [sflag:s4], $0x0  }
0x19: {  	s7 =	sld [smem:$0x3F81]  }
0x1a: {  	s8 =	sadd.s32 $0xFFFFE003, lr  }
0x1b: {  	s9 =	sadd.s32 $0xFFFFFEF7, lr;
	s5 =	simm.s32 $0xFFFFFFFF;
	p2 =	slt.u32 s8, $0xFFFFF086  }
0x1c: {  	p1 =	slt.u32 s9, $0xF7A;
	s5 =	simm.s32 @!p2 $0x0  }
0x1d: {  	s5 =	simm.s32 @p1 $0x1;
	p0 =	seq.s32 s7, s2  }
0x1e: {  	s7 =	smul.u32 @!p0 $0xF7A, s2;
	p2 =	seq.s32 @!p0 s5, $0x0  }
0x1f: {  	s9 =	smul.u32 $0xF7A, s1;
	s8 =	simm.s32 @!p0 $0x1BF5;
	p2 =	por !p2, p0  }
0x20: {  	[sflag:s8] =	ssyncset.s32 @!p0 $0xFFFFF086;
	s6 =	sadd.s32 @!p0 s3, s7;
	s7 =	simm.s32 @!p0 $0x108  }
0x21: {  	s3 =	sadd.s32 s3, s9;
	s6 =	sadd.s32 @!p0 $0x88, s6;
	s7 =	simm.s32 @p2 $0x1082  }
0x22: {  	[simem:s7], [sflag:s8] =	dma.local @!p0 [hbm:s6], $0xF7A  }
0x23: {  	s9 =	sor.u32 $0xD0000000, s2;
	s6 =	simm.s32 $0x108;
	_ =	swait.ge @!p0 [sflag:s8], $0x0  }
0x24: {  	s3 =	sadd.s32 $0x88, s3;
	s6 =	simm.s32 @!p1 $0x1082;
	[sflag:s4] =	ssyncset.s32 $0xFFFFF086  }
0x25: {  	[simem:s6], [sflag:s4] =	dma.local [hbm:s3], $0xF7A  }
0x26: {  	[smem:$0x3F81] =	sst s1;
	(tag) =	ssettag s2;
	_ =	strace s9  }
0x27: {  	s1 =	sld [smem:$0x3F91]  }
0x28: {  	s2 =	sld [smem:$0x3F92]  }
0x29: {  	s4 =	sld [smem:$0x3F94]  }
0x2a: {  	p0 =	seq.s32 s5, $0x0;
	s5 =	sld [smem:$0x3F95]  }
0x2b: {  	s6 =	sld [smem:$0x3F96]  }
0x2c: {  	s7 =	sld [smem:$0x3F97]  }
0x2d: {  	s3 =	simm.s32 $0x108;
	s8 =	sld [smem:$0x3F98]  }
0x2e: {  	s3 =	simm.s32 @!p0 $0x1082;
	s9 =	sld [smem:$0x3F99]  }
0x2f: {  	lr =	sadd.s32 s0, s3;
	s0 =	sld [smem:$0x3F90]  }
0x30: {  	s3 =	sld [smem:$0x3F93]  }
0x31: {  	[smem:$0x3F9C] =	sst s10  }
0x32: {  	s10 =	sld [smem:$0x3F9A];
	_ =	sdelay $0x3  }
0x33: {  	p0 =	seq.s32 s10, $0x1;
	s10 =	sld [smem:$0x3F9C];
	_ =	sdelay $0x3  }
0x34: {  	[smem:$0x3F9C] =	sst s10  }
0x35: {  	s10 =	sld [smem:$0x3F9B];
	_ =	sdelay $0x3  }
0x36: {  	p1 =	seq.s32 s10, $0x1;
	s10 =	sld [smem:$0x3F9C];
	_ =	sdelay $0x3  }
0x37: {  	[smem:$0x3F9C] =	sst s10  }
0x38: {  	s10 =	sld [smem:$0x3F9D]  }
0x39: {  	_ = 	snop;
	(pc) =	sbr.ind lr, $3  }
0x3a: {  	_ = 	snop  }
0x3b: {  	_ = 	snop  }
0x3c: {  	p2 =	seq.s32 s10, $0x1;
	s10 =	sld [smem:$0x3F9C]  }
0x3d: {  	_ =	shalt  }
0x3e: {  	_ =	shalt  }
0x3f: {  	_ =	shalt  }
0x40: {  	_ =	shalt  }
0x41: {  	_ =	shalt  }
0x42: {  	_ =	shalt  }
0x43: {  	_ =	shalt  }
0x44: {  	_ =	shalt  }
0x45: {  	_ =	shalt  }
0x46: {  	_ =	shalt  }
0x47: {  	_ =	shalt  }
0x48: {  	_ =	shalt  }
0x49: {  	_ =	shalt  }
0x4a: {  	_ =	shalt  }
0x4b: {  	_ =	shalt  }
0x4c: {  	_ =	shalt  }
0x4d: {  	_ =	shalt  }
0x4e: {  	_ =	shalt  }
0x4f: {  	_ =	shalt  }
0x50: {  	_ =	shalt  }
0x51: {  	_ =	shalt  }
0x52: {  	_ =	shalt  }
0x53: {  	_ =	shalt  }
0x54: {  	_ =	shalt  }
0x55: {  	_ =	shalt  }
0x56: {  	_ =	shalt  }
0x57: {  	_ =	shalt  }
0x58: {  	_ =	shalt  }
0x59: {  	_ =	shalt  }
0x5a: {  	_ =	shalt  }
0x5b: {  	_ =	shalt  }
0x5c: {  	_ =	shalt  }
0x5d: {  	_ =	shalt  }
0x5e: {  	_ =	shalt  }
0x5f: {  	_ =	shalt  }
0x60: {  	_ =	shalt  }
0x61: {  	_ =	shalt  }
0x62: {  	_ =	shalt  }
0x63: {  	_ =	shalt  }
0x64: {  	_ =	shalt  }
0x65: {  	_ =	shalt  }
0x66: {  	_ =	shalt  }
0x67: {  	_ =	shalt  }
0x68: {  	_ =	shalt  }
0x69: {  	_ =	shalt  }
0x6a: {  	_ =	shalt  }
0x6b: {  	_ =	shalt  }
0x6c: {  	_ =	shalt  }
0x6d: {  	_ =	shalt  }
0x6e: {  	_ =	shalt  }
0x6f: {  	_ =	shalt  }
0x70: {  	_ =	shalt  }
0x71: {  	_ =	shalt  }
0x72: {  	_ =	shalt  }
0x73: {  	_ =	shalt  }
0x74: {  	_ =	shalt  }
0x75: {  	_ =	shalt  }
0x76: {  	_ =	shalt  }
0x77: {  	_ =	shalt  }
0x78: {  	_ =	shalt  }
0x79: {  	_ =	shalt  }
0x7a: {  	_ =	shalt  }
0x7b: {  	_ =	shalt  }
0x7c: {  	_ =	shalt  }
0x7d: {  	_ =	shalt  }
0x7e: {  	_ =	shalt  }
0x7f: {  	_ =	shalt  }
0x80: {  	_ =	shalt  }
0x81: {  	_ =	shalt  }
0x82: {  	_ =	shalt  }
0x83: {  	_ =	shalt  }
0x84: {  	_ =	shalt  }
0x85: {  	_ =	shalt  }
0x86: {  	_ =	shalt  }
0x87: {  	_ =	shalt  }
.Lfunc_end0:
.L_simem_size_0:
called_computation.2_lowered:
.L_overlay_start_0:
0x88: {  	s2 =	sld [smem:$0x3FD9]  }
0x89: {  	s3 =	sld [smem:$0x3FFE];
	_ =	sdelay $0x1  }
0x8a: {  	s1 =	srdreg.scid  }
0x8b: {  	s0 =	sand.u32 $0x1, s1  }
0x8c: {  	s16 =	sshll.u32 s0, $0xA;
	s2 =	sadd.s32 s3, s2  }
0x8d: {  	s2 =	sadd.s32 s2, s16  }
0x8e: {  	[smem:$0x3FA8] =	sst s2  }
0x8f: {  	_ = 	snop  }
0x90: {  	(tm) =	ssettm $0x1  }
0x91: {  	s17 =	sld [smem:$0x3FFB];
	_ =	sdelay $0x3  }
0x92: {  	_ =	strace s17  }
0x93: {  	s2 =	sld [smem:$0x3FFC];
	_ =	sdelay $0x3  }
0x94: {  	_ =	strace s2  }
0x95: {  	s2 =	sld [smem:$0x3FFD];
	_ =	sdelay $0x3  }
0x96: {  	_ =	strace s2  }
0x97: {  	_ =	strace $0x8FFFFFFF  }
0x98: {  	s18 =	sld [smem:$0x3FDB];
	_ =	sdelay $0x1  }
0x99: {  	s19 =	simm.s32 $_scs_section_size  }
0x9a: {  	s4 =	simm.s32 $_size__tile_overlayer_lowered;
	s5 =	simm.s32 $_tile_overlayer_lowered  }
0x9b: {  	s22 =	simm.s32 $0x1BFF;
	s21 =	sshll.u32 s5, $0x1;
	s2 =	sadd.s32 s19, s18  }
0x9c: {  	s6 =	simm.s32 $0x0;
	s20 =	sshll.u32 s4, $0x1;
	s4 =	sadd.s32 s21, s2  }
0x9d: {  	[timem:s6], [sflag:s22] =	dma.local [hbm:s4], s20  }
0x9e: {  	_ =	swait.ge [sflag:s22], s20  }
0x9f: {  	s3 =	ssub.s32 $0x0, s20;
	[sflag:s22] =	ssyncset.done $0x0  }
0xa0: {  	[sflag:s22] =	ssyncadd.s32 s3;
	_ =	sdelay $0x1  }
0xa1: {  	s23 =	simm.s32 $0x1B8B  }
0xa2: {  	_ =	swait.ge [sflag:s23], $0x1  }
0xa3: {  	[sflag:s23] =	ssyncset.done $0x0  }
0xa4: {  	s25 =	simm.s32 $0x1B8E;
	s24 =	sld [smem:$0x3FFE];
	[sflag:s23] =	ssyncadd.s32 $0xFFFFFFFF  }
0xa5: {  	s26 =	simm.s32 $execute0_lowered;
	[smem:$0x3FD2] =	sst s25  }
0xa6: {  	s4 =	sshll.u32 s26, $0x1;
	_ =	strace $0x80000046;
	[dreg:$0x1] =	wrdreg $0xFFFFFFFF  }
0xa7: {  	s28 =	simm.s32 $_size_execute0_lowered;
	s2 =	sadd.s32 s2, s4;
	[dreg:$0x0] =	wrdreg $0x0  }
0xa8: {  	s4 =	sshll.u32 s28, $0x1;
	[dreg:$0x2] =	wrdreg s2  }
0xa9: {  	[dreg:$0x3] =	wrdreg s4  }
0xaa: {  	[dreg:$0x4] =	wrdreg $0xC0  }
0xab: {  	_ =	task [dreg:s6], $0x5FFFF  }
0xac: {  	[dreg:$0x1] =	wrdreg $0xFFFFFFFF  }
0xad: {  	[dreg:$0x0] =	wrdreg $0x60  }
0xae: {  	[dreg:$0x2] =	wrdreg s24  }
0xaf: {  	[dreg:$0x3] =	wrdreg $0xB  }
0xb0: {  	_ =	task.clear_ibuf [dreg:s6], $0x4FFFF;
	_ =	strace $0x90000046  }
0xb1: {  	s29 =	simm.s32 $0xB;
	_ =	strace $0x80000048  }
0xb2: {  	_ =	swait.ge [sflag:s29], $0x1  }
0xb3: {  	[sflag:s29] =	ssyncadd.s32 $0xFFFFFFFF  }
0xb4: {  	_ =	strace $0x90000048  }
0xb5: {  	_ =	sfence  }
0xb6: {  	s30 =	sld [smem:$0x0];
	_ =	sdelay $0x2  }
0xb7: {  	s31 =	sshll.u32 s1, $0xD;
	s1 =	sshrl.u32 s1, $0x2  }
0xb8: {  	s3 =	sand.u32 $0x4000, s31;
	s1 =	sadd.s32 s1, s30  }
0xb9: {  	s0 =	sor.u32 s3, s0;
	s1 =	sshll.u32 s1, $0x11  }
0xba: {  	s0 =	sor.u32 s1, s0  }
0xbb: {  	s0 =	sadd.s32 $0x8F2B, s0  }
0xbc: {  	[sflag:s0] =	ssyncadd.remote.s32 $0x1  }
0xbd: {  	_ =	sfence.sel $0xFFFF  }
0xbe: {  	[dreg:$0x0] =	wrdreg $0xFFFFFFFF;
	(pc) =	sbr.abs _section_cstart, $3  }
0xbf: {  	[dreg:$0x1] =	wrdreg $0xFFFFFFFF  }
0xc0: {  	_ =	task.clear_ibuf [dreg:s6], $0x2FFFF;
	_ =	strace $0x9FFFFFFF  }
0xc1: {  	(tm) =	ssettm $0x7FFFFFFF  }
tec
execute0_lowered:
.L_overlay_start_1:
0x0: {  	(tag) =	ssettag $0x1  }
0x1: {  	s1 =	srdreg.scid  }
0x2: {  	s0 =	stileid.u32;
	s6 =	rddreg [dreg:$0x0]  }
0x3: {  	s2 =	simm.s32 $0x0;
	s11 =	simm.s32 $0x7;
	s12 =	simm.s32 $0x980  }
0x4: {  	s13 =	simm.s32 $0xC8;
	s14 =	simm.s32 $0x1300;
	s15 =	simm.s32 $0x7700  }
0x5: {  	s16 =	simm.s32 $0xDB00;
	s17 =	simm.s32 $0xA48;
	s18 =	simm.s32 $0x13F00  }
0x6: {  	s19 =	simm.s32 $0x1;
	s20 =	simm.s32 $0x2;
	s21 =	simm.s32 $0x3  }
0x7: {  	s22 =	simm.s32 $0x4;
	s5 =	sand.u32 $0x1, s1;
	s3 =	sshll.u32 s0, $0x1  }
0x8: {  	s23 =	simm.s32 $0x5;
	s24 =	simm.s32 $0x6;
	s3 =	sor.u32 s5, s3  }
0x9: {  	s25 =	simm.s32 $0x0;
	s1 =	rddreg [dreg:$0x1];
	s3 =	smul.u32 $0x960, s3  }
.Ltmp0:
0xa: {  	[smem:$0x7FF] =	sst s2;
	s8 =	ssub.s32 $0x2, s5;
	(pc) =	sbr.rel .LBB2_1-.Ltmp0, $4  }
0xb: {  	s4 =	sadd.s32 $0x10A00, s6;
	_ =	strace $0x80000047;
	s31 =	sshrl.u32 s8, $0x1  }
0xc: {  	s5 =	sadd.s32 $0x37C00, s6;
	s10 =	ssub.s32 s8, s31;
	s7 =	sshrl.u32 s3, $0x3  }
0xd: {  	s10 =	smax.u32 s10, $0x1;
	s9 =	sadd.s32 s7, s6;
	s6 =	sadd.s32 $0x5EE00, s6  }
0xe: {  	s7 =	sadd.s32 $0x7200, s9;
	s8 =	sadd.s32 $0xE400, s9;
	s9 =	sadd.s32 $0xC8, s3  }
.LBB2_8:
0xf: {  	s25 =	sadd.s32 $0x1, s25  }
0x10: {  	_ =	swait.ge [sflag:s23], $0x6400;
	p0 =	sne.s32 s25, s10  }
.Ltmp1:
0x11: {  	[sflag:s23] =	ssyncset.done $0x0;
	(pc) =	sbr.rel @!p0 .LBB2_9-.Ltmp1, $4  }
0x12: {  	[sflag:s23] =	ssyncadd.s32 $0xFFFF9C00  }
0x13: {  	_ =	swait.ge [sflag:s24], $0x6400  }
0x14: {  	[sflag:s24] =	ssyncset.done $0x0  }
0x15: {  	[sflag:s24] =	ssyncadd.s32 $0xFFFF9C00  }
.LBB2_1:
0x16: {  	[tilespmem:s2], [sflag:$0x7] =	stream.linear.gather [hbm4b:s7+s2], $0x960, $0x38;
	[tilespmem:$0x1A300] =	vst v63  }
0x17: {  	_ =	swait.ge [sflag:s11], $0x960  }
0x18: {  	[sflag:s11] =	ssyncset.done $0x0  }
0x19: {  	[sflag:s11] =	ssyncadd.s32 $0xFFFFF6A0  }
0x1a: {  	[tilespmem:s12], [sflag:$0x7] =	stream.linear.gather [hbm4b:s8+s2], $0x960, $0x38;
	[tilespmem:$0x1A300] =	vst v63  }
0x1b: {  	_ =	swait.ge [sflag:s11], $0x960  }
0x1c: {  	[sflag:s11] =	ssyncset.done $0x0  }
0x1d: {  	[sflag:s11] =	ssyncadd.s32 $0xFFFFF6A0  }
0x1e: {  	[tilespmem:s14], [sflag:$0x1] =	stream.indirect.gather [hbm4b:s4+s13], $0x80, s2, s13, $0xb8;
	[tilespmem:$0x1A300] =	vst v63  }
0x1f: {  	_ = 	snop  }
0x20: {  	[tilespmem:s15], [sflag:$0x2] =	stream.indirect.gather [hbm4b:s5+s13], $0x80, s12, s13, $0xb8;
	[tilespmem:$0x1A300] =	vst v63  }
0x21: {  	_ = 	snop  }
0x22: {  	[tilespmem:s16], [sflag:$0x3] =	stream.indirect.gather [hbm4b:s4+s13], $0x80, s13, s13, $0xb8;
	[tilespmem:$0x1A300] =	vst v63  }
0x23: {  	s26 =	simm.s32 $0x0  }
0x24: {  	[tilespmem:s18], [sflag:$0x4] =	stream.indirect.gather [hbm4b:s5+s13], $0x80, s17, s13, $0xb8;
	[tilespmem:$0x1A300] =	vst v63  }
.LBB2_2:
0x25: {  	_ =	swait.ge [sflag:s19], $0x6400  }
0x26: {  	[sflag:s19] =	ssyncset.done $0x0  }
0x27: {  	[sflag:s19] =	ssyncadd.s32 $0xFFFF9C00  }
0x28: {  	_ =	swait.ge [sflag:s20], $0x6400  }
0x29: {  	[sflag:s20] =	ssyncset.done $0x0  }
0x2a: {  	s29 =	simm.s32 $0x0;
	[sflag:s20] =	ssyncadd.s32 $0xFFFF9C00  }
0x2b: {  	v6 =	vld [tilespmem:s29+$0x7700]  }
0x2c: {  	v11 =	vld [tilespmem:s29+$0x7710]  }
0x2d: {  	v5 =	vld [tilespmem:s29+$0x7720]  }
0x2e: {  	v4 =	vld [tilespmem:s29+$0x7730]  }
0x2f: {  	v3 =	vld [tilespmem:s29+$0x7740]  }
0x30: {  	v2 =	vld [tilespmem:s29+$0x7750]  }
0x31: {  	v1 =	vld [tilespmem:s29+$0x7760]  }
0x32: {  	v0 =	vld [tilespmem:s29+$0x7770]  }
0x33: {  	v12 =	vld [tilespmem:s29+$0x1300]  }
0x34: {  	v13 =	vld [tilespmem:s29+$0x1310]  }
0x35: {  	v10 =	vld [tilespmem:s29+$0x1320]  }
0x36: {  	v9 =	vld [tilespmem:s29+$0x1330]  }
0x37: {  	v8 =	vld [tilespmem:s29+$0x1340]  }
0x38: {  	v7 =	vld [tilespmem:s29+$0x1350];
	v12 =	vadd.f32 v6, v12  }
0x39: {  	s28 =	simm.s32 $0x200;
	v11 =	vadd.f32 v11, v13;
	v6 =	vld [tilespmem:s29+$0x1360]  }
.LBB2_3:
0x3a: {  	s30 =	sshra.s32 s28, $0x2;
	p0 =	sne.s32 s28, $0x18E00;
	[tilespmem:s29+$0x1300] =	vst v12;
	v5 =	vadd.f32 v5, v10;
	v10 =	vld [tilespmem:s29+$0x1370]  }
0x3b: {  	v12 =	vld [tilespmem:s30+$0x7700];
	[tilespmem:s29+$0x1310] =	vst v11;
	v4 =	vadd.f32 v4, v9  }
0x3c: {  	v11 =	vld [tilespmem:s30+$0x7710];
	[tilespmem:s29+$0x1320] =	vst v5;
	v3 =	vadd.f32 v3, v8  }
0x3d: {  	v5 =	vld [tilespmem:s30+$0x7720];
	[tilespmem:s29+$0x1330] =	vst v4;
	v2 =	vadd.f32 v2, v7  }
0x3e: {  	v4 =	vld [tilespmem:s30+$0x7730];
	[tilespmem:s29+$0x1340] =	vst v3;
	v1 =	vadd.f32 v1, v6  }
0x3f: {  	v3 =	vld [tilespmem:s30+$0x7740];
	[tilespmem:s29+$0x1350] =	vst v2;
	v0 =	vadd.f32 v0, v10  }
0x40: {  	v2 =	vld [tilespmem:s30+$0x7750];
	[tilespmem:s29+$0x1360] =	vst v1  }
0x41: {  	v1 =	vld [tilespmem:s30+$0x7760];
	[tilespmem:s29+$0x1370] =	vst v0;
	s29 =	smov.u32 s30  }
0x42: {  	v0 =	vld [tilespmem:s29+$0x7770]  }
0x43: {  	v6 =	vld [tilespmem:s29+$0x1300]  }
0x44: {  	v13 =	vld [tilespmem:s29+$0x1310]  }
.Ltmp2:
0x45: {  	v10 =	vld [tilespmem:s29+$0x1320];
	(pc) =	sbr.rel @p0 .LBB2_3-.Ltmp2, $4  }
0x46: {  	v9 =	vld [tilespmem:s29+$0x1330]  }
0x47: {  	v8 =	vld [tilespmem:s29+$0x1340]  }
0x48: {  	v12 =	vadd.f32 v12, v6;
	v7 =	vld [tilespmem:s29+$0x1350]  }
0x49: {  	s28 =	sadd.s32 $0x200, s28;
	v11 =	vadd.f32 v11, v13;
	v6 =	vld [tilespmem:s29+$0x1360]  }
0x4a: {  	[tilespmem:s29+$0x1300] =	vst v12;
	v5 =	vadd.f32 v5, v10;
	v10 =	vld [tilespmem:s29+$0x1370]  }
0x4b: {  	[tilespmem:s29+$0x1310] =	vst v11;
	v4 =	vadd.f32 v4, v9  }
0x4c: {  	[tilespmem:s29+$0x1320] =	vst v5;
	v3 =	vadd.f32 v3, v8  }
0x4d: {  	s28 =	smul.u32 $0x190, s26;
	[tilespmem:s29+$0x1330] =	vst v4;
	v2 =	vadd.f32 v2, v7  }
0x4e: {  	[tilespmem:s29+$0x1340] =	vst v3;
	v1 =	vadd.f32 v1, v6  }
0x4f: {  	s30 =	sadd.s32 s3, s28;
	[tilespmem:s29+$0x1350] =	vst v2;
	v0 =	vadd.f32 v0, v10  }
0x50: {  	s30 =	sshll.u32 s30, $0x4;
	[tilespmem:s29+$0x1360] =	vst v1  }
0x51: {  	p0 =	seq.s32 s26, $0x5;
	[tilespmem:s29+$0x1370] =	vst v0;
	s29 =	sadd.s32 s6, s30  }
0x52: {  	[hbm4b:s29+s2] =	stream.linear.scatter [tilespmem:s14], [sflag:$0x5], $0x6400, $0x38;
	[tilespmem:$0x1A300] =	vst v63  }
0x53: {  	s29 =	simm.s32 @!p0 $0x5  }
0x54: {  	_ =	swait.ge @!p0 [sflag:s29], $0x6400  }
0x55: {  	s31 =	simm.s32 @!p0 $0x1300;
	[sflag:s29] =	ssyncset.done @!p0 $0x0  }
0x56: {  	s30 =	simm.s32 @!p0 $0xC8;
	[sflag:s29] =	ssyncadd.s32 @!p0 $0xFFFF9C00;
	s29 =	sadd.s32 @!p0 $0x190, s28  }
0x57: {  	[tilespmem:s31], [sflag:$0x1] =	stream.indirect.gather @!p0 [hbm4b:s4+s30], $0x80, s29, s30, $0xb8;
	[tilespmem:$0x1A300] =	vst v63  }
0x58: {  	s29 =	sadd.s32 @!p0 $0xB10, s28;
	s31 =	simm.s32 @!p0 $0x7700  }
0x59: {  	[tilespmem:s31], [sflag:$0x2] =	stream.indirect.gather @!p0 [hbm4b:s5+s30], $0x80, s29, s30, $0xb8;
	[tilespmem:$0x1A300] =	vst v63  }
0x5a: {  	_ =	swait.ge [sflag:s21], $0x6400  }
0x5b: {  	[sflag:s21] =	ssyncset.done $0x0  }
0x5c: {  	[sflag:s21] =	ssyncadd.s32 $0xFFFF9C00  }
0x5d: {  	_ =	swait.ge [sflag:s22], $0x6400  }
0x5e: {  	[sflag:s22] =	ssyncset.done $0x0  }
0x5f: {  	s29 =	simm.s32 $0x0;
	[sflag:s22] =	ssyncadd.s32 $0xFFFF9C00  }
0x60: {  	v7 =	vld [tilespmem:s29+$0x13F00]  }
0x61: {  	v11 =	vld [tilespmem:s29+$0x13F10]  }
0x62: {  	v5 =	vld [tilespmem:s29+$0x13F20]  }
0x63: {  	v4 =	vld [tilespmem:s29+$0x13F30]  }
0x64: {  	v3 =	vld [tilespmem:s29+$0x13F40]  }
0x65: {  	v2 =	vld [tilespmem:s29+$0x13F50]  }
0x66: {  	v1 =	vld [tilespmem:s29+$0x13F60]  }
0x67: {  	v0 =	vld [tilespmem:s29+$0x13F70]  }
0x68: {  	v12 =	vld [tilespmem:s29+$0xDB00]  }
0x69: {  	v13 =	vld [tilespmem:s29+$0xDB10]  }
0x6a: {  	v10 =	vld [tilespmem:s29+$0xDB20]  }
0x6b: {  	v9 =	vld [tilespmem:s29+$0xDB30]  }
0x6c: {  	v8 =	vld [tilespmem:s29+$0xDB40]  }
0x6d: {  	v6 =	vld [tilespmem:s29+$0xDB50];
	v12 =	vadd.f32 v7, v12  }
0x6e: {  	s30 =	simm.s32 $0x200;
	v11 =	vadd.f32 v11, v13;
	v7 =	vld [tilespmem:s29+$0xDB60]  }
.LBB2_5:
0x6f: {  	s31 =	sshra.s32 s30, $0x2;
	p1 =	sne.s32 s30, $0x18E00;
	[tilespmem:s29+$0xDB00] =	vst v12;
	v5 =	vadd.f32 v5, v10;
	v10 =	vld [tilespmem:s29+$0xDB70]  }
0x70: {  	v12 =	vld [tilespmem:s31+$0x13F00];
	[tilespmem:s29+$0xDB10] =	vst v11;
	v4 =	vadd.f32 v4, v9  }
0x71: {  	v11 =	vld [tilespmem:s31+$0x13F10];
	[tilespmem:s29+$0xDB20] =	vst v5;
	v3 =	vadd.f32 v3, v8  }
0x72: {  	v5 =	vld [tilespmem:s31+$0x13F20];
	[tilespmem:s29+$0xDB30] =	vst v4;
	v2 =	vadd.f32 v2, v6  }
0x73: {  	v4 =	vld [tilespmem:s31+$0x13F30];
	[tilespmem:s29+$0xDB40] =	vst v3;
	v1 =	vadd.f32 v1, v7  }
0x74: {  	v3 =	vld [tilespmem:s31+$0x13F40];
	[tilespmem:s29+$0xDB50] =	vst v2;
	v0 =	vadd.f32 v0, v10  }
0x75: {  	v2 =	vld [tilespmem:s31+$0x13F50];
	[tilespmem:s29+$0xDB60] =	vst v1  }
0x76: {  	v1 =	vld [tilespmem:s31+$0x13F60];
	[tilespmem:s29+$0xDB70] =	vst v0;
	s29 =	smov.u32 s31  }
0x77: {  	v0 =	vld [tilespmem:s29+$0x13F70]  }
0x78: {  	v6 =	vld [tilespmem:s29+$0xDB00]  }
0x79: {  	v7 =	vld [tilespmem:s29+$0xDB10]  }
.Ltmp3:
0x7a: {  	v10 =	vld [tilespmem:s29+$0xDB20];
	(pc) =	sbr.rel @p1 .LBB2_5-.Ltmp3, $4  }
0x7b: {  	v9 =	vld [tilespmem:s29+$0xDB30]  }
0x7c: {  	v8 =	vld [tilespmem:s29+$0xDB40]  }
0x7d: {  	v12 =	vadd.f32 v12, v6;
	v6 =	vld [tilespmem:s29+$0xDB50]  }
0x7e: {  	s30 =	sadd.s32 $0x200, s30;
	v11 =	vadd.f32 v11, v7;
	v7 =	vld [tilespmem:s29+$0xDB60]  }
0x7f: {  	[tilespmem:s29+$0xDB00] =	vst v12;
	v5 =	vadd.f32 v5, v10;
	v63 =	vld [tilespmem:s29+$0xDB70]  }
0x80: {  	[tilespmem:s29+$0xDB10] =	vst v11;
	v4 =	vadd.f32 v4, v9  }
0x81: {  	[tilespmem:s29+$0xDB20] =	vst v5;
	v3 =	vadd.f32 v3, v8  }
0x82: {  	[tilespmem:s29+$0xDB30] =	vst v4;
	v2 =	vadd.f32 v2, v6  }
.Ltmp4:
0x83: {  	[tilespmem:s29+$0xDB40] =	vst v3;
	v1 =	vadd.f32 v1, v7;
	(pc) =	sbr.rel @p0 .LBB2_8-.Ltmp4, $4  }
0x84: {  	s30 =	sadd.s32 s28, s9;
	[tilespmem:s29+$0xDB50] =	vst v2;
	v0 =	vadd.f32 v0, v63  }
0x85: {  	s30 =	sshll.u32 s30, $0x4;
	[tilespmem:s29+$0xDB60] =	vst v1  }
0x86: {  	s31 =	sadd.s32 s6, s30;
	[tilespmem:s29+$0xDB70] =	vst v0  }
0x87: {  	[hbm4b:s31+s2] =	stream.linear.scatter [tilespmem:s16], [sflag:$0x6], $0x6400, $0x38;
	[tilespmem:$0x1A300] =	vst v63  }
0x88: {  	_ =	swait.ge [sflag:s24], $0x6400  }
.Ltmp5:
0x89: {  	[sflag:s24] =	ssyncset.done $0x0;
	(pc) =	sbr.rel .LBB2_2-.Ltmp5, $4  }
0x8a: {  	s29 =	sadd.s32 $0x258, s28;
	[sflag:s24] =	ssyncadd.s32 $0xFFFF9C00  }
0x8b: {  	[tilespmem:s16], [sflag:$0x3] =	stream.indirect.gather [hbm4b:s4+s13], $0x80, s29, s13, $0xb8;
	[tilespmem:$0x1A300] =	vst v63  }
0x8c: {  	s31 =	sadd.s32 $0xBD8, s28;
	s26 =	sadd.s32 $0x1, s26  }
0x8d: {  	[tilespmem:s18], [sflag:$0x4] =	stream.indirect.gather [hbm4b:s5+s13], $0x80, s31, s13, $0xb8;
	[tilespmem:$0x1A300] =	vst v63  }
.LBB2_9:
0x8e: {  	_ =	sfence.sel $0x180000  }
0x8f: {  	[bflag:$0x0] =	sbarrier.arrive $0xFFFF  }
0x90: {  	p0 =	sne.s32 s0, $0x0;
	_ =	strace $0x90000047  }
0x91: {  	s0 =	sadd.s32 @!p0 $0x100000, s1;
	[bflag:$0x2] =	sbarrier.arrive $0xFFFF  }
0x92: {  	[sflag:s0] =	ssyncadd.tile.s32 @!p0 $0x1;
	_ =	shalt  }
.Lfunc_end2:
_tile_overlayer_lowered:
.L_overlay_start_2:
0x93: {  	(tag) =	ssettag $0x2  }
0x94: {  	s0 =	rddreg [dreg:$0x0];
	s2 =	stileid.u32  }
0x95: {  	s1 =	rddreg [dreg:$0x1];
	p0 =	sne.s32 s2, $0x0  }
0x96: {  	s3 =	rddreg [dreg:$0x2];
	[bflag:$0x3] =	sbarrier.arrive $0xFFFF;
	s2 =	simm.s32 @!p0 $0x1C07  }
0x97: {  	[timem:s3], [sflag:s2] =	dma.local @!p0 [hbm:s0], s1  }
0x98: {  	s0 =	simm.s32 @!p0 $0x7  }
0x99: {  	_ =	swait.ge @!p0 [sflag:s0], s1  }
0x9a: {  	s1 =	ssub.s32 @!p0 $0x0, s1;
	[sflag:s0] =	ssyncset.done @!p0 $0x0  }
0x9b: {  	[sflag:s0] =	ssyncadd.s32 @!p0 s1  }
0x9c: {  	[bflag:$0x3] =	sbarrier.arrive $0xFFFF  }
0x9d: {  	_ =	shalt  }

// kernel: kernel.24.cloned.1.call-start
scs
__scs_entry_jumppad:
0x0: {  	(pc) =	sbr.rel $0x88, $3  }
0x1: {  	(tag) =	ssettag $0x0;
	lr =	simm.s32 $0x1  }
0x2: {  	[smem:$0x3F81] =	sst lr;
	_ =	strace $0xD0000000  }
0x3: {  	_ = 	snop  }
0x4: {  	_ = 	snop  }
0x5: {  	_ = 	snop  }
0x6: {  	_ = 	snop  }
0x7: {  	_ = 	snop  }
__scs_overlays_trampoline_lowered:
0x8: {  	[smem:$0x3F90] =	sst s0  }
0x9: {  	[smem:$0x3F91] =	sst s1  }
0xa: {  	[smem:$0x3F92] =	sst s2  }
0xb: {  	[smem:$0x3F93] =	sst s3  }
0xc: {  	[smem:$0x3F94] =	sst s4  }
0xd: {  	[smem:$0x3F95] =	sst s5  }
0xe: {  	[smem:$0x3F96] =	sst s6  }
0xf: {  	[smem:$0x3F97] =	sst s7  }
0x10: {  	[smem:$0x3F98] =	sst s8  }
0x11: {  	[smem:$0x3F99] =	sst s9;
	s0 =	simm.s32 @!p0 $0x0  }
0x12: {  	s1 =	sld [smem:$0x3F7F];
	s0 =	simm.s32 @p0 $0x1  }
0x13: {  	[smem:$0x3F9A] =	sst s0;
	s0 =	simm.s32 @!p1 $0x0  }
0x14: {  	s2 =	sld [smem:$0x3F7E];
	s0 =	simm.s32 @p1 $0x1  }
0x15: {  	[smem:$0x3F9B] =	sst s0;
	s0 =	simm.s32 @!p2 $0x0  }
0x16: {  	s3 =	sld [smem:$0x3FDB];
	s0 =	simm.s32 @p2 $0x1  }
0x17: {  	s4 =	simm.s32 $0x1BF5;
	[smem:$0x3F9D] =	sst s0  }
0x18: {  	s0 =	sld [smem:$0x3F80];
	_ =	swait.ge [sflag:s4], $0x0  }
0x19: {  	s7 =	sld [smem:$0x3F81]  }
0x1a: {  	s8 =	sadd.s32 $0xFFFFE003, lr  }
0x1b: {  	s9 =	sadd.s32 $0xFFFFFEF7, lr;
	s5 =	simm.s32 $0xFFFFFFFF;
	p2 =	slt.u32 s8, $0xFFFFF086  }
0x1c: {  	p1 =	slt.u32 s9, $0xF7A;
	s5 =	simm.s32 @!p2 $0x0  }
0x1d: {  	s5 =	simm.s32 @p1 $0x1;
	p0 =	seq.s32 s7, s2  }
0x1e: {  	s7 =	smul.u32 @!p0 $0xF7A, s2;
	p2 =	seq.s32 @!p0 s5, $0x0  }
0x1f: {  	s9 =	smul.u32 $0xF7A, s1;
	s8 =	simm.s32 @!p0 $0x1BF5;
	p2 =	por !p2, p0  }
0x20: {  	[sflag:s8] =	ssyncset.s32 @!p0 $0xFFFFF086;
	s6 =	sadd.s32 @!p0 s3, s7;
	s7 =	simm.s32 @!p0 $0x108  }
0x21: {  	s3 =	sadd.s32 s3, s9;
	s6 =	sadd.s32 @!p0 $0x88, s6;
	s7 =	simm.s32 @p2 $0x1082  }
0x22: {  	[simem:s7], [sflag:s8] =	dma.local @!p0 [hbm:s6], $0xF7A  }
0x23: {  	s9 =	sor.u32 $0xD0000000, s2;
	s6 =	simm.s32 $0x108;
	_ =	swait.ge @!p0 [sflag:s8], $0x0  }
0x24: {  	s3 =	sadd.s32 $0x88, s3;
	s6 =	simm.s32 @!p1 $0x1082;
	[sflag:s4] =	ssyncset.s32 $0xFFFFF086  }
0x25: {  	[simem:s6], [sflag:s4] =	dma.local [hbm:s3], $0xF7A  }
0x26: {  	[smem:$0x3F81] =	sst s1;
	(tag) =	ssettag s2;
	_ =	strace s9  }
0x27: {  	s1 =	sld [smem:$0x3F91]  }
0x28: {  	s2 =	sld [smem:$0x3F92]  }
0x29: {  	s4 =	sld [smem:$0x3F94]  }
0x2a: {  	p0 =	seq.s32 s5, $0x0;
	s5 =	sld [smem:$0x3F95]  }
0x2b: {  	s6 =	sld [smem:$0x3F96]  }
0x2c: {  	s7 =	sld [smem:$0x3F97]  }
0x2d: {  	s3 =	simm.s32 $0x108;
	s8 =	sld [smem:$0x3F98]  }
0x2e: {  	s3 =	simm.s32 @!p0 $0x1082;
	s9 =	sld [smem:$0x3F99]  }
0x2f: {  	lr =	sadd.s32 s0, s3;
	s0 =	sld [smem:$0x3F90]  }
0x30: {  	s3 =	sld [smem:$0x3F93]  }
0x31: {  	[smem:$0x3F9C] =	sst s10  }
0x32: {  	s10 =	sld [smem:$0x3F9A];
	_ =	sdelay $0x3  }
0x33: {  	p0 =	seq.s32 s10, $0x1;
	s10 =	sld [smem:$0x3F9C];
	_ =	sdelay $0x3  }
0x34: {  	[smem:$0x3F9C] =	sst s10  }
0x35: {  	s10 =	sld [smem:$0x3F9B];
	_ =	sdelay $0x3  }
0x36: {  	p1 =	seq.s32 s10, $0x1;
	s10 =	sld [smem:$0x3F9C];
	_ =	sdelay $0x3  }
0x37: {  	[smem:$0x3F9C] =	sst s10  }
0x38: {  	s10 =	sld [smem:$0x3F9D]  }
0x39: {  	_ = 	snop;
	(pc) =	sbr.ind lr, $3  }
0x3a: {  	_ = 	snop  }
0x3b: {  	_ = 	snop  }
0x3c: {  	p2 =	seq.s32 s10, $0x1;
	s10 =	sld [smem:$0x3F9C]  }
0x3d: {  	_ =	shalt  }
0x3e: {  	_ =	shalt  }
0x3f: {  	_ =	shalt  }
0x40: {  	_ =	shalt  }
0x41: {  	_ =	shalt  }
0x42: {  	_ =	shalt  }
0x43: {  	_ =	shalt  }
0x44: {  	_ =	shalt  }
0x45: {  	_ =	shalt  }
0x46: {  	_ =	shalt  }
0x47: {  	_ =	shalt  }
0x48: {  	_ =	shalt  }
0x49: {  	_ =	shalt  }
0x4a: {  	_ =	shalt  }
0x4b: {  	_ =	shalt  }
0x4c: {  	_ =	shalt  }
0x4d: {  	_ =	shalt  }
0x4e: {  	_ =	shalt  }
0x4f: {  	_ =	shalt  }
0x50: {  	_ =	shalt  }
0x51: {  	_ =	shalt  }
0x52: {  	_ =	shalt  }
0x53: {  	_ =	shalt  }
0x54: {  	_ =	shalt  }
0x55: {  	_ =	shalt  }
0x56: {  	_ =	shalt  }
0x57: {  	_ =	shalt  }
0x58: {  	_ =	shalt  }
0x59: {  	_ =	shalt  }
0x5a: {  	_ =	shalt  }
0x5b: {  	_ =	shalt  }
0x5c: {  	_ =	shalt  }
0x5d: {  	_ =	shalt  }
0x5e: {  	_ =	shalt  }
0x5f: {  	_ =	shalt  }
0x60: {  	_ =	shalt  }
0x61: {  	_ =	shalt  }
0x62: {  	_ =	shalt  }
0x63: {  	_ =	shalt  }
0x64: {  	_ =	shalt  }
0x65: {  	_ =	shalt  }
0x66: {  	_ =	shalt  }
0x67: {  	_ =	shalt  }
0x68: {  	_ =	shalt  }
0x69: {  	_ =	shalt  }
0x6a: {  	_ =	shalt  }
0x6b: {  	_ =	shalt  }
0x6c: {  	_ =	shalt  }
0x6d: {  	_ =	shalt  }
0x6e: {  	_ =	shalt  }
0x6f: {  	_ =	shalt  }
0x70: {  	_ =	shalt  }
0x71: {  	_ =	shalt  }
0x72: {  	_ =	shalt  }
0x73: {  	_ =	shalt  }
0x74: {  	_ =	shalt  }
0x75: {  	_ =	shalt  }
0x76: {  	_ =	shalt  }
0x77: {  	_ =	shalt  }
0x78: {  	_ =	shalt  }
0x79: {  	_ =	shalt  }
0x7a: {  	_ =	shalt  }
0x7b: {  	_ =	shalt  }
0x7c: {  	_ =	shalt  }
0x7d: {  	_ =	shalt  }
0x7e: {  	_ =	shalt  }
0x7f: {  	_ =	shalt  }
0x80: {  	_ =	shalt  }
0x81: {  	_ =	shalt  }
0x82: {  	_ =	shalt  }
0x83: {  	_ =	shalt  }
0x84: {  	_ =	shalt  }
0x85: {  	_ =	shalt  }
0x86: {  	_ =	shalt  }
0x87: {  	_ =	shalt  }
.Lfunc_end0:
.L_simem_size_0:
called_computation.3_lowered:
.L_overlay_start_0:
0x88: {  	s2 =	sld [smem:$0x3FD9]  }
0x89: {  	s3 =	sld [smem:$0x3FFE];
	_ =	sdelay $0x1  }
0x8a: {  	s1 =	srdreg.scid  }
0x8b: {  	s0 =	sand.u32 $0x1, s1  }
0x8c: {  	s17 =	sshll.u32 s0, $0xA;
	s2 =	sadd.s32 s3, s2  }
0x8d: {  	s2 =	sadd.s32 s2, s17  }
0x8e: {  	[smem:$0x3FA8] =	sst s2  }
0x8f: {  	_ = 	snop  }
0x90: {  	(tm) =	ssettm $0x1  }
0x91: {  	s18 =	sld [smem:$0x3FFB];
	_ =	sdelay $0x3  }
0x92: {  	_ =	strace s18  }
0x93: {  	s2 =	sld [smem:$0x3FFC];
	_ =	sdelay $0x3  }
0x94: {  	_ =	strace s2  }
0x95: {  	s2 =	sld [smem:$0x3FFD];
	_ =	sdelay $0x3  }
0x96: {  	_ =	strace s2  }
0x97: {  	_ =	strace $0x8FFFFFFF  }
0x98: {  	s19 =	sld [smem:$0x3FDB];
	_ =	sdelay $0x1  }
0x99: {  	s20 =	simm.s32 $_scs_section_size  }
0x9a: {  	s4 =	simm.s32 $_size__tile_overlayer_lowered;
	s5 =	simm.s32 $_tile_overlayer_lowered  }
0x9b: {  	s6 =	simm.s32 $0x1BFF;
	s21 =	sshll.u32 s5, $0x1;
	s3 =	sadd.s32 s20, s19  }
0x9c: {  	s22 =	simm.s32 $0x0;
	s4 =	sshll.u32 s4, $0x1;
	s5 =	sadd.s32 s21, s3  }
0x9d: {  	[timem:s22], [sflag:s6] =	dma.local [hbm:s5], s4  }
0x9e: {  	_ =	swait.ge [sflag:s6], s4  }
0x9f: {  	s4 =	ssub.s32 $0x0, s4;
	[sflag:s6] =	ssyncset.done $0x0  }
0xa0: {  	[sflag:s6] =	ssyncadd.s32 s4;
	_ =	sdelay $0x1  }
0xa1: {  	s23 =	simm.s32 $0x1B8B  }
0xa2: {  	_ =	swait.ge [sflag:s23], $0x1  }
0xa3: {  	[sflag:s23] =	ssyncset.done $0x0  }
0xa4: {  	[sflag:s23] =	ssyncadd.s32 $0xFFFFFFFF  }
0xa5: {  	s4 =	sld [smem:$0x0]  }
0xa6: {  	s5 =	sand.u32 $0xFFFFFFFE, s1  }
0xa7: {  	p0 =	sne.s32 s1, s5  }
0xa8: {  	s5 =	sshll.u32 @p0 s5, $0xE  }
0xa9: {  	s5 =	sadd.s32 @p0 $0x11B8D, s5;
	s6 =	sshll.u32 @p0 s4, $0x11  }
0xaa: {  	s5 =	sor.u32 @p0 s6, s5  }
0xab: {  	[sflag:s5] =	ssyncadd.remote.s32 @p0 $0x1;
	_ =	sdelay $0x1  }
0xac: {  	s5 =	simm.s32 @p0 $0x1B8D  }
0xad: {  	_ =	swait.eq @p0 [sflag:s5], $0x1  }
0xae: {  	[sflag:s5] =	ssyncadd.s32 @p0 $0xFFFFFFFF  }
0xaf: {  	s6 =	sshll.u32 @!p0 s1, $0xE  }
0xb0: {  	s6 =	sor.u32 @!p0 $0x4000, s6;
	s5 =	simm.s32 @!p0 $0x1B8D  }
0xb1: {  	s4 =	sshll.u32 @!p0 s4, $0x11;
	s6 =	sadd.s32 @!p0 $0x11B8D, s6;
	_ =	swait.eq @!p0 [sflag:s5], $0x1  }
0xb2: {  	s4 =	sor.u32 @!p0 s4, s6;
	[sflag:s5] =	ssyncadd.s32 @!p0 $0xFFFFFFFF  }
0xb3: {  	s25 =	simm.s32 $0x1B8E;
	s24 =	sld [smem:$0x3FFE];
	[sflag:s4] =	ssyncadd.remote.s32 @!p0 $0x1  }
0xb4: {  	s26 =	simm.s32 $execute0_lowered;
	[smem:$0x3FD2] =	sst s25  }
0xb5: {  	s5 =	sshll.u32 s26, $0x1;
	_ =	strace $0x80000049;
	[dreg:$0x1] =	wrdreg $0xFFFFFFFF  }
0xb6: {  	s28 =	simm.s32 $_size_execute0_lowered;
	s3 =	sadd.s32 s3, s5;
	[dreg:$0x0] =	wrdreg $0x0  }
0xb7: {  	s5 =	sshll.u32 s28, $0x1;
	[dreg:$0x2] =	wrdreg s3  }
0xb8: {  	[dreg:$0x3] =	wrdreg s5  }
0xb9: {  	[dreg:$0x4] =	wrdreg $0xC0  }
0xba: {  	_ =	task [dreg:s22], $0x5FFFF  }
0xbb: {  	[dreg:$0x1] =	wrdreg $0xFFFFFFFF  }
0xbc: {  	[dreg:$0x0] =	wrdreg $0x60  }
0xbd: {  	[dreg:$0x2] =	wrdreg s24  }
0xbe: {  	[dreg:$0x3] =	wrdreg $0xC  }
0xbf: {  	_ =	task.clear_ibuf [dreg:s22], $0x4FFFF;
	_ =	strace $0x90000049  }
0xc0: {  	s29 =	simm.s32 $0xC;
	_ =	strace $0x8000004B  }
0xc1: {  	_ =	swait.ge [sflag:s29], $0x1  }
0xc2: {  	[sflag:s29] =	ssyncadd.s32 $0xFFFFFFFF  }
0xc3: {  	_ =	strace $0x9000004B  }
0xc4: {  	_ =	sfence  }
0xc5: {  	s30 =	sld [smem:$0x0];
	_ =	sdelay $0x2  }
0xc6: {  	s31 =	sshll.u32 s1, $0xD;
	s1 =	sshrl.u32 s1, $0x2  }
0xc7: {  	s4 =	sand.u32 $0x4000, s31;
	s1 =	sadd.s32 s1, s30  }
0xc8: {  	s0 =	sor.u32 s4, s0;
	s1 =	sshll.u32 s1, $0x11  }
0xc9: {  	s0 =	sor.u32 s1, s0  }
0xca: {  	s0 =	sadd.s32 $0x8F2B, s0  }
0xcb: {  	[sflag:s0] =	ssyncadd.remote.s32 $0x1  }
0xcc: {  	_ =	sfence.sel $0xFFFF  }
0xcd: {  	[dreg:$0x0] =	wrdreg $0xFFFFFFFF;
	(pc) =	sbr.abs _section_cstart, $3  }
0xce: {  	[dreg:$0x1] =	wrdreg $0xFFFFFFFF  }
0xcf: {  	_ =	task.clear_ibuf [dreg:s22], $0x2FFFF;
	_ =	strace $0x9FFFFFFF  }
0xd0: {  	(tm) =	ssettm $0x7FFFFFFF  }
0xd1: {  	_ =	shalt  }
tec
execute0_lowered:
.L_overlay_start_1:
0x0: {  	(tag) =	ssettag $0x1  }
0x1: {  	s1 =	srdreg.scid  }
0x2: {  	s0 =	stileid.u32;
	s6 =	rddreg [dreg:$0x0]  }
0x3: {  	s2 =	simm.s32 $0x0;
	s11 =	simm.s32 $0x7;
	s12 =	simm.s32 $0x980  }
0x4: {  	s13 =	simm.s32 $0xC8;
	s14 =	simm.s32 $0x1300;
	s15 =	simm.s32 $0x7700  }
0x5: {  	s16 =	simm.s32 $0xDB00;
	s17 =	simm.s32 $0xA48;
	s18 =	simm.s32 $0x13F00  }
0x6: {  	s19 =	simm.s32 $0x1;
	s20 =	simm.s32 $0x2;
	s21 =	simm.s32 $0x3  }
0x7: {  	s22 =	simm.s32 $0x4;
	s5 =	sand.u32 $0x1, s1;
	s3 =	sshll.u32 s0, $0x1  }
0x8: {  	s23 =	simm.s32 $0x5;
	s24 =	simm.s32 $0x6;
	s3 =	sor.u32 s5, s3  }
0x9: {  	s25 =	simm.s32 $0x0;
	s1 =	rddreg [dreg:$0x1];
	s3 =	smul.u32 $0x960, s3  }
.Ltmp0:
0xa: {  	[smem:$0x7FF] =	sst s2;
	s8 =	ssub.s32 $0x2, s5;
	(pc) =	sbr.rel .LBB2_1-.Ltmp0, $4  }
0xb: {  	s4 =	sadd.s32 $0x10A00, s6;
	_ =	strace $0x8000004A;
	s31 =	sshrl.u32 s8, $0x1  }
0xc: {  	s5 =	sadd.s32 $0x37C00, s6;
	s10 =	ssub.s32 s8, s31;
	s7 =	sshrl.u32 s3, $0x3  }
0xd: {  	s10 =	smax.u32 s10, $0x1;
	s9 =	sadd.s32 s7, s6;
	s6 =	sadd.s32 $0x18AE00, s6  }
0xe: {  	s7 =	sadd.s32 $0x9800, s9;
	s8 =	sadd.s32 $0xBE00, s9;
	s9 =	sadd.s32 $0xC8, s3  }
.LBB2_8:
0xf: {  	s25 =	sadd.s32 $0x1, s25  }
0x10: {  	_ =	swait.ge [sflag:s23], $0x6400;
	p0 =	sne.s32 s25, s10  }
.Ltmp1:
0x11: {  	[sflag:s23] =	ssyncset.done $0x0;
	(pc) =	sbr.rel @!p0 .LBB2_9-.Ltmp1, $4  }
0x12: {  	[sflag:s23] =	ssyncadd.s32 $0xFFFF9C00  }
0x13: {  	_ =	swait.ge [sflag:s24], $0x6400  }
0x14: {  	[sflag:s24] =	ssyncset.done $0x0  }
0x15: {  	[sflag:s24] =	ssyncadd.s32 $0xFFFF9C00  }
.LBB2_1:
0x16: {  	[tilespmem:s2], [sflag:$0x7] =	stream.linear.gather [hbm4b:s7+s2], $0x960, $0x38;
	[tilespmem:$0x1A300] =	vst v63  }
0x17: {  	_ =	swait.ge [sflag:s11], $0x960  }
0x18: {  	[sflag:s11] =	ssyncset.done $0x0  }
0x19: {  	[sflag:s11] =	ssyncadd.s32 $0xFFFFF6A0  }
0x1a: {  	[tilespmem:s12], [sflag:$0x7] =	stream.linear.gather [hbm4b:s8+s2], $0x960, $0x38;
	[tilespmem:$0x1A300] =	vst v63  }
0x1b: {  	_ =	swait.ge [sflag:s11], $0x960  }
0x1c: {  	[sflag:s11] =	ssyncset.done $0x0  }
0x1d: {  	[sflag:s11] =	ssyncadd.s32 $0xFFFFF6A0  }
0x1e: {  	[tilespmem:s14], [sflag:$0x1] =	stream.indirect.gather [hbm4b:s4+s13], $0x80, s2, s13, $0xb8;
	[tilespmem:$0x1A300] =	vst v63  }
0x1f: {  	_ = 	snop  }
0x20: {  	[tilespmem:s15], [sflag:$0x2] =	stream.indirect.gather [hbm4b:s5+s13], $0x80, s12, s13, $0xb8;
	[tilespmem:$0x1A300] =	vst v63  }
0x21: {  	_ = 	snop  }
0x22: {  	[tilespmem:s16], [sflag:$0x3] =	stream.indirect.gather [hbm4b:s4+s13], $0x80, s13, s13, $0xb8;
	[tilespmem:$0x1A300] =	vst v63  }
0x23: {  	s26 =	simm.s32 $0x0  }
0x24: {  	[tilespmem:s18], [sflag:$0x4] =	stream.indirect.gather [hbm4b:s5+s13], $0x80, s17, s13, $0xb8;
	[tilespmem:$0x1A300] =	vst v63  }
.LBB2_2:
0x25: {  	_ =	swait.ge [sflag:s19], $0x6400  }
0x26: {  	[sflag:s19] =	ssyncset.done $0x0  }
0x27: {  	[sflag:s19] =	ssyncadd.s32 $0xFFFF9C00  }
0x28: {  	_ =	swait.ge [sflag:s20], $0x6400  }
0x29: {  	[sflag:s20] =	ssyncset.done $0x0  }
0x2a: {  	s29 =	simm.s32 $0x0;
	[sflag:s20] =	ssyncadd.s32 $0xFFFF9C00  }
0x2b: {  	v6 =	vld [tilespmem:s29+$0x7700]  }
0x2c: {  	v11 =	vld [tilespmem:s29+$0x7710]  }
0x2d: {  	v5 =	vld [tilespmem:s29+$0x7720]  }
0x2e: {  	v4 =	vld [tilespmem:s29+$0x7730]  }
0x2f: {  	v3 =	vld [tilespmem:s29+$0x7740]  }
0x30: {  	v2 =	vld [tilespmem:s29+$0x7750]  }
0x31: {  	v1 =	vld [tilespmem:s29+$0x7760]  }
0x32: {  	v0 =	vld [tilespmem:s29+$0x7770]  }
0x33: {  	v12 =	vld [tilespmem:s29+$0x1300]  }
0x34: {  	v13 =	vld [tilespmem:s29+$0x1310]  }
0x35: {  	v10 =	vld [tilespmem:s29+$0x1320]  }
0x36: {  	v9 =	vld [tilespmem:s29+$0x1330]  }
0x37: {  	v8 =	vld [tilespmem:s29+$0x1340]  }
0x38: {  	v7 =	vld [tilespmem:s29+$0x1350];
	v12 =	vadd.f32 v6, v12  }
0x39: {  	s28 =	simm.s32 $0x200;
	v11 =	vadd.f32 v11, v13;
	v6 =	vld [tilespmem:s29+$0x1360]  }
.LBB2_3:
0x3a: {  	s30 =	sshra.s32 s28, $0x2;
	p0 =	sne.s32 s28, $0x18E00;
	[tilespmem:s29+$0x1300] =	vst v12;
	v5 =	vadd.f32 v5, v10;
	v10 =	vld [tilespmem:s29+$0x1370]  }
0x3b: {  	v12 =	vld [tilespmem:s30+$0x7700];
	[tilespmem:s29+$0x1310] =	vst v11;
	v4 =	vadd.f32 v4, v9  }
0x3c: {  	v11 =	vld [tilespmem:s30+$0x7710];
	[tilespmem:s29+$0x1320] =	vst v5;
	v3 =	vadd.f32 v3, v8  }
0x3d: {  	v5 =	vld [tilespmem:s30+$0x7720];
	[tilespmem:s29+$0x1330] =	vst v4;
	v2 =	vadd.f32 v2, v7  }
0x3e: {  	v4 =	vld [tilespmem:s30+$0x7730];
	[tilespmem:s29+$0x1340] =	vst v3;
	v1 =	vadd.f32 v1, v6  }
0x3f: {  	v3 =	vld [tilespmem:s30+$0x7740];
	[tilespmem:s29+$0x1350] =	vst v2;
	v0 =	vadd.f32 v0, v10  }
0x40: {  	v2 =	vld [tilespmem:s30+$0x7750];
	[tilespmem:s29+$0x1360] =	vst v1  }
0x41: {  	v1 =	vld [tilespmem:s30+$0x7760];
	[tilespmem:s29+$0x1370] =	vst v0;
	s29 =	smov.u32 s30  }
0x42: {  	v0 =	vld [tilespmem:s29+$0x7770]  }
0x43: {  	v6 =	vld [tilespmem:s29+$0x1300]  }
0x44: {  	v13 =	vld [tilespmem:s29+$0x1310]  }
.Ltmp2:
0x45: {  	v10 =	vld [tilespmem:s29+$0x1320];
	(pc) =	sbr.rel @p0 .LBB2_3-.Ltmp2, $4  }
0x46: {  	v9 =	vld [tilespmem:s29+$0x1330]  }
0x47: {  	v8 =	vld [tilespmem:s29+$0x1340]  }
0x48: {  	v12 =	vadd.f32 v12, v6;
	v7 =	vld [tilespmem:s29+$0x1350]  }
0x49: {  	s28 =	sadd.s32 $0x200, s28;
	v11 =	vadd.f32 v11, v13;
	v6 =	vld [tilespmem:s29+$0x1360]  }
0x4a: {  	[tilespmem:s29+$0x1300] =	vst v12;
	v5 =	vadd.f32 v5, v10;
	v10 =	vld [tilespmem:s29+$0x1370]  }
0x4b: {  	[tilespmem:s29+$0x1310] =	vst v11;
	v4 =	vadd.f32 v4, v9  }
0x4c: {  	[tilespmem:s29+$0x1320] =	vst v5;
	v3 =	vadd.f32 v3, v8  }
0x4d: {  	s28 =	smul.u32 $0x190, s26;
	[tilespmem:s29+$0x1330] =	vst v4;
	v2 =	vadd.f32 v2, v7  }
0x4e: {  	[tilespmem:s29+$0x1340] =	vst v3;
	v1 =	vadd.f32 v1, v6  }
0x4f: {  	s30 =	sadd.s32 s3, s28;
	[tilespmem:s29+$0x1350] =	vst v2;
	v0 =	vadd.f32 v0, v10  }
0x50: {  	s30 =	sshll.u32 s30, $0x4;
	[tilespmem:s29+$0x1360] =	vst v1  }
0x51: {  	p0 =	seq.s32 s26, $0x5;
	[tilespmem:s29+$0x1370] =	vst v0;
	s29 =	sadd.s32 s6, s30  }
0x52: {  	[hbm4b:s29+s2] =	stream.linear.scatter [tilespmem:s14], [sflag:$0x5], $0x6400, $0x38;
	[tilespmem:$0x1A300] =	vst v63  }
0x53: {  	s29 =	simm.s32 @!p0 $0x5  }
0x54: {  	_ =	swait.ge @!p0 [sflag:s29], $0x6400  }
0x55: {  	s31 =	simm.s32 @!p0 $0x1300;
	[sflag:s29] =	ssyncset.done @!p0 $0x0  }
0x56: {  	s30 =	simm.s32 @!p0 $0xC8;
	[sflag:s29] =	ssyncadd.s32 @!p0 $0xFFFF9C00;
	s29 =	sadd.s32 @!p0 $0x190, s28  }
0x57: {  	[tilespmem:s31], [sflag:$0x1] =	stream.indirect.gather @!p0 [hbm4b:s4+s30], $0x80, s29, s30, $0xb8;
	[tilespmem:$0x1A300] =	vst v63  }
0x58: {  	s29 =	sadd.s32 @!p0 $0xB10, s28;
	s31 =	simm.s32 @!p0 $0x7700  }
0x59: {  	[tilespmem:s31], [sflag:$0x2] =	stream.indirect.gather @!p0 [hbm4b:s5+s30], $0x80, s29, s30, $0xb8;
	[tilespmem:$0x1A300] =	vst v63  }
0x5a: {  	_ =	swait.ge [sflag:s21], $0x6400  }
0x5b: {  	[sflag:s21] =	ssyncset.done $0x0  }
0x5c: {  	[sflag:s21] =	ssyncadd.s32 $0xFFFF9C00  }
0x5d: {  	_ =	swait.ge [sflag:s22], $0x6400  }
0x5e: {  	[sflag:s22] =	ssyncset.done $0x0  }
0x5f: {  	s29 =	simm.s32 $0x0;
	[sflag:s22] =	ssyncadd.s32 $0xFFFF9C00  }
0x60: {  	v7 =	vld [tilespmem:s29+$0x13F00]  }
0x61: {  	v11 =	vld [tilespmem:s29+$0x13F10]  }
0x62: {  	v5 =	vld [tilespmem:s29+$0x13F20]  }
0x63: {  	v4 =	vld [tilespmem:s29+$0x13F30]  }
0x64: {  	v3 =	vld [tilespmem:s29+$0x13F40]  }
0x65: {  	v2 =	vld [tilespmem:s29+$0x13F50]  }
0x66: {  	v1 =	vld [tilespmem:s29+$0x13F60]  }
0x67: {  	v0 =	vld [tilespmem:s29+$0x13F70]  }
0x68: {  	v12 =	vld [tilespmem:s29+$0xDB00]  }
0x69: {  	v13 =	vld [tilespmem:s29+$0xDB10]  }
0x6a: {  	v10 =	vld [tilespmem:s29+$0xDB20]  }
0x6b: {  	v9 =	vld [tilespmem:s29+$0xDB30]  }
0x6c: {  	v8 =	vld [tilespmem:s29+$0xDB40]  }
0x6d: {  	v6 =	vld [tilespmem:s29+$0xDB50];
	v12 =	vadd.f32 v7, v12  }
0x6e: {  	s30 =	simm.s32 $0x200;
	v11 =	vadd.f32 v11, v13;
	v7 =	vld [tilespmem:s29+$0xDB60]  }
.LBB2_5:
0x6f: {  	s31 =	sshra.s32 s30, $0x2;
	p1 =	sne.s32 s30, $0x18E00;
	[tilespmem:s29+$0xDB00] =	vst v12;
	v5 =	vadd.f32 v5, v10;
	v10 =	vld [tilespmem:s29+$0xDB70]  }
0x70: {  	v12 =	vld [tilespmem:s31+$0x13F00];
	[tilespmem:s29+$0xDB10] =	vst v11;
	v4 =	vadd.f32 v4, v9  }
0x71: {  	v11 =	vld [tilespmem:s31+$0x13F10];
	[tilespmem:s29+$0xDB20] =	vst v5;
	v3 =	vadd.f32 v3, v8  }
0x72: {  	v5 =	vld [tilespmem:s31+$0x13F20];
	[tilespmem:s29+$0xDB30] =	vst v4;
	v2 =	vadd.f32 v2, v6  }
0x73: {  	v4 =	vld [tilespmem:s31+$0x13F30];
	[tilespmem:s29+$0xDB40] =	vst v3;
	v1 =	vadd.f32 v1, v7  }
0x74: {  	v3 =	vld [tilespmem:s31+$0x13F40];
	[tilespmem:s29+$0xDB50] =	vst v2;
	v0 =	vadd.f32 v0, v10  }
0x75: {  	v2 =	vld [tilespmem:s31+$0x13F50];
	[tilespmem:s29+$0xDB60] =	vst v1  }
0x76: {  	v1 =	vld [tilespmem:s31+$0x13F60];
	[tilespmem:s29+$0xDB70] =	vst v0;
	s29 =	smov.u32 s31  }
0x77: {  	v0 =	vld [tilespmem:s29+$0x13F70]  }
0x78: {  	v6 =	vld [tilespmem:s29+$0xDB00]  }
0x79: {  	v7 =	vld [tilespmem:s29+$0xDB10]  }
.Ltmp3:
0x7a: {  	v10 =	vld [tilespmem:s29+$0xDB20];
	(pc) =	sbr.rel @p1 .LBB2_5-.Ltmp3, $4  }
0x7b: {  	v9 =	vld [tilespmem:s29+$0xDB30]  }
0x7c: {  	v8 =	vld [tilespmem:s29+$0xDB40]  }
0x7d: {  	v12 =	vadd.f32 v12, v6;
	v6 =	vld [tilespmem:s29+$0xDB50]  }
0x7e: {  	s30 =	sadd.s32 $0x200, s30;
	v11 =	vadd.f32 v11, v7;
	v7 =	vld [tilespmem:s29+$0xDB60]  }
0x7f: {  	[tilespmem:s29+$0xDB00] =	vst v12;
	v5 =	vadd.f32 v5, v10;
	v63 =	vld [tilespmem:s29+$0xDB70]  }
0x80: {  	[tilespmem:s29+$0xDB10] =	vst v11;
	v4 =	vadd.f32 v4, v9  }
0x81: {  	[tilespmem:s29+$0xDB20] =	vst v5;
	v3 =	vadd.f32 v3, v8  }
0x82: {  	[tilespmem:s29+$0xDB30] =	vst v4;
	v2 =	vadd.f32 v2, v6  }
.Ltmp4:
0x83: {  	[tilespmem:s29+$0xDB40] =	vst v3;
	v1 =	vadd.f32 v1, v7;
	(pc) =	sbr.rel @p0 .LBB2_8-.Ltmp4, $4  }
0x84: {  	s30 =	sadd.s32 s28, s9;
	[tilespmem:s29+$0xDB50] =	vst v2;
	v0 =	vadd.f32 v0, v63  }
0x85: {  	s30 =	sshll.u32 s30, $0x4;
	[tilespmem:s29+$0xDB60] =	vst v1  }
0x86: {  	s31 =	sadd.s32 s6, s30;
	[tilespmem:s29+$0xDB70] =	vst v0  }
0x87: {  	[hbm4b:s31+s2] =	stream.linear.scatter [tilespmem:s16], [sflag:$0x6], $0x6400, $0x38;
	[tilespmem:$0x1A300] =	vst v63  }
0x88: {  	_ =	swait.ge [sflag:s24], $0x6400  }
.Ltmp5:
0x89: {  	[sflag:s24] =	ssyncset.done $0x0;
	(pc) =	sbr.rel .LBB2_2-.Ltmp5, $4  }
0x8a: {  	s29 =	sadd.s32 $0x258, s28;
	[sflag:s24] =	ssyncadd.s32 $0xFFFF9C00  }
0x8b: {  	[tilespmem:s16], [sflag:$0x3] =	stream.indirect.gather [hbm4b:s4+s13], $0x80, s29, s13, $0xb8;
	[tilespmem:$0x1A300] =	vst v63  }
0x8c: {  	s31 =	sadd.s32 $0xBD8, s28;
	s26 =	sadd.s32 $0x1, s26  }
0x8d: {  	[tilespmem:s18], [sflag:$0x4] =	stream.indirect.gather [hbm4b:s5+s13], $0x80, s31, s13, $0xb8;
	[tilespmem:$0x1A300] =	vst v63  }
.LBB2_9:
0x8e: {  	_ =	sfence.sel $0x180000  }
0x8f: {  	[bflag:$0x0] =	sbarrier.arrive $0xFFFF  }
0x90: {  	p0 =	sne.s32 s0, $0x0;
	_ =	strace $0x9000004A  }
0x91: {  	s0 =	sadd.s32 @!p0 $0x100000, s1;
	[bflag:$0x2] =	sbarrier.arrive $0xFFFF  }
0x92: {  	[sflag:s0] =	ssyncadd.tile.s32 @!p0 $0x1;
	_ =	shalt  }
.Lfunc_end2:
_tile_overlayer_lowered:
.L_overlay_start_2:
0x93: {  	(tag) =	ssettag $0x2  }
0x94: {  	s0 =	rddreg [dreg:$0x0];
	s2 =	stileid.u32  }
0x95: {  	s1 =	rddreg [dreg:$0x1];
	p0 =	sne.s32 s2, $0x0  }
0x96: {  	s3 =	rddreg [dreg:$0x2];
	[bflag:$0x3] =	sbarrier.arrive $0xFFFF;
	s2 =	simm.s32 @!p0 $0x1C07  }
0x97: {  	[timem:s3], [sflag:s2] =	dma.local @!p0 [hbm:s0], s1  }
0x98: {  	s0 =	simm.s32 @!p0 $0x7  }
0x99: {  	_ =	swait.ge @!p0 [sflag:s0], s1  }
0x9a: {  	s1 =	ssub.s32 @!p0 $0x0, s1;
	[sflag:s0] =	ssyncset.done @!p0 $0x0  }
0x9b: {  	[sflag:s0] =	ssyncadd.s32 @!p0 s1  }
0x9c: {  	[bflag:$0x3] =	sbarrier.arrive $0xFFFF  }
0x9d: {  	_ =	shalt  }

// kernel: kernel.27.cloned.1.call-start
scs
__scs_entry_jumppad:
0x0: {  	(pc) =	sbr.rel $0x88, $3  }
0x1: {  	(tag) =	ssettag $0x0;
	lr =	simm.s32 $0x1  }
0x2: {  	[smem:$0x3F81] =	sst lr;
	_ =	strace $0xD0000000  }
0x3: {  	_ = 	snop  }
0x4: {  	_ = 	snop  }
0x5: {  	_ = 	snop  }
0x6: {  	_ = 	snop  }
0x7: {  	_ = 	snop  }
__scs_overlays_trampoline_lowered:
0x8: {  	[smem:$0x3F90] =	sst s0  }
0x9: {  	[smem:$0x3F91] =	sst s1  }
0xa: {  	[smem:$0x3F92] =	sst s2  }
0xb: {  	[smem:$0x3F93] =	sst s3  }
0xc: {  	[smem:$0x3F94] =	sst s4  }
0xd: {  	[smem:$0x3F95] =	sst s5  }
0xe: {  	[smem:$0x3F96] =	sst s6  }
0xf: {  	[smem:$0x3F97] =	sst s7  }
0x10: {  	[smem:$0x3F98] =	sst s8  }
0x11: {  	[smem:$0x3F99] =	sst s9;
	s0 =	simm.s32 @!p0 $0x0  }
0x12: {  	s1 =	sld [smem:$0x3F7F];
	s0 =	simm.s32 @p0 $0x1  }
0x13: {  	[smem:$0x3F9A] =	sst s0;
	s0 =	simm.s32 @!p1 $0x0  }
0x14: {  	s2 =	sld [smem:$0x3F7E];
	s0 =	simm.s32 @p1 $0x1  }
0x15: {  	[smem:$0x3F9B] =	sst s0;
	s0 =	simm.s32 @!p2 $0x0  }
0x16: {  	s3 =	sld [smem:$0x3FDB];
	s0 =	simm.s32 @p2 $0x1  }
0x17: {  	s4 =	simm.s32 $0x1BF5;
	[smem:$0x3F9D] =	sst s0  }
0x18: {  	s0 =	sld [smem:$0x3F80];
	_ =	swait.ge [sflag:s4], $0x0  }
0x19: {  	s7 =	sld [smem:$0x3F81]  }
0x1a: {  	s8 =	sadd.s32 $0xFFFFE003, lr  }
0x1b: {  	s9 =	sadd.s32 $0xFFFFFEF7, lr;
	s5 =	simm.s32 $0xFFFFFFFF;
	p2 =	slt.u32 s8, $0xFFFFF086  }
0x1c: {  	p1 =	slt.u32 s9, $0xF7A;
	s5 =	simm.s32 @!p2 $0x0  }
0x1d: {  	s5 =	simm.s32 @p1 $0x1;
	p0 =	seq.s32 s7, s2  }
0x1e: {  	s7 =	smul.u32 @!p0 $0xF7A, s2;
	p2 =	seq.s32 @!p0 s5, $0x0  }
0x1f: {  	s9 =	smul.u32 $0xF7A, s1;
	s8 =	simm.s32 @!p0 $0x1BF5;
	p2 =	por !p2, p0  }
0x20: {  	[sflag:s8] =	ssyncset.s32 @!p0 $0xFFFFF086;
	s6 =	sadd.s32 @!p0 s3, s7;
	s7 =	simm.s32 @!p0 $0x108  }
0x21: {  	s3 =	sadd.s32 s3, s9;
	s6 =	sadd.s32 @!p0 $0x88, s6;
	s7 =	simm.s32 @p2 $0x1082  }
0x22: {  	[simem:s7], [sflag:s8] =	dma.local @!p0 [hbm:s6], $0xF7A  }
0x23: {  	s9 =	sor.u32 $0xD0000000, s2;
	s6 =	simm.s32 $0x108;
	_ =	swait.ge @!p0 [sflag:s8], $0x0  }
0x24: {  	s3 =	sadd.s32 $0x88, s3;
	s6 =	simm.s32 @!p1 $0x1082;
	[sflag:s4] =	ssyncset.s32 $0xFFFFF086  }
0x25: {  	[simem:s6], [sflag:s4] =	dma.local [hbm:s3], $0xF7A  }
0x26: {  	[smem:$0x3F81] =	sst s1;
	(tag) =	ssettag s2;
	_ =	strace s9  }
0x27: {  	s1 =	sld [smem:$0x3F91]  }
0x28: {  	s2 =	sld [smem:$0x3F92]  }
0x29: {  	s4 =	sld [smem:$0x3F94]  }
0x2a: {  	p0 =	seq.s32 s5, $0x0;
	s5 =	sld [smem:$0x3F95]  }
0x2b: {  	s6 =	sld [smem:$0x3F96]  }
0x2c: {  	s7 =	sld [smem:$0x3F97]  }
0x2d: {  	s3 =	simm.s32 $0x108;
	s8 =	sld [smem:$0x3F98]  }
0x2e: {  	s3 =	simm.s32 @!p0 $0x1082;
	s9 =	sld [smem:$0x3F99]  }
0x2f: {  	lr =	sadd.s32 s0, s3;
	s0 =	sld [smem:$0x3F90]  }
0x30: {  	s3 =	sld [smem:$0x3F93]  }
0x31: {  	[smem:$0x3F9C] =	sst s10  }
0x32: {  	s10 =	sld [smem:$0x3F9A];
	_ =	sdelay $0x3  }
0x33: {  	p0 =	seq.s32 s10, $0x1;
	s10 =	sld [smem:$0x3F9C];
	_ =	sdelay $0x3  }
0x34: {  	[smem:$0x3F9C] =	sst s10  }
0x35: {  	s10 =	sld [smem:$0x3F9B];
	_ =	sdelay $0x3  }
0x36: {  	p1 =	seq.s32 s10, $0x1;
	s10 =	sld [smem:$0x3F9C];
	_ =	sdelay $0x3  }
0x37: {  	[smem:$0x3F9C] =	sst s10  }
0x38: {  	s10 =	sld [smem:$0x3F9D]  }
0x39: {  	_ = 	snop;
	(pc) =	sbr.ind lr, $3  }
0x3a: {  	_ = 	snop  }
0x3b: {  	_ = 	snop  }
0x3c: {  	p2 =	seq.s32 s10, $0x1;
	s10 =	sld [smem:$0x3F9C]  }
0x3d: {  	_ =	shalt  }
0x3e: {  	_ =	shalt  }
0x3f: {  	_ =	shalt  }
0x40: {  	_ =	shalt  }
0x41: {  	_ =	shalt  }
0x42: {  	_ =	shalt  }
0x43: {  	_ =	shalt  }
0x44: {  	_ =	shalt  }
0x45: {  	_ =	shalt  }
0x46: {  	_ =	shalt  }
0x47: {  	_ =	shalt  }
0x48: {  	_ =	shalt  }
0x49: {  	_ =	shalt  }
0x4a: {  	_ =	shalt  }
0x4b: {  	_ =	shalt  }
0x4c: {  	_ =	shalt  }
0x4d: {  	_ =	shalt  }
0x4e: {  	_ =	shalt  }
0x4f: {  	_ =	shalt  }
0x50: {  	_ =	shalt  }
0x51: {  	_ =	shalt  }
0x52: {  	_ =	shalt  }
0x53: {  	_ =	shalt  }
0x54: {  	_ =	shalt  }
0x55: {  	_ =	shalt  }
0x56: {  	_ =	shalt  }
0x57: {  	_ =	shalt  }
0x58: {  	_ =	shalt  }
0x59: {  	_ =	shalt  }
0x5a: {  	_ =	shalt  }
0x5b: {  	_ =	shalt  }
0x5c: {  	_ =	shalt  }
0x5d: {  	_ =	shalt  }
0x5e: {  	_ =	shalt  }
0x5f: {  	_ =	shalt  }
0x60: {  	_ =	shalt  }
0x61: {  	_ =	shalt  }
0x62: {  	_ =	shalt  }
0x63: {  	_ =	shalt  }
0x64: {  	_ =	shalt  }
0x65: {  	_ =	shalt  }
0x66: {  	_ =	shalt  }
0x67: {  	_ =	shalt  }
0x68: {  	_ =	shalt  }
0x69: {  	_ =	shalt  }
0x6a: {  	_ =	shalt  }
0x6b: {  	_ =	shalt  }
0x6c: {  	_ =	shalt  }
0x6d: {  	_ =	shalt  }
0x6e: {  	_ =	shalt  }
0x6f: {  	_ =	shalt  }
0x70: {  	_ =	shalt  }
0x71: {  	_ =	shalt  }
0x72: {  	_ =	shalt  }
0x73: {  	_ =	shalt  }
0x74: {  	_ =	shalt  }
0x75: {  	_ =	shalt  }
0x76: {  	_ =	shalt  }
0x77: {  	_ =	shalt  }
0x78: {  	_ =	shalt  }
0x79: {  	_ =	shalt  }
0x7a: {  	_ =	shalt  }
0x7b: {  	_ =	shalt  }
0x7c: {  	_ =	shalt  }
0x7d: {  	_ =	shalt  }
0x7e: {  	_ =	shalt  }
0x7f: {  	_ =	shalt  }
0x80: {  	_ =	shalt  }
0x81: {  	_ =	shalt  }
0x82: {  	_ =	shalt  }
0x83: {  	_ =	shalt  }
0x84: {  	_ =	shalt  }
0x85: {  	_ =	shalt  }
0x86: {  	_ =	shalt  }
0x87: {  	_ =	shalt  }
.Lfunc_end0:
.L_simem_size_0:
called_computation.4_lowered:
.L_overlay_start_0:
0x88: {  	s2 =	sld [smem:$0x3FD9]  }
0x89: {  	s3 =	sld [smem:$0x3FFE];
	_ =	sdelay $0x1  }
0x8a: {  	s1 =	srdreg.scid  }
0x8b: {  	s0 =	sand.u32 $0x1, s1  }
0x8c: {  	s17 =	sshll.u32 s0, $0xA;
	s2 =	sadd.s32 s3, s2  }
0x8d: {  	s2 =	sadd.s32 s2, s17  }
0x8e: {  	[smem:$0x3FA8] =	sst s2  }
0x8f: {  	_ = 	snop  }
0x90: {  	(tm) =	ssettm $0x1  }
0x91: {  	s18 =	sld [smem:$0x3FFB];
	_ =	sdelay $0x3  }
0x92: {  	_ =	strace s18  }
0x93: {  	s2 =	sld [smem:$0x3FFC];
	_ =	sdelay $0x3  }
0x94: {  	_ =	strace s2  }
0x95: {  	s2 =	sld [smem:$0x3FFD];
	_ =	sdelay $0x3  }
0x96: {  	_ =	strace s2  }
0x97: {  	_ =	strace $0x8FFFFFFF  }
0x98: {  	s19 =	sld [smem:$0x3FDB];
	_ =	sdelay $0x1  }
0x99: {  	s20 =	simm.s32 $_scs_section_size  }
0x9a: {  	s4 =	simm.s32 $_size__tile_overlayer_lowered;
	s5 =	simm.s32 $_tile_overlayer_lowered  }
0x9b: {  	s6 =	simm.s32 $0x1BFF;
	s21 =	sshll.u32 s5, $0x1;
	s3 =	sadd.s32 s20, s19  }
0x9c: {  	s22 =	simm.s32 $0x0;
	s4 =	sshll.u32 s4, $0x1;
	s5 =	sadd.s32 s21, s3  }
0x9d: {  	[timem:s22], [sflag:s6] =	dma.local [hbm:s5], s4  }
0x9e: {  	_ =	swait.ge [sflag:s6], s4  }
0x9f: {  	s4 =	ssub.s32 $0x0, s4;
	[sflag:s6] =	ssyncset.done $0x0  }
0xa0: {  	[sflag:s6] =	ssyncadd.s32 s4;
	_ =	sdelay $0x1  }
0xa1: {  	s23 =	simm.s32 $0x1B8B  }
0xa2: {  	_ =	swait.ge [sflag:s23], $0x1  }
0xa3: {  	[sflag:s23] =	ssyncset.done $0x0  }
0xa4: {  	[sflag:s23] =	ssyncadd.s32 $0xFFFFFFFF  }
0xa5: {  	s4 =	sld [smem:$0x0]  }
0xa6: {  	s5 =	sand.u32 $0xFFFFFFFE, s1  }
0xa7: {  	p0 =	sne.s32 s1, s5  }
0xa8: {  	s5 =	sshll.u32 @p0 s5, $0xE  }
0xa9: {  	s5 =	sadd.s32 @p0 $0x11B8D, s5;
	s6 =	sshll.u32 @p0 s4, $0x11  }
0xaa: {  	s5 =	sor.u32 @p0 s6, s5  }
0xab: {  	[sflag:s5] =	ssyncadd.remote.s32 @p0 $0x1;
	_ =	sdelay $0x1  }
0xac: {  	s5 =	simm.s32 @p0 $0x1B8D  }
0xad: {  	_ =	swait.eq @p0 [sflag:s5], $0x1  }
0xae: {  	[sflag:s5] =	ssyncadd.s32 @p0 $0xFFFFFFFF  }
0xaf: {  	s6 =	sshll.u32 @!p0 s1, $0xE  }
0xb0: {  	s6 =	sor.u32 @!p0 $0x4000, s6;
	s5 =	simm.s32 @!p0 $0x1B8D  }
0xb1: {  	s4 =	sshll.u32 @!p0 s4, $0x11;
	s6 =	sadd.s32 @!p0 $0x11B8D, s6;
	_ =	swait.eq @!p0 [sflag:s5], $0x1  }
0xb2: {  	s4 =	sor.u32 @!p0 s4, s6;
	[sflag:s5] =	ssyncadd.s32 @!p0 $0xFFFFFFFF  }
0xb3: {  	s25 =	simm.s32 $0x1B8E;
	s24 =	sld [smem:$0x3FFE];
	[sflag:s4] =	ssyncadd.remote.s32 @!p0 $0x1  }
0xb4: {  	s26 =	simm.s32 $execute0_lowered;
	[smem:$0x3FD2] =	sst s25  }
0xb5: {  	s5 =	sshll.u32 s26, $0x1;
	_ =	strace $0x80000055;
	[dreg:$0x1] =	wrdreg $0xFFFFFFFF  }
0xb6: {  	s28 =	simm.s32 $_size_execute0_lowered;
	s3 =	sadd.s32 s3, s5;
	[dreg:$0x0] =	wrdreg $0x0  }
0xb7: {  	s5 =	sshll.u32 s28, $0x1;
	[dreg:$0x2] =	wrdreg s3  }
0xb8: {  	[dreg:$0x3] =	wrdreg s5  }
0xb9: {  	[dreg:$0x4] =	wrdreg $0xC0  }
0xba: {  	_ =	task [dreg:s22], $0x5FFFF  }
0xbb: {  	[dreg:$0x1] =	wrdreg $0xFFFFFFFF  }
0xbc: {  	[dreg:$0x0] =	wrdreg $0x60  }
0xbd: {  	[dreg:$0x2] =	wrdreg s24  }
0xbe: {  	[dreg:$0x3] =	wrdreg $0x78800  }
0xbf: {  	[dreg:$0x4] =	wrdreg $0x9  }
0xc0: {  	_ =	task.clear_ibuf [dreg:s22], $0x5FFFF;
	_ =	strace $0x90000055  }
0xc1: {  	s29 =	simm.s32 $0x9;
	_ =	strace $0x80000057  }
0xc2: {  	_ =	swait.ge [sflag:s29], $0x1  }
0xc3: {  	[sflag:s29] =	ssyncadd.s32 $0xFFFFFFFF  }
0xc4: {  	_ =	strace $0x90000057  }
0xc5: {  	_ =	sfence  }
0xc6: {  	s30 =	sld [smem:$0x0];
	_ =	sdelay $0x2  }
0xc7: {  	s31 =	sshll.u32 s1, $0xD;
	s1 =	sshrl.u32 s1, $0x2  }
0xc8: {  	s4 =	sand.u32 $0x4000, s31;
	s1 =	sadd.s32 s1, s30  }
0xc9: {  	s0 =	sor.u32 s4, s0;
	s1 =	sshll.u32 s1, $0x11  }
0xca: {  	s0 =	sor.u32 s1, s0  }
0xcb: {  	s0 =	sadd.s32 $0x8F2B, s0  }
0xcc: {  	[sflag:s0] =	ssyncadd.remote.s32 $0x1  }
0xcd: {  	_ =	sfence.sel $0xFFFF  }
0xce: {  	[dreg:$0x0] =	wrdreg $0xFFFFFFFF;
	(pc) =	sbr.abs _section_cstart, $3  }
0xcf: {  	[dreg:$0x1] =	wrdreg $0xFFFFFFFF  }
0xd0: {  	_ =	task.clear_ibuf [dreg:s22], $0x2FFFF;
	_ =	strace $0x9FFFFFFF  }
0xd1: {  	(tm) =	ssettm $0x7FFFFFFF  }
tec
execute0_lowered:
.L_overlay_start_1:
0x0: {  	(tag) =	ssettag $0x1  }
0x1: {  	s0 =	stileid.u32;
	s6 =	rddreg [dreg:$0x0]  }
0x2: {  	s1 =	srdreg.scid;
	s2 =	rddreg [dreg:$0x1];
	s3 =	simm.s32 $0x0  }
0x3: {  	s13 =	simm.s32 $0x6E28;
	s16 =	simm.s32 $0xC8;
	s4 =	smul.u32 $0x14500, s0  }
0x4: {  	s17 =	simm.s32 $0x0;
	s5 =	sand.u32 $0x1, s1;
	s9 =	smul.u32 $0x13800, s0  }
0x5: {  	s28 =	sshll.u32 s0, $0x1;
	[smem:$0x7FF] =	sst s3;
	s11 =	smul.u32 $0x4E000, s0  }
0x6: {  	s14 =	sshll.u32 s0, $0x6;
	s1 =	sor.u32 s5, s28;
	s8 =	smul.u32 $0x138800, s5  }
0x7: {  	s30 =	ssub.s32 $0x2, s5;
	s12 =	smul.u32 $0xA280, s5;
	s14 =	sor.u32 $0x1C01, s14  }
0x8: {  	s7 =	smul.u32 $0xA28, s1;
	s1 =	rddreg [dreg:$0x2];
	_ =	strace $0x80000056  }
0x9: {  	s10 =	sadd.s32 s4, s6;
	s4 =	sadd.s32 $0x6A00, s6;
	s31 =	sshrl.u32 s30, $0x1  }
0xa: {  	s11 =	sshrl.u32 s11, $0x2;
	s8 =	sadd.s32 s9, s8;
	s9 =	ssub.s32 s30, s31  }
0xb: {  	s15 =	sadd.s32 s11, s2;
	s10 =	sadd.s32 s12, s10;
	s29 =	sshrl.u32 s7, $0x3  }
0xc: {  	s11 =	simm.s32 $0x6400;
	s8 =	sshrl.u32 s8, $0x3;
	s7 =	sadd.s32 s29, s6  }
0xd: {  	s12 =	simm.s32 $0x1;
	s8 =	sadd.s32 s8, s6;
	s5 =	sadd.s32 $0x403C00, s7  }
0xe: {  	s15 =	sshrl.u32 s15, $0x3;
	s6 =	sadd.s32 $0x2B6E00, s7;
	s7 =	sadd.s32 $0x10A00, s8  }
0xf: {  	s8 =	smax.u32 s9, $0x1;
	s9 =	sadd.s32 $0x2B9800, s10;
	s10 =	sadd.s32 $0xB59600, s10  }
.LBB2_1:
0x10: {  	[tilespmem:s11], [sflag:$0x1] =	stream.linear.gather [hbm4b:s5+s3], $0xA28, $0x38;
	[tilespmem:$0x1B100] =	vst v63  }
0x11: {  	_ =	swait.ge [sflag:s12], $0xA28  }
0x12: {  	[sflag:s12] =	ssyncset.done $0x0  }
0x13: {  	[sflag:s12] =	ssyncadd.s32 $0xFFFFF5D8  }
0x14: {  	[tilespmem:s13], [sflag:$0x1] =	stream.linear.gather [hbm4b:s6+s3], $0xA28, $0x38;
	[tilespmem:$0x1B100] =	vst v63  }
0x15: {  	_ =	swait.ge [sflag:s12], $0xA28  }
0x16: {  	[sflag:s12] =	ssyncset.done $0x0  }
0x17: {  	[sflag:s12] =	ssyncadd.s32 $0xFFFFF5D8  }
0x18: {  	[spmem:s15], [sflag:s14] =	dma.local [hbm:s4], $0x2800  }
0x19: {  	_ =	swait.ge [sflag:s12], $0x2800  }
0x1a: {  	[sflag:s12] =	ssyncset.done $0x0  }
0x1b: {  	[sflag:s12] =	ssyncadd.s32 $0xFFFFD800  }
0x1c: {  	[bflag:$0x0] =	sbarrier.arrive $0xFFFF  }
0x1d: {  	[tilespmem:s3], [sflag:$0x1] =	stream.linear.gather [hbm4b:s9+s3], $0x6400, $0x38;
	[tilespmem:$0x1B100] =	vst v63  }
0x1e: {  	_ =	swait.ge [sflag:s12], $0x6400  }
0x1f: {  	[sflag:s12] =	ssyncset.done $0x0  }
0x20: {  	s18 =	simm.s32 $0x6400;
	[sflag:s12] =	ssyncadd.s32 $0xFFFF9C00  }
0x21: {  	[spmem:s2] =	stream.indirect.scatter.add.f32 [tilespmem:s3], [sflag:$0x1], $0x80, s18, s16, $0xb8;
	[tilespmem:$0x1B100] =	vst v63  }
0x22: {  	s19 =	simm.s32 $0x320;
	_ =	swait.ge [sflag:s12], $0x6400  }
0x23: {  	s21 =	simm.s32 $0x640;
	s20 =	smov.u32 s9;
	[sflag:s12] =	ssyncset.done $0x0  }
.LBB2_2:
0x24: {  	s18 =	simm.s32 $0x0  }
0x25: {  	[sflag:s12] =	ssyncadd.s32 $0xFFFF9C00;
	s20 =	sadd.s32 $0xC80, s20;
	s22 =	smov.u32 s21  }
0x26: {  	[tilespmem:s18], [sflag:$0x1] =	stream.linear.gather [hbm4b:s20+s18], $0x6400, $0x38;
	[tilespmem:$0x1B100] =	vst v63  }
0x27: {  	p0 =	sne.s32 s21, $0x2580;
	s21 =	sadd.s32 $0x320, s21;
	_ =	swait.ge [sflag:s12], $0x6400  }
.Ltmp0:
0x28: {  	s19 =	sshra.s32 s19, $0x2;
	[sflag:s12] =	ssyncset.done $0x0;
	(pc) =	sbr.rel @p0 .LBB2_2-.Ltmp0, $4  }
0x29: {  	s23 =	sadd.s32 $0x6400, s19;
	s19 =	smov.u32 s22;
	[sflag:s12] =	ssyncadd.s32 $0xFFFF9C00  }
0x2a: {  	[spmem:s2] =	stream.indirect.scatter.add.f32 [tilespmem:s18], [sflag:$0x1], $0x80, s23, s16, $0xb8;
	[tilespmem:$0x1B100] =	vst v63  }
0x2b: {  	_ =	swait.ge [sflag:s12], $0x6400  }
0x2c: {  	[sflag:s12] =	ssyncset.done $0x0  }
0x2d: {  	[sflag:s12] =	ssyncadd.s32 $0xFFFF9C00;
	s20 =	sadd.s32 $0xC80, s20  }
0x2e: {  	[tilespmem:s18], [sflag:$0x1] =	stream.linear.gather [hbm4b:s20+s18], $0x6400, $0x38;
	[tilespmem:$0x1B100] =	vst v63  }
0x2f: {  	_ =	swait.ge [sflag:s12], $0x6400  }
0x30: {  	s19 =	sshra.s32 s19, $0x2;
	[sflag:s12] =	ssyncset.done $0x0  }
0x31: {  	s19 =	sadd.s32 $0x6400, s19;
	[sflag:s12] =	ssyncadd.s32 $0xFFFF9C00  }
0x32: {  	[spmem:s2] =	stream.indirect.scatter.add.f32 [tilespmem:s18], [sflag:$0x1], $0x80, s19, s16, $0xb8;
	[tilespmem:$0x1B100] =	vst v63  }
0x33: {  	_ =	swait.ge [sflag:s12], $0x6400  }
0x34: {  	[sflag:s12] =	ssyncset.done $0x0  }
0x35: {  	[sflag:s12] =	ssyncadd.s32 $0xFFFF9C00  }
0x36: {  	[tilespmem:s3], [sflag:$0x1] =	stream.linear.gather [hbm4b:s10+s3], $0x6400, $0x38;
	[tilespmem:$0x1B100] =	vst v63  }
0x37: {  	p0 =	por $0x1, $0x1;
	_ =	swait.ge [sflag:s12], $0x6400  }
.Ltmp1:
0x38: {  	[sflag:s12] =	ssyncset.done $0x0;
	(pc) =	sbr.rel @!p0 .LBB2_5-.Ltmp1, $4  }
0x39: {  	s31 =	simm.s32 $0x6E28;
	[sflag:s12] =	ssyncadd.s32 $0xFFFF9C00  }
0x3a: {  	[spmem:s2] =	stream.indirect.scatter.add.f32 [tilespmem:s3], [sflag:$0x1], $0x80, s31, s16, $0xb8;
	[tilespmem:$0x1B100] =	vst v63  }
0x3b: {  	_ =	swait.ge [sflag:s12], $0x6400  }
0x3c: {  	s18 =	simm.s32 $0x320;
	s19 =	smov.u32 s10;
	[sflag:s12] =	ssyncset.done $0x0  }
.LBB2_4:
0x3d: {  	p0 =	sne.s32 s18, $0x2580;
	[sflag:s12] =	ssyncadd.s32 $0xFFFF9C00;
	s19 =	sadd.s32 $0xC80, s19  }
0x3e: {  	[tilespmem:s3], [sflag:$0x1] =	stream.linear.gather [hbm4b:s19+s3], $0x6400, $0x38;
	[tilespmem:$0x1B100] =	vst v63  }
0x3f: {  	s20 =	smov.u32 s18;
	s18 =	sadd.s32 $0x320, s18;
	_ =	swait.ge [sflag:s12], $0x6400  }
.Ltmp2:
0x40: {  	s20 =	sshra.s32 s20, $0x2;
	[sflag:s12] =	ssyncset.done $0x0;
	(pc) =	sbr.rel @p0 .LBB2_4-.Ltmp2, $4  }
0x41: {  	s20 =	sadd.s32 $0x6E28, s20;
	[sflag:s12] =	ssyncadd.s32 $0xFFFF9C00  }
0x42: {  	[spmem:s2] =	stream.indirect.scatter.add.f32 [tilespmem:s3], [sflag:$0x1], $0x80, s20, s16, $0xb8;
	[tilespmem:$0x1B100] =	vst v63  }
0x43: {  	_ =	swait.ge [sflag:s12], $0x6400  }
0x44: {  	[sflag:s12] =	ssyncset.done $0x0  }
.LBB2_5:
0x45: {  	s17 =	sadd.s32 $0x1, s17  }
0x46: {  	[sflag:s12] =	ssyncadd.s32 $0xFFFF9C00;
	p0 =	sne.s32 s17, s8  }
.Ltmp3:
0x47: {  	[bflag:$0x0] =	sbarrier.arrive $0xFFFF;
	(pc) =	sbr.rel @p0 .LBB2_1-.Ltmp3, $4  }
0x48: {  	[hbm:s7], [sflag:s14] =	dma.local [spmem:s15], $0x2800  }
0x49: {  	_ =	swait.ge [sflag:s12], $0x2800  }
0x4a: {  	[sflag:s12] =	ssyncset.done $0x0  }
0x4b: {  	[sflag:s12] =	ssyncadd.s32 $0xFFFFD800  }
0x4c: {  	_ =	sfence.sel $0x180000  }
0x4d: {  	[bflag:$0x0] =	sbarrier.arrive $0xFFFF  }
0x4e: {  	p0 =	sne.s32 s0, $0x0;
	_ =	strace $0x90000056  }
0x4f: {  	s0 =	sadd.s32 @!p0 $0x100000, s1;
	[bflag:$0x2] =	sbarrier.arrive $0xFFFF  }
0x50: {  	[sflag:s0] =	ssyncadd.tile.s32 @!p0 $0x1;
	_ =	shalt  }
.Lfunc_end2:
_tile_overlayer_lowered:
.L_overlay_start_2:
0x51: {  	(tag) =	ssettag $0x2  }
0x52: {  	s0 =	rddreg [dreg:$0x0];
	s2 =	stileid.u32  }
0x53: {  	s1 =	rddreg [dreg:$0x1];
	p0 =	sne.s32 s2, $0x0  }
0x54: {  	s3 =	rddreg [dreg:$0x2];
	[bflag:$0x3] =	sbarrier.arrive $0xFFFF;
	s2 =	simm.s32 @!p0 $0x1C01  }
0x55: {  	[timem:s3], [sflag:s2] =	dma.local @!p0 [hbm:s0], s1  }
0x56: {  	s0 =	simm.s32 @!p0 $0x1  }
0x57: {  	_ =	swait.ge @!p0 [sflag:s0], s1  }
0x58: {  	s1 =	ssub.s32 @!p0 $0x0, s1;
	[sflag:s0] =	ssyncset.done @!p0 $0x0  }
0x59: {  	[sflag:s0] =	ssyncadd.s32 @!p0 s1  }
0x5a: {  	[bflag:$0x3] =	sbarrier.arrive $0xFFFF  }
0x5b: {  	_ =	shalt  }

// kernel: kernel.30.cloned.1.call-start
scs
__scs_entry_jumppad:
0x0: {  	(pc) =	sbr.rel $0x88, $3  }
0x1: {  	(tag) =	ssettag $0x0;
	lr =	simm.s32 $0x1  }
0x2: {  	[smem:$0x3F81] =	sst lr;
	_ =	strace $0xD0000000  }
0x3: {  	_ = 	snop  }
0x4: {  	_ = 	snop  }
0x5: {  	_ = 	snop  }
0x6: {  	_ = 	snop  }
0x7: {  	_ = 	snop  }
__scs_overlays_trampoline_lowered:
0x8: {  	[smem:$0x3F90] =	sst s0  }
0x9: {  	[smem:$0x3F91] =	sst s1  }
0xa: {  	[smem:$0x3F92] =	sst s2  }
0xb: {  	[smem:$0x3F93] =	sst s3  }
0xc: {  	[smem:$0x3F94] =	sst s4  }
0xd: {  	[smem:$0x3F95] =	sst s5  }
0xe: {  	[smem:$0x3F96] =	sst s6  }
0xf: {  	[smem:$0x3F97] =	sst s7  }
0x10: {  	[smem:$0x3F98] =	sst s8  }
0x11: {  	[smem:$0x3F99] =	sst s9;
	s0 =	simm.s32 @!p0 $0x0  }
0x12: {  	s1 =	sld [smem:$0x3F7F];
	s0 =	simm.s32 @p0 $0x1  }
0x13: {  	[smem:$0x3F9A] =	sst s0;
	s0 =	simm.s32 @!p1 $0x0  }
0x14: {  	s2 =	sld [smem:$0x3F7E];
	s0 =	simm.s32 @p1 $0x1  }
0x15: {  	[smem:$0x3F9B] =	sst s0;
	s0 =	simm.s32 @!p2 $0x0  }
0x16: {  	s3 =	sld [smem:$0x3FDB];
	s0 =	simm.s32 @p2 $0x1  }
0x17: {  	s4 =	simm.s32 $0x1BF5;
	[smem:$0x3F9D] =	sst s0  }
0x18: {  	s0 =	sld [smem:$0x3F80];
	_ =	swait.ge [sflag:s4], $0x0  }
0x19: {  	s7 =	sld [smem:$0x3F81]  }
0x1a: {  	s8 =	sadd.s32 $0xFFFFE003, lr  }
0x1b: {  	s9 =	sadd.s32 $0xFFFFFEF7, lr;
	s5 =	simm.s32 $0xFFFFFFFF;
	p2 =	slt.u32 s8, $0xFFFFF086  }
0x1c: {  	p1 =	slt.u32 s9, $0xF7A;
	s5 =	simm.s32 @!p2 $0x0  }
0x1d: {  	s5 =	simm.s32 @p1 $0x1;
	p0 =	seq.s32 s7, s2  }
0x1e: {  	s7 =	smul.u32 @!p0 $0xF7A, s2;
	p2 =	seq.s32 @!p0 s5, $0x0  }
0x1f: {  	s9 =	smul.u32 $0xF7A, s1;
	s8 =	simm.s32 @!p0 $0x1BF5;
	p2 =	por !p2, p0  }
0x20: {  	[sflag:s8] =	ssyncset.s32 @!p0 $0xFFFFF086;
	s6 =	sadd.s32 @!p0 s3, s7;
	s7 =	simm.s32 @!p0 $0x108  }
0x21: {  	s3 =	sadd.s32 s3, s9;
	s6 =	sadd.s32 @!p0 $0x88, s6;
	s7 =	simm.s32 @p2 $0x1082  }
0x22: {  	[simem:s7], [sflag:s8] =	dma.local @!p0 [hbm:s6], $0xF7A  }
0x23: {  	s9 =	sor.u32 $0xD0000000, s2;
	s6 =	simm.s32 $0x108;
	_ =	swait.ge @!p0 [sflag:s8], $0x0  }
0x24: {  	s3 =	sadd.s32 $0x88, s3;
	s6 =	simm.s32 @!p1 $0x1082;
	[sflag:s4] =	ssyncset.s32 $0xFFFFF086  }
0x25: {  	[simem:s6], [sflag:s4] =	dma.local [hbm:s3], $0xF7A  }
0x26: {  	[smem:$0x3F81] =	sst s1;
	(tag) =	ssettag s2;
	_ =	strace s9  }
0x27: {  	s1 =	sld [smem:$0x3F91]  }
0x28: {  	s2 =	sld [smem:$0x3F92]  }
0x29: {  	s4 =	sld [smem:$0x3F94]  }
0x2a: {  	p0 =	seq.s32 s5, $0x0;
	s5 =	sld [smem:$0x3F95]  }
0x2b: {  	s6 =	sld [smem:$0x3F96]  }
0x2c: {  	s7 =	sld [smem:$0x3F97]  }
0x2d: {  	s3 =	simm.s32 $0x108;
	s8 =	sld [smem:$0x3F98]  }
0x2e: {  	s3 =	simm.s32 @!p0 $0x1082;
	s9 =	sld [smem:$0x3F99]  }
0x2f: {  	lr =	sadd.s32 s0, s3;
	s0 =	sld [smem:$0x3F90]  }
0x30: {  	s3 =	sld [smem:$0x3F93]  }
0x31: {  	[smem:$0x3F9C] =	sst s10  }
0x32: {  	s10 =	sld [smem:$0x3F9A];
	_ =	sdelay $0x3  }
0x33: {  	p0 =	seq.s32 s10, $0x1;
	s10 =	sld [smem:$0x3F9C];
	_ =	sdelay $0x3  }
0x34: {  	[smem:$0x3F9C] =	sst s10  }
0x35: {  	s10 =	sld [smem:$0x3F9B];
	_ =	sdelay $0x3  }
0x36: {  	p1 =	seq.s32 s10, $0x1;
	s10 =	sld [smem:$0x3F9C];
	_ =	sdelay $0x3  }
0x37: {  	[smem:$0x3F9C] =	sst s10  }
0x38: {  	s10 =	sld [smem:$0x3F9D]  }
0x39: {  	_ = 	snop;
	(pc) =	sbr.ind lr, $3  }
0x3a: {  	_ = 	snop  }
0x3b: {  	_ = 	snop  }
0x3c: {  	p2 =	seq.s32 s10, $0x1;
	s10 =	sld [smem:$0x3F9C]  }
0x3d: {  	_ =	shalt  }
0x3e: {  	_ =	shalt  }
0x3f: {  	_ =	shalt  }
0x40: {  	_ =	shalt  }
0x41: {  	_ =	shalt  }
0x42: {  	_ =	shalt  }
0x43: {  	_ =	shalt  }
0x44: {  	_ =	shalt  }
0x45: {  	_ =	shalt  }
0x46: {  	_ =	shalt  }
0x47: {  	_ =	shalt  }
0x48: {  	_ =	shalt  }
0x49: {  	_ =	shalt  }
0x4a: {  	_ =	shalt  }
0x4b: {  	_ =	shalt  }
0x4c: {  	_ =	shalt  }
0x4d: {  	_ =	shalt  }
0x4e: {  	_ =	shalt  }
0x4f: {  	_ =	shalt  }
0x50: {  	_ =	shalt  }
0x51: {  	_ =	shalt  }
0x52: {  	_ =	shalt  }
0x53: {  	_ =	shalt  }
0x54: {  	_ =	shalt  }
0x55: {  	_ =	shalt  }
0x56: {  	_ =	shalt  }
0x57: {  	_ =	shalt  }
0x58: {  	_ =	shalt  }
0x59: {  	_ =	shalt  }
0x5a: {  	_ =	shalt  }
0x5b: {  	_ =	shalt  }
0x5c: {  	_ =	shalt  }
0x5d: {  	_ =	shalt  }
0x5e: {  	_ =	shalt  }
0x5f: {  	_ =	shalt  }
0x60: {  	_ =	shalt  }
0x61: {  	_ =	shalt  }
0x62: {  	_ =	shalt  }
0x63: {  	_ =	shalt  }
0x64: {  	_ =	shalt  }
0x65: {  	_ =	shalt  }
0x66: {  	_ =	shalt  }
0x67: {  	_ =	shalt  }
0x68: {  	_ =	shalt  }
0x69: {  	_ =	shalt  }
0x6a: {  	_ =	shalt  }
0x6b: {  	_ =	shalt  }
0x6c: {  	_ =	shalt  }
0x6d: {  	_ =	shalt  }
0x6e: {  	_ =	shalt  }
0x6f: {  	_ =	shalt  }
0x70: {  	_ =	shalt  }
0x71: {  	_ =	shalt  }
0x72: {  	_ =	shalt  }
0x73: {  	_ =	shalt  }
0x74: {  	_ =	shalt  }
0x75: {  	_ =	shalt  }
0x76: {  	_ =	shalt  }
0x77: {  	_ =	shalt  }
0x78: {  	_ =	shalt  }
0x79: {  	_ =	shalt  }
0x7a: {  	_ =	shalt  }
0x7b: {  	_ =	shalt  }
0x7c: {  	_ =	shalt  }
0x7d: {  	_ =	shalt  }
0x7e: {  	_ =	shalt  }
0x7f: {  	_ =	shalt  }
0x80: {  	_ =	shalt  }
0x81: {  	_ =	shalt  }
0x82: {  	_ =	shalt  }
0x83: {  	_ =	shalt  }
0x84: {  	_ =	shalt  }
0x85: {  	_ =	shalt  }
0x86: {  	_ =	shalt  }
0x87: {  	_ =	shalt  }
.Lfunc_end0:
.L_simem_size_0:
called_computation.5_lowered:
.L_overlay_start_0:
0x88: {  	s2 =	sld [smem:$0x3FD9]  }
0x89: {  	s3 =	sld [smem:$0x3FFE];
	_ =	sdelay $0x1  }
0x8a: {  	s1 =	srdreg.scid  }
0x8b: {  	s0 =	sand.u32 $0x1, s1  }
0x8c: {  	s17 =	sshll.u32 s0, $0xA;
	s2 =	sadd.s32 s3, s2  }
0x8d: {  	s2 =	sadd.s32 s2, s17  }
0x8e: {  	[smem:$0x3FA8] =	sst s2  }
0x8f: {  	_ = 	snop  }
0x90: {  	(tm) =	ssettm $0x1  }
0x91: {  	s18 =	sld [smem:$0x3FFB];
	_ =	sdelay $0x3  }
0x92: {  	_ =	strace s18  }
0x93: {  	s2 =	sld [smem:$0x3FFC];
	_ =	sdelay $0x3  }
0x94: {  	_ =	strace s2  }
0x95: {  	s2 =	sld [smem:$0x3FFD];
	_ =	sdelay $0x3  }
0x96: {  	_ =	strace s2  }
0x97: {  	_ =	strace $0x8FFFFFFF  }
0x98: {  	s19 =	sld [smem:$0x3FDB];
	_ =	sdelay $0x1  }
0x99: {  	s20 =	simm.s32 $_scs_section_size  }
0x9a: {  	s4 =	simm.s32 $_size__tile_overlayer_lowered;
	s5 =	simm.s32 $_tile_overlayer_lowered  }
0x9b: {  	s6 =	simm.s32 $0x1BFF;
	s21 =	sshll.u32 s5, $0x1;
	s3 =	sadd.s32 s20, s19  }
0x9c: {  	s22 =	simm.s32 $0x0;
	s4 =	sshll.u32 s4, $0x1;
	s5 =	sadd.s32 s21, s3  }
0x9d: {  	[timem:s22], [sflag:s6] =	dma.local [hbm:s5], s4  }
0x9e: {  	_ =	swait.ge [sflag:s6], s4  }
0x9f: {  	s4 =	ssub.s32 $0x0, s4;
	[sflag:s6] =	ssyncset.done $0x0  }
0xa0: {  	[sflag:s6] =	ssyncadd.s32 s4;
	_ =	sdelay $0x1  }
0xa1: {  	s23 =	simm.s32 $0x1B8B  }
0xa2: {  	_ =	swait.ge [sflag:s23], $0x1  }
0xa3: {  	[sflag:s23] =	ssyncset.done $0x0  }
0xa4: {  	[sflag:s23] =	ssyncadd.s32 $0xFFFFFFFF  }
0xa5: {  	s4 =	sld [smem:$0x0]  }
0xa6: {  	s5 =	sand.u32 $0xFFFFFFFE, s1  }
0xa7: {  	p0 =	sne.s32 s1, s5  }
0xa8: {  	s5 =	sshll.u32 @p0 s5, $0xE  }
0xa9: {  	s5 =	sadd.s32 @p0 $0x11B8D, s5;
	s6 =	sshll.u32 @p0 s4, $0x11  }
0xaa: {  	s5 =	sor.u32 @p0 s6, s5  }
0xab: {  	[sflag:s5] =	ssyncadd.remote.s32 @p0 $0x1;
	_ =	sdelay $0x1  }
0xac: {  	s5 =	simm.s32 @p0 $0x1B8D  }
0xad: {  	_ =	swait.eq @p0 [sflag:s5], $0x1  }
0xae: {  	[sflag:s5] =	ssyncadd.s32 @p0 $0xFFFFFFFF  }
0xaf: {  	s6 =	sshll.u32 @!p0 s1, $0xE  }
0xb0: {  	s6 =	sor.u32 @!p0 $0x4000, s6;
	s5 =	simm.s32 @!p0 $0x1B8D  }
0xb1: {  	s4 =	sshll.u32 @!p0 s4, $0x11;
	s6 =	sadd.s32 @!p0 $0x11B8D, s6;
	_ =	swait.eq @!p0 [sflag:s5], $0x1  }
0xb2: {  	s4 =	sor.u32 @!p0 s4, s6;
	[sflag:s5] =	ssyncadd.s32 @!p0 $0xFFFFFFFF  }
0xb3: {  	s25 =	simm.s32 $0x1B8E;
	s24 =	sld [smem:$0x3FFE];
	[sflag:s4] =	ssyncadd.remote.s32 @!p0 $0x1  }
0xb4: {  	s26 =	simm.s32 $execute0_lowered;
	[smem:$0x3FD2] =	sst s25  }
0xb5: {  	s5 =	sshll.u32 s26, $0x1;
	_ =	strace $0x80000052;
	[dreg:$0x1] =	wrdreg $0xFFFFFFFF  }
0xb6: {  	s28 =	simm.s32 $_size_execute0_lowered;
	s3 =	sadd.s32 s3, s5;
	[dreg:$0x0] =	wrdreg $0x0  }
0xb7: {  	s5 =	sshll.u32 s28, $0x1;
	[dreg:$0x2] =	wrdreg s3  }
0xb8: {  	[dreg:$0x3] =	wrdreg s5  }
0xb9: {  	[dreg:$0x4] =	wrdreg $0xC0  }
0xba: {  	_ =	task [dreg:s22], $0x5FFFF  }
0xbb: {  	[dreg:$0x1] =	wrdreg $0xFFFFFFFF  }
0xbc: {  	[dreg:$0x0] =	wrdreg $0x60  }
0xbd: {  	[dreg:$0x2] =	wrdreg s24  }
0xbe: {  	[dreg:$0x3] =	wrdreg $0x77000  }
0xbf: {  	[dreg:$0x4] =	wrdreg $0xB  }
0xc0: {  	_ =	task.clear_ibuf [dreg:s22], $0x5FFFF;
	_ =	strace $0x90000052  }
0xc1: {  	s29 =	simm.s32 $0xB;
	_ =	strace $0x80000054  }
0xc2: {  	_ =	swait.ge [sflag:s29], $0x1  }
0xc3: {  	[sflag:s29] =	ssyncadd.s32 $0xFFFFFFFF  }
0xc4: {  	_ =	strace $0x90000054  }
0xc5: {  	_ =	sfence  }
0xc6: {  	s30 =	sld [smem:$0x0];
	_ =	sdelay $0x2  }
0xc7: {  	s31 =	sshll.u32 s1, $0xD;
	s1 =	sshrl.u32 s1, $0x2  }
0xc8: {  	s4 =	sand.u32 $0x4000, s31;
	s1 =	sadd.s32 s1, s30  }
0xc9: {  	s0 =	sor.u32 s4, s0;
	s1 =	sshll.u32 s1, $0x11  }
0xca: {  	s0 =	sor.u32 s1, s0  }
0xcb: {  	s0 =	sadd.s32 $0x8F2B, s0  }
0xcc: {  	[sflag:s0] =	ssyncadd.remote.s32 $0x1  }
0xcd: {  	_ =	sfence.sel $0xFFFF  }
0xce: {  	[dreg:$0x0] =	wrdreg $0xFFFFFFFF;
	(pc) =	sbr.abs _section_cstart, $3  }
0xcf: {  	[dreg:$0x1] =	wrdreg $0xFFFFFFFF  }
0xd0: {  	_ =	task.clear_ibuf [dreg:s22], $0x2FFFF;
	_ =	strace $0x9FFFFFFF  }
0xd1: {  	(tm) =	ssettm $0x7FFFFFFF  }
tec
execute0_lowered:
.L_overlay_start_1:
0x0: {  	(tag) =	ssettag $0x1  }
0x1: {  	s0 =	stileid.u32;
	s6 =	rddreg [dreg:$0x0]  }
0x2: {  	s1 =	srdreg.scid;
	s2 =	rddreg [dreg:$0x1];
	s3 =	simm.s32 $0x0  }
0x3: {  	s13 =	simm.s32 $0x6D60;
	s16 =	simm.s32 $0xC8;
	s4 =	smul.u32 $0x12C00, s0  }
0x4: {  	s17 =	simm.s32 $0x0;
	s5 =	sand.u32 $0x1, s1;
	s9 =	smul.u32 $0x13800, s0  }
0x5: {  	s28 =	sshll.u32 s0, $0x1;
	[smem:$0x7FF] =	sst s3;
	s11 =	smul.u32 $0x4E000, s0  }
0x6: {  	s14 =	sshll.u32 s0, $0x6;
	s1 =	sor.u32 s5, s28;
	s8 =	smul.u32 $0x138800, s5  }
0x7: {  	s30 =	ssub.s32 $0x2, s5;
	s12 =	smul.u32 $0x9600, s5;
	s14 =	sor.u32 $0x1C01, s14  }
0x8: {  	s7 =	smul.u32 $0x960, s1;
	s1 =	rddreg [dreg:$0x2];
	_ =	strace $0x80000053  }
0x9: {  	s10 =	sadd.s32 s4, s6;
	s4 =	sadd.s32 $0x6A00, s6;
	s31 =	sshrl.u32 s30, $0x1  }
0xa: {  	s11 =	sshrl.u32 s11, $0x2;
	s8 =	sadd.s32 s9, s8;
	s9 =	ssub.s32 s30, s31  }
0xb: {  	s15 =	sadd.s32 s11, s2;
	s10 =	sadd.s32 s12, s10;
	s11 =	simm.s32 $0x6400  }
0xc: {  	s12 =	simm.s32 $0x1;
	s29 =	sshrl.u32 s7, $0x3;
	s8 =	sshrl.u32 s8, $0x3  }
0xd: {  	s15 =	sshrl.u32 s15, $0x3;
	s7 =	sadd.s32 s29, s6;
	s8 =	sadd.s32 s8, s6  }
0xe: {  	s5 =	sadd.s32 $0xE400, s7;
	s6 =	sadd.s32 $0xBE00, s7;
	s7 =	sadd.s32 $0x18AE00, s8  }
0xf: {  	s8 =	smax.u32 s9, $0x1;
	s9 =	sadd.s32 $0xA2D600, s10;
	s10 =	sadd.s32 $0x5EE00, s10  }
.LBB2_1:
0x10: {  	[tilespmem:s11], [sflag:$0x1] =	stream.linear.gather [hbm4b:s5+s3], $0x960, $0x38;
	[tilespmem:$0x1AF80] =	vst v63  }
0x11: {  	_ =	swait.ge [sflag:s12], $0x960  }
0x12: {  	[sflag:s12] =	ssyncset.done $0x0  }
0x13: {  	[sflag:s12] =	ssyncadd.s32 $0xFFFFF6A0  }
0x14: {  	[tilespmem:s13], [sflag:$0x1] =	stream.linear.gather [hbm4b:s6+s3], $0x960, $0x38;
	[tilespmem:$0x1AF80] =	vst v63  }
0x15: {  	_ =	swait.ge [sflag:s12], $0x960  }
0x16: {  	[sflag:s12] =	ssyncset.done $0x0  }
0x17: {  	[sflag:s12] =	ssyncadd.s32 $0xFFFFF6A0  }
0x18: {  	[spmem:s15], [sflag:s14] =	dma.local [hbm:s4], $0x2800  }
0x19: {  	_ =	swait.ge [sflag:s12], $0x2800  }
0x1a: {  	[sflag:s12] =	ssyncset.done $0x0  }
0x1b: {  	[sflag:s12] =	ssyncadd.s32 $0xFFFFD800  }
0x1c: {  	[bflag:$0x0] =	sbarrier.arrive $0xFFFF  }
0x1d: {  	[tilespmem:s3], [sflag:$0x1] =	stream.linear.gather [hbm4b:s9+s3], $0x6400, $0x38;
	[tilespmem:$0x1AF80] =	vst v63  }
0x1e: {  	_ =	swait.ge [sflag:s12], $0x6400  }
0x1f: {  	[sflag:s12] =	ssyncset.done $0x0  }
0x20: {  	s18 =	simm.s32 $0x6400;
	[sflag:s12] =	ssyncadd.s32 $0xFFFF9C00  }
0x21: {  	[spmem:s2] =	stream.indirect.scatter.add.f32 [tilespmem:s3], [sflag:$0x1], $0x80, s18, s16, $0xb8;
	[tilespmem:$0x1AF80] =	vst v63  }
0x22: {  	s19 =	simm.s32 $0x320;
	_ =	swait.ge [sflag:s12], $0x6400  }
0x23: {  	s21 =	simm.s32 $0x640;
	s20 =	smov.u32 s9;
	[sflag:s12] =	ssyncset.done $0x0  }
.LBB2_2:
0x24: {  	s18 =	simm.s32 $0x0  }
0x25: {  	[sflag:s12] =	ssyncadd.s32 $0xFFFF9C00;
	s20 =	sadd.s32 $0xC80, s20;
	s22 =	smov.u32 s21  }
0x26: {  	[tilespmem:s18], [sflag:$0x1] =	stream.linear.gather [hbm4b:s20+s18], $0x6400, $0x38;
	[tilespmem:$0x1AF80] =	vst v63  }
0x27: {  	p0 =	sne.s32 s21, $0x2260;
	s21 =	sadd.s32 $0x320, s21;
	_ =	swait.ge [sflag:s12], $0x6400  }
.Ltmp0:
0x28: {  	s19 =	sshra.s32 s19, $0x2;
	[sflag:s12] =	ssyncset.done $0x0;
	(pc) =	sbr.rel @p0 .LBB2_2-.Ltmp0, $4  }
0x29: {  	s23 =	sadd.s32 $0x6400, s19;
	s19 =	smov.u32 s22;
	[sflag:s12] =	ssyncadd.s32 $0xFFFF9C00  }
0x2a: {  	[spmem:s2] =	stream.indirect.scatter.add.f32 [tilespmem:s18], [sflag:$0x1], $0x80, s23, s16, $0xb8;
	[tilespmem:$0x1AF80] =	vst v63  }
0x2b: {  	_ =	swait.ge [sflag:s12], $0x6400  }
0x2c: {  	[sflag:s12] =	ssyncset.done $0x0  }
0x2d: {  	[sflag:s12] =	ssyncadd.s32 $0xFFFF9C00;
	s20 =	sadd.s32 $0xC80, s20  }
0x2e: {  	[tilespmem:s18], [sflag:$0x1] =	stream.linear.gather [hbm4b:s20+s18], $0x6400, $0x38;
	[tilespmem:$0x1AF80] =	vst v63  }
0x2f: {  	_ =	swait.ge [sflag:s12], $0x6400  }
0x30: {  	s19 =	sshra.s32 s19, $0x2;
	[sflag:s12] =	ssyncset.done $0x0  }
0x31: {  	s19 =	sadd.s32 $0x6400, s19;
	[sflag:s12] =	ssyncadd.s32 $0xFFFF9C00  }
0x32: {  	[spmem:s2] =	stream.indirect.scatter.add.f32 [tilespmem:s18], [sflag:$0x1], $0x80, s19, s16, $0xb8;
	[tilespmem:$0x1AF80] =	vst v63  }
0x33: {  	_ =	swait.ge [sflag:s12], $0x6400  }
0x34: {  	[sflag:s12] =	ssyncset.done $0x0  }
0x35: {  	[sflag:s12] =	ssyncadd.s32 $0xFFFF9C00  }
0x36: {  	[tilespmem:s3], [sflag:$0x1] =	stream.linear.gather [hbm4b:s10+s3], $0x6400, $0x38;
	[tilespmem:$0x1AF80] =	vst v63  }
0x37: {  	p0 =	por $0x1, $0x1;
	_ =	swait.ge [sflag:s12], $0x6400  }
.Ltmp1:
0x38: {  	[sflag:s12] =	ssyncset.done $0x0;
	(pc) =	sbr.rel @!p0 .LBB2_5-.Ltmp1, $4  }
0x39: {  	s31 =	simm.s32 $0x6D60;
	[sflag:s12] =	ssyncadd.s32 $0xFFFF9C00  }
0x3a: {  	[spmem:s2] =	stream.indirect.scatter.add.f32 [tilespmem:s3], [sflag:$0x1], $0x80, s31, s16, $0xb8;
	[tilespmem:$0x1AF80] =	vst v63  }
0x3b: {  	_ =	swait.ge [sflag:s12], $0x6400  }
0x3c: {  	s18 =	simm.s32 $0x320;
	s19 =	smov.u32 s10;
	[sflag:s12] =	ssyncset.done $0x0  }
.LBB2_4:
0x3d: {  	p0 =	sne.s32 s18, $0x2260;
	[sflag:s12] =	ssyncadd.s32 $0xFFFF9C00;
	s19 =	sadd.s32 $0xC80, s19  }
0x3e: {  	[tilespmem:s3], [sflag:$0x1] =	stream.linear.gather [hbm4b:s19+s3], $0x6400, $0x38;
	[tilespmem:$0x1AF80] =	vst v63  }
0x3f: {  	s20 =	smov.u32 s18;
	s18 =	sadd.s32 $0x320, s18;
	_ =	swait.ge [sflag:s12], $0x6400  }
.Ltmp2:
0x40: {  	s20 =	sshra.s32 s20, $0x2;
	[sflag:s12] =	ssyncset.done $0x0;
	(pc) =	sbr.rel @p0 .LBB2_4-.Ltmp2, $4  }
0x41: {  	s20 =	sadd.s32 $0x6D60, s20;
	[sflag:s12] =	ssyncadd.s32 $0xFFFF9C00  }
0x42: {  	[spmem:s2] =	stream.indirect.scatter.add.f32 [tilespmem:s3], [sflag:$0x1], $0x80, s20, s16, $0xb8;
	[tilespmem:$0x1AF80] =	vst v63  }
0x43: {  	_ =	swait.ge [sflag:s12], $0x6400  }
0x44: {  	[sflag:s12] =	ssyncset.done $0x0  }
.LBB2_5:
0x45: {  	s17 =	sadd.s32 $0x1, s17  }
0x46: {  	[sflag:s12] =	ssyncadd.s32 $0xFFFF9C00;
	p0 =	sne.s32 s17, s8  }
.Ltmp3:
0x47: {  	[bflag:$0x0] =	sbarrier.arrive $0xFFFF;
	(pc) =	sbr.rel @p0 .LBB2_1-.Ltmp3, $4  }
0x48: {  	[hbm:s7], [sflag:s14] =	dma.local [spmem:s15], $0x2800  }
0x49: {  	_ =	swait.ge [sflag:s12], $0x2800  }
0x4a: {  	[sflag:s12] =	ssyncset.done $0x0  }
0x4b: {  	[sflag:s12] =	ssyncadd.s32 $0xFFFFD800  }
0x4c: {  	_ =	sfence.sel $0x180000  }
0x4d: {  	[bflag:$0x0] =	sbarrier.arrive $0xFFFF  }
0x4e: {  	p0 =	sne.s32 s0, $0x0;
	_ =	strace $0x90000053  }
0x4f: {  	s0 =	sadd.s32 @!p0 $0x100000, s1;
	[bflag:$0x2] =	sbarrier.arrive $0xFFFF  }
0x50: {  	[sflag:s0] =	ssyncadd.tile.s32 @!p0 $0x1;
	_ =	shalt  }
.Lfunc_end2:
_tile_overlayer_lowered:
.L_overlay_start_2:
0x51: {  	(tag) =	ssettag $0x2  }
0x52: {  	s0 =	rddreg [dreg:$0x0];
	s2 =	stileid.u32  }
0x53: {  	s1 =	rddreg [dreg:$0x1];
	p0 =	sne.s32 s2, $0x0  }
0x54: {  	s3 =	rddreg [dreg:$0x2];
	[bflag:$0x3] =	sbarrier.arrive $0xFFFF;
	s2 =	simm.s32 @!p0 $0x1C01  }
0x55: {  	[timem:s3], [sflag:s2] =	dma.local @!p0 [hbm:s0], s1  }
0x56: {  	s0 =	simm.s32 @!p0 $0x1  }
0x57: {  	_ =	swait.ge @!p0 [sflag:s0], s1  }
0x58: {  	s1 =	ssub.s32 @!p0 $0x0, s1;
	[sflag:s0] =	ssyncset.done @!p0 $0x0  }
0x59: {  	[sflag:s0] =	ssyncadd.s32 @!p0 s1  }
0x5a: {  	[bflag:$0x3] =	sbarrier.arrive $0xFFFF  }
0x5b: {  	_ =	shalt  }

</sc_bundles>
